<compile_context>
chip_gen: v7x
topology: tpu7x:2x2x1
jax: 0.10.2.dev20260603
libtpu: 0.0.44.dev20260713+nightly
codegen_flags: <defaults>
</compile_context>

<pallas_src>
import functools

import jax
import jax.numpy as jnp
from jax import lax
from jax.experimental import pallas as pl
from jax.experimental.pallas import tpu as pltpu
from jax.experimental.pallas import tpu_sc as plsc


def _sc_pool(idx_prep, dnn_flat, lin_flat, B, F, E, V, NC, NS):
    NW = NC * NS
    BPW = B // NW
    NPW = F * BPW
    CH = E * BPW
    NV16 = BPW // 16

    mesh = plsc.VectorSubcoreMesh(core_axis_name="c", subcore_axis_name="s")

    @functools.partial(
        pl.kernel,
        mesh=mesh,
        compiler_params=pltpu.CompilerParams(use_tc_tiling_on_sc=False),
        out_type=[
            jax.ShapeDtypeStruct((NW, E, BPW), jnp.float32),
            jax.ShapeDtypeStruct((NW, E, BPW), jnp.float32),
            jax.ShapeDtypeStruct((NW, BPW), jnp.float32),
        ],
        scratch_types=[
            pltpu.VMEM((NPW,), jnp.int32),
            pltpu.VMEM((NPW,), jnp.int32),
            pltpu.VMEM((NPW,), jnp.float32),
            pltpu.VMEM((CH,), jnp.float32),
            pltpu.VMEM((CH,), jnp.float32),
            pltpu.VMEM((E, BPW), jnp.float32),
            pltpu.VMEM((E, BPW), jnp.float32),
            pltpu.VMEM((BPW,), jnp.float32),
            pltpu.SemaphoreType.DMA,
            pltpu.SemaphoreType.DMA,
            pltpu.SemaphoreType.DMA,
        ],
    )
    def k(idx_hbm, dnn_hbm, lin_hbm, se_out, sq_out, lin_out,
          idx_v, laddr_v, lrow_v, dst_a, dst_b,
          acc_e, acc_q, acc_l, sem_a, sem_b, sem_l):
        wid = lax.axis_index("s") * NC + lax.axis_index("c")

        pltpu.sync_copy(idx_hbm.at[wid], idx_v)

        def lin_addr_body(t, _):
            f = t // NV16
            j = t % NV16
            base = f * BPW + j * 16
            laddr_v[pl.ds(base, 16)] = idx_v[pl.ds(base, 16)] + f * V
            return 0
        lax.fori_loop(0, F * NV16, lin_addr_body, 0)
        cp_lin = pltpu.async_copy(lin_hbm.at[laddr_v], lrow_v, sem_l)

        def fire(f, dst, sem):
            for e in range(E):
                pltpu.async_copy(
                    dnn_hbm.at[f * E + e].at[idx_v.at[pl.ds(f * BPW, BPW)]],
                    dst.at[pl.ds(e * BPW, BPW)], sem)

        def drain(f, dst, sem):
            for e in range(E):
                pltpu.make_async_copy(
                    dnn_hbm.at[f * E + e].at[idx_v.at[pl.ds(f * BPW, BPW)]],
                    dst.at[pl.ds(e * BPW, BPW)], sem).wait()

        def accum(dst):
            def body(t, _):
                e = t // NV16
                j = t % NV16
                v = dst[pl.ds(e * BPW + j * 16, 16)]
                acc_e[e, pl.ds(j * 16, 16)] += v
                acc_q[e, pl.ds(j * 16, 16)] += v * v
                return 0
            lax.fori_loop(0, E * NV16, body, 0)

        def zero_body(t, _):
            e = t // NV16
            j = t % NV16
            z = jnp.zeros((16,), jnp.float32)
            acc_e[e, pl.ds(j * 16, 16)] = z
            acc_q[e, pl.ds(j * 16, 16)] = z
            return 0
        lax.fori_loop(0, E * NV16, zero_body, 0)

        fire(0, dst_a, sem_a)

        def phase(g, _):
            f_next = g + 1

            @pl.when(f_next < F)
            def _():
                @pl.when(lax.rem(f_next, 2) == 1)
                def _():
                    fire(f_next, dst_b, sem_b)

                @pl.when(lax.rem(f_next, 2) == 0)
                def _():
                    fire(f_next, dst_a, sem_a)

            @pl.when(lax.rem(g, 2) == 0)
            def _():
                drain(g, dst_a, sem_a)
                accum(dst_a)

            @pl.when(lax.rem(g, 2) == 1)
            def _():
                drain(g, dst_b, sem_b)
                accum(dst_b)
            return 0

        lax.fori_loop(0, F, phase, 0)

        cp_lin.wait()

        def lin_pool(j, _):
            def body_f(f, s):
                return s + lrow_v[pl.ds(f * BPW + j * 16, 16)]
            s = lax.fori_loop(0, F, body_f, jnp.zeros((16,), jnp.float32))
            acc_l[pl.ds(j * 16, 16)] = s
            return 0
        lax.fori_loop(0, NV16, lin_pool, 0)

        pltpu.sync_copy(acc_e, se_out.at[wid])
        pltpu.sync_copy(acc_q, sq_out.at[wid])
        pltpu.sync_copy(acc_l, lin_out.at[wid])

    return k(idx_prep, dnn_flat, lin_flat)


def _mlp_body(se_ref, sq_ref, dxt_ref, lin_ref, wd_ref, w1a_ref, w1b_ref,
              b1_ref, g1_ref, be1_ref, w2_ref, b2_ref, g2_ref, be2_ref,
              wo_ref, g0a_ref, be0a_ref, g0b_ref, be0b_ref, bsum_ref,
              out_ref):
    def bn(x, g, b):
        m = jnp.mean(x, axis=1, keepdims=True)
        v = jnp.mean((x - m) ** 2, axis=1, keepdims=True)
        return (x - m) / jnp.sqrt(v + 1e-5) * g + b

    se = se_ref[...]
    bi = 0.5 * (se * se - sq_ref[...])
    dxt = dxt_ref[...]
    xa = bn(bi, g0a_ref[...], be0a_ref[...])
    xb = bn(dxt, g0b_ref[...], be0b_ref[...])
    h1 = (jnp.dot(w1a_ref[...], xa, preferred_element_type=jnp.float32)
          + jnp.dot(w1b_ref[...], xb, preferred_element_type=jnp.float32)
          + b1_ref[...])
    h1 = jnp.maximum(bn(h1, g1_ref[...], be1_ref[...]), 0.0)
    h2 = jnp.dot(w2_ref[...], h1, preferred_element_type=jnp.float32) + b2_ref[...]
    h2 = jnp.maximum(bn(h2, g2_ref[...], be2_ref[...]), 0.0)
    logits = jnp.dot(wo_ref[...], h2, preferred_element_type=jnp.float32)
    lin = jnp.dot(wd_ref[...], dxt, preferred_element_type=jnp.float32)
    out_ref[...] = logits + lin + lin_ref[...] + bsum_ref[0, 0]


def kernel(dense_x, discrete_x, lin_tables, dnn_tables, W_dense, b_dense,
           g0, be0, W1, b1, g1, be1, W2, b2, g2, be2, Wout, bout):
    B, F = discrete_x.shape
    V = lin_tables.shape[1]
    E = dnn_tables.shape[2]
    D = dense_x.shape[1]
    H = W1.shape[0]

    info = plsc.get_sparse_core_info()
    NC, NS = info.num_cores, info.num_subcores
    NW = NC * NS
    BPW = B // NW

    idx = discrete_x.astype(jnp.int32)
    idx_prep = idx.T.reshape(F, NW, BPW).transpose(1, 0, 2).reshape(NW, F * BPW)
    dnn_flat = dnn_tables.transpose(0, 2, 1).reshape(F * E, V)
    lin_flat = lin_tables.reshape(F * V)

    se3, sq3, lin3 = _sc_pool(idx_prep, dnn_flat, lin_flat,
                              B, F, E, V, NC, NS)
    sum_e = se3.transpose(1, 0, 2).reshape(E, B)
    sum_sq = sq3.transpose(1, 0, 2).reshape(E, B)
    lin_sum = lin3.reshape(1, B)

    bsum = (b_dense + bout).reshape(1, 1)

    out = pl.pallas_call(
        _mlp_body,
        out_shape=jax.ShapeDtypeStruct((1, B), jnp.float32),
    )(sum_e, sum_sq, dense_x.T, lin_sum, W_dense,
      W1[:, :E], W1[:, E:], b1.reshape(H, 1), g1.reshape(H, 1),
      be1.reshape(H, 1), W2, b2.reshape(H // 2, 1), g2.reshape(H // 2, 1),
      be2.reshape(H // 2, 1), Wout, g0[:E].reshape(E, 1),
      be0[:E].reshape(E, 1), g0[E:].reshape(D, 1), be0[E:].reshape(D, 1),
      bsum)
    return out.reshape(B, 1)

# --- scband reference (transcript-rebuilt; emitter-appended) ---
"""Pipeline reference for scband-nfm-47528108098271 (READ-ONLY COPY).

The authoritative reference and input builder live on the scoring server;
editing this copy changes nothing except your own understanding.
"""

import jax, jax.numpy as jnp
import numpy as np

B = 4096
F = 26
V = 100000
E = 32
D = 13
H = 256


def _bn(x, g, b, eps=1e-5):
    m = jnp.mean(x, axis=0)
    v = jnp.var(x, axis=0)
    return (x - m) / jnp.sqrt(v + eps) * g + b


def setup_inputs(seed: int = 0) -> dict:
    key = jax.random.key(seed)
    ks = jax.random.split(key, 12)
    dense_x = jax.random.normal(ks[0], (B, D), dtype=jnp.float32)
    discrete_x = jax.random.randint(ks[1], (B, F), 0, V, dtype=jnp.int64)
    lin_tables = jax.random.normal(ks[2], (F, V, 1), dtype=jnp.float32) * 0.01
    dnn_tables = jax.random.normal(ks[3], (F, V, E), dtype=jnp.float32) * 0.01
    W_dense = jax.random.normal(ks[4], (1, D), dtype=jnp.float32) * 0.1
    b_dense = jnp.zeros((1,), dtype=jnp.float32)
    g0 = jnp.ones((E + D,), dtype=jnp.float32)
    be0 = jnp.zeros((E + D,), dtype=jnp.float32)
    W1 = jax.random.normal(ks[5], (H, E + D), dtype=jnp.float32) * 0.05
    b1 = jnp.zeros((H,), dtype=jnp.float32)
    g1 = jnp.ones((H,), dtype=jnp.float32)
    be1 = jnp.zeros((H,), dtype=jnp.float32)
    W2 = jax.random.normal(ks[6], (H // 2, H), dtype=jnp.float32) * 0.05
    b2 = jnp.zeros((H // 2,), dtype=jnp.float32)
    g2 = jnp.ones((H // 2,), dtype=jnp.float32)
    be2 = jnp.zeros((H // 2,), dtype=jnp.float32)
    Wout = jax.random.normal(ks[7], (1, H // 2), dtype=jnp.float32) * 0.05
    bout = jnp.zeros((1,), dtype=jnp.float32)
    return {"dense_x": dense_x, "discrete_x": discrete_x, "lin_tables": lin_tables,
            "dnn_tables": dnn_tables, "W_dense": W_dense, "b_dense": b_dense,
            "g0": g0, "be0": be0, "W1": W1, "b1": b1, "g1": g1, "be1": be1,
            "W2": W2, "b2": b2, "g2": g2, "be2": be2, "Wout": Wout, "bout": bout}


def reference(dense_x, discrete_x, lin_tables, dnn_tables, W_dense, b_dense,
              g0, be0, W1, b1, g1, be1, W2, b2, g2, be2, Wout, bout):
    dense_out = dense_x @ W_dense.T + b_dense
    lin_embeds = jnp.stack([lin_tables[i][discrete_x[:, i]] for i in range(F)], axis=1)
    discrete_out = jnp.sum(lin_embeds, axis=1)
    linear_logits = dense_out + discrete_out
    embeds = jnp.stack([dnn_tables[i][discrete_x[:, i]] for i in range(F)], axis=1)
    sum_of_embeds = jnp.sum(embeds, axis=1)
    square_of_sum = jnp.square(sum_of_embeds)
    sum_of_square = jnp.sum(jnp.square(embeds), axis=1)
    bi_interact_out = 0.5 * (square_of_sum - sum_of_square)
    cat = jnp.concatenate([bi_interact_out, dense_x], axis=-1)
    dnn_input = _bn(cat, g0, be0)
    h = jax.nn.relu(_bn(dnn_input @ W1.T + b1, g1, be1))
    h = jax.nn.relu(_bn(h @ W2.T + b2, g2, be2))
    dnn_logits = h @ Wout.T + bout
    return linear_logits + dnn_logits

if __name__ == "__main__":
    import jax
    _d = setup_inputs()
    print(jax.jit(kernel)(*tuple(_d.values())))

</pallas_src>

<mosaic_0001>
#map = affine_map<(d0, d1) -> (0, 0)>
#map1 = affine_map<(d0, d1) -> (0)>
#map2 = affine_map<(d0, d1) -> (0, 0, 0)>
module attributes {stable_mosaic.version = 14 : i64} {
  func.func @k(%arg0: i32, %arg1: i32, %arg2: memref<32x3328xi32, #tpu.memory_space<hbm>>, %arg3: memref<832x100000xf32, #tpu.memory_space<hbm>>, %arg4: memref<2600000xf32, #tpu.memory_space<hbm>>, %arg5: memref<32x32x128xf32, #tpu.memory_space<hbm>>, %arg6: memref<32x32x128xf32, #tpu.memory_space<hbm>>, %arg7: memref<32x128xf32, #tpu.memory_space<hbm>>, %arg8: memref<3328xi32, #tpu.memory_space<vmem>>, %arg9: memref<3328xi32, #tpu.memory_space<vmem>>, %arg10: memref<3328xf32, #tpu.memory_space<vmem>>, %arg11: memref<4096xf32, #tpu.memory_space<vmem>>, %arg12: memref<4096xf32, #tpu.memory_space<vmem>>, %arg13: memref<32x128xf32, #tpu.memory_space<vmem>>, %arg14: memref<32x128xf32, #tpu.memory_space<vmem>>, %arg15: memref<128xf32, #tpu.memory_space<vmem>>, %arg16: memref<!tpu.dma_semaphore, #tpu.memory_space<semaphore_mem>>, %arg17: memref<!tpu.dma_semaphore, #tpu.memory_space<semaphore_mem>>, %arg18: memref<!tpu.dma_semaphore, #tpu.memory_space<semaphore_mem>>) attributes {dimension_semantics = [#tpu.dimension_semantics<core_parallel>, #tpu.dimension_semantics<subcore_parallel>], iteration_bounds = array<i64: 2, 16>, scalar_prefetch = 0 : i64, scratch_operands = 11 : i64, tpu.core_type = #tpu.core_type<sc_vector_subcore>, window_params = [{transform_indices = #map}, {transform_indices = #map}, {transform_indices = #map1}, {transform_indices = #map2}, {transform_indices = #map2}, {transform_indices = #map}]} {
    %mul3A = arith.constant 2 : i32
    %mul3A_0 = arith.muli %arg1, %mul3A : i32
    %add3A = arith.addi %mul3A_0, %arg0 : i32
    "tpu.region"() ({
      %run_scoped3A = tpu.sem_alloc : memref<!tpu.dma_semaphore, #tpu.memory_space<semaphore_mem>>
      %dma_start3A_350 = arith.constant 0 : i32
      %dma_start3A_351 = tpu.memref_slice %arg2[%add3A, %dma_start3A_350] : memref<32x3328xi32, #tpu.memory_space<hbm>> -> memref<1x3328xi32, #tpu.memory_space<hbm>>
      %dma_start3A_352 = tpu.memref_squeeze %dma_start3A_351 : memref<1x3328xi32, #tpu.memory_space<hbm>> -> memref<3328xi32, #tpu.memory_space<hbm>>
      %dma_start3A_353 = arith.constant 0 : i32
      %dma_start3A_354 = tpu.memref_slice %arg2[%add3A, %dma_start3A_353] : memref<32x3328xi32, #tpu.memory_space<hbm>> -> memref<1x3328xi32, #tpu.memory_space<hbm>>
      %dma_start3A_355 = tpu.memref_squeeze %dma_start3A_354 : memref<1x3328xi32, #tpu.memory_space<hbm>> -> memref<3328xi32, #tpu.memory_space<hbm>>
      tpu.enqueue_dma source(%dma_start3A_355 : memref<3328xi32, #tpu.memory_space<hbm>>) target(%arg8 : memref<3328xi32, #tpu.memory_space<vmem>>) target_semaphore(%run_scoped3A : memref<!tpu.dma_semaphore, #tpu.memory_space<semaphore_mem>>)
      %dma_wait3A_356 = arith.constant 0 : i32
      %dma_wait3A_357 = tpu.memref_slice %arg2[%add3A, %dma_wait3A_356] : memref<32x3328xi32, #tpu.memory_space<hbm>> -> memref<1x3328xi32, #tpu.memory_space<hbm>>
      %dma_wait3A_358 = tpu.memref_squeeze %dma_wait3A_357 : memref<1x3328xi32, #tpu.memory_space<hbm>> -> memref<3328xi32, #tpu.memory_space<hbm>>
      %dma_wait3A_359 = arith.constant 0 : i32
      %dma_wait3A_360 = tpu.memref_slice %arg2[%add3A, %dma_wait3A_359] : memref<32x3328xi32, #tpu.memory_space<hbm>> -> memref<1x3328xi32, #tpu.memory_space<hbm>>
      %dma_wait3A_361 = tpu.memref_squeeze %dma_wait3A_360 : memref<1x3328xi32, #tpu.memory_space<hbm>> -> memref<3328xi32, #tpu.memory_space<hbm>>
      tpu.wait_dma2 semaphore(%run_scoped3A : memref<!tpu.dma_semaphore, #tpu.memory_space<semaphore_mem>>) src(%dma_wait3A_361 : memref<3328xi32, #tpu.memory_space<hbm>>) dst(%arg8 : memref<3328xi32, #tpu.memory_space<vmem>>)
      tpu.yield
    }) : () -> ()
    %scan3A = arith.constant 0 : i32
    %scan3A_1 = arith.constant 0 : i32
    %scan3A_2 = arith.constant 208 : i32
    %scan3A_3 = arith.addi %scan3A_1, %scan3A_2 : i32
    %scan3A_4 = arith.constant 1 : i32
    %scan3A_5 = scf.for %scan3A_350 = %scan3A_1 to %scan3A_3 step %scan3A_4 iter_args(%scan3A_351 = %scan3A) -> (i32)  : i32 {
      %jit3A = arith.constant 8 : i32
      %div3A = arith.divsi %scan3A_350, %jit3A : i32
      %sign3A = arith.constant 0 : i32
      %sign3A_352 = arith.cmpi sgt, %scan3A_350, %sign3A : i32
      %sign3A_353 = arith.extui %sign3A_352 : i1 to i32
      %sign3A_354 = arith.constant 0 : i32
      %sign3A_355 = arith.cmpi slt, %scan3A_350, %sign3A_354 : i32
      %sign3A_356 = arith.extui %sign3A_355 : i1 to i32
      %sign3A_357 = arith.subi %sign3A_353, %sign3A_356 : i32
      %sign3A_358 = arith.constant 0 : i32
      %sign3A_359 = arith.cmpi sgt, %jit3A, %sign3A_358 : i32
      %sign3A_360 = arith.extui %sign3A_359 : i1 to i32
      %sign3A_361 = arith.constant 0 : i32
      %sign3A_362 = arith.cmpi slt, %jit3A, %sign3A_361 : i32
      %sign3A_363 = arith.extui %sign3A_362 : i1 to i32
      %sign3A_364 = arith.subi %sign3A_360, %sign3A_363 : i32
      %ne3A = arith.cmpi ne, %sign3A_357, %sign3A_364 : i32
      %rem3A = arith.remsi %scan3A_350, %jit3A : i32
      %ne3A_365 = arith.constant 0 : i32
      %ne3A_366 = arith.cmpi ne, %rem3A, %ne3A_365 : i32
      %and3A = arith.andi %ne3A, %ne3A_366 : i1
      %sub3A = arith.constant 1 : i32
      %sub3A_367 = arith.subi %div3A, %sub3A : i32
      %select_n3A = arith.select %and3A, %sub3A_367, %div3A : i32
      %jit3A_368 = arith.constant 8 : i32
      %eq3A = arith.constant 0 : i32
      %eq3A_369 = arith.cmpi eq, %jit3A_368, %eq3A : i32
      %jit3A_370 = arith.constant 1 : i32
      %select_n3A_371 = arith.select %eq3A_369, %jit3A_370, %jit3A_368 : i32
      %rem3A_372 = arith.remsi %scan3A_350, %select_n3A_371 : i32
      %ne3A_373 = arith.constant 0 : i32
      %ne3A_374 = arith.cmpi ne, %rem3A_372, %ne3A_373 : i32
      %lt3A = arith.constant 0 : i32
      %lt3A_375 = arith.cmpi slt, %rem3A_372, %lt3A : i32
      %lt3A_376 = arith.constant 0 : i32
      %lt3A_377 = arith.cmpi slt, %select_n3A_371, %lt3A_376 : i32
      %ne3A_378 = arith.xori %lt3A_375, %lt3A_377 : i1
      %and3A_379 = arith.andi %ne3A_378, %ne3A_374 : i1
      %add3A_380 = arith.addi %rem3A_372, %select_n3A_371 : i32
      %select_n3A_381 = arith.select %and3A_379, %add3A_380, %rem3A_372 : i32
      %mul3A_382 = arith.constant 128 : i32
      %mul3A_383 = arith.muli %select_n3A, %mul3A_382 : i32
      %mul3A_384 = arith.constant 16 : i32
      %mul3A_385 = arith.muli %select_n3A_381, %mul3A_384 : i32
      %add3A_386 = arith.addi %mul3A_383, %mul3A_385 : i32
      %get3A = arith.index_cast %add3A_386 : i32 to index
      %get3A_387 = tpu.vector_load %arg8[%get3A] {strides = array<i32>} : memref<3328xi32, #tpu.memory_space<vmem>>, vector<16xi32>,
      %get3A_388 = vector.shape_cast %get3A_387 : vector<16xi32> to vector<16xi32>
      %mul3A_389 = arith.constant 100000 : i32
      %mul3A_390 = arith.muli %select_n3A, %mul3A_389 : i32
      %add3A_391 = vector.broadcast %mul3A_390 : i32 to vector<16xi32>
      %add3A_392 = arith.addi %get3A_388, %add3A_391 : vector<16xi32>
      %swap3A = arith.index_cast %add3A_386 : i32 to index
      %swap3A_393 = tpu.vector_load %arg9[%swap3A] {strides = array<i32>} : memref<3328xi32, #tpu.memory_space<vmem>>, vector<16xi32>,
      %swap3A_394 = vector.shape_cast %swap3A_393 : vector<16xi32> to vector<16xi32>
      %swap3A_395 = vector.shape_cast %add3A_392 : vector<16xi32> to vector<16xi32>
      tpu.vector_store %arg9[%swap3A], %swap3A_395 {strides = array<i32>} : memref<3328xi32, #tpu.memory_space<vmem>>, vector<16xi32>,
      %scan3A_396 = arith.constant 0 : i32
      scf.yield %scan3A_396 : i32
    }
    %scan3A_6 = arith.constant 208 : i32
    %dma_start3A = arith.constant 0 : i32
    %dma_start3A_7 = tpu.memref_slice %arg4[%dma_start3A] : memref<2600000xf32, #tpu.memory_space<hbm>> -> memref<2600000xf32, #tpu.memory_space<hbm>>
    tpu.enqueue_indirect_dma source(%dma_start3A_7 : memref<2600000xf32, #tpu.memory_space<hbm>>) target(%arg10 : memref<3328xf32, #tpu.memory_space<vmem>>) offsets(%arg9 : memref<3328xi32, #tpu.memory_space<vmem>>) semaphore(%arg18 : memref<!tpu.dma_semaphore, #tpu.memory_space<semaphore_mem>>)
    %scan3A_8 = arith.constant 0 : i32
    %scan3A_9 = arith.constant 0 : i32
    %scan3A_10 = arith.constant 256 : i32
    %scan3A_11 = arith.addi %scan3A_9, %scan3A_10 : i32
    %scan3A_12 = arith.constant 1 : i32
    %scan3A_13 = scf.for %scan3A_350 = %scan3A_9 to %scan3A_11 step %scan3A_12 iter_args(%scan3A_351 = %scan3A_8) -> (i32)  : i32 {
      %jit3A = arith.constant 8 : i32
      %div3A = arith.divsi %scan3A_350, %jit3A : i32
      %sign3A = arith.constant 0 : i32
      %sign3A_352 = arith.cmpi sgt, %scan3A_350, %sign3A : i32
      %sign3A_353 = arith.extui %sign3A_352 : i1 to i32
      %sign3A_354 = arith.constant 0 : i32
      %sign3A_355 = arith.cmpi slt, %scan3A_350, %sign3A_354 : i32
      %sign3A_356 = arith.extui %sign3A_355 : i1 to i32
      %sign3A_357 = arith.subi %sign3A_353, %sign3A_356 : i32
      %sign3A_358 = arith.constant 0 : i32
      %sign3A_359 = arith.cmpi sgt, %jit3A, %sign3A_358 : i32
      %sign3A_360 = arith.extui %sign3A_359 : i1 to i32
      %sign3A_361 = arith.constant 0 : i32
      %sign3A_362 = arith.cmpi slt, %jit3A, %sign3A_361 : i32
      %sign3A_363 = arith.extui %sign3A_362 : i1 to i32
      %sign3A_364 = arith.subi %sign3A_360, %sign3A_363 : i32
      %ne3A = arith.cmpi ne, %sign3A_357, %sign3A_364 : i32
      %rem3A = arith.remsi %scan3A_350, %jit3A : i32
      %ne3A_365 = arith.constant 0 : i32
      %ne3A_366 = arith.cmpi ne, %rem3A, %ne3A_365 : i32
      %and3A = arith.andi %ne3A, %ne3A_366 : i1
      %sub3A = arith.constant 1 : i32
      %sub3A_367 = arith.subi %div3A, %sub3A : i32
      %select_n3A = arith.select %and3A, %sub3A_367, %div3A : i32
      %jit3A_368 = arith.constant 8 : i32
      %eq3A = arith.constant 0 : i32
      %eq3A_369 = arith.cmpi eq, %jit3A_368, %eq3A : i32
      %jit3A_370 = arith.constant 1 : i32
      %select_n3A_371 = arith.select %eq3A_369, %jit3A_370, %jit3A_368 : i32
      %rem3A_372 = arith.remsi %scan3A_350, %select_n3A_371 : i32
      %ne3A_373 = arith.constant 0 : i32
      %ne3A_374 = arith.cmpi ne, %rem3A_372, %ne3A_373 : i32
      %lt3A = arith.constant 0 : i32
      %lt3A_375 = arith.cmpi slt, %rem3A_372, %lt3A : i32
      %lt3A_376 = arith.constant 0 : i32
      %lt3A_377 = arith.cmpi slt, %select_n3A_371, %lt3A_376 : i32
      %ne3A_378 = arith.xori %lt3A_375, %lt3A_377 : i1
      %and3A_379 = arith.andi %ne3A_378, %ne3A_374 : i1
      %add3A_380 = arith.addi %rem3A_372, %select_n3A_371 : i32
      %select_n3A_381 = arith.select %and3A_379, %add3A_380, %rem3A_372 : i32
      %broadcast_in_dim3A = arith.constant 0.000000e+00 : f32
      %broadcast_in_dim3A_382 = vector.broadcast %broadcast_in_dim3A : f32 to vector<16xf32>
      %mul3A_383 = arith.constant 16 : i32
      %mul3A_384 = arith.muli %select_n3A_381, %mul3A_383 : i32
      %swap3A = arith.index_cast %select_n3A : i32 to index
      %swap3A_385 = arith.index_cast %mul3A_384 : i32 to index
      %swap3A_386 = tpu.vector_load %arg13[%swap3A, %swap3A_385] {strides = array<i32>} : memref<32x128xf32, #tpu.memory_space<vmem>>, vector<1x16xf32>,
      %swap3A_387 = vector.shape_cast %swap3A_386 : vector<1x16xf32> to vector<16xf32>
      %swap3A_388 = vector.shape_cast %broadcast_in_dim3A_382 : vector<16xf32> to vector<1x16xf32>
      tpu.vector_store %arg13[%swap3A, %swap3A_385], %swap3A_388 {strides = array<i32>} : memref<32x128xf32, #tpu.memory_space<vmem>>, vector<1x16xf32>,
      %mul3A_389 = arith.constant 16 : i32
      %mul3A_390 = arith.muli %select_n3A_381, %mul3A_389 : i32
      %swap3A_391 = arith.index_cast %select_n3A : i32 to index
      %swap3A_392 = arith.index_cast %mul3A_390 : i32 to index
      %swap3A_393 = tpu.vector_load %arg14[%swap3A_391, %swap3A_392] {strides = array<i32>} : memref<32x128xf32, #tpu.memory_space<vmem>>, vector<1x16xf32>,
      %swap3A_394 = vector.shape_cast %swap3A_393 : vector<1x16xf32> to vector<16xf32>
      %swap3A_395 = vector.shape_cast %broadcast_in_dim3A_382 : vector<16xf32> to vector<1x16xf32>
      tpu.vector_store %arg14[%swap3A_391, %swap3A_392], %swap3A_395 {strides = array<i32>} : memref<32x128xf32, #tpu.memory_space<vmem>>, vector<1x16xf32>,
      %scan3A_396 = arith.constant 0 : i32
      scf.yield %scan3A_396 : i32
    }
    %scan3A_14 = arith.constant 256 : i32
    %dma_start3A_15 = arith.constant 0 : i32
    %dma_start3A_16 = arith.constant 0 : i32
    %dma_start3A_17 = tpu.memref_slice %arg11[%dma_start3A_16] : memref<4096xf32, #tpu.memory_space<vmem>> -> memref<128xf32, #tpu.memory_space<vmem>>
    %dma_start3A_18 = arith.constant 0 : i32
    %dma_start3A_19 = tpu.memref_slice %arg8[%dma_start3A_18] : memref<3328xi32, #tpu.memory_space<vmem>> -> memref<128xi32, #tpu.memory_space<vmem>>
    %dma_start3A_20 = arith.constant 0 : i32
    %dma_start3A_21 = tpu.memref_slice %arg3[%dma_start3A_15, %dma_start3A_20] : memref<832x100000xf32, #tpu.memory_space<hbm>> -> memref<1x100000xf32, #tpu.memory_space<hbm>>
    %dma_start3A_22 = tpu.memref_squeeze %dma_start3A_21 : memref<1x100000xf32, #tpu.memory_space<hbm>> -> memref<100000xf32, #tpu.memory_space<hbm>>
    %dma_start3A_23 = arith.constant 0 : i32
    %dma_start3A_24 = tpu.memref_slice %dma_start3A_22[%dma_start3A_23] : memref<100000xf32, #tpu.memory_space<hbm>> -> memref<100000xf32, #tpu.memory_space<hbm>>
    tpu.enqueue_indirect_dma source(%dma_start3A_24 : memref<100000xf32, #tpu.memory_space<hbm>>) target(%dma_start3A_17 : memref<128xf32, #tpu.memory_space<vmem>>) offsets(%dma_start3A_19 : memref<128xi32, #tpu.memory_space<vmem>>) semaphore(%arg16 : memref<!tpu.dma_semaphore, #tpu.memory_space<semaphore_mem>>)
    %dma_start3A_25 = arith.constant 1 : i32
    %dma_start3A_26 = arith.constant 128 : i32
    %dma_start3A_27 = tpu.memref_slice %arg11[%dma_start3A_26] : memref<4096xf32, #tpu.memory_space<vmem>> -> memref<128xf32, #tpu.memory_space<vmem>>
    %dma_start3A_28 = arith.constant 0 : i32
    %dma_start3A_29 = tpu.memref_slice %arg8[%dma_start3A_28] : memref<3328xi32, #tpu.memory_space<vmem>> -> memref<128xi32, #tpu.memory_space<vmem>>
    %dma_start3A_30 = arith.constant 0 : i32
    %dma_start3A_31 = tpu.memref_slice %arg3[%dma_start3A_25, %dma_start3A_30] : memref<832x100000xf32, #tpu.memory_space<hbm>> -> memref<1x100000xf32, #tpu.memory_space<hbm>>
    %dma_start3A_32 = tpu.memref_squeeze %dma_start3A_31 : memref<1x100000xf32, #tpu.memory_space<hbm>> -> memref<100000xf32, #tpu.memory_space<hbm>>
    %dma_start3A_33 = arith.constant 0 : i32
    %dma_start3A_34 = tpu.memref_slice %dma_start3A_32[%dma_start3A_33] : memref<100000xf32, #tpu.memory_space<hbm>> -> memref<100000xf32, #tpu.memory_space<hbm>>
    tpu.enqueue_indirect_dma source(%dma_start3A_34 : memref<100000xf32, #tpu.memory_space<hbm>>) target(%dma_start3A_27 : memref<128xf32, #tpu.memory_space<vmem>>) offsets(%dma_start3A_29 : memref<128xi32, #tpu.memory_space<vmem>>) semaphore(%arg16 : memref<!tpu.dma_semaphore, #tpu.memory_space<semaphore_mem>>)
    %dma_start3A_35 = arith.constant 2 : i32
    %dma_start3A_36 = arith.constant 256 : i32
    %dma_start3A_37 = tpu.memref_slice %arg11[%dma_start3A_36] : memref<4096xf32, #tpu.memory_space<vmem>> -> memref<128xf32, #tpu.memory_space<vmem>>
    %dma_start3A_38 = arith.constant 0 : i32
    %dma_start3A_39 = tpu.memref_slice %arg8[%dma_start3A_38] : memref<3328xi32, #tpu.memory_space<vmem>> -> memref<128xi32, #tpu.memory_space<vmem>>
    %dma_start3A_40 = arith.constant 0 : i32
    %dma_start3A_41 = tpu.memref_slice %arg3[%dma_start3A_35, %dma_start3A_40] : memref<832x100000xf32, #tpu.memory_space<hbm>> -> memref<1x100000xf32, #tpu.memory_space<hbm>>
    %dma_start3A_42 = tpu.memref_squeeze %dma_start3A_41 : memref<1x100000xf32, #tpu.memory_space<hbm>> -> memref<100000xf32, #tpu.memory_space<hbm>>
    %dma_start3A_43 = arith.constant 0 : i32
    %dma_start3A_44 = tpu.memref_slice %dma_start3A_42[%dma_start3A_43] : memref<100000xf32, #tpu.memory_space<hbm>> -> memref<100000xf32, #tpu.memory_space<hbm>>
    tpu.enqueue_indirect_dma source(%dma_start3A_44 : memref<100000xf32, #tpu.memory_space<hbm>>) target(%dma_start3A_37 : memref<128xf32, #tpu.memory_space<vmem>>) offsets(%dma_start3A_39 : memref<128xi32, #tpu.memory_space<vmem>>) semaphore(%arg16 : memref<!tpu.dma_semaphore, #tpu.memory_space<semaphore_mem>>)
    %dma_start3A_45 = arith.constant 3 : i32
    %dma_start3A_46 = arith.constant 384 : i32
    %dma_start3A_47 = tpu.memref_slice %arg11[%dma_start3A_46] : memref<4096xf32, #tpu.memory_space<vmem>> -> memref<128xf32, #tpu.memory_space<vmem>>
    %dma_start3A_48 = arith.constant 0 : i32
    %dma_start3A_49 = tpu.memref_slice %arg8[%dma_start3A_48] : memref<3328xi32, #tpu.memory_space<vmem>> -> memref<128xi32, #tpu.memory_space<vmem>>
    %dma_start3A_50 = arith.constant 0 : i32
    %dma_start3A_51 = tpu.memref_slice %arg3[%dma_start3A_45, %dma_start3A_50] : memref<832x100000xf32, #tpu.memory_space<hbm>> -> memref<1x100000xf32, #tpu.memory_space<hbm>>
    %dma_start3A_52 = tpu.memref_squeeze %dma_start3A_51 : memref<1x100000xf32, #tpu.memory_space<hbm>> -> memref<100000xf32, #tpu.memory_space<hbm>>
    %dma_start3A_53 = arith.constant 0 : i32
    %dma_start3A_54 = tpu.memref_slice %dma_start3A_52[%dma_start3A_53] : memref<100000xf32, #tpu.memory_space<hbm>> -> memref<100000xf32, #tpu.memory_space<hbm>>
    tpu.enqueue_indirect_dma source(%dma_start3A_54 : memref<100000xf32, #tpu.memory_space<hbm>>) target(%dma_start3A_47 : memref<128xf32, #tpu.memory_space<vmem>>) offsets(%dma_start3A_49 : memref<128xi32, #tpu.memory_space<vmem>>) semaphore(%arg16 : memref<!tpu.dma_semaphore, #tpu.memory_space<semaphore_mem>>)
    %dma_start3A_55 = arith.constant 4 : i32
    %dma_start3A_56 = arith.constant 512 : i32
    %dma_start3A_57 = tpu.memref_slice %arg11[%dma_start3A_56] : memref<4096xf32, #tpu.memory_space<vmem>> -> memref<128xf32, #tpu.memory_space<vmem>>
    %dma_start3A_58 = arith.constant 0 : i32
    %dma_start3A_59 = tpu.memref_slice %arg8[%dma_start3A_58] : memref<3328xi32, #tpu.memory_space<vmem>> -> memref<128xi32, #tpu.memory_space<vmem>>
    %dma_start3A_60 = arith.constant 0 : i32
    %dma_start3A_61 = tpu.memref_slice %arg3[%dma_start3A_55, %dma_start3A_60] : memref<832x100000xf32, #tpu.memory_space<hbm>> -> memref<1x100000xf32, #tpu.memory_space<hbm>>
    %dma_start3A_62 = tpu.memref_squeeze %dma_start3A_61 : memref<1x100000xf32, #tpu.memory_space<hbm>> -> memref<100000xf32, #tpu.memory_space<hbm>>
    %dma_start3A_63 = arith.constant 0 : i32
    %dma_start3A_64 = tpu.memref_slice %dma_start3A_62[%dma_start3A_63] : memref<100000xf32, #tpu.memory_space<hbm>> -> memref<100000xf32, #tpu.memory_space<hbm>>
    tpu.enqueue_indirect_dma source(%dma_start3A_64 : memref<100000xf32, #tpu.memory_space<hbm>>) target(%dma_start3A_57 : memref<128xf32, #tpu.memory_space<vmem>>) offsets(%dma_start3A_59 : memref<128xi32, #tpu.memory_space<vmem>>) semaphore(%arg16 : memref<!tpu.dma_semaphore, #tpu.memory_space<semaphore_mem>>)
    %dma_start3A_65 = arith.constant 5 : i32
    %dma_start3A_66 = arith.constant 640 : i32
    %dma_start3A_67 = tpu.memref_slice %arg11[%dma_start3A_66] : memref<4096xf32, #tpu.memory_space<vmem>> -> memref<128xf32, #tpu.memory_space<vmem>>
    %dma_start3A_68 = arith.constant 0 : i32
    %dma_start3A_69 = tpu.memref_slice %arg8[%dma_start3A_68] : memref<3328xi32, #tpu.memory_space<vmem>> -> memref<128xi32, #tpu.memory_space<vmem>>
    %dma_start3A_70 = arith.constant 0 : i32
    %dma_start3A_71 = tpu.memref_slice %arg3[%dma_start3A_65, %dma_start3A_70] : memref<832x100000xf32, #tpu.memory_space<hbm>> -> memref<1x100000xf32, #tpu.memory_space<hbm>>
    %dma_start3A_72 = tpu.memref_squeeze %dma_start3A_71 : memref<1x100000xf32, #tpu.memory_space<hbm>> -> memref<100000xf32, #tpu.memory_space<hbm>>
    %dma_start3A_73 = arith.constant 0 : i32
    %dma_start3A_74 = tpu.memref_slice %dma_start3A_72[%dma_start3A_73] : memref<100000xf32, #tpu.memory_space<hbm>> -> memref<100000xf32, #tpu.memory_space<hbm>>
    tpu.enqueue_indirect_dma source(%dma_start3A_74 : memref<100000xf32, #tpu.memory_space<hbm>>) target(%dma_start3A_67 : memref<128xf32, #tpu.memory_space<vmem>>) offsets(%dma_start3A_69 : memref<128xi32, #tpu.memory_space<vmem>>) semaphore(%arg16 : memref<!tpu.dma_semaphore, #tpu.memory_space<semaphore_mem>>)
    %dma_start3A_75 = arith.constant 6 : i32
    %dma_start3A_76 = arith.constant 768 : i32
    %dma_start3A_77 = tpu.memref_slice %arg11[%dma_start3A_76] : memref<4096xf32, #tpu.memory_space<vmem>> -> memref<128xf32, #tpu.memory_space<vmem>>
    %dma_start3A_78 = arith.constant 0 : i32
    %dma_start3A_79 = tpu.memref_slice %arg8[%dma_start3A_78] : memref<3328xi32, #tpu.memory_space<vmem>> -> memref<128xi32, #tpu.memory_space<vmem>>
    %dma_start3A_80 = arith.constant 0 : i32
    %dma_start3A_81 = tpu.memref_slice %arg3[%dma_start3A_75, %dma_start3A_80] : memref<832x100000xf32, #tpu.memory_space<hbm>> -> memref<1x100000xf32, #tpu.memory_space<hbm>>
    %dma_start3A_82 = tpu.memref_squeeze %dma_start3A_81 : memref<1x100000xf32, #tpu.memory_space<hbm>> -> memref<100000xf32, #tpu.memory_space<hbm>>
    %dma_start3A_83 = arith.constant 0 : i32
    %dma_start3A_84 = tpu.memref_slice %dma_start3A_82[%dma_start3A_83] : memref<100000xf32, #tpu.memory_space<hbm>> -> memref<100000xf32, #tpu.memory_space<hbm>>
    tpu.enqueue_indirect_dma source(%dma_start3A_84 : memref<100000xf32, #tpu.memory_space<hbm>>) target(%dma_start3A_77 : memref<128xf32, #tpu.memory_space<vmem>>) offsets(%dma_start3A_79 : memref<128xi32, #tpu.memory_space<vmem>>) semaphore(%arg16 : memref<!tpu.dma_semaphore, #tpu.memory_space<semaphore_mem>>)
    %dma_start3A_85 = arith.constant 7 : i32
    %dma_start3A_86 = arith.constant 896 : i32
    %dma_start3A_87 = tpu.memref_slice %arg11[%dma_start3A_86] : memref<4096xf32, #tpu.memory_space<vmem>> -> memref<128xf32, #tpu.memory_space<vmem>>
    %dma_start3A_88 = arith.constant 0 : i32
    %dma_start3A_89 = tpu.memref_slice %arg8[%dma_start3A_88] : memref<3328xi32, #tpu.memory_space<vmem>> -> memref<128xi32, #tpu.memory_space<vmem>>
    %dma_start3A_90 = arith.constant 0 : i32
    %dma_start3A_91 = tpu.memref_slice %arg3[%dma_start3A_85, %dma_start3A_90] : memref<832x100000xf32, #tpu.memory_space<hbm>> -> memref<1x100000xf32, #tpu.memory_space<hbm>>
    %dma_start3A_92 = tpu.memref_squeeze %dma_start3A_91 : memref<1x100000xf32, #tpu.memory_space<hbm>> -> memref<100000xf32, #tpu.memory_space<hbm>>
    %dma_start3A_93 = arith.constant 0 : i32
    %dma_start3A_94 = tpu.memref_slice %dma_start3A_92[%dma_start3A_93] : memref<100000xf32, #tpu.memory_space<hbm>> -> memref<100000xf32, #tpu.memory_space<hbm>>
    tpu.enqueue_indirect_dma source(%dma_start3A_94 : memref<100000xf32, #tpu.memory_space<hbm>>) target(%dma_start3A_87 : memref<128xf32, #tpu.memory_space<vmem>>) offsets(%dma_start3A_89 : memref<128xi32, #tpu.memory_space<vmem>>) semaphore(%arg16 : memref<!tpu.dma_semaphore, #tpu.memory_space<semaphore_mem>>)
    %dma_start3A_95 = arith.constant 8 : i32
    %dma_start3A_96 = arith.constant 1024 : i32
    %dma_start3A_97 = tpu.memref_slice %arg11[%dma_start3A_96] : memref<4096xf32, #tpu.memory_space<vmem>> -> memref<128xf32, #tpu.memory_space<vmem>>
    %dma_start3A_98 = arith.constant 0 : i32
    %dma_start3A_99 = tpu.memref_slice %arg8[%dma_start3A_98] : memref<3328xi32, #tpu.memory_space<vmem>> -> memref<128xi32, #tpu.memory_space<vmem>>
    %dma_start3A_100 = arith.constant 0 : i32
    %dma_start3A_101 = tpu.memref_slice %arg3[%dma_start3A_95, %dma_start3A_100] : memref<832x100000xf32, #tpu.memory_space<hbm>> -> memref<1x100000xf32, #tpu.memory_space<hbm>>
    %dma_start3A_102 = tpu.memref_squeeze %dma_start3A_101 : memref<1x100000xf32, #tpu.memory_space<hbm>> -> memref<100000xf32, #tpu.memory_space<hbm>>
    %dma_start3A_103 = arith.constant 0 : i32
    %dma_start3A_104 = tpu.memref_slice %dma_start3A_102[%dma_start3A_103] : memref<100000xf32, #tpu.memory_space<hbm>> -> memref<100000xf32, #tpu.memory_space<hbm>>
    tpu.enqueue_indirect_dma source(%dma_start3A_104 : memref<100000xf32, #tpu.memory_space<hbm>>) target(%dma_start3A_97 : memref<128xf32, #tpu.memory_space<vmem>>) offsets(%dma_start3A_99 : memref<128xi32, #tpu.memory_space<vmem>>) semaphore(%arg16 : memref<!tpu.dma_semaphore, #tpu.memory_space<semaphore_mem>>)
    %dma_start3A_105 = arith.constant 9 : i32
    %dma_start3A_106 = arith.constant 1152 : i32
    %dma_start3A_107 = tpu.memref_slice %arg11[%dma_start3A_106] : memref<4096xf32, #tpu.memory_space<vmem>> -> memref<128xf32, #tpu.memory_space<vmem>>
    %dma_start3A_108 = arith.constant 0 : i32
    %dma_start3A_109 = tpu.memref_slice %arg8[%dma_start3A_108] : memref<3328xi32, #tpu.memory_space<vmem>> -> memref<128xi32, #tpu.memory_space<vmem>>
    %dma_start3A_110 = arith.constant 0 : i32
    %dma_start3A_111 = tpu.memref_slice %arg3[%dma_start3A_105, %dma_start3A_110] : memref<832x100000xf32, #tpu.memory_space<hbm>> -> memref<1x100000xf32, #tpu.memory_space<hbm>>
    %dma_start3A_112 = tpu.memref_squeeze %dma_start3A_111 : memref<1x100000xf32, #tpu.memory_space<hbm>> -> memref<100000xf32, #tpu.memory_space<hbm>>
    %dma_start3A_113 = arith.constant 0 : i32
    %dma_start3A_114 = tpu.memref_slice %dma_start3A_112[%dma_start3A_113] : memref<100000xf32, #tpu.memory_space<hbm>> -> memref<100000xf32, #tpu.memory_space<hbm>>
    tpu.enqueue_indirect_dma source(%dma_start3A_114 : memref<100000xf32, #tpu.memory_space<hbm>>) target(%dma_start3A_107 : memref<128xf32, #tpu.memory_space<vmem>>) offsets(%dma_start3A_109 : memref<128xi32, #tpu.memory_space<vmem>>) semaphore(%arg16 : memref<!tpu.dma_semaphore, #tpu.memory_space<semaphore_mem>>)
    %dma_start3A_115 = arith.constant 10 : i32
    %dma_start3A_116 = arith.constant 1280 : i32
    %dma_start3A_117 = tpu.memref_slice %arg11[%dma_start3A_116] : memref<4096xf32, #tpu.memory_space<vmem>> -> memref<128xf32, #tpu.memory_space<vmem>>
    %dma_start3A_118 = arith.constant 0 : i32
    %dma_start3A_119 = tpu.memref_slice %arg8[%dma_start3A_118] : memref<3328xi32, #tpu.memory_space<vmem>> -> memref<128xi32, #tpu.memory_space<vmem>>
    %dma_start3A_120 = arith.constant 0 : i32
    %dma_start3A_121 = tpu.memref_slice %arg3[%dma_start3A_115, %dma_start3A_120] : memref<832x100000xf32, #tpu.memory_space<hbm>> -> memref<1x100000xf32, #tpu.memory_space<hbm>>
    %dma_start3A_122 = tpu.memref_squeeze %dma_start3A_121 : memref<1x100000xf32, #tpu.memory_space<hbm>> -> memref<100000xf32, #tpu.memory_space<hbm>>
    %dma_start3A_123 = arith.constant 0 : i32
    %dma_start3A_124 = tpu.memref_slice %dma_start3A_122[%dma_start3A_123] : memref<100000xf32, #tpu.memory_space<hbm>> -> memref<100000xf32, #tpu.memory_space<hbm>>
    tpu.enqueue_indirect_dma source(%dma_start3A_124 : memref<100000xf32, #tpu.memory_space<hbm>>) target(%dma_start3A_117 : memref<128xf32, #tpu.memory_space<vmem>>) offsets(%dma_start3A_119 : memref<128xi32, #tpu.memory_space<vmem>>) semaphore(%arg16 : memref<!tpu.dma_semaphore, #tpu.memory_space<semaphore_mem>>)
    %dma_start3A_125 = arith.constant 11 : i32
    %dma_start3A_126 = arith.constant 1408 : i32
    %dma_start3A_127 = tpu.memref_slice %arg11[%dma_start3A_126] : memref<4096xf32, #tpu.memory_space<vmem>> -> memref<128xf32, #tpu.memory_space<vmem>>
    %dma_start3A_128 = arith.constant 0 : i32
    %dma_start3A_129 = tpu.memref_slice %arg8[%dma_start3A_128] : memref<3328xi32, #tpu.memory_space<vmem>> -> memref<128xi32, #tpu.memory_space<vmem>>
    %dma_start3A_130 = arith.constant 0 : i32
    %dma_start3A_131 = tpu.memref_slice %arg3[%dma_start3A_125, %dma_start3A_130] : memref<832x100000xf32, #tpu.memory_space<hbm>> -> memref<1x100000xf32, #tpu.memory_space<hbm>>
    %dma_start3A_132 = tpu.memref_squeeze %dma_start3A_131 : memref<1x100000xf32, #tpu.memory_space<hbm>> -> memref<100000xf32, #tpu.memory_space<hbm>>
    %dma_start3A_133 = arith.constant 0 : i32
    %dma_start3A_134 = tpu.memref_slice %dma_start3A_132[%dma_start3A_133] : memref<100000xf32, #tpu.memory_space<hbm>> -> memref<100000xf32, #tpu.memory_space<hbm>>
    tpu.enqueue_indirect_dma source(%dma_start3A_134 : memref<100000xf32, #tpu.memory_space<hbm>>) target(%dma_start3A_127 : memref<128xf32, #tpu.memory_space<vmem>>) offsets(%dma_start3A_129 : memref<128xi32, #tpu.memory_space<vmem>>) semaphore(%arg16 : memref<!tpu.dma_semaphore, #tpu.memory_space<semaphore_mem>>)
    %dma_start3A_135 = arith.constant 12 : i32
    %dma_start3A_136 = arith.constant 1536 : i32
    %dma_start3A_137 = tpu.memref_slice %arg11[%dma_start3A_136] : memref<4096xf32, #tpu.memory_space<vmem>> -> memref<128xf32, #tpu.memory_space<vmem>>
    %dma_start3A_138 = arith.constant 0 : i32
    %dma_start3A_139 = tpu.memref_slice %arg8[%dma_start3A_138] : memref<3328xi32, #tpu.memory_space<vmem>> -> memref<128xi32, #tpu.memory_space<vmem>>
    %dma_start3A_140 = arith.constant 0 : i32
    %dma_start3A_141 = tpu.memref_slice %arg3[%dma_start3A_135, %dma_start3A_140] : memref<832x100000xf32, #tpu.memory_space<hbm>> -> memref<1x100000xf32, #tpu.memory_space<hbm>>
    %dma_start3A_142 = tpu.memref_squeeze %dma_start3A_141 : memref<1x100000xf32, #tpu.memory_space<hbm>> -> memref<100000xf32, #tpu.memory_space<hbm>>
    %dma_start3A_143 = arith.constant 0 : i32
    %dma_start3A_144 = tpu.memref_slice %dma_start3A_142[%dma_start3A_143] : memref<100000xf32, #tpu.memory_space<hbm>> -> memref<100000xf32, #tpu.memory_space<hbm>>
    tpu.enqueue_indirect_dma source(%dma_start3A_144 : memref<100000xf32, #tpu.memory_space<hbm>>) target(%dma_start3A_137 : memref<128xf32, #tpu.memory_space<vmem>>) offsets(%dma_start3A_139 : memref<128xi32, #tpu.memory_space<vmem>>) semaphore(%arg16 : memref<!tpu.dma_semaphore, #tpu.memory_space<semaphore_mem>>)
    %dma_start3A_145 = arith.constant 13 : i32
    %dma_start3A_146 = arith.constant 1664 : i32
    %dma_start3A_147 = tpu.memref_slice %arg11[%dma_start3A_146] : memref<4096xf32, #tpu.memory_space<vmem>> -> memref<128xf32, #tpu.memory_space<vmem>>
    %dma_start3A_148 = arith.constant 0 : i32
    %dma_start3A_149 = tpu.memref_slice %arg8[%dma_start3A_148] : memref<3328xi32, #tpu.memory_space<vmem>> -> memref<128xi32, #tpu.memory_space<vmem>>
    %dma_start3A_150 = arith.constant 0 : i32
    %dma_start3A_151 = tpu.memref_slice %arg3[%dma_start3A_145, %dma_start3A_150] : memref<832x100000xf32, #tpu.memory_space<hbm>> -> memref<1x100000xf32, #tpu.memory_space<hbm>>
    %dma_start3A_152 = tpu.memref_squeeze %dma_start3A_151 : memref<1x100000xf32, #tpu.memory_space<hbm>> -> memref<100000xf32, #tpu.memory_space<hbm>>
    %dma_start3A_153 = arith.constant 0 : i32
    %dma_start3A_154 = tpu.memref_slice %dma_start3A_152[%dma_start3A_153] : memref<100000xf32, #tpu.memory_space<hbm>> -> memref<100000xf32, #tpu.memory_space<hbm>>
    tpu.enqueue_indirect_dma source(%dma_start3A_154 : memref<100000xf32, #tpu.memory_space<hbm>>) target(%dma_start3A_147 : memref<128xf32, #tpu.memory_space<vmem>>) offsets(%dma_start3A_149 : memref<128xi32, #tpu.memory_space<vmem>>) semaphore(%arg16 : memref<!tpu.dma_semaphore, #tpu.memory_space<semaphore_mem>>)
    %dma_start3A_155 = arith.constant 14 : i32
    %dma_start3A_156 = arith.constant 1792 : i32
    %dma_start3A_157 = tpu.memref_slice %arg11[%dma_start3A_156] : memref<4096xf32, #tpu.memory_space<vmem>> -> memref<128xf32, #tpu.memory_space<vmem>>
    %dma_start3A_158 = arith.constant 0 : i32
    %dma_start3A_159 = tpu.memref_slice %arg8[%dma_start3A_158] : memref<3328xi32, #tpu.memory_space<vmem>> -> memref<128xi32, #tpu.memory_space<vmem>>
    %dma_start3A_160 = arith.constant 0 : i32
    %dma_start3A_161 = tpu.memref_slice %arg3[%dma_start3A_155, %dma_start3A_160] : memref<832x100000xf32, #tpu.memory_space<hbm>> -> memref<1x100000xf32, #tpu.memory_space<hbm>>
    %dma_start3A_162 = tpu.memref_squeeze %dma_start3A_161 : memref<1x100000xf32, #tpu.memory_space<hbm>> -> memref<100000xf32, #tpu.memory_space<hbm>>
    %dma_start3A_163 = arith.constant 0 : i32
    %dma_start3A_164 = tpu.memref_slice %dma_start3A_162[%dma_start3A_163] : memref<100000xf32, #tpu.memory_space<hbm>> -> memref<100000xf32, #tpu.memory_space<hbm>>
    tpu.enqueue_indirect_dma source(%dma_start3A_164 : memref<100000xf32, #tpu.memory_space<hbm>>) target(%dma_start3A_157 : memref<128xf32, #tpu.memory_space<vmem>>) offsets(%dma_start3A_159 : memref<128xi32, #tpu.memory_space<vmem>>) semaphore(%arg16 : memref<!tpu.dma_semaphore, #tpu.memory_space<semaphore_mem>>)
    %dma_start3A_165 = arith.constant 15 : i32
    %dma_start3A_166 = arith.constant 1920 : i32
    %dma_start3A_167 = tpu.memref_slice %arg11[%dma_start3A_166] : memref<4096xf32, #tpu.memory_space<vmem>> -> memref<128xf32, #tpu.memory_space<vmem>>
    %dma_start3A_168 = arith.constant 0 : i32
    %dma_start3A_169 = tpu.memref_slice %arg8[%dma_start3A_168] : memref<3328xi32, #tpu.memory_space<vmem>> -> memref<128xi32, #tpu.memory_space<vmem>>
    %dma_start3A_170 = arith.constant 0 : i32
    %dma_start3A_171 = tpu.memref_slice %arg3[%dma_start3A_165, %dma_start3A_170] : memref<832x100000xf32, #tpu.memory_space<hbm>> -> memref<1x100000xf32, #tpu.memory_space<hbm>>
    %dma_start3A_172 = tpu.memref_squeeze %dma_start3A_171 : memref<1x100000xf32, #tpu.memory_space<hbm>> -> memref<100000xf32, #tpu.memory_space<hbm>>
    %dma_start3A_173 = arith.constant 0 : i32
    %dma_start3A_174 = tpu.memref_slice %dma_start3A_172[%dma_start3A_173] : memref<100000xf32, #tpu.memory_space<hbm>> -> memref<100000xf32, #tpu.memory_space<hbm>>
    tpu.enqueue_indirect_dma source(%dma_start3A_174 : memref<100000xf32, #tpu.memory_space<hbm>>) target(%dma_start3A_167 : memref<128xf32, #tpu.memory_space<vmem>>) offsets(%dma_start3A_169 : memref<128xi32, #tpu.memory_space<vmem>>) semaphore(%arg16 : memref<!tpu.dma_semaphore, #tpu.memory_space<semaphore_mem>>)
    %dma_start3A_175 = arith.constant 16 : i32
    %dma_start3A_176 = arith.constant 2048 : i32
    %dma_start3A_177 = tpu.memref_slice %arg11[%dma_start3A_176] : memref<4096xf32, #tpu.memory_space<vmem>> -> memref<128xf32, #tpu.memory_space<vmem>>
    %dma_start3A_178 = arith.constant 0 : i32
    %dma_start3A_179 = tpu.memref_slice %arg8[%dma_start3A_178] : memref<3328xi32, #tpu.memory_space<vmem>> -> memref<128xi32, #tpu.memory_space<vmem>>
    %dma_start3A_180 = arith.constant 0 : i32
    %dma_start3A_181 = tpu.memref_slice %arg3[%dma_start3A_175, %dma_start3A_180] : memref<832x100000xf32, #tpu.memory_space<hbm>> -> memref<1x100000xf32, #tpu.memory_space<hbm>>
    %dma_start3A_182 = tpu.memref_squeeze %dma_start3A_181 : memref<1x100000xf32, #tpu.memory_space<hbm>> -> memref<100000xf32, #tpu.memory_space<hbm>>
    %dma_start3A_183 = arith.constant 0 : i32
    %dma_start3A_184 = tpu.memref_slice %dma_start3A_182[%dma_start3A_183] : memref<100000xf32, #tpu.memory_space<hbm>> -> memref<100000xf32, #tpu.memory_space<hbm>>
    tpu.enqueue_indirect_dma source(%dma_start3A_184 : memref<100000xf32, #tpu.memory_space<hbm>>) target(%dma_start3A_177 : memref<128xf32, #tpu.memory_space<vmem>>) offsets(%dma_start3A_179 : memref<128xi32, #tpu.memory_space<vmem>>) semaphore(%arg16 : memref<!tpu.dma_semaphore, #tpu.memory_space<semaphore_mem>>)
    %dma_start3A_185 = arith.constant 17 : i32
    %dma_start3A_186 = arith.constant 2176 : i32
    %dma_start3A_187 = tpu.memref_slice %arg11[%dma_start3A_186] : memref<4096xf32, #tpu.memory_space<vmem>> -> memref<128xf32, #tpu.memory_space<vmem>>
    %dma_start3A_188 = arith.constant 0 : i32
    %dma_start3A_189 = tpu.memref_slice %arg8[%dma_start3A_188] : memref<3328xi32, #tpu.memory_space<vmem>> -> memref<128xi32, #tpu.memory_space<vmem>>
    %dma_start3A_190 = arith.constant 0 : i32
    %dma_start3A_191 = tpu.memref_slice %arg3[%dma_start3A_185, %dma_start3A_190] : memref<832x100000xf32, #tpu.memory_space<hbm>> -> memref<1x100000xf32, #tpu.memory_space<hbm>>
    %dma_start3A_192 = tpu.memref_squeeze %dma_start3A_191 : memref<1x100000xf32, #tpu.memory_space<hbm>> -> memref<100000xf32, #tpu.memory_space<hbm>>
    %dma_start3A_193 = arith.constant 0 : i32
    %dma_start3A_194 = tpu.memref_slice %dma_start3A_192[%dma_start3A_193] : memref<100000xf32, #tpu.memory_space<hbm>> -> memref<100000xf32, #tpu.memory_space<hbm>>
    tpu.enqueue_indirect_dma source(%dma_start3A_194 : memref<100000xf32, #tpu.memory_space<hbm>>) target(%dma_start3A_187 : memref<128xf32, #tpu.memory_space<vmem>>) offsets(%dma_start3A_189 : memref<128xi32, #tpu.memory_space<vmem>>) semaphore(%arg16 : memref<!tpu.dma_semaphore, #tpu.memory_space<semaphore_mem>>)
    %dma_start3A_195 = arith.constant 18 : i32
    %dma_start3A_196 = arith.constant 2304 : i32
    %dma_start3A_197 = tpu.memref_slice %arg11[%dma_start3A_196] : memref<4096xf32, #tpu.memory_space<vmem>> -> memref<128xf32, #tpu.memory_space<vmem>>
    %dma_start3A_198 = arith.constant 0 : i32
    %dma_start3A_199 = tpu.memref_slice %arg8[%dma_start3A_198] : memref<3328xi32, #tpu.memory_space<vmem>> -> memref<128xi32, #tpu.memory_space<vmem>>
    %dma_start3A_200 = arith.constant 0 : i32
    %dma_start3A_201 = tpu.memref_slice %arg3[%dma_start3A_195, %dma_start3A_200] : memref<832x100000xf32, #tpu.memory_space<hbm>> -> memref<1x100000xf32, #tpu.memory_space<hbm>>
    %dma_start3A_202 = tpu.memref_squeeze %dma_start3A_201 : memref<1x100000xf32, #tpu.memory_space<hbm>> -> memref<100000xf32, #tpu.memory_space<hbm>>
    %dma_start3A_203 = arith.constant 0 : i32
    %dma_start3A_204 = tpu.memref_slice %dma_start3A_202[%dma_start3A_203] : memref<100000xf32, #tpu.memory_space<hbm>> -> memref<100000xf32, #tpu.memory_space<hbm>>
    tpu.enqueue_indirect_dma source(%dma_start3A_204 : memref<100000xf32, #tpu.memory_space<hbm>>) target(%dma_start3A_197 : memref<128xf32, #tpu.memory_space<vmem>>) offsets(%dma_start3A_199 : memref<128xi32, #tpu.memory_space<vmem>>) semaphore(%arg16 : memref<!tpu.dma_semaphore, #tpu.memory_space<semaphore_mem>>)
    %dma_start3A_205 = arith.constant 19 : i32
    %dma_start3A_206 = arith.constant 2432 : i32
    %dma_start3A_207 = tpu.memref_slice %arg11[%dma_start3A_206] : memref<4096xf32, #tpu.memory_space<vmem>> -> memref<128xf32, #tpu.memory_space<vmem>>
    %dma_start3A_208 = arith.constant 0 : i32
    %dma_start3A_209 = tpu.memref_slice %arg8[%dma_start3A_208] : memref<3328xi32, #tpu.memory_space<vmem>> -> memref<128xi32, #tpu.memory_space<vmem>>
    %dma_start3A_210 = arith.constant 0 : i32
    %dma_start3A_211 = tpu.memref_slice %arg3[%dma_start3A_205, %dma_start3A_210] : memref<832x100000xf32, #tpu.memory_space<hbm>> -> memref<1x100000xf32, #tpu.memory_space<hbm>>
    %dma_start3A_212 = tpu.memref_squeeze %dma_start3A_211 : memref<1x100000xf32, #tpu.memory_space<hbm>> -> memref<100000xf32, #tpu.memory_space<hbm>>
    %dma_start3A_213 = arith.constant 0 : i32
    %dma_start3A_214 = tpu.memref_slice %dma_start3A_212[%dma_start3A_213] : memref<100000xf32, #tpu.memory_space<hbm>> -> memref<100000xf32, #tpu.memory_space<hbm>>
    tpu.enqueue_indirect_dma source(%dma_start3A_214 : memref<100000xf32, #tpu.memory_space<hbm>>) target(%dma_start3A_207 : memref<128xf32, #tpu.memory_space<vmem>>) offsets(%dma_start3A_209 : memref<128xi32, #tpu.memory_space<vmem>>) semaphore(%arg16 : memref<!tpu.dma_semaphore, #tpu.memory_space<semaphore_mem>>)
    %dma_start3A_215 = arith.constant 20 : i32
    %dma_start3A_216 = arith.constant 2560 : i32
    %dma_start3A_217 = tpu.memref_slice %arg11[%dma_start3A_216] : memref<4096xf32, #tpu.memory_space<vmem>> -> memref<128xf32, #tpu.memory_space<vmem>>
    %dma_start3A_218 = arith.constant 0 : i32
    %dma_start3A_219 = tpu.memref_slice %arg8[%dma_start3A_218] : memref<3328xi32, #tpu.memory_space<vmem>> -> memref<128xi32, #tpu.memory_space<vmem>>
    %dma_start3A_220 = arith.constant 0 : i32
    %dma_start3A_221 = tpu.memref_slice %arg3[%dma_start3A_215, %dma_start3A_220] : memref<832x100000xf32, #tpu.memory_space<hbm>> -> memref<1x100000xf32, #tpu.memory_space<hbm>>
    %dma_start3A_222 = tpu.memref_squeeze %dma_start3A_221 : memref<1x100000xf32, #tpu.memory_space<hbm>> -> memref<100000xf32, #tpu.memory_space<hbm>>
    %dma_start3A_223 = arith.constant 0 : i32
    %dma_start3A_224 = tpu.memref_slice %dma_start3A_222[%dma_start3A_223] : memref<100000xf32, #tpu.memory_space<hbm>> -> memref<100000xf32, #tpu.memory_space<hbm>>
    tpu.enqueue_indirect_dma source(%dma_start3A_224 : memref<100000xf32, #tpu.memory_space<hbm>>) target(%dma_start3A_217 : memref<128xf32, #tpu.memory_space<vmem>>) offsets(%dma_start3A_219 : memref<128xi32, #tpu.memory_space<vmem>>) semaphore(%arg16 : memref<!tpu.dma_semaphore, #tpu.memory_space<semaphore_mem>>)
    %dma_start3A_225 = arith.constant 21 : i32
    %dma_start3A_226 = arith.constant 2688 : i32
    %dma_start3A_227 = tpu.memref_slice %arg11[%dma_start3A_226] : memref<4096xf32, #tpu.memory_space<vmem>> -> memref<128xf32, #tpu.memory_space<vmem>>
    %dma_start3A_228 = arith.constant 0 : i32
    %dma_start3A_229 = tpu.memref_slice %arg8[%dma_start3A_228] : memref<3328xi32, #tpu.memory_space<vmem>> -> memref<128xi32, #tpu.memory_space<vmem>>
    %dma_start3A_230 = arith.constant 0 : i32
    %dma_start3A_231 = tpu.memref_slice %arg3[%dma_start3A_225, %dma_start3A_230] : memref<832x100000xf32, #tpu.memory_space<hbm>> -> memref<1x100000xf32, #tpu.memory_space<hbm>>
    %dma_start3A_232 = tpu.memref_squeeze %dma_start3A_231 : memref<1x100000xf32, #tpu.memory_space<hbm>> -> memref<100000xf32, #tpu.memory_space<hbm>>
    %dma_start3A_233 = arith.constant 0 : i32
    %dma_start3A_234 = tpu.memref_slice %dma_start3A_232[%dma_start3A_233] : memref<100000xf32, #tpu.memory_space<hbm>> -> memref<100000xf32, #tpu.memory_space<hbm>>
    tpu.enqueue_indirect_dma source(%dma_start3A_234 : memref<100000xf32, #tpu.memory_space<hbm>>) target(%dma_start3A_227 : memref<128xf32, #tpu.memory_space<vmem>>) offsets(%dma_start3A_229 : memref<128xi32, #tpu.memory_space<vmem>>) semaphore(%arg16 : memref<!tpu.dma_semaphore, #tpu.memory_space<semaphore_mem>>)
    %dma_start3A_235 = arith.constant 22 : i32
    %dma_start3A_236 = arith.constant 2816 : i32
    %dma_start3A_237 = tpu.memref_slice %arg11[%dma_start3A_236] : memref<4096xf32, #tpu.memory_space<vmem>> -> memref<128xf32, #tpu.memory_space<vmem>>
    %dma_start3A_238 = arith.constant 0 : i32
    %dma_start3A_239 = tpu.memref_slice %arg8[%dma_start3A_238] : memref<3328xi32, #tpu.memory_space<vmem>> -> memref<128xi32, #tpu.memory_space<vmem>>
    %dma_start3A_240 = arith.constant 0 : i32
    %dma_start3A_241 = tpu.memref_slice %arg3[%dma_start3A_235, %dma_start3A_240] : memref<832x100000xf32, #tpu.memory_space<hbm>> -> memref<1x100000xf32, #tpu.memory_space<hbm>>
    %dma_start3A_242 = tpu.memref_squeeze %dma_start3A_241 : memref<1x100000xf32, #tpu.memory_space<hbm>> -> memref<100000xf32, #tpu.memory_space<hbm>>
    %dma_start3A_243 = arith.constant 0 : i32
    %dma_start3A_244 = tpu.memref_slice %dma_start3A_242[%dma_start3A_243] : memref<100000xf32, #tpu.memory_space<hbm>> -> memref<100000xf32, #tpu.memory_space<hbm>>
    tpu.enqueue_indirect_dma source(%dma_start3A_244 : memref<100000xf32, #tpu.memory_space<hbm>>) target(%dma_start3A_237 : memref<128xf32, #tpu.memory_space<vmem>>) offsets(%dma_start3A_239 : memref<128xi32, #tpu.memory_space<vmem>>) semaphore(%arg16 : memref<!tpu.dma_semaphore, #tpu.memory_space<semaphore_mem>>)
    %dma_start3A_245 = arith.constant 23 : i32
    %dma_start3A_246 = arith.constant 2944 : i32
    %dma_start3A_247 = tpu.memref_slice %arg11[%dma_start3A_246] : memref<4096xf32, #tpu.memory_space<vmem>> -> memref<128xf32, #tpu.memory_space<vmem>>
    %dma_start3A_248 = arith.constant 0 : i32
    %dma_start3A_249 = tpu.memref_slice %arg8[%dma_start3A_248] : memref<3328xi32, #tpu.memory_space<vmem>> -> memref<128xi32, #tpu.memory_space<vmem>>
    %dma_start3A_250 = arith.constant 0 : i32
    %dma_start3A_251 = tpu.memref_slice %arg3[%dma_start3A_245, %dma_start3A_250] : memref<832x100000xf32, #tpu.memory_space<hbm>> -> memref<1x100000xf32, #tpu.memory_space<hbm>>
    %dma_start3A_252 = tpu.memref_squeeze %dma_start3A_251 : memref<1x100000xf32, #tpu.memory_space<hbm>> -> memref<100000xf32, #tpu.memory_space<hbm>>
    %dma_start3A_253 = arith.constant 0 : i32
    %dma_start3A_254 = tpu.memref_slice %dma_start3A_252[%dma_start3A_253] : memref<100000xf32, #tpu.memory_space<hbm>> -> memref<100000xf32, #tpu.memory_space<hbm>>
    tpu.enqueue_indirect_dma source(%dma_start3A_254 : memref<100000xf32, #tpu.memory_space<hbm>>) target(%dma_start3A_247 : memref<128xf32, #tpu.memory_space<vmem>>) offsets(%dma_start3A_249 : memref<128xi32, #tpu.memory_space<vmem>>) semaphore(%arg16 : memref<!tpu.dma_semaphore, #tpu.memory_space<semaphore_mem>>)
    %dma_start3A_255 = arith.constant 24 : i32
    %dma_start3A_256 = arith.constant 3072 : i32
    %dma_start3A_257 = tpu.memref_slice %arg11[%dma_start3A_256] : memref<4096xf32, #tpu.memory_space<vmem>> -> memref<128xf32, #tpu.memory_space<vmem>>
    %dma_start3A_258 = arith.constant 0 : i32
    %dma_start3A_259 = tpu.memref_slice %arg8[%dma_start3A_258] : memref<3328xi32, #tpu.memory_space<vmem>> -> memref<128xi32, #tpu.memory_space<vmem>>
    %dma_start3A_260 = arith.constant 0 : i32
    %dma_start3A_261 = tpu.memref_slice %arg3[%dma_start3A_255, %dma_start3A_260] : memref<832x100000xf32, #tpu.memory_space<hbm>> -> memref<1x100000xf32, #tpu.memory_space<hbm>>
    %dma_start3A_262 = tpu.memref_squeeze %dma_start3A_261 : memref<1x100000xf32, #tpu.memory_space<hbm>> -> memref<100000xf32, #tpu.memory_space<hbm>>
    %dma_start3A_263 = arith.constant 0 : i32
    %dma_start3A_264 = tpu.memref_slice %dma_start3A_262[%dma_start3A_263] : memref<100000xf32, #tpu.memory_space<hbm>> -> memref<100000xf32, #tpu.memory_space<hbm>>
    tpu.enqueue_indirect_dma source(%dma_start3A_264 : memref<100000xf32, #tpu.memory_space<hbm>>) target(%dma_start3A_257 : memref<128xf32, #tpu.memory_space<vmem>>) offsets(%dma_start3A_259 : memref<128xi32, #tpu.memory_space<vmem>>) semaphore(%arg16 : memref<!tpu.dma_semaphore, #tpu.memory_space<semaphore_mem>>)
    %dma_start3A_265 = arith.constant 25 : i32
    %dma_start3A_266 = arith.constant 3200 : i32
    %dma_start3A_267 = tpu.memref_slice %arg11[%dma_start3A_266] : memref<4096xf32, #tpu.memory_space<vmem>> -> memref<128xf32, #tpu.memory_space<vmem>>
    %dma_start3A_268 = arith.constant 0 : i32
    %dma_start3A_269 = tpu.memref_slice %arg8[%dma_start3A_268] : memref<3328xi32, #tpu.memory_space<vmem>> -> memref<128xi32, #tpu.memory_space<vmem>>
    %dma_start3A_270 = arith.constant 0 : i32
    %dma_start3A_271 = tpu.memref_slice %arg3[%dma_start3A_265, %dma_start3A_270] : memref<832x100000xf32, #tpu.memory_space<hbm>> -> memref<1x100000xf32, #tpu.memory_space<hbm>>
    %dma_start3A_272 = tpu.memref_squeeze %dma_start3A_271 : memref<1x100000xf32, #tpu.memory_space<hbm>> -> memref<100000xf32, #tpu.memory_space<hbm>>
    %dma_start3A_273 = arith.constant 0 : i32
    %dma_start3A_274 = tpu.memref_slice %dma_start3A_272[%dma_start3A_273] : memref<100000xf32, #tpu.memory_space<hbm>> -> memref<100000xf32, #tpu.memory_space<hbm>>
    tpu.enqueue_indirect_dma source(%dma_start3A_274 : memref<100000xf32, #tpu.memory_space<hbm>>) target(%dma_start3A_267 : memref<128xf32, #tpu.memory_space<vmem>>) offsets(%dma_start3A_269 : memref<128xi32, #tpu.memory_space<vmem>>) semaphore(%arg16 : memref<!tpu.dma_semaphore, #tpu.memory_space<semaphore_mem>>)
    %dma_start3A_275 = arith.constant 26 : i32
    %dma_start3A_276 = arith.constant 3328 : i32
    %dma_start3A_277 = tpu.memref_slice %arg11[%dma_start3A_276] : memref<4096xf32, #tpu.memory_space<vmem>> -> memref<128xf32, #tpu.memory_space<vmem>>
    %dma_start3A_278 = arith.constant 0 : i32
    %dma_start3A_279 = tpu.memref_slice %arg8[%dma_start3A_278] : memref<3328xi32, #tpu.memory_space<vmem>> -> memref<128xi32, #tpu.memory_space<vmem>>
    %dma_start3A_280 = arith.constant 0 : i32
    %dma_start3A_281 = tpu.memref_slice %arg3[%dma_start3A_275, %dma_start3A_280] : memref<832x100000xf32, #tpu.memory_space<hbm>> -> memref<1x100000xf32, #tpu.memory_space<hbm>>
    %dma_start3A_282 = tpu.memref_squeeze %dma_start3A_281 : memref<1x100000xf32, #tpu.memory_space<hbm>> -> memref<100000xf32, #tpu.memory_space<hbm>>
    %dma_start3A_283 = arith.constant 0 : i32
    %dma_start3A_284 = tpu.memref_slice %dma_start3A_282[%dma_start3A_283] : memref<100000xf32, #tpu.memory_space<hbm>> -> memref<100000xf32, #tpu.memory_space<hbm>>
    tpu.enqueue_indirect_dma source(%dma_start3A_284 : memref<100000xf32, #tpu.memory_space<hbm>>) target(%dma_start3A_277 : memref<128xf32, #tpu.memory_space<vmem>>) offsets(%dma_start3A_279 : memref<128xi32, #tpu.memory_space<vmem>>) semaphore(%arg16 : memref<!tpu.dma_semaphore, #tpu.memory_space<semaphore_mem>>)
    %dma_start3A_285 = arith.constant 27 : i32
    %dma_start3A_286 = arith.constant 3456 : i32
    %dma_start3A_287 = tpu.memref_slice %arg11[%dma_start3A_286] : memref<4096xf32, #tpu.memory_space<vmem>> -> memref<128xf32, #tpu.memory_space<vmem>>
    %dma_start3A_288 = arith.constant 0 : i32
    %dma_start3A_289 = tpu.memref_slice %arg8[%dma_start3A_288] : memref<3328xi32, #tpu.memory_space<vmem>> -> memref<128xi32, #tpu.memory_space<vmem>>
    %dma_start3A_290 = arith.constant 0 : i32
    %dma_start3A_291 = tpu.memref_slice %arg3[%dma_start3A_285, %dma_start3A_290] : memref<832x100000xf32, #tpu.memory_space<hbm>> -> memref<1x100000xf32, #tpu.memory_space<hbm>>
    %dma_start3A_292 = tpu.memref_squeeze %dma_start3A_291 : memref<1x100000xf32, #tpu.memory_space<hbm>> -> memref<100000xf32, #tpu.memory_space<hbm>>
    %dma_start3A_293 = arith.constant 0 : i32
    %dma_start3A_294 = tpu.memref_slice %dma_start3A_292[%dma_start3A_293] : memref<100000xf32, #tpu.memory_space<hbm>> -> memref<100000xf32, #tpu.memory_space<hbm>>
    tpu.enqueue_indirect_dma source(%dma_start3A_294 : memref<100000xf32, #tpu.memory_space<hbm>>) target(%dma_start3A_287 : memref<128xf32, #tpu.memory_space<vmem>>) offsets(%dma_start3A_289 : memref<128xi32, #tpu.memory_space<vmem>>) semaphore(%arg16 : memref<!tpu.dma_semaphore, #tpu.memory_space<semaphore_mem>>)
    %dma_start3A_295 = arith.constant 28 : i32
    %dma_start3A_296 = arith.constant 3584 : i32
    %dma_start3A_297 = tpu.memref_slice %arg11[%dma_start3A_296] : memref<4096xf32, #tpu.memory_space<vmem>> -> memref<128xf32, #tpu.memory_space<vmem>>
    %dma_start3A_298 = arith.constant 0 : i32
    %dma_start3A_299 = tpu.memref_slice %arg8[%dma_start3A_298] : memref<3328xi32, #tpu.memory_space<vmem>> -> memref<128xi32, #tpu.memory_space<vmem>>
    %dma_start3A_300 = arith.constant 0 : i32
    %dma_start3A_301 = tpu.memref_slice %arg3[%dma_start3A_295, %dma_start3A_300] : memref<832x100000xf32, #tpu.memory_space<hbm>> -> memref<1x100000xf32, #tpu.memory_space<hbm>>
    %dma_start3A_302 = tpu.memref_squeeze %dma_start3A_301 : memref<1x100000xf32, #tpu.memory_space<hbm>> -> memref<100000xf32, #tpu.memory_space<hbm>>
    %dma_start3A_303 = arith.constant 0 : i32
    %dma_start3A_304 = tpu.memref_slice %dma_start3A_302[%dma_start3A_303] : memref<100000xf32, #tpu.memory_space<hbm>> -> memref<100000xf32, #tpu.memory_space<hbm>>
    tpu.enqueue_indirect_dma source(%dma_start3A_304 : memref<100000xf32, #tpu.memory_space<hbm>>) target(%dma_start3A_297 : memref<128xf32, #tpu.memory_space<vmem>>) offsets(%dma_start3A_299 : memref<128xi32, #tpu.memory_space<vmem>>) semaphore(%arg16 : memref<!tpu.dma_semaphore, #tpu.memory_space<semaphore_mem>>)
    %dma_start3A_305 = arith.constant 29 : i32
    %dma_start3A_306 = arith.constant 3712 : i32
    %dma_start3A_307 = tpu.memref_slice %arg11[%dma_start3A_306] : memref<4096xf32, #tpu.memory_space<vmem>> -> memref<128xf32, #tpu.memory_space<vmem>>
    %dma_start3A_308 = arith.constant 0 : i32
    %dma_start3A_309 = tpu.memref_slice %arg8[%dma_start3A_308] : memref<3328xi32, #tpu.memory_space<vmem>> -> memref<128xi32, #tpu.memory_space<vmem>>
    %dma_start3A_310 = arith.constant 0 : i32
    %dma_start3A_311 = tpu.memref_slice %arg3[%dma_start3A_305, %dma_start3A_310] : memref<832x100000xf32, #tpu.memory_space<hbm>> -> memref<1x100000xf32, #tpu.memory_space<hbm>>
    %dma_start3A_312 = tpu.memref_squeeze %dma_start3A_311 : memref<1x100000xf32, #tpu.memory_space<hbm>> -> memref<100000xf32, #tpu.memory_space<hbm>>
    %dma_start3A_313 = arith.constant 0 : i32
    %dma_start3A_314 = tpu.memref_slice %dma_start3A_312[%dma_start3A_313] : memref<100000xf32, #tpu.memory_space<hbm>> -> memref<100000xf32, #tpu.memory_space<hbm>>
    tpu.enqueue_indirect_dma source(%dma_start3A_314 : memref<100000xf32, #tpu.memory_space<hbm>>) target(%dma_start3A_307 : memref<128xf32, #tpu.memory_space<vmem>>) offsets(%dma_start3A_309 : memref<128xi32, #tpu.memory_space<vmem>>) semaphore(%arg16 : memref<!tpu.dma_semaphore, #tpu.memory_space<semaphore_mem>>)
    %dma_start3A_315 = arith.constant 30 : i32
    %dma_start3A_316 = arith.constant 3840 : i32
    %dma_start3A_317 = tpu.memref_slice %arg11[%dma_start3A_316] : memref<4096xf32, #tpu.memory_space<vmem>> -> memref<128xf32, #tpu.memory_space<vmem>>
    %dma_start3A_318 = arith.constant 0 : i32
    %dma_start3A_319 = tpu.memref_slice %arg8[%dma_start3A_318] : memref<3328xi32, #tpu.memory_space<vmem>> -> memref<128xi32, #tpu.memory_space<vmem>>
    %dma_start3A_320 = arith.constant 0 : i32
    %dma_start3A_321 = tpu.memref_slice %arg3[%dma_start3A_315, %dma_start3A_320] : memref<832x100000xf32, #tpu.memory_space<hbm>> -> memref<1x100000xf32, #tpu.memory_space<hbm>>
    %dma_start3A_322 = tpu.memref_squeeze %dma_start3A_321 : memref<1x100000xf32, #tpu.memory_space<hbm>> -> memref<100000xf32, #tpu.memory_space<hbm>>
    %dma_start3A_323 = arith.constant 0 : i32
    %dma_start3A_324 = tpu.memref_slice %dma_start3A_322[%dma_start3A_323] : memref<100000xf32, #tpu.memory_space<hbm>> -> memref<100000xf32, #tpu.memory_space<hbm>>
    tpu.enqueue_indirect_dma source(%dma_start3A_324 : memref<100000xf32, #tpu.memory_space<hbm>>) target(%dma_start3A_317 : memref<128xf32, #tpu.memory_space<vmem>>) offsets(%dma_start3A_319 : memref<128xi32, #tpu.memory_space<vmem>>) semaphore(%arg16 : memref<!tpu.dma_semaphore, #tpu.memory_space<semaphore_mem>>)
    %dma_start3A_325 = arith.constant 31 : i32
    %dma_start3A_326 = arith.constant 3968 : i32
    %dma_start3A_327 = tpu.memref_slice %arg11[%dma_start3A_326] : memref<4096xf32, #tpu.memory_space<vmem>> -> memref<128xf32, #tpu.memory_space<vmem>>
    %dma_start3A_328 = arith.constant 0 : i32
    %dma_start3A_329 = tpu.memref_slice %arg8[%dma_start3A_328] : memref<3328xi32, #tpu.memory_space<vmem>> -> memref<128xi32, #tpu.memory_space<vmem>>
    %dma_start3A_330 = arith.constant 0 : i32
    %dma_start3A_331 = tpu.memref_slice %arg3[%dma_start3A_325, %dma_start3A_330] : memref<832x100000xf32, #tpu.memory_space<hbm>> -> memref<1x100000xf32, #tpu.memory_space<hbm>>
    %dma_start3A_332 = tpu.memref_squeeze %dma_start3A_331 : memref<1x100000xf32, #tpu.memory_space<hbm>> -> memref<100000xf32, #tpu.memory_space<hbm>>
    %dma_start3A_333 = arith.constant 0 : i32
    %dma_start3A_334 = tpu.memref_slice %dma_start3A_332[%dma_start3A_333] : memref<100000xf32, #tpu.memory_space<hbm>> -> memref<100000xf32, #tpu.memory_space<hbm>>
    tpu.enqueue_indirect_dma source(%dma_start3A_334 : memref<100000xf32, #tpu.memory_space<hbm>>) target(%dma_start3A_327 : memref<128xf32, #tpu.memory_space<vmem>>) offsets(%dma_start3A_329 : memref<128xi32, #tpu.memory_space<vmem>>) semaphore(%arg16 : memref<!tpu.dma_semaphore, #tpu.memory_space<semaphore_mem>>)
    %scan3A_335 = arith.constant 0 : i32
    %scan3A_336 = arith.constant 0 : i32
    %scan3A_337 = arith.constant 26 : i32
    %scan3A_338 = arith.addi %scan3A_336, %scan3A_337 : i32
    %scan3A_339 = arith.constant 1 : i32
    %scan3A_340 = scf.for %scan3A_350 = %scan3A_336 to %scan3A_338 step %scan3A_339 iter_args(%scan3A_351 = %scan3A_335) -> (i32)  : i32 {
      %add3A_352 = arith.constant 1 : i32
      %add3A_353 = arith.addi %scan3A_350, %add3A_352 : i32
      %lt3A = arith.constant 26 : i32
      %lt3A_354 = arith.cmpi slt, %add3A_353, %lt3A : i32
      %convert_element_type3A = arith.extui %lt3A_354 : i1 to i32
      %cond3A = arith.constant 0 : i32
      %cond3A_355 = arith.cmpi ne, %convert_element_type3A, %cond3A : i32
      scf.if %cond3A_355 {
        %rem3A_369 = arith.constant 2 : i32
        %rem3A_370 = arith.remsi %add3A_353, %rem3A_369 : i32
        %eq3A_371 = arith.constant 1 : i32
        %eq3A_372 = arith.cmpi eq, %rem3A_370, %eq3A_371 : i32
        %convert_element_type3A_373 = arith.extui %eq3A_372 : i1 to i32
        %cond3A_374 = arith.constant 0 : i32
        %cond3A_375 = arith.cmpi ne, %convert_element_type3A_373, %cond3A_374 : i32
        scf.if %cond3A_375 {
          %mul3A_383 = arith.constant 32 : i32
          %mul3A_384 = arith.muli %add3A_353, %mul3A_383 : i32
          %add3A_385 = arith.constant 0 : i32
          %add3A_386 = arith.addi %mul3A_384, %add3A_385 : i32
          %mul3A_387 = arith.constant 128 : i32
          %mul3A_388 = arith.muli %add3A_353, %mul3A_387 : i32
          %dma_start3A_389 = arith.constant 0 : i32
          %dma_start3A_390 = tpu.memref_slice %arg12[%dma_start3A_389] : memref<4096xf32, #tpu.memory_space<vmem>> -> memref<128xf32, #tpu.memory_space<vmem>>
          %dma_start3A_391 = tpu.memref_slice %arg8[%mul3A_388] : memref<3328xi32, #tpu.memory_space<vmem>> -> memref<128xi32, #tpu.memory_space<vmem>>
          %dma_start3A_392 = arith.constant 0 : i32
          %dma_start3A_393 = tpu.memref_slice %arg3[%add3A_386, %dma_start3A_392] : memref<832x100000xf32, #tpu.memory_space<hbm>> -> memref<1x100000xf32, #tpu.memory_space<hbm>>
          %dma_start3A_394 = tpu.memref_squeeze %dma_start3A_393 : memref<1x100000xf32, #tpu.memory_space<hbm>> -> memref<100000xf32, #tpu.memory_space<hbm>>
          %dma_start3A_395 = arith.constant 0 : i32
          %dma_start3A_396 = tpu.memref_slice %dma_start3A_394[%dma_start3A_395] : memref<100000xf32, #tpu.memory_space<hbm>> -> memref<100000xf32, #tpu.memory_space<hbm>>
          tpu.enqueue_indirect_dma source(%dma_start3A_396 : memref<100000xf32, #tpu.memory_space<hbm>>) target(%dma_start3A_390 : memref<128xf32, #tpu.memory_space<vmem>>) offsets(%dma_start3A_391 : memref<128xi32, #tpu.memory_space<vmem>>) semaphore(%arg17 : memref<!tpu.dma_semaphore, #tpu.memory_space<semaphore_mem>>)
          %mul3A_397 = arith.constant 32 : i32
          %mul3A_398 = arith.muli %add3A_353, %mul3A_397 : i32
          %add3A_399 = arith.constant 1 : i32
          %add3A_400 = arith.addi %mul3A_398, %add3A_399 : i32
          %mul3A_401 = arith.constant 128 : i32
          %mul3A_402 = arith.muli %add3A_353, %mul3A_401 : i32
          %dma_start3A_403 = arith.constant 128 : i32
          %dma_start3A_404 = tpu.memref_slice %arg12[%dma_start3A_403] : memref<4096xf32, #tpu.memory_space<vmem>> -> memref<128xf32, #tpu.memory_space<vmem>>
          %dma_start3A_405 = tpu.memref_slice %arg8[%mul3A_402] : memref<3328xi32, #tpu.memory_space<vmem>> -> memref<128xi32, #tpu.memory_space<vmem>>
          %dma_start3A_406 = arith.constant 0 : i32
          %dma_start3A_407 = tpu.memref_slice %arg3[%add3A_400, %dma_start3A_406] : memref<832x100000xf32, #tpu.memory_space<hbm>> -> memref<1x100000xf32, #tpu.memory_space<hbm>>
          %dma_start3A_408 = tpu.memref_squeeze %dma_start3A_407 : memref<1x100000xf32, #tpu.memory_space<hbm>> -> memref<100000xf32, #tpu.memory_space<hbm>>
          %dma_start3A_409 = arith.constant 0 : i32
          %dma_start3A_410 = tpu.memref_slice %dma_start3A_408[%dma_start3A_409] : memref<100000xf32, #tpu.memory_space<hbm>> -> memref<100000xf32, #tpu.memory_space<hbm>>
          tpu.enqueue_indirect_dma source(%dma_start3A_410 : memref<100000xf32, #tpu.memory_space<hbm>>) target(%dma_start3A_404 : memref<128xf32, #tpu.memory_space<vmem>>) offsets(%dma_start3A_405 : memref<128xi32, #tpu.memory_space<vmem>>) semaphore(%arg17 : memref<!tpu.dma_semaphore, #tpu.memory_space<semaphore_mem>>)
          %mul3A_411 = arith.constant 32 : i32
          %mul3A_412 = arith.muli %add3A_353, %mul3A_411 : i32
          %add3A_413 = arith.constant 2 : i32
          %add3A_414 = arith.addi %mul3A_412, %add3A_413 : i32
          %mul3A_415 = arith.constant 128 : i32
          %mul3A_416 = arith.muli %add3A_353, %mul3A_415 : i32
          %dma_start3A_417 = arith.constant 256 : i32
          %dma_start3A_418 = tpu.memref_slice %arg12[%dma_start3A_417] : memref<4096xf32, #tpu.memory_space<vmem>> -> memref<128xf32, #tpu.memory_space<vmem>>
          %dma_start3A_419 = tpu.memref_slice %arg8[%mul3A_416] : memref<3328xi32, #tpu.memory_space<vmem>> -> memref<128xi32, #tpu.memory_space<vmem>>
          %dma_start3A_420 = arith.constant 0 : i32
          %dma_start3A_421 = tpu.memref_slice %arg3[%add3A_414, %dma_start3A_420] : memref<832x100000xf32, #tpu.memory_space<hbm>> -> memref<1x100000xf32, #tpu.memory_space<hbm>>
          %dma_start3A_422 = tpu.memref_squeeze %dma_start3A_421 : memref<1x100000xf32, #tpu.memory_space<hbm>> -> memref<100000xf32, #tpu.memory_space<hbm>>
          %dma_start3A_423 = arith.constant 0 : i32
          %dma_start3A_424 = tpu.memref_slice %dma_start3A_422[%dma_start3A_423] : memref<100000xf32, #tpu.memory_space<hbm>> -> memref<100000xf32, #tpu.memory_space<hbm>>
          tpu.enqueue_indirect_dma source(%dma_start3A_424 : memref<100000xf32, #tpu.memory_space<hbm>>) target(%dma_start3A_418 : memref<128xf32, #tpu.memory_space<vmem>>) offsets(%dma_start3A_419 : memref<128xi32, #tpu.memory_space<vmem>>) semaphore(%arg17 : memref<!tpu.dma_semaphore, #tpu.memory_space<semaphore_mem>>)
          %mul3A_425 = arith.constant 32 : i32
          %mul3A_426 = arith.muli %add3A_353, %mul3A_425 : i32
          %add3A_427 = arith.constant 3 : i32
          %add3A_428 = arith.addi %mul3A_426, %add3A_427 : i32
          %mul3A_429 = arith.constant 128 : i32
          %mul3A_430 = arith.muli %add3A_353, %mul3A_429 : i32
          %dma_start3A_431 = arith.constant 384 : i32
          %dma_start3A_432 = tpu.memref_slice %arg12[%dma_start3A_431] : memref<4096xf32, #tpu.memory_space<vmem>> -> memref<128xf32, #tpu.memory_space<vmem>>
          %dma_start3A_433 = tpu.memref_slice %arg8[%mul3A_430] : memref<3328xi32, #tpu.memory_space<vmem>> -> memref<128xi32, #tpu.memory_space<vmem>>
          %dma_start3A_434 = arith.constant 0 : i32
          %dma_start3A_435 = tpu.memref_slice %arg3[%add3A_428, %dma_start3A_434] : memref<832x100000xf32, #tpu.memory_space<hbm>> -> memref<1x100000xf32, #tpu.memory_space<hbm>>
          %dma_start3A_436 = tpu.memref_squeeze %dma_start3A_435 : memref<1x100000xf32, #tpu.memory_space<hbm>> -> memref<100000xf32, #tpu.memory_space<hbm>>
          %dma_start3A_437 = arith.constant 0 : i32
          %dma_start3A_438 = tpu.memref_slice %dma_start3A_436[%dma_start3A_437] : memref<100000xf32, #tpu.memory_space<hbm>> -> memref<100000xf32, #tpu.memory_space<hbm>>
          tpu.enqueue_indirect_dma source(%dma_start3A_438 : memref<100000xf32, #tpu.memory_space<hbm>>) target(%dma_start3A_432 : memref<128xf32, #tpu.memory_space<vmem>>) offsets(%dma_start3A_433 : memref<128xi32, #tpu.memory_space<vmem>>) semaphore(%arg17 : memref<!tpu.dma_semaphore, #tpu.memory_space<semaphore_mem>>)
          %mul3A_439 = arith.constant 32 : i32
          %mul3A_440 = arith.muli %add3A_353, %mul3A_439 : i32
          %add3A_441 = arith.constant 4 : i32
          %add3A_442 = arith.addi %mul3A_440, %add3A_441 : i32
          %mul3A_443 = arith.constant 128 : i32
          %mul3A_444 = arith.muli %add3A_353, %mul3A_443 : i32
          %dma_start3A_445 = arith.constant 512 : i32
          %dma_start3A_446 = tpu.memref_slice %arg12[%dma_start3A_445] : memref<4096xf32, #tpu.memory_space<vmem>> -> memref<128xf32, #tpu.memory_space<vmem>>
          %dma_start3A_447 = tpu.memref_slice %arg8[%mul3A_444] : memref<3328xi32, #tpu.memory_space<vmem>> -> memref<128xi32, #tpu.memory_space<vmem>>
          %dma_start3A_448 = arith.constant 0 : i32
          %dma_start3A_449 = tpu.memref_slice %arg3[%add3A_442, %dma_start3A_448] : memref<832x100000xf32, #tpu.memory_space<hbm>> -> memref<1x100000xf32, #tpu.memory_space<hbm>>
          %dma_start3A_450 = tpu.memref_squeeze %dma_start3A_449 : memref<1x100000xf32, #tpu.memory_space<hbm>> -> memref<100000xf32, #tpu.memory_space<hbm>>
          %dma_start3A_451 = arith.constant 0 : i32
          %dma_start3A_452 = tpu.memref_slice %dma_start3A_450[%dma_start3A_451] : memref<100000xf32, #tpu.memory_space<hbm>> -> memref<100000xf32, #tpu.memory_space<hbm>>
          tpu.enqueue_indirect_dma source(%dma_start3A_452 : memref<100000xf32, #tpu.memory_space<hbm>>) target(%dma_start3A_446 : memref<128xf32, #tpu.memory_space<vmem>>) offsets(%dma_start3A_447 : memref<128xi32, #tpu.memory_space<vmem>>) semaphore(%arg17 : memref<!tpu.dma_semaphore, #tpu.memory_space<semaphore_mem>>)
          %mul3A_453 = arith.constant 32 : i32
          %mul3A_454 = arith.muli %add3A_353, %mul3A_453 : i32
          %add3A_455 = arith.constant 5 : i32
          %add3A_456 = arith.addi %mul3A_454, %add3A_455 : i32
          %mul3A_457 = arith.constant 128 : i32
          %mul3A_458 = arith.muli %add3A_353, %mul3A_457 : i32
          %dma_start3A_459 = arith.constant 640 : i32
          %dma_start3A_460 = tpu.memref_slice %arg12[%dma_start3A_459] : memref<4096xf32, #tpu.memory_space<vmem>> -> memref<128xf32, #tpu.memory_space<vmem>>
          %dma_start3A_461 = tpu.memref_slice %arg8[%mul3A_458] : memref<3328xi32, #tpu.memory_space<vmem>> -> memref<128xi32, #tpu.memory_space<vmem>>
          %dma_start3A_462 = arith.constant 0 : i32
          %dma_start3A_463 = tpu.memref_slice %arg3[%add3A_456, %dma_start3A_462] : memref<832x100000xf32, #tpu.memory_space<hbm>> -> memref<1x100000xf32, #tpu.memory_space<hbm>>
          %dma_start3A_464 = tpu.memref_squeeze %dma_start3A_463 : memref<1x100000xf32, #tpu.memory_space<hbm>> -> memref<100000xf32, #tpu.memory_space<hbm>>
          %dma_start3A_465 = arith.constant 0 : i32
          %dma_start3A_466 = tpu.memref_slice %dma_start3A_464[%dma_start3A_465] : memref<100000xf32, #tpu.memory_space<hbm>> -> memref<100000xf32, #tpu.memory_space<hbm>>
          tpu.enqueue_indirect_dma source(%dma_start3A_466 : memref<100000xf32, #tpu.memory_space<hbm>>) target(%dma_start3A_460 : memref<128xf32, #tpu.memory_space<vmem>>) offsets(%dma_start3A_461 : memref<128xi32, #tpu.memory_space<vmem>>) semaphore(%arg17 : memref<!tpu.dma_semaphore, #tpu.memory_space<semaphore_mem>>)
          %mul3A_467 = arith.constant 32 : i32
          %mul3A_468 = arith.muli %add3A_353, %mul3A_467 : i32
          %add3A_469 = arith.constant 6 : i32
          %add3A_470 = arith.addi %mul3A_468, %add3A_469 : i32
          %mul3A_471 = arith.constant 128 : i32
          %mul3A_472 = arith.muli %add3A_353, %mul3A_471 : i32
          %dma_start3A_473 = arith.constant 768 : i32
          %dma_start3A_474 = tpu.memref_slice %arg12[%dma_start3A_473] : memref<4096xf32, #tpu.memory_space<vmem>> -> memref<128xf32, #tpu.memory_space<vmem>>
          %dma_start3A_475 = tpu.memref_slice %arg8[%mul3A_472] : memref<3328xi32, #tpu.memory_space<vmem>> -> memref<128xi32, #tpu.memory_space<vmem>>
          %dma_start3A_476 = arith.constant 0 : i32
          %dma_start3A_477 = tpu.memref_slice %arg3[%add3A_470, %dma_start3A_476] : memref<832x100000xf32, #tpu.memory_space<hbm>> -> memref<1x100000xf32, #tpu.memory_space<hbm>>
          %dma_start3A_478 = tpu.memref_squeeze %dma_start3A_477 : memref<1x100000xf32, #tpu.memory_space<hbm>> -> memref<100000xf32, #tpu.memory_space<hbm>>
          %dma_start3A_479 = arith.constant 0 : i32
          %dma_start3A_480 = tpu.memref_slice %dma_start3A_478[%dma_start3A_479] : memref<100000xf32, #tpu.memory_space<hbm>> -> memref<100000xf32, #tpu.memory_space<hbm>>
          tpu.enqueue_indirect_dma source(%dma_start3A_480 : memref<100000xf32, #tpu.memory_space<hbm>>) target(%dma_start3A_474 : memref<128xf32, #tpu.memory_space<vmem>>) offsets(%dma_start3A_475 : memref<128xi32, #tpu.memory_space<vmem>>) semaphore(%arg17 : memref<!tpu.dma_semaphore, #tpu.memory_space<semaphore_mem>>)
          %mul3A_481 = arith.constant 32 : i32
          %mul3A_482 = arith.muli %add3A_353, %mul3A_481 : i32
          %add3A_483 = arith.constant 7 : i32
          %add3A_484 = arith.addi %mul3A_482, %add3A_483 : i32
          %mul3A_485 = arith.constant 128 : i32
          %mul3A_486 = arith.muli %add3A_353, %mul3A_485 : i32
          %dma_start3A_487 = arith.constant 896 : i32
          %dma_start3A_488 = tpu.memref_slice %arg12[%dma_start3A_487] : memref<4096xf32, #tpu.memory_space<vmem>> -> memref<128xf32, #tpu.memory_space<vmem>>
          %dma_start3A_489 = tpu.memref_slice %arg8[%mul3A_486] : memref<3328xi32, #tpu.memory_space<vmem>> -> memref<128xi32, #tpu.memory_space<vmem>>
          %dma_start3A_490 = arith.constant 0 : i32
          %dma_start3A_491 = tpu.memref_slice %arg3[%add3A_484, %dma_start3A_490] : memref<832x100000xf32, #tpu.memory_space<hbm>> -> memref<1x100000xf32, #tpu.memory_space<hbm>>
          %dma_start3A_492 = tpu.memref_squeeze %dma_start3A_491 : memref<1x100000xf32, #tpu.memory_space<hbm>> -> memref<100000xf32, #tpu.memory_space<hbm>>
          %dma_start3A_493 = arith.constant 0 : i32
          %dma_start3A_494 = tpu.memref_slice %dma_start3A_492[%dma_start3A_493] : memref<100000xf32, #tpu.memory_space<hbm>> -> memref<100000xf32, #tpu.memory_space<hbm>>
          tpu.enqueue_indirect_dma source(%dma_start3A_494 : memref<100000xf32, #tpu.memory_space<hbm>>) target(%dma_start3A_488 : memref<128xf32, #tpu.memory_space<vmem>>) offsets(%dma_start3A_489 : memref<128xi32, #tpu.memory_space<vmem>>) semaphore(%arg17 : memref<!tpu.dma_semaphore, #tpu.memory_space<semaphore_mem>>)
          %mul3A_495 = arith.constant 32 : i32
          %mul3A_496 = arith.muli %add3A_353, %mul3A_495 : i32
          %add3A_497 = arith.constant 8 : i32
          %add3A_498 = arith.addi %mul3A_496, %add3A_497 : i32
          %mul3A_499 = arith.constant 128 : i32
          %mul3A_500 = arith.muli %add3A_353, %mul3A_499 : i32
          %dma_start3A_501 = arith.constant 1024 : i32
          %dma_start3A_502 = tpu.memref_slice %arg12[%dma_start3A_501] : memref<4096xf32, #tpu.memory_space<vmem>> -> memref<128xf32, #tpu.memory_space<vmem>>
          %dma_start3A_503 = tpu.memref_slice %arg8[%mul3A_500] : memref<3328xi32, #tpu.memory_space<vmem>> -> memref<128xi32, #tpu.memory_space<vmem>>
          %dma_start3A_504 = arith.constant 0 : i32
          %dma_start3A_505 = tpu.memref_slice %arg3[%add3A_498, %dma_start3A_504] : memref<832x100000xf32, #tpu.memory_space<hbm>> -> memref<1x100000xf32, #tpu.memory_space<hbm>>
          %dma_start3A_506 = tpu.memref_squeeze %dma_start3A_505 : memref<1x100000xf32, #tpu.memory_space<hbm>> -> memref<100000xf32, #tpu.memory_space<hbm>>
          %dma_start3A_507 = arith.constant 0 : i32
          %dma_start3A_508 = tpu.memref_slice %dma_start3A_506[%dma_start3A_507] : memref<100000xf32, #tpu.memory_space<hbm>> -> memref<100000xf32, #tpu.memory_space<hbm>>
          tpu.enqueue_indirect_dma source(%dma_start3A_508 : memref<100000xf32, #tpu.memory_space<hbm>>) target(%dma_start3A_502 : memref<128xf32, #tpu.memory_space<vmem>>) offsets(%dma_start3A_503 : memref<128xi32, #tpu.memory_space<vmem>>) semaphore(%arg17 : memref<!tpu.dma_semaphore, #tpu.memory_space<semaphore_mem>>)
          %mul3A_509 = arith.constant 32 : i32
          %mul3A_510 = arith.muli %add3A_353, %mul3A_509 : i32
          %add3A_511 = arith.constant 9 : i32
          %add3A_512 = arith.addi %mul3A_510, %add3A_511 : i32
          %mul3A_513 = arith.constant 128 : i32
          %mul3A_514 = arith.muli %add3A_353, %mul3A_513 : i32
          %dma_start3A_515 = arith.constant 1152 : i32
          %dma_start3A_516 = tpu.memref_slice %arg12[%dma_start3A_515] : memref<4096xf32, #tpu.memory_space<vmem>> -> memref<128xf32, #tpu.memory_space<vmem>>
          %dma_start3A_517 = tpu.memref_slice %arg8[%mul3A_514] : memref<3328xi32, #tpu.memory_space<vmem>> -> memref<128xi32, #tpu.memory_space<vmem>>
          %dma_start3A_518 = arith.constant 0 : i32
          %dma_start3A_519 = tpu.memref_slice %arg3[%add3A_512, %dma_start3A_518] : memref<832x100000xf32, #tpu.memory_space<hbm>> -> memref<1x100000xf32, #tpu.memory_space<hbm>>
          %dma_start3A_520 = tpu.memref_squeeze %dma_start3A_519 : memref<1x100000xf32, #tpu.memory_space<hbm>> -> memref<100000xf32, #tpu.memory_space<hbm>>
          %dma_start3A_521 = arith.constant 0 : i32
          %dma_start3A_522 = tpu.memref_slice %dma_start3A_520[%dma_start3A_521] : memref<100000xf32, #tpu.memory_space<hbm>> -> memref<100000xf32, #tpu.memory_space<hbm>>
          tpu.enqueue_indirect_dma source(%dma_start3A_522 : memref<100000xf32, #tpu.memory_space<hbm>>) target(%dma_start3A_516 : memref<128xf32, #tpu.memory_space<vmem>>) offsets(%dma_start3A_517 : memref<128xi32, #tpu.memory_space<vmem>>) semaphore(%arg17 : memref<!tpu.dma_semaphore, #tpu.memory_space<semaphore_mem>>)
          %mul3A_523 = arith.constant 32 : i32
          %mul3A_524 = arith.muli %add3A_353, %mul3A_523 : i32
          %add3A_525 = arith.constant 10 : i32
          %add3A_526 = arith.addi %mul3A_524, %add3A_525 : i32
          %mul3A_527 = arith.constant 128 : i32
          %mul3A_528 = arith.muli %add3A_353, %mul3A_527 : i32
          %dma_start3A_529 = arith.constant 1280 : i32
          %dma_start3A_530 = tpu.memref_slice %arg12[%dma_start3A_529] : memref<4096xf32, #tpu.memory_space<vmem>> -> memref<128xf32, #tpu.memory_space<vmem>>
          %dma_start3A_531 = tpu.memref_slice %arg8[%mul3A_528] : memref<3328xi32, #tpu.memory_space<vmem>> -> memref<128xi32, #tpu.memory_space<vmem>>
          %dma_start3A_532 = arith.constant 0 : i32
          %dma_start3A_533 = tpu.memref_slice %arg3[%add3A_526, %dma_start3A_532] : memref<832x100000xf32, #tpu.memory_space<hbm>> -> memref<1x100000xf32, #tpu.memory_space<hbm>>
          %dma_start3A_534 = tpu.memref_squeeze %dma_start3A_533 : memref<1x100000xf32, #tpu.memory_space<hbm>> -> memref<100000xf32, #tpu.memory_space<hbm>>
          %dma_start3A_535 = arith.constant 0 : i32
          %dma_start3A_536 = tpu.memref_slice %dma_start3A_534[%dma_start3A_535] : memref<100000xf32, #tpu.memory_space<hbm>> -> memref<100000xf32, #tpu.memory_space<hbm>>
          tpu.enqueue_indirect_dma source(%dma_start3A_536 : memref<100000xf32, #tpu.memory_space<hbm>>) target(%dma_start3A_530 : memref<128xf32, #tpu.memory_space<vmem>>) offsets(%dma_start3A_531 : memref<128xi32, #tpu.memory_space<vmem>>) semaphore(%arg17 : memref<!tpu.dma_semaphore, #tpu.memory_space<semaphore_mem>>)
          %mul3A_537 = arith.constant 32 : i32
          %mul3A_538 = arith.muli %add3A_353, %mul3A_537 : i32
          %add3A_539 = arith.constant 11 : i32
          %add3A_540 = arith.addi %mul3A_538, %add3A_539 : i32
          %mul3A_541 = arith.constant 128 : i32
          %mul3A_542 = arith.muli %add3A_353, %mul3A_541 : i32
          %dma_start3A_543 = arith.constant 1408 : i32
          %dma_start3A_544 = tpu.memref_slice %arg12[%dma_start3A_543] : memref<4096xf32, #tpu.memory_space<vmem>> -> memref<128xf32, #tpu.memory_space<vmem>>
          %dma_start3A_545 = tpu.memref_slice %arg8[%mul3A_542] : memref<3328xi32, #tpu.memory_space<vmem>> -> memref<128xi32, #tpu.memory_space<vmem>>
          %dma_start3A_546 = arith.constant 0 : i32
          %dma_start3A_547 = tpu.memref_slice %arg3[%add3A_540, %dma_start3A_546] : memref<832x100000xf32, #tpu.memory_space<hbm>> -> memref<1x100000xf32, #tpu.memory_space<hbm>>
          %dma_start3A_548 = tpu.memref_squeeze %dma_start3A_547 : memref<1x100000xf32, #tpu.memory_space<hbm>> -> memref<100000xf32, #tpu.memory_space<hbm>>
          %dma_start3A_549 = arith.constant 0 : i32
          %dma_start3A_550 = tpu.memref_slice %dma_start3A_548[%dma_start3A_549] : memref<100000xf32, #tpu.memory_space<hbm>> -> memref<100000xf32, #tpu.memory_space<hbm>>
          tpu.enqueue_indirect_dma source(%dma_start3A_550 : memref<100000xf32, #tpu.memory_space<hbm>>) target(%dma_start3A_544 : memref<128xf32, #tpu.memory_space<vmem>>) offsets(%dma_start3A_545 : memref<128xi32, #tpu.memory_space<vmem>>) semaphore(%arg17 : memref<!tpu.dma_semaphore, #tpu.memory_space<semaphore_mem>>)
          %mul3A_551 = arith.constant 32 : i32
          %mul3A_552 = arith.muli %add3A_353, %mul3A_551 : i32
          %add3A_553 = arith.constant 12 : i32
          %add3A_554 = arith.addi %mul3A_552, %add3A_553 : i32
          %mul3A_555 = arith.constant 128 : i32
          %mul3A_556 = arith.muli %add3A_353, %mul3A_555 : i32
          %dma_start3A_557 = arith.constant 1536 : i32
          %dma_start3A_558 = tpu.memref_slice %arg12[%dma_start3A_557] : memref<4096xf32, #tpu.memory_space<vmem>> -> memref<128xf32, #tpu.memory_space<vmem>>
          %dma_start3A_559 = tpu.memref_slice %arg8[%mul3A_556] : memref<3328xi32, #tpu.memory_space<vmem>> -> memref<128xi32, #tpu.memory_space<vmem>>
          %dma_start3A_560 = arith.constant 0 : i32
          %dma_start3A_561 = tpu.memref_slice %arg3[%add3A_554, %dma_start3A_560] : memref<832x100000xf32, #tpu.memory_space<hbm>> -> memref<1x100000xf32, #tpu.memory_space<hbm>>
          %dma_start3A_562 = tpu.memref_squeeze %dma_start3A_561 : memref<1x100000xf32, #tpu.memory_space<hbm>> -> memref<100000xf32, #tpu.memory_space<hbm>>
          %dma_start3A_563 = arith.constant 0 : i32
          %dma_start3A_564 = tpu.memref_slice %dma_start3A_562[%dma_start3A_563] : memref<100000xf32, #tpu.memory_space<hbm>> -> memref<100000xf32, #tpu.memory_space<hbm>>
          tpu.enqueue_indirect_dma source(%dma_start3A_564 : memref<100000xf32, #tpu.memory_space<hbm>>) target(%dma_start3A_558 : memref<128xf32, #tpu.memory_space<vmem>>) offsets(%dma_start3A_559 : memref<128xi32, #tpu.memory_space<vmem>>) semaphore(%arg17 : memref<!tpu.dma_semaphore, #tpu.memory_space<semaphore_mem>>)
          %mul3A_565 = arith.constant 32 : i32
          %mul3A_566 = arith.muli %add3A_353, %mul3A_565 : i32
          %add3A_567 = arith.constant 13 : i32
          %add3A_568 = arith.addi %mul3A_566, %add3A_567 : i32
          %mul3A_569 = arith.constant 128 : i32
          %mul3A_570 = arith.muli %add3A_353, %mul3A_569 : i32
          %dma_start3A_571 = arith.constant 1664 : i32
          %dma_start3A_572 = tpu.memref_slice %arg12[%dma_start3A_571] : memref<4096xf32, #tpu.memory_space<vmem>> -> memref<128xf32, #tpu.memory_space<vmem>>
          %dma_start3A_573 = tpu.memref_slice %arg8[%mul3A_570] : memref<3328xi32, #tpu.memory_space<vmem>> -> memref<128xi32, #tpu.memory_space<vmem>>
          %dma_start3A_574 = arith.constant 0 : i32
          %dma_start3A_575 = tpu.memref_slice %arg3[%add3A_568, %dma_start3A_574] : memref<832x100000xf32, #tpu.memory_space<hbm>> -> memref<1x100000xf32, #tpu.memory_space<hbm>>
          %dma_start3A_576 = tpu.memref_squeeze %dma_start3A_575 : memref<1x100000xf32, #tpu.memory_space<hbm>> -> memref<100000xf32, #tpu.memory_space<hbm>>
          %dma_start3A_577 = arith.constant 0 : i32
          %dma_start3A_578 = tpu.memref_slice %dma_start3A_576[%dma_start3A_577] : memref<100000xf32, #tpu.memory_space<hbm>> -> memref<100000xf32, #tpu.memory_space<hbm>>
          tpu.enqueue_indirect_dma source(%dma_start3A_578 : memref<100000xf32, #tpu.memory_space<hbm>>) target(%dma_start3A_572 : memref<128xf32, #tpu.memory_space<vmem>>) offsets(%dma_start3A_573 : memref<128xi32, #tpu.memory_space<vmem>>) semaphore(%arg17 : memref<!tpu.dma_semaphore, #tpu.memory_space<semaphore_mem>>)
          %mul3A_579 = arith.constant 32 : i32
          %mul3A_580 = arith.muli %add3A_353, %mul3A_579 : i32
          %add3A_581 = arith.constant 14 : i32
          %add3A_582 = arith.addi %mul3A_580, %add3A_581 : i32
          %mul3A_583 = arith.constant 128 : i32
          %mul3A_584 = arith.muli %add3A_353, %mul3A_583 : i32
          %dma_start3A_585 = arith.constant 1792 : i32
          %dma_start3A_586 = tpu.memref_slice %arg12[%dma_start3A_585] : memref<4096xf32, #tpu.memory_space<vmem>> -> memref<128xf32, #tpu.memory_space<vmem>>
          %dma_start3A_587 = tpu.memref_slice %arg8[%mul3A_584] : memref<3328xi32, #tpu.memory_space<vmem>> -> memref<128xi32, #tpu.memory_space<vmem>>
          %dma_start3A_588 = arith.constant 0 : i32
          %dma_start3A_589 = tpu.memref_slice %arg3[%add3A_582, %dma_start3A_588] : memref<832x100000xf32, #tpu.memory_space<hbm>> -> memref<1x100000xf32, #tpu.memory_space<hbm>>
          %dma_start3A_590 = tpu.memref_squeeze %dma_start3A_589 : memref<1x100000xf32, #tpu.memory_space<hbm>> -> memref<100000xf32, #tpu.memory_space<hbm>>
          %dma_start3A_591 = arith.constant 0 : i32
          %dma_start3A_592 = tpu.memref_slice %dma_start3A_590[%dma_start3A_591] : memref<100000xf32, #tpu.memory_space<hbm>> -> memref<100000xf32, #tpu.memory_space<hbm>>
          tpu.enqueue_indirect_dma source(%dma_start3A_592 : memref<100000xf32, #tpu.memory_space<hbm>>) target(%dma_start3A_586 : memref<128xf32, #tpu.memory_space<vmem>>) offsets(%dma_start3A_587 : memref<128xi32, #tpu.memory_space<vmem>>) semaphore(%arg17 : memref<!tpu.dma_semaphore, #tpu.memory_space<semaphore_mem>>)
          %mul3A_593 = arith.constant 32 : i32
          %mul3A_594 = arith.muli %add3A_353, %mul3A_593 : i32
          %add3A_595 = arith.constant 15 : i32
          %add3A_596 = arith.addi %mul3A_594, %add3A_595 : i32
          %mul3A_597 = arith.constant 128 : i32
          %mul3A_598 = arith.muli %add3A_353, %mul3A_597 : i32
          %dma_start3A_599 = arith.constant 1920 : i32
          %dma_start3A_600 = tpu.memref_slice %arg12[%dma_start3A_599] : memref<4096xf32, #tpu.memory_space<vmem>> -> memref<128xf32, #tpu.memory_space<vmem>>
          %dma_start3A_601 = tpu.memref_slice %arg8[%mul3A_598] : memref<3328xi32, #tpu.memory_space<vmem>> -> memref<128xi32, #tpu.memory_space<vmem>>
          %dma_start3A_602 = arith.constant 0 : i32
          %dma_start3A_603 = tpu.memref_slice %arg3[%add3A_596, %dma_start3A_602] : memref<832x100000xf32, #tpu.memory_space<hbm>> -> memref<1x100000xf32, #tpu.memory_space<hbm>>
          %dma_start3A_604 = tpu.memref_squeeze %dma_start3A_603 : memref<1x100000xf32, #tpu.memory_space<hbm>> -> memref<100000xf32, #tpu.memory_space<hbm>>
          %dma_start3A_605 = arith.constant 0 : i32
          %dma_start3A_606 = tpu.memref_slice %dma_start3A_604[%dma_start3A_605] : memref<100000xf32, #tpu.memory_space<hbm>> -> memref<100000xf32, #tpu.memory_space<hbm>>
          tpu.enqueue_indirect_dma source(%dma_start3A_606 : memref<100000xf32, #tpu.memory_space<hbm>>) target(%dma_start3A_600 : memref<128xf32, #tpu.memory_space<vmem>>) offsets(%dma_start3A_601 : memref<128xi32, #tpu.memory_space<vmem>>) semaphore(%arg17 : memref<!tpu.dma_semaphore, #tpu.memory_space<semaphore_mem>>)
          %mul3A_607 = arith.constant 32 : i32
          %mul3A_608 = arith.muli %add3A_353, %mul3A_607 : i32
          %add3A_609 = arith.constant 16 : i32
          %add3A_610 = arith.addi %mul3A_608, %add3A_609 : i32
          %mul3A_611 = arith.constant 128 : i32
          %mul3A_612 = arith.muli %add3A_353, %mul3A_611 : i32
          %dma_start3A_613 = arith.constant 2048 : i32
          %dma_start3A_614 = tpu.memref_slice %arg12[%dma_start3A_613] : memref<4096xf32, #tpu.memory_space<vmem>> -> memref<128xf32, #tpu.memory_space<vmem>>
          %dma_start3A_615 = tpu.memref_slice %arg8[%mul3A_612] : memref<3328xi32, #tpu.memory_space<vmem>> -> memref<128xi32, #tpu.memory_space<vmem>>
          %dma_start3A_616 = arith.constant 0 : i32
          %dma_start3A_617 = tpu.memref_slice %arg3[%add3A_610, %dma_start3A_616] : memref<832x100000xf32, #tpu.memory_space<hbm>> -> memref<1x100000xf32, #tpu.memory_space<hbm>>
          %dma_start3A_618 = tpu.memref_squeeze %dma_start3A_617 : memref<1x100000xf32, #tpu.memory_space<hbm>> -> memref<100000xf32, #tpu.memory_space<hbm>>
          %dma_start3A_619 = arith.constant 0 : i32
          %dma_start3A_620 = tpu.memref_slice %dma_start3A_618[%dma_start3A_619] : memref<100000xf32, #tpu.memory_space<hbm>> -> memref<100000xf32, #tpu.memory_space<hbm>>
          tpu.enqueue_indirect_dma source(%dma_start3A_620 : memref<100000xf32, #tpu.memory_space<hbm>>) target(%dma_start3A_614 : memref<128xf32, #tpu.memory_space<vmem>>) offsets(%dma_start3A_615 : memref<128xi32, #tpu.memory_space<vmem>>) semaphore(%arg17 : memref<!tpu.dma_semaphore, #tpu.memory_space<semaphore_mem>>)
          %mul3A_621 = arith.constant 32 : i32
          %mul3A_622 = arith.muli %add3A_353, %mul3A_621 : i32
          %add3A_623 = arith.constant 17 : i32
          %add3A_624 = arith.addi %mul3A_622, %add3A_623 : i32
          %mul3A_625 = arith.constant 128 : i32
          %mul3A_626 = arith.muli %add3A_353, %mul3A_625 : i32
          %dma_start3A_627 = arith.constant 2176 : i32
          %dma_start3A_628 = tpu.memref_slice %arg12[%dma_start3A_627] : memref<4096xf32, #tpu.memory_space<vmem>> -> memref<128xf32, #tpu.memory_space<vmem>>
          %dma_start3A_629 = tpu.memref_slice %arg8[%mul3A_626] : memref<3328xi32, #tpu.memory_space<vmem>> -> memref<128xi32, #tpu.memory_space<vmem>>
          %dma_start3A_630 = arith.constant 0 : i32
          %dma_start3A_631 = tpu.memref_slice %arg3[%add3A_624, %dma_start3A_630] : memref<832x100000xf32, #tpu.memory_space<hbm>> -> memref<1x100000xf32, #tpu.memory_space<hbm>>
          %dma_start3A_632 = tpu.memref_squeeze %dma_start3A_631 : memref<1x100000xf32, #tpu.memory_space<hbm>> -> memref<100000xf32, #tpu.memory_space<hbm>>
          %dma_start3A_633 = arith.constant 0 : i32
          %dma_start3A_634 = tpu.memref_slice %dma_start3A_632[%dma_start3A_633] : memref<100000xf32, #tpu.memory_space<hbm>> -> memref<100000xf32, #tpu.memory_space<hbm>>
          tpu.enqueue_indirect_dma source(%dma_start3A_634 : memref<100000xf32, #tpu.memory_space<hbm>>) target(%dma_start3A_628 : memref<128xf32, #tpu.memory_space<vmem>>) offsets(%dma_start3A_629 : memref<128xi32, #tpu.memory_space<vmem>>) semaphore(%arg17 : memref<!tpu.dma_semaphore, #tpu.memory_space<semaphore_mem>>)
          %mul3A_635 = arith.constant 32 : i32
          %mul3A_636 = arith.muli %add3A_353, %mul3A_635 : i32
          %add3A_637 = arith.constant 18 : i32
          %add3A_638 = arith.addi %mul3A_636, %add3A_637 : i32
          %mul3A_639 = arith.constant 128 : i32
          %mul3A_640 = arith.muli %add3A_353, %mul3A_639 : i32
          %dma_start3A_641 = arith.constant 2304 : i32
          %dma_start3A_642 = tpu.memref_slice %arg12[%dma_start3A_641] : memref<4096xf32, #tpu.memory_space<vmem>> -> memref<128xf32, #tpu.memory_space<vmem>>
          %dma_start3A_643 = tpu.memref_slice %arg8[%mul3A_640] : memref<3328xi32, #tpu.memory_space<vmem>> -> memref<128xi32, #tpu.memory_space<vmem>>
          %dma_start3A_644 = arith.constant 0 : i32
          %dma_start3A_645 = tpu.memref_slice %arg3[%add3A_638, %dma_start3A_644] : memref<832x100000xf32, #tpu.memory_space<hbm>> -> memref<1x100000xf32, #tpu.memory_space<hbm>>
          %dma_start3A_646 = tpu.memref_squeeze %dma_start3A_645 : memref<1x100000xf32, #tpu.memory_space<hbm>> -> memref<100000xf32, #tpu.memory_space<hbm>>
          %dma_start3A_647 = arith.constant 0 : i32
          %dma_start3A_648 = tpu.memref_slice %dma_start3A_646[%dma_start3A_647] : memref<100000xf32, #tpu.memory_space<hbm>> -> memref<100000xf32, #tpu.memory_space<hbm>>
          tpu.enqueue_indirect_dma source(%dma_start3A_648 : memref<100000xf32, #tpu.memory_space<hbm>>) target(%dma_start3A_642 : memref<128xf32, #tpu.memory_space<vmem>>) offsets(%dma_start3A_643 : memref<128xi32, #tpu.memory_space<vmem>>) semaphore(%arg17 : memref<!tpu.dma_semaphore, #tpu.memory_space<semaphore_mem>>)
          %mul3A_649 = arith.constant 32 : i32
          %mul3A_650 = arith.muli %add3A_353, %mul3A_649 : i32
          %add3A_651 = arith.constant 19 : i32
          %add3A_652 = arith.addi %mul3A_650, %add3A_651 : i32
          %mul3A_653 = arith.constant 128 : i32
          %mul3A_654 = arith.muli %add3A_353, %mul3A_653 : i32
          %dma_start3A_655 = arith.constant 2432 : i32
          %dma_start3A_656 = tpu.memref_slice %arg12[%dma_start3A_655] : memref<4096xf32, #tpu.memory_space<vmem>> -> memref<128xf32, #tpu.memory_space<vmem>>
          %dma_start3A_657 = tpu.memref_slice %arg8[%mul3A_654] : memref<3328xi32, #tpu.memory_space<vmem>> -> memref<128xi32, #tpu.memory_space<vmem>>
          %dma_start3A_658 = arith.constant 0 : i32
          %dma_start3A_659 = tpu.memref_slice %arg3[%add3A_652, %dma_start3A_658] : memref<832x100000xf32, #tpu.memory_space<hbm>> -> memref<1x100000xf32, #tpu.memory_space<hbm>>
          %dma_start3A_660 = tpu.memref_squeeze %dma_start3A_659 : memref<1x100000xf32, #tpu.memory_space<hbm>> -> memref<100000xf32, #tpu.memory_space<hbm>>
          %dma_start3A_661 = arith.constant 0 : i32
          %dma_start3A_662 = tpu.memref_slice %dma_start3A_660[%dma_start3A_661] : memref<100000xf32, #tpu.memory_space<hbm>> -> memref<100000xf32, #tpu.memory_space<hbm>>
          tpu.enqueue_indirect_dma source(%dma_start3A_662 : memref<100000xf32, #tpu.memory_space<hbm>>) target(%dma_start3A_656 : memref<128xf32, #tpu.memory_space<vmem>>) offsets(%dma_start3A_657 : memref<128xi32, #tpu.memory_space<vmem>>) semaphore(%arg17 : memref<!tpu.dma_semaphore, #tpu.memory_space<semaphore_mem>>)
          %mul3A_663 = arith.constant 32 : i32
          %mul3A_664 = arith.muli %add3A_353, %mul3A_663 : i32
          %add3A_665 = arith.constant 20 : i32
          %add3A_666 = arith.addi %mul3A_664, %add3A_665 : i32
          %mul3A_667 = arith.constant 128 : i32
          %mul3A_668 = arith.muli %add3A_353, %mul3A_667 : i32
          %dma_start3A_669 = arith.constant 2560 : i32
          %dma_start3A_670 = tpu.memref_slice %arg12[%dma_start3A_669] : memref<4096xf32, #tpu.memory_space<vmem>> -> memref<128xf32, #tpu.memory_space<vmem>>
          %dma_start3A_671 = tpu.memref_slice %arg8[%mul3A_668] : memref<3328xi32, #tpu.memory_space<vmem>> -> memref<128xi32, #tpu.memory_space<vmem>>
          %dma_start3A_672 = arith.constant 0 : i32
          %dma_start3A_673 = tpu.memref_slice %arg3[%add3A_666, %dma_start3A_672] : memref<832x100000xf32, #tpu.memory_space<hbm>> -> memref<1x100000xf32, #tpu.memory_space<hbm>>
          %dma_start3A_674 = tpu.memref_squeeze %dma_start3A_673 : memref<1x100000xf32, #tpu.memory_space<hbm>> -> memref<100000xf32, #tpu.memory_space<hbm>>
          %dma_start3A_675 = arith.constant 0 : i32
          %dma_start3A_676 = tpu.memref_slice %dma_start3A_674[%dma_start3A_675] : memref<100000xf32, #tpu.memory_space<hbm>> -> memref<100000xf32, #tpu.memory_space<hbm>>
          tpu.enqueue_indirect_dma source(%dma_start3A_676 : memref<100000xf32, #tpu.memory_space<hbm>>) target(%dma_start3A_670 : memref<128xf32, #tpu.memory_space<vmem>>) offsets(%dma_start3A_671 : memref<128xi32, #tpu.memory_space<vmem>>) semaphore(%arg17 : memref<!tpu.dma_semaphore, #tpu.memory_space<semaphore_mem>>)
          %mul3A_677 = arith.constant 32 : i32
          %mul3A_678 = arith.muli %add3A_353, %mul3A_677 : i32
          %add3A_679 = arith.constant 21 : i32
          %add3A_680 = arith.addi %mul3A_678, %add3A_679 : i32
          %mul3A_681 = arith.constant 128 : i32
          %mul3A_682 = arith.muli %add3A_353, %mul3A_681 : i32
          %dma_start3A_683 = arith.constant 2688 : i32
          %dma_start3A_684 = tpu.memref_slice %arg12[%dma_start3A_683] : memref<4096xf32, #tpu.memory_space<vmem>> -> memref<128xf32, #tpu.memory_space<vmem>>
          %dma_start3A_685 = tpu.memref_slice %arg8[%mul3A_682] : memref<3328xi32, #tpu.memory_space<vmem>> -> memref<128xi32, #tpu.memory_space<vmem>>
          %dma_start3A_686 = arith.constant 0 : i32
          %dma_start3A_687 = tpu.memref_slice %arg3[%add3A_680, %dma_start3A_686] : memref<832x100000xf32, #tpu.memory_space<hbm>> -> memref<1x100000xf32, #tpu.memory_space<hbm>>
          %dma_start3A_688 = tpu.memref_squeeze %dma_start3A_687 : memref<1x100000xf32, #tpu.memory_space<hbm>> -> memref<100000xf32, #tpu.memory_space<hbm>>
          %dma_start3A_689 = arith.constant 0 : i32
          %dma_start3A_690 = tpu.memref_slice %dma_start3A_688[%dma_start3A_689] : memref<100000xf32, #tpu.memory_space<hbm>> -> memref<100000xf32, #tpu.memory_space<hbm>>
          tpu.enqueue_indirect_dma source(%dma_start3A_690 : memref<100000xf32, #tpu.memory_space<hbm>>) target(%dma_start3A_684 : memref<128xf32, #tpu.memory_space<vmem>>) offsets(%dma_start3A_685 : memref<128xi32, #tpu.memory_space<vmem>>) semaphore(%arg17 : memref<!tpu.dma_semaphore, #tpu.memory_space<semaphore_mem>>)
          %mul3A_691 = arith.constant 32 : i32
          %mul3A_692 = arith.muli %add3A_353, %mul3A_691 : i32
          %add3A_693 = arith.constant 22 : i32
          %add3A_694 = arith.addi %mul3A_692, %add3A_693 : i32
          %mul3A_695 = arith.constant 128 : i32
          %mul3A_696 = arith.muli %add3A_353, %mul3A_695 : i32
          %dma_start3A_697 = arith.constant 2816 : i32
          %dma_start3A_698 = tpu.memref_slice %arg12[%dma_start3A_697] : memref<4096xf32, #tpu.memory_space<vmem>> -> memref<128xf32, #tpu.memory_space<vmem>>
          %dma_start3A_699 = tpu.memref_slice %arg8[%mul3A_696] : memref<3328xi32, #tpu.memory_space<vmem>> -> memref<128xi32, #tpu.memory_space<vmem>>
          %dma_start3A_700 = arith.constant 0 : i32
          %dma_start3A_701 = tpu.memref_slice %arg3[%add3A_694, %dma_start3A_700] : memref<832x100000xf32, #tpu.memory_space<hbm>> -> memref<1x100000xf32, #tpu.memory_space<hbm>>
          %dma_start3A_702 = tpu.memref_squeeze %dma_start3A_701 : memref<1x100000xf32, #tpu.memory_space<hbm>> -> memref<100000xf32, #tpu.memory_space<hbm>>
          %dma_start3A_703 = arith.constant 0 : i32
          %dma_start3A_704 = tpu.memref_slice %dma_start3A_702[%dma_start3A_703] : memref<100000xf32, #tpu.memory_space<hbm>> -> memref<100000xf32, #tpu.memory_space<hbm>>
          tpu.enqueue_indirect_dma source(%dma_start3A_704 : memref<100000xf32, #tpu.memory_space<hbm>>) target(%dma_start3A_698 : memref<128xf32, #tpu.memory_space<vmem>>) offsets(%dma_start3A_699 : memref<128xi32, #tpu.memory_space<vmem>>) semaphore(%arg17 : memref<!tpu.dma_semaphore, #tpu.memory_space<semaphore_mem>>)
          %mul3A_705 = arith.constant 32 : i32
          %mul3A_706 = arith.muli %add3A_353, %mul3A_705 : i32
          %add3A_707 = arith.constant 23 : i32
          %add3A_708 = arith.addi %mul3A_706, %add3A_707 : i32
          %mul3A_709 = arith.constant 128 : i32
          %mul3A_710 = arith.muli %add3A_353, %mul3A_709 : i32
          %dma_start3A_711 = arith.constant 2944 : i32
          %dma_start3A_712 = tpu.memref_slice %arg12[%dma_start3A_711] : memref<4096xf32, #tpu.memory_space<vmem>> -> memref<128xf32, #tpu.memory_space<vmem>>
          %dma_start3A_713 = tpu.memref_slice %arg8[%mul3A_710] : memref<3328xi32, #tpu.memory_space<vmem>> -> memref<128xi32, #tpu.memory_space<vmem>>
          %dma_start3A_714 = arith.constant 0 : i32
          %dma_start3A_715 = tpu.memref_slice %arg3[%add3A_708, %dma_start3A_714] : memref<832x100000xf32, #tpu.memory_space<hbm>> -> memref<1x100000xf32, #tpu.memory_space<hbm>>
          %dma_start3A_716 = tpu.memref_squeeze %dma_start3A_715 : memref<1x100000xf32, #tpu.memory_space<hbm>> -> memref<100000xf32, #tpu.memory_space<hbm>>
          %dma_start3A_717 = arith.constant 0 : i32
          %dma_start3A_718 = tpu.memref_slice %dma_start3A_716[%dma_start3A_717] : memref<100000xf32, #tpu.memory_space<hbm>> -> memref<100000xf32, #tpu.memory_space<hbm>>
          tpu.enqueue_indirect_dma source(%dma_start3A_718 : memref<100000xf32, #tpu.memory_space<hbm>>) target(%dma_start3A_712 : memref<128xf32, #tpu.memory_space<vmem>>) offsets(%dma_start3A_713 : memref<128xi32, #tpu.memory_space<vmem>>) semaphore(%arg17 : memref<!tpu.dma_semaphore, #tpu.memory_space<semaphore_mem>>)
          %mul3A_719 = arith.constant 32 : i32
          %mul3A_720 = arith.muli %add3A_353, %mul3A_719 : i32
          %add3A_721 = arith.constant 24 : i32
          %add3A_722 = arith.addi %mul3A_720, %add3A_721 : i32
          %mul3A_723 = arith.constant 128 : i32
          %mul3A_724 = arith.muli %add3A_353, %mul3A_723 : i32
          %dma_start3A_725 = arith.constant 3072 : i32
          %dma_start3A_726 = tpu.memref_slice %arg12[%dma_start3A_725] : memref<4096xf32, #tpu.memory_space<vmem>> -> memref<128xf32, #tpu.memory_space<vmem>>
          %dma_start3A_727 = tpu.memref_slice %arg8[%mul3A_724] : memref<3328xi32, #tpu.memory_space<vmem>> -> memref<128xi32, #tpu.memory_space<vmem>>
          %dma_start3A_728 = arith.constant 0 : i32
          %dma_start3A_729 = tpu.memref_slice %arg3[%add3A_722, %dma_start3A_728] : memref<832x100000xf32, #tpu.memory_space<hbm>> -> memref<1x100000xf32, #tpu.memory_space<hbm>>
          %dma_start3A_730 = tpu.memref_squeeze %dma_start3A_729 : memref<1x100000xf32, #tpu.memory_space<hbm>> -> memref<100000xf32, #tpu.memory_space<hbm>>
          %dma_start3A_731 = arith.constant 0 : i32
          %dma_start3A_732 = tpu.memref_slice %dma_start3A_730[%dma_start3A_731] : memref<100000xf32, #tpu.memory_space<hbm>> -> memref<100000xf32, #tpu.memory_space<hbm>>
          tpu.enqueue_indirect_dma source(%dma_start3A_732 : memref<100000xf32, #tpu.memory_space<hbm>>) target(%dma_start3A_726 : memref<128xf32, #tpu.memory_space<vmem>>) offsets(%dma_start3A_727 : memref<128xi32, #tpu.memory_space<vmem>>) semaphore(%arg17 : memref<!tpu.dma_semaphore, #tpu.memory_space<semaphore_mem>>)
          %mul3A_733 = arith.constant 32 : i32
          %mul3A_734 = arith.muli %add3A_353, %mul3A_733 : i32
          %add3A_735 = arith.constant 25 : i32
          %add3A_736 = arith.addi %mul3A_734, %add3A_735 : i32
          %mul3A_737 = arith.constant 128 : i32
          %mul3A_738 = arith.muli %add3A_353, %mul3A_737 : i32
          %dma_start3A_739 = arith.constant 3200 : i32
          %dma_start3A_740 = tpu.memref_slice %arg12[%dma_start3A_739] : memref<4096xf32, #tpu.memory_space<vmem>> -> memref<128xf32, #tpu.memory_space<vmem>>
          %dma_start3A_741 = tpu.memref_slice %arg8[%mul3A_738] : memref<3328xi32, #tpu.memory_space<vmem>> -> memref<128xi32, #tpu.memory_space<vmem>>
          %dma_start3A_742 = arith.constant 0 : i32
          %dma_start3A_743 = tpu.memref_slice %arg3[%add3A_736, %dma_start3A_742] : memref<832x100000xf32, #tpu.memory_space<hbm>> -> memref<1x100000xf32, #tpu.memory_space<hbm>>
          %dma_start3A_744 = tpu.memref_squeeze %dma_start3A_743 : memref<1x100000xf32, #tpu.memory_space<hbm>> -> memref<100000xf32, #tpu.memory_space<hbm>>
          %dma_start3A_745 = arith.constant 0 : i32
          %dma_start3A_746 = tpu.memref_slice %dma_start3A_744[%dma_start3A_745] : memref<100000xf32, #tpu.memory_space<hbm>> -> memref<100000xf32, #tpu.memory_space<hbm>>
          tpu.enqueue_indirect_dma source(%dma_start3A_746 : memref<100000xf32, #tpu.memory_space<hbm>>) target(%dma_start3A_740 : memref<128xf32, #tpu.memory_space<vmem>>) offsets(%dma_start3A_741 : memref<128xi32, #tpu.memory_space<vmem>>) semaphore(%arg17 : memref<!tpu.dma_semaphore, #tpu.memory_space<semaphore_mem>>)
          %mul3A_747 = arith.constant 32 : i32
          %mul3A_748 = arith.muli %add3A_353, %mul3A_747 : i32
          %add3A_749 = arith.constant 26 : i32
          %add3A_750 = arith.addi %mul3A_748, %add3A_749 : i32
          %mul3A_751 = arith.constant 128 : i32
          %mul3A_752 = arith.muli %add3A_353, %mul3A_751 : i32
          %dma_start3A_753 = arith.constant 3328 : i32
          %dma_start3A_754 = tpu.memref_slice %arg12[%dma_start3A_753] : memref<4096xf32, #tpu.memory_space<vmem>> -> memref<128xf32, #tpu.memory_space<vmem>>
          %dma_start3A_755 = tpu.memref_slice %arg8[%mul3A_752] : memref<3328xi32, #tpu.memory_space<vmem>> -> memref<128xi32, #tpu.memory_space<vmem>>
          %dma_start3A_756 = arith.constant 0 : i32
          %dma_start3A_757 = tpu.memref_slice %arg3[%add3A_750, %dma_start3A_756] : memref<832x100000xf32, #tpu.memory_space<hbm>> -> memref<1x100000xf32, #tpu.memory_space<hbm>>
          %dma_start3A_758 = tpu.memref_squeeze %dma_start3A_757 : memref<1x100000xf32, #tpu.memory_space<hbm>> -> memref<100000xf32, #tpu.memory_space<hbm>>
          %dma_start3A_759 = arith.constant 0 : i32
          %dma_start3A_760 = tpu.memref_slice %dma_start3A_758[%dma_start3A_759] : memref<100000xf32, #tpu.memory_space<hbm>> -> memref<100000xf32, #tpu.memory_space<hbm>>
          tpu.enqueue_indirect_dma source(%dma_start3A_760 : memref<100000xf32, #tpu.memory_space<hbm>>) target(%dma_start3A_754 : memref<128xf32, #tpu.memory_space<vmem>>) offsets(%dma_start3A_755 : memref<128xi32, #tpu.memory_space<vmem>>) semaphore(%arg17 : memref<!tpu.dma_semaphore, #tpu.memory_space<semaphore_mem>>)
          %mul3A_761 = arith.constant 32 : i32
          %mul3A_762 = arith.muli %add3A_353, %mul3A_761 : i32
          %add3A_763 = arith.constant 27 : i32
          %add3A_764 = arith.addi %mul3A_762, %add3A_763 : i32
          %mul3A_765 = arith.constant 128 : i32
          %mul3A_766 = arith.muli %add3A_353, %mul3A_765 : i32
          %dma_start3A_767 = arith.constant 3456 : i32
          %dma_start3A_768 = tpu.memref_slice %arg12[%dma_start3A_767] : memref<4096xf32, #tpu.memory_space<vmem>> -> memref<128xf32, #tpu.memory_space<vmem>>
          %dma_start3A_769 = tpu.memref_slice %arg8[%mul3A_766] : memref<3328xi32, #tpu.memory_space<vmem>> -> memref<128xi32, #tpu.memory_space<vmem>>
          %dma_start3A_770 = arith.constant 0 : i32
          %dma_start3A_771 = tpu.memref_slice %arg3[%add3A_764, %dma_start3A_770] : memref<832x100000xf32, #tpu.memory_space<hbm>> -> memref<1x100000xf32, #tpu.memory_space<hbm>>
          %dma_start3A_772 = tpu.memref_squeeze %dma_start3A_771 : memref<1x100000xf32, #tpu.memory_space<hbm>> -> memref<100000xf32, #tpu.memory_space<hbm>>
          %dma_start3A_773 = arith.constant 0 : i32
          %dma_start3A_774 = tpu.memref_slice %dma_start3A_772[%dma_start3A_773] : memref<100000xf32, #tpu.memory_space<hbm>> -> memref<100000xf32, #tpu.memory_space<hbm>>
          tpu.enqueue_indirect_dma source(%dma_start3A_774 : memref<100000xf32, #tpu.memory_space<hbm>>) target(%dma_start3A_768 : memref<128xf32, #tpu.memory_space<vmem>>) offsets(%dma_start3A_769 : memref<128xi32, #tpu.memory_space<vmem>>) semaphore(%arg17 : memref<!tpu.dma_semaphore, #tpu.memory_space<semaphore_mem>>)
          %mul3A_775 = arith.constant 32 : i32
          %mul3A_776 = arith.muli %add3A_353, %mul3A_775 : i32
          %add3A_777 = arith.constant 28 : i32
          %add3A_778 = arith.addi %mul3A_776, %add3A_777 : i32
          %mul3A_779 = arith.constant 128 : i32
          %mul3A_780 = arith.muli %add3A_353, %mul3A_779 : i32
          %dma_start3A_781 = arith.constant 3584 : i32
          %dma_start3A_782 = tpu.memref_slice %arg12[%dma_start3A_781] : memref<4096xf32, #tpu.memory_space<vmem>> -> memref<128xf32, #tpu.memory_space<vmem>>
          %dma_start3A_783 = tpu.memref_slice %arg8[%mul3A_780] : memref<3328xi32, #tpu.memory_space<vmem>> -> memref<128xi32, #tpu.memory_space<vmem>>
          %dma_start3A_784 = arith.constant 0 : i32
          %dma_start3A_785 = tpu.memref_slice %arg3[%add3A_778, %dma_start3A_784] : memref<832x100000xf32, #tpu.memory_space<hbm>> -> memref<1x100000xf32, #tpu.memory_space<hbm>>
          %dma_start3A_786 = tpu.memref_squeeze %dma_start3A_785 : memref<1x100000xf32, #tpu.memory_space<hbm>> -> memref<100000xf32, #tpu.memory_space<hbm>>
          %dma_start3A_787 = arith.constant 0 : i32
          %dma_start3A_788 = tpu.memref_slice %dma_start3A_786[%dma_start3A_787] : memref<100000xf32, #tpu.memory_space<hbm>> -> memref<100000xf32, #tpu.memory_space<hbm>>
          tpu.enqueue_indirect_dma source(%dma_start3A_788 : memref<100000xf32, #tpu.memory_space<hbm>>) target(%dma_start3A_782 : memref<128xf32, #tpu.memory_space<vmem>>) offsets(%dma_start3A_783 : memref<128xi32, #tpu.memory_space<vmem>>) semaphore(%arg17 : memref<!tpu.dma_semaphore, #tpu.memory_space<semaphore_mem>>)
          %mul3A_789 = arith.constant 32 : i32
          %mul3A_790 = arith.muli %add3A_353, %mul3A_789 : i32
          %add3A_791 = arith.constant 29 : i32
          %add3A_792 = arith.addi %mul3A_790, %add3A_791 : i32
          %mul3A_793 = arith.constant 128 : i32
          %mul3A_794 = arith.muli %add3A_353, %mul3A_793 : i32
          %dma_start3A_795 = arith.constant 3712 : i32
          %dma_start3A_796 = tpu.memref_slice %arg12[%dma_start3A_795] : memref<4096xf32, #tpu.memory_space<vmem>> -> memref<128xf32, #tpu.memory_space<vmem>>
          %dma_start3A_797 = tpu.memref_slice %arg8[%mul3A_794] : memref<3328xi32, #tpu.memory_space<vmem>> -> memref<128xi32, #tpu.memory_space<vmem>>
          %dma_start3A_798 = arith.constant 0 : i32
          %dma_start3A_799 = tpu.memref_slice %arg3[%add3A_792, %dma_start3A_798] : memref<832x100000xf32, #tpu.memory_space<hbm>> -> memref<1x100000xf32, #tpu.memory_space<hbm>>
          %dma_start3A_800 = tpu.memref_squeeze %dma_start3A_799 : memref<1x100000xf32, #tpu.memory_space<hbm>> -> memref<100000xf32, #tpu.memory_space<hbm>>
          %dma_start3A_801 = arith.constant 0 : i32
          %dma_start3A_802 = tpu.memref_slice %dma_start3A_800[%dma_start3A_801] : memref<100000xf32, #tpu.memory_space<hbm>> -> memref<100000xf32, #tpu.memory_space<hbm>>
          tpu.enqueue_indirect_dma source(%dma_start3A_802 : memref<100000xf32, #tpu.memory_space<hbm>>) target(%dma_start3A_796 : memref<128xf32, #tpu.memory_space<vmem>>) offsets(%dma_start3A_797 : memref<128xi32, #tpu.memory_space<vmem>>) semaphore(%arg17 : memref<!tpu.dma_semaphore, #tpu.memory_space<semaphore_mem>>)
          %mul3A_803 = arith.constant 32 : i32
          %mul3A_804 = arith.muli %add3A_353, %mul3A_803 : i32
          %add3A_805 = arith.constant 30 : i32
          %add3A_806 = arith.addi %mul3A_804, %add3A_805 : i32
          %mul3A_807 = arith.constant 128 : i32
          %mul3A_808 = arith.muli %add3A_353, %mul3A_807 : i32
          %dma_start3A_809 = arith.constant 3840 : i32
          %dma_start3A_810 = tpu.memref_slice %arg12[%dma_start3A_809] : memref<4096xf32, #tpu.memory_space<vmem>> -> memref<128xf32, #tpu.memory_space<vmem>>
          %dma_start3A_811 = tpu.memref_slice %arg8[%mul3A_808] : memref<3328xi32, #tpu.memory_space<vmem>> -> memref<128xi32, #tpu.memory_space<vmem>>
          %dma_start3A_812 = arith.constant 0 : i32
          %dma_start3A_813 = tpu.memref_slice %arg3[%add3A_806, %dma_start3A_812] : memref<832x100000xf32, #tpu.memory_space<hbm>> -> memref<1x100000xf32, #tpu.memory_space<hbm>>
          %dma_start3A_814 = tpu.memref_squeeze %dma_start3A_813 : memref<1x100000xf32, #tpu.memory_space<hbm>> -> memref<100000xf32, #tpu.memory_space<hbm>>
          %dma_start3A_815 = arith.constant 0 : i32
          %dma_start3A_816 = tpu.memref_slice %dma_start3A_814[%dma_start3A_815] : memref<100000xf32, #tpu.memory_space<hbm>> -> memref<100000xf32, #tpu.memory_space<hbm>>
          tpu.enqueue_indirect_dma source(%dma_start3A_816 : memref<100000xf32, #tpu.memory_space<hbm>>) target(%dma_start3A_810 : memref<128xf32, #tpu.memory_space<vmem>>) offsets(%dma_start3A_811 : memref<128xi32, #tpu.memory_space<vmem>>) semaphore(%arg17 : memref<!tpu.dma_semaphore, #tpu.memory_space<semaphore_mem>>)
          %mul3A_817 = arith.constant 32 : i32
          %mul3A_818 = arith.muli %add3A_353, %mul3A_817 : i32
          %add3A_819 = arith.constant 31 : i32
          %add3A_820 = arith.addi %mul3A_818, %add3A_819 : i32
          %mul3A_821 = arith.constant 128 : i32
          %mul3A_822 = arith.muli %add3A_353, %mul3A_821 : i32
          %dma_start3A_823 = arith.constant 3968 : i32
          %dma_start3A_824 = tpu.memref_slice %arg12[%dma_start3A_823] : memref<4096xf32, #tpu.memory_space<vmem>> -> memref<128xf32, #tpu.memory_space<vmem>>
          %dma_start3A_825 = tpu.memref_slice %arg8[%mul3A_822] : memref<3328xi32, #tpu.memory_space<vmem>> -> memref<128xi32, #tpu.memory_space<vmem>>
          %dma_start3A_826 = arith.constant 0 : i32
          %dma_start3A_827 = tpu.memref_slice %arg3[%add3A_820, %dma_start3A_826] : memref<832x100000xf32, #tpu.memory_space<hbm>> -> memref<1x100000xf32, #tpu.memory_space<hbm>>
          %dma_start3A_828 = tpu.memref_squeeze %dma_start3A_827 : memref<1x100000xf32, #tpu.memory_space<hbm>> -> memref<100000xf32, #tpu.memory_space<hbm>>
          %dma_start3A_829 = arith.constant 0 : i32
          %dma_start3A_830 = tpu.memref_slice %dma_start3A_828[%dma_start3A_829] : memref<100000xf32, #tpu.memory_space<hbm>> -> memref<100000xf32, #tpu.memory_space<hbm>>
          tpu.enqueue_indirect_dma source(%dma_start3A_830 : memref<100000xf32, #tpu.memory_space<hbm>>) target(%dma_start3A_824 : memref<128xf32, #tpu.memory_space<vmem>>) offsets(%dma_start3A_825 : memref<128xi32, #tpu.memory_space<vmem>>) semaphore(%arg17 : memref<!tpu.dma_semaphore, #tpu.memory_space<semaphore_mem>>)
        } else {
        }
        %rem3A_376 = arith.constant 2 : i32
        %rem3A_377 = arith.remsi %add3A_353, %rem3A_376 : i32
        %eq3A_378 = arith.constant 0 : i32
        %eq3A_379 = arith.cmpi eq, %rem3A_377, %eq3A_378 : i32
        %convert_element_type3A_380 = arith.extui %eq3A_379 : i1 to i32
        %cond3A_381 = arith.constant 0 : i32
        %cond3A_382 = arith.cmpi ne, %convert_element_type3A_380, %cond3A_381 : i32
        scf.if %cond3A_382 {
          %mul3A_383 = arith.constant 32 : i32
          %mul3A_384 = arith.muli %add3A_353, %mul3A_383 : i32
          %add3A_385 = arith.constant 0 : i32
          %add3A_386 = arith.addi %mul3A_384, %add3A_385 : i32
          %mul3A_387 = arith.constant 128 : i32
          %mul3A_388 = arith.muli %add3A_353, %mul3A_387 : i32
          %dma_start3A_389 = arith.constant 0 : i32
          %dma_start3A_390 = tpu.memref_slice %arg11[%dma_start3A_389] : memref<4096xf32, #tpu.memory_space<vmem>> -> memref<128xf32, #tpu.memory_space<vmem>>
          %dma_start3A_391 = tpu.memref_slice %arg8[%mul3A_388] : memref<3328xi32, #tpu.memory_space<vmem>> -> memref<128xi32, #tpu.memory_space<vmem>>
          %dma_start3A_392 = arith.constant 0 : i32
          %dma_start3A_393 = tpu.memref_slice %arg3[%add3A_386, %dma_start3A_392] : memref<832x100000xf32, #tpu.memory_space<hbm>> -> memref<1x100000xf32, #tpu.memory_space<hbm>>
          %dma_start3A_394 = tpu.memref_squeeze %dma_start3A_393 : memref<1x100000xf32, #tpu.memory_space<hbm>> -> memref<100000xf32, #tpu.memory_space<hbm>>
          %dma_start3A_395 = arith.constant 0 : i32
          %dma_start3A_396 = tpu.memref_slice %dma_start3A_394[%dma_start3A_395] : memref<100000xf32, #tpu.memory_space<hbm>> -> memref<100000xf32, #tpu.memory_space<hbm>>
          tpu.enqueue_indirect_dma source(%dma_start3A_396 : memref<100000xf32, #tpu.memory_space<hbm>>) target(%dma_start3A_390 : memref<128xf32, #tpu.memory_space<vmem>>) offsets(%dma_start3A_391 : memref<128xi32, #tpu.memory_space<vmem>>) semaphore(%arg16 : memref<!tpu.dma_semaphore, #tpu.memory_space<semaphore_mem>>)
          %mul3A_397 = arith.constant 32 : i32
          %mul3A_398 = arith.muli %add3A_353, %mul3A_397 : i32
          %add3A_399 = arith.constant 1 : i32
          %add3A_400 = arith.addi %mul3A_398, %add3A_399 : i32
          %mul3A_401 = arith.constant 128 : i32
          %mul3A_402 = arith.muli %add3A_353, %mul3A_401 : i32
          %dma_start3A_403 = arith.constant 128 : i32
          %dma_start3A_404 = tpu.memref_slice %arg11[%dma_start3A_403] : memref<4096xf32, #tpu.memory_space<vmem>> -> memref<128xf32, #tpu.memory_space<vmem>>
          %dma_start3A_405 = tpu.memref_slice %arg8[%mul3A_402] : memref<3328xi32, #tpu.memory_space<vmem>> -> memref<128xi32, #tpu.memory_space<vmem>>
          %dma_start3A_406 = arith.constant 0 : i32
          %dma_start3A_407 = tpu.memref_slice %arg3[%add3A_400, %dma_start3A_406] : memref<832x100000xf32, #tpu.memory_space<hbm>> -> memref<1x100000xf32, #tpu.memory_space<hbm>>
          %dma_start3A_408 = tpu.memref_squeeze %dma_start3A_407 : memref<1x100000xf32, #tpu.memory_space<hbm>> -> memref<100000xf32, #tpu.memory_space<hbm>>
          %dma_start3A_409 = arith.constant 0 : i32
          %dma_start3A_410 = tpu.memref_slice %dma_start3A_408[%dma_start3A_409] : memref<100000xf32, #tpu.memory_space<hbm>> -> memref<100000xf32, #tpu.memory_space<hbm>>
          tpu.enqueue_indirect_dma source(%dma_start3A_410 : memref<100000xf32, #tpu.memory_space<hbm>>) target(%dma_start3A_404 : memref<128xf32, #tpu.memory_space<vmem>>) offsets(%dma_start3A_405 : memref<128xi32, #tpu.memory_space<vmem>>) semaphore(%arg16 : memref<!tpu.dma_semaphore, #tpu.memory_space<semaphore_mem>>)
          %mul3A_411 = arith.constant 32 : i32
          %mul3A_412 = arith.muli %add3A_353, %mul3A_411 : i32
          %add3A_413 = arith.constant 2 : i32
          %add3A_414 = arith.addi %mul3A_412, %add3A_413 : i32
          %mul3A_415 = arith.constant 128 : i32
          %mul3A_416 = arith.muli %add3A_353, %mul3A_415 : i32
          %dma_start3A_417 = arith.constant 256 : i32
          %dma_start3A_418 = tpu.memref_slice %arg11[%dma_start3A_417] : memref<4096xf32, #tpu.memory_space<vmem>> -> memref<128xf32, #tpu.memory_space<vmem>>
          %dma_start3A_419 = tpu.memref_slice %arg8[%mul3A_416] : memref<3328xi32, #tpu.memory_space<vmem>> -> memref<128xi32, #tpu.memory_space<vmem>>
          %dma_start3A_420 = arith.constant 0 : i32
          %dma_start3A_421 = tpu.memref_slice %arg3[%add3A_414, %dma_start3A_420] : memref<832x100000xf32, #tpu.memory_space<hbm>> -> memref<1x100000xf32, #tpu.memory_space<hbm>>
          %dma_start3A_422 = tpu.memref_squeeze %dma_start3A_421 : memref<1x100000xf32, #tpu.memory_space<hbm>> -> memref<100000xf32, #tpu.memory_space<hbm>>
          %dma_start3A_423 = arith.constant 0 : i32
          %dma_start3A_424 = tpu.memref_slice %dma_start3A_422[%dma_start3A_423] : memref<100000xf32, #tpu.memory_space<hbm>> -> memref<100000xf32, #tpu.memory_space<hbm>>
          tpu.enqueue_indirect_dma source(%dma_start3A_424 : memref<100000xf32, #tpu.memory_space<hbm>>) target(%dma_start3A_418 : memref<128xf32, #tpu.memory_space<vmem>>) offsets(%dma_start3A_419 : memref<128xi32, #tpu.memory_space<vmem>>) semaphore(%arg16 : memref<!tpu.dma_semaphore, #tpu.memory_space<semaphore_mem>>)
          %mul3A_425 = arith.constant 32 : i32
          %mul3A_426 = arith.muli %add3A_353, %mul3A_425 : i32
          %add3A_427 = arith.constant 3 : i32
          %add3A_428 = arith.addi %mul3A_426, %add3A_427 : i32
          %mul3A_429 = arith.constant 128 : i32
          %mul3A_430 = arith.muli %add3A_353, %mul3A_429 : i32
          %dma_start3A_431 = arith.constant 384 : i32
          %dma_start3A_432 = tpu.memref_slice %arg11[%dma_start3A_431] : memref<4096xf32, #tpu.memory_space<vmem>> -> memref<128xf32, #tpu.memory_space<vmem>>
          %dma_start3A_433 = tpu.memref_slice %arg8[%mul3A_430] : memref<3328xi32, #tpu.memory_space<vmem>> -> memref<128xi32, #tpu.memory_space<vmem>>
          %dma_start3A_434 = arith.constant 0 : i32
          %dma_start3A_435 = tpu.memref_slice %arg3[%add3A_428, %dma_start3A_434] : memref<832x100000xf32, #tpu.memory_space<hbm>> -> memref<1x100000xf32, #tpu.memory_space<hbm>>
          %dma_start3A_436 = tpu.memref_squeeze %dma_start3A_435 : memref<1x100000xf32, #tpu.memory_space<hbm>> -> memref<100000xf32, #tpu.memory_space<hbm>>
          %dma_start3A_437 = arith.constant 0 : i32
          %dma_start3A_438 = tpu.memref_slice %dma_start3A_436[%dma_start3A_437] : memref<100000xf32, #tpu.memory_space<hbm>> -> memref<100000xf32, #tpu.memory_space<hbm>>
          tpu.enqueue_indirect_dma source(%dma_start3A_438 : memref<100000xf32, #tpu.memory_space<hbm>>) target(%dma_start3A_432 : memref<128xf32, #tpu.memory_space<vmem>>) offsets(%dma_start3A_433 : memref<128xi32, #tpu.memory_space<vmem>>) semaphore(%arg16 : memref<!tpu.dma_semaphore, #tpu.memory_space<semaphore_mem>>)
          %mul3A_439 = arith.constant 32 : i32
          %mul3A_440 = arith.muli %add3A_353, %mul3A_439 : i32
          %add3A_441 = arith.constant 4 : i32
          %add3A_442 = arith.addi %mul3A_440, %add3A_441 : i32
          %mul3A_443 = arith.constant 128 : i32
          %mul3A_444 = arith.muli %add3A_353, %mul3A_443 : i32
          %dma_start3A_445 = arith.constant 512 : i32
          %dma_start3A_446 = tpu.memref_slice %arg11[%dma_start3A_445] : memref<4096xf32, #tpu.memory_space<vmem>> -> memref<128xf32, #tpu.memory_space<vmem>>
          %dma_start3A_447 = tpu.memref_slice %arg8[%mul3A_444] : memref<3328xi32, #tpu.memory_space<vmem>> -> memref<128xi32, #tpu.memory_space<vmem>>
          %dma_start3A_448 = arith.constant 0 : i32
          %dma_start3A_449 = tpu.memref_slice %arg3[%add3A_442, %dma_start3A_448] : memref<832x100000xf32, #tpu.memory_space<hbm>> -> memref<1x100000xf32, #tpu.memory_space<hbm>>
          %dma_start3A_450 = tpu.memref_squeeze %dma_start3A_449 : memref<1x100000xf32, #tpu.memory_space<hbm>> -> memref<100000xf32, #tpu.memory_space<hbm>>
          %dma_start3A_451 = arith.constant 0 : i32
          %dma_start3A_452 = tpu.memref_slice %dma_start3A_450[%dma_start3A_451] : memref<100000xf32, #tpu.memory_space<hbm>> -> memref<100000xf32, #tpu.memory_space<hbm>>
          tpu.enqueue_indirect_dma source(%dma_start3A_452 : memref<100000xf32, #tpu.memory_space<hbm>>) target(%dma_start3A_446 : memref<128xf32, #tpu.memory_space<vmem>>) offsets(%dma_start3A_447 : memref<128xi32, #tpu.memory_space<vmem>>) semaphore(%arg16 : memref<!tpu.dma_semaphore, #tpu.memory_space<semaphore_mem>>)
          %mul3A_453 = arith.constant 32 : i32
          %mul3A_454 = arith.muli %add3A_353, %mul3A_453 : i32
          %add3A_455 = arith.constant 5 : i32
          %add3A_456 = arith.addi %mul3A_454, %add3A_455 : i32
          %mul3A_457 = arith.constant 128 : i32
          %mul3A_458 = arith.muli %add3A_353, %mul3A_457 : i32
          %dma_start3A_459 = arith.constant 640 : i32
          %dma_start3A_460 = tpu.memref_slice %arg11[%dma_start3A_459] : memref<4096xf32, #tpu.memory_space<vmem>> -> memref<128xf32, #tpu.memory_space<vmem>>
          %dma_start3A_461 = tpu.memref_slice %arg8[%mul3A_458] : memref<3328xi32, #tpu.memory_space<vmem>> -> memref<128xi32, #tpu.memory_space<vmem>>
          %dma_start3A_462 = arith.constant 0 : i32
          %dma_start3A_463 = tpu.memref_slice %arg3[%add3A_456, %dma_start3A_462] : memref<832x100000xf32, #tpu.memory_space<hbm>> -> memref<1x100000xf32, #tpu.memory_space<hbm>>
          %dma_start3A_464 = tpu.memref_squeeze %dma_start3A_463 : memref<1x100000xf32, #tpu.memory_space<hbm>> -> memref<100000xf32, #tpu.memory_space<hbm>>
          %dma_start3A_465 = arith.constant 0 : i32
          %dma_start3A_466 = tpu.memref_slice %dma_start3A_464[%dma_start3A_465] : memref<100000xf32, #tpu.memory_space<hbm>> -> memref<100000xf32, #tpu.memory_space<hbm>>
          tpu.enqueue_indirect_dma source(%dma_start3A_466 : memref<100000xf32, #tpu.memory_space<hbm>>) target(%dma_start3A_460 : memref<128xf32, #tpu.memory_space<vmem>>) offsets(%dma_start3A_461 : memref<128xi32, #tpu.memory_space<vmem>>) semaphore(%arg16 : memref<!tpu.dma_semaphore, #tpu.memory_space<semaphore_mem>>)
          %mul3A_467 = arith.constant 32 : i32
          %mul3A_468 = arith.muli %add3A_353, %mul3A_467 : i32
          %add3A_469 = arith.constant 6 : i32
          %add3A_470 = arith.addi %mul3A_468, %add3A_469 : i32
          %mul3A_471 = arith.constant 128 : i32
          %mul3A_472 = arith.muli %add3A_353, %mul3A_471 : i32
          %dma_start3A_473 = arith.constant 768 : i32
          %dma_start3A_474 = tpu.memref_slice %arg11[%dma_start3A_473] : memref<4096xf32, #tpu.memory_space<vmem>> -> memref<128xf32, #tpu.memory_space<vmem>>
          %dma_start3A_475 = tpu.memref_slice %arg8[%mul3A_472] : memref<3328xi32, #tpu.memory_space<vmem>> -> memref<128xi32, #tpu.memory_space<vmem>>
          %dma_start3A_476 = arith.constant 0 : i32
          %dma_start3A_477 = tpu.memref_slice %arg3[%add3A_470, %dma_start3A_476] : memref<832x100000xf32, #tpu.memory_space<hbm>> -> memref<1x100000xf32, #tpu.memory_space<hbm>>
          %dma_start3A_478 = tpu.memref_squeeze %dma_start3A_477 : memref<1x100000xf32, #tpu.memory_space<hbm>> -> memref<100000xf32, #tpu.memory_space<hbm>>
          %dma_start3A_479 = arith.constant 0 : i32
          %dma_start3A_480 = tpu.memref_slice %dma_start3A_478[%dma_start3A_479] : memref<100000xf32, #tpu.memory_space<hbm>> -> memref<100000xf32, #tpu.memory_space<hbm>>
          tpu.enqueue_indirect_dma source(%dma_start3A_480 : memref<100000xf32, #tpu.memory_space<hbm>>) target(%dma_start3A_474 : memref<128xf32, #tpu.memory_space<vmem>>) offsets(%dma_start3A_475 : memref<128xi32, #tpu.memory_space<vmem>>) semaphore(%arg16 : memref<!tpu.dma_semaphore, #tpu.memory_space<semaphore_mem>>)
          %mul3A_481 = arith.constant 32 : i32
          %mul3A_482 = arith.muli %add3A_353, %mul3A_481 : i32
          %add3A_483 = arith.constant 7 : i32
          %add3A_484 = arith.addi %mul3A_482, %add3A_483 : i32
          %mul3A_485 = arith.constant 128 : i32
          %mul3A_486 = arith.muli %add3A_353, %mul3A_485 : i32
          %dma_start3A_487 = arith.constant 896 : i32
          %dma_start3A_488 = tpu.memref_slice %arg11[%dma_start3A_487] : memref<4096xf32, #tpu.memory_space<vmem>> -> memref<128xf32, #tpu.memory_space<vmem>>
          %dma_start3A_489 = tpu.memref_slice %arg8[%mul3A_486] : memref<3328xi32, #tpu.memory_space<vmem>> -> memref<128xi32, #tpu.memory_space<vmem>>
          %dma_start3A_490 = arith.constant 0 : i32
          %dma_start3A_491 = tpu.memref_slice %arg3[%add3A_484, %dma_start3A_490] : memref<832x100000xf32, #tpu.memory_space<hbm>> -> memref<1x100000xf32, #tpu.memory_space<hbm>>
          %dma_start3A_492 = tpu.memref_squeeze %dma_start3A_491 : memref<1x100000xf32, #tpu.memory_space<hbm>> -> memref<100000xf32, #tpu.memory_space<hbm>>
          %dma_start3A_493 = arith.constant 0 : i32
          %dma_start3A_494 = tpu.memref_slice %dma_start3A_492[%dma_start3A_493] : memref<100000xf32, #tpu.memory_space<hbm>> -> memref<100000xf32, #tpu.memory_space<hbm>>
          tpu.enqueue_indirect_dma source(%dma_start3A_494 : memref<100000xf32, #tpu.memory_space<hbm>>) target(%dma_start3A_488 : memref<128xf32, #tpu.memory_space<vmem>>) offsets(%dma_start3A_489 : memref<128xi32, #tpu.memory_space<vmem>>) semaphore(%arg16 : memref<!tpu.dma_semaphore, #tpu.memory_space<semaphore_mem>>)
          %mul3A_495 = arith.constant 32 : i32
          %mul3A_496 = arith.muli %add3A_353, %mul3A_495 : i32
          %add3A_497 = arith.constant 8 : i32
          %add3A_498 = arith.addi %mul3A_496, %add3A_497 : i32
          %mul3A_499 = arith.constant 128 : i32
          %mul3A_500 = arith.muli %add3A_353, %mul3A_499 : i32
          %dma_start3A_501 = arith.constant 1024 : i32
          %dma_start3A_502 = tpu.memref_slice %arg11[%dma_start3A_501] : memref<4096xf32, #tpu.memory_space<vmem>> -> memref<128xf32, #tpu.memory_space<vmem>>
          %dma_start3A_503 = tpu.memref_slice %arg8[%mul3A_500] : memref<3328xi32, #tpu.memory_space<vmem>> -> memref<128xi32, #tpu.memory_space<vmem>>
          %dma_start3A_504 = arith.constant 0 : i32
          %dma_start3A_505 = tpu.memref_slice %arg3[%add3A_498, %dma_start3A_504] : memref<832x100000xf32, #tpu.memory_space<hbm>> -> memref<1x100000xf32, #tpu.memory_space<hbm>>
          %dma_start3A_506 = tpu.memref_squeeze %dma_start3A_505 : memref<1x100000xf32, #tpu.memory_space<hbm>> -> memref<100000xf32, #tpu.memory_space<hbm>>
          %dma_start3A_507 = arith.constant 0 : i32
          %dma_start3A_508 = tpu.memref_slice %dma_start3A_506[%dma_start3A_507] : memref<100000xf32, #tpu.memory_space<hbm>> -> memref<100000xf32, #tpu.memory_space<hbm>>
          tpu.enqueue_indirect_dma source(%dma_start3A_508 : memref<100000xf32, #tpu.memory_space<hbm>>) target(%dma_start3A_502 : memref<128xf32, #tpu.memory_space<vmem>>) offsets(%dma_start3A_503 : memref<128xi32, #tpu.memory_space<vmem>>) semaphore(%arg16 : memref<!tpu.dma_semaphore, #tpu.memory_space<semaphore_mem>>)
          %mul3A_509 = arith.constant 32 : i32
          %mul3A_510 = arith.muli %add3A_353, %mul3A_509 : i32
          %add3A_511 = arith.constant 9 : i32
          %add3A_512 = arith.addi %mul3A_510, %add3A_511 : i32
          %mul3A_513 = arith.constant 128 : i32
          %mul3A_514 = arith.muli %add3A_353, %mul3A_513 : i32
          %dma_start3A_515 = arith.constant 1152 : i32
          %dma_start3A_516 = tpu.memref_slice %arg11[%dma_start3A_515] : memref<4096xf32, #tpu.memory_space<vmem>> -> memref<128xf32, #tpu.memory_space<vmem>>
          %dma_start3A_517 = tpu.memref_slice %arg8[%mul3A_514] : memref<3328xi32, #tpu.memory_space<vmem>> -> memref<128xi32, #tpu.memory_space<vmem>>
          %dma_start3A_518 = arith.constant 0 : i32
          %dma_start3A_519 = tpu.memref_slice %arg3[%add3A_512, %dma_start3A_518] : memref<832x100000xf32, #tpu.memory_space<hbm>> -> memref<1x100000xf32, #tpu.memory_space<hbm>>
          %dma_start3A_520 = tpu.memref_squeeze %dma_start3A_519 : memref<1x100000xf32, #tpu.memory_space<hbm>> -> memref<100000xf32, #tpu.memory_space<hbm>>
          %dma_start3A_521 = arith.constant 0 : i32
          %dma_start3A_522 = tpu.memref_slice %dma_start3A_520[%dma_start3A_521] : memref<100000xf32, #tpu.memory_space<hbm>> -> memref<100000xf32, #tpu.memory_space<hbm>>
          tpu.enqueue_indirect_dma source(%dma_start3A_522 : memref<100000xf32, #tpu.memory_space<hbm>>) target(%dma_start3A_516 : memref<128xf32, #tpu.memory_space<vmem>>) offsets(%dma_start3A_517 : memref<128xi32, #tpu.memory_space<vmem>>) semaphore(%arg16 : memref<!tpu.dma_semaphore, #tpu.memory_space<semaphore_mem>>)
          %mul3A_523 = arith.constant 32 : i32
          %mul3A_524 = arith.muli %add3A_353, %mul3A_523 : i32
          %add3A_525 = arith.constant 10 : i32
          %add3A_526 = arith.addi %mul3A_524, %add3A_525 : i32
          %mul3A_527 = arith.constant 128 : i32
          %mul3A_528 = arith.muli %add3A_353, %mul3A_527 : i32
          %dma_start3A_529 = arith.constant 1280 : i32
          %dma_start3A_530 = tpu.memref_slice %arg11[%dma_start3A_529] : memref<4096xf32, #tpu.memory_space<vmem>> -> memref<128xf32, #tpu.memory_space<vmem>>
          %dma_start3A_531 = tpu.memref_slice %arg8[%mul3A_528] : memref<3328xi32, #tpu.memory_space<vmem>> -> memref<128xi32, #tpu.memory_space<vmem>>
          %dma_start3A_532 = arith.constant 0 : i32
          %dma_start3A_533 = tpu.memref_slice %arg3[%add3A_526, %dma_start3A_532] : memref<832x100000xf32, #tpu.memory_space<hbm>> -> memref<1x100000xf32, #tpu.memory_space<hbm>>
          %dma_start3A_534 = tpu.memref_squeeze %dma_start3A_533 : memref<1x100000xf32, #tpu.memory_space<hbm>> -> memref<100000xf32, #tpu.memory_space<hbm>>
          %dma_start3A_535 = arith.constant 0 : i32
          %dma_start3A_536 = tpu.memref_slice %dma_start3A_534[%dma_start3A_535] : memref<100000xf32, #tpu.memory_space<hbm>> -> memref<100000xf32, #tpu.memory_space<hbm>>
          tpu.enqueue_indirect_dma source(%dma_start3A_536 : memref<100000xf32, #tpu.memory_space<hbm>>) target(%dma_start3A_530 : memref<128xf32, #tpu.memory_space<vmem>>) offsets(%dma_start3A_531 : memref<128xi32, #tpu.memory_space<vmem>>) semaphore(%arg16 : memref<!tpu.dma_semaphore, #tpu.memory_space<semaphore_mem>>)
          %mul3A_537 = arith.constant 32 : i32
          %mul3A_538 = arith.muli %add3A_353, %mul3A_537 : i32
          %add3A_539 = arith.constant 11 : i32
          %add3A_540 = arith.addi %mul3A_538, %add3A_539 : i32
          %mul3A_541 = arith.constant 128 : i32
          %mul3A_542 = arith.muli %add3A_353, %mul3A_541 : i32
          %dma_start3A_543 = arith.constant 1408 : i32
          %dma_start3A_544 = tpu.memref_slice %arg11[%dma_start3A_543] : memref<4096xf32, #tpu.memory_space<vmem>> -> memref<128xf32, #tpu.memory_space<vmem>>
          %dma_start3A_545 = tpu.memref_slice %arg8[%mul3A_542] : memref<3328xi32, #tpu.memory_space<vmem>> -> memref<128xi32, #tpu.memory_space<vmem>>
          %dma_start3A_546 = arith.constant 0 : i32
          %dma_start3A_547 = tpu.memref_slice %arg3[%add3A_540, %dma_start3A_546] : memref<832x100000xf32, #tpu.memory_space<hbm>> -> memref<1x100000xf32, #tpu.memory_space<hbm>>
          %dma_start3A_548 = tpu.memref_squeeze %dma_start3A_547 : memref<1x100000xf32, #tpu.memory_space<hbm>> -> memref<100000xf32, #tpu.memory_space<hbm>>
          %dma_start3A_549 = arith.constant 0 : i32
          %dma_start3A_550 = tpu.memref_slice %dma_start3A_548[%dma_start3A_549] : memref<100000xf32, #tpu.memory_space<hbm>> -> memref<100000xf32, #tpu.memory_space<hbm>>
          tpu.enqueue_indirect_dma source(%dma_start3A_550 : memref<100000xf32, #tpu.memory_space<hbm>>) target(%dma_start3A_544 : memref<128xf32, #tpu.memory_space<vmem>>) offsets(%dma_start3A_545 : memref<128xi32, #tpu.memory_space<vmem>>) semaphore(%arg16 : memref<!tpu.dma_semaphore, #tpu.memory_space<semaphore_mem>>)
          %mul3A_551 = arith.constant 32 : i32
          %mul3A_552 = arith.muli %add3A_353, %mul3A_551 : i32
          %add3A_553 = arith.constant 12 : i32
          %add3A_554 = arith.addi %mul3A_552, %add3A_553 : i32
          %mul3A_555 = arith.constant 128 : i32
          %mul3A_556 = arith.muli %add3A_353, %mul3A_555 : i32
          %dma_start3A_557 = arith.constant 1536 : i32
          %dma_start3A_558 = tpu.memref_slice %arg11[%dma_start3A_557] : memref<4096xf32, #tpu.memory_space<vmem>> -> memref<128xf32, #tpu.memory_space<vmem>>
          %dma_start3A_559 = tpu.memref_slice %arg8[%mul3A_556] : memref<3328xi32, #tpu.memory_space<vmem>> -> memref<128xi32, #tpu.memory_space<vmem>>
          %dma_start3A_560 = arith.constant 0 : i32
          %dma_start3A_561 = tpu.memref_slice %arg3[%add3A_554, %dma_start3A_560] : memref<832x100000xf32, #tpu.memory_space<hbm>> -> memref<1x100000xf32, #tpu.memory_space<hbm>>
          %dma_start3A_562 = tpu.memref_squeeze %dma_start3A_561 : memref<1x100000xf32, #tpu.memory_space<hbm>> -> memref<100000xf32, #tpu.memory_space<hbm>>
          %dma_start3A_563 = arith.constant 0 : i32
          %dma_start3A_564 = tpu.memref_slice %dma_start3A_562[%dma_start3A_563] : memref<100000xf32, #tpu.memory_space<hbm>> -> memref<100000xf32, #tpu.memory_space<hbm>>
          tpu.enqueue_indirect_dma source(%dma_start3A_564 : memref<100000xf32, #tpu.memory_space<hbm>>) target(%dma_start3A_558 : memref<128xf32, #tpu.memory_space<vmem>>) offsets(%dma_start3A_559 : memref<128xi32, #tpu.memory_space<vmem>>) semaphore(%arg16 : memref<!tpu.dma_semaphore, #tpu.memory_space<semaphore_mem>>)
          %mul3A_565 = arith.constant 32 : i32
          %mul3A_566 = arith.muli %add3A_353, %mul3A_565 : i32
          %add3A_567 = arith.constant 13 : i32
          %add3A_568 = arith.addi %mul3A_566, %add3A_567 : i32
          %mul3A_569 = arith.constant 128 : i32
          %mul3A_570 = arith.muli %add3A_353, %mul3A_569 : i32
          %dma_start3A_571 = arith.constant 1664 : i32
          %dma_start3A_572 = tpu.memref_slice %arg11[%dma_start3A_571] : memref<4096xf32, #tpu.memory_space<vmem>> -> memref<128xf32, #tpu.memory_space<vmem>>
          %dma_start3A_573 = tpu.memref_slice %arg8[%mul3A_570] : memref<3328xi32, #tpu.memory_space<vmem>> -> memref<128xi32, #tpu.memory_space<vmem>>
          %dma_start3A_574 = arith.constant 0 : i32
          %dma_start3A_575 = tpu.memref_slice %arg3[%add3A_568, %dma_start3A_574] : memref<832x100000xf32, #tpu.memory_space<hbm>> -> memref<1x100000xf32, #tpu.memory_space<hbm>>
          %dma_start3A_576 = tpu.memref_squeeze %dma_start3A_575 : memref<1x100000xf32, #tpu.memory_space<hbm>> -> memref<100000xf32, #tpu.memory_space<hbm>>
          %dma_start3A_577 = arith.constant 0 : i32
          %dma_start3A_578 = tpu.memref_slice %dma_start3A_576[%dma_start3A_577] : memref<100000xf32, #tpu.memory_space<hbm>> -> memref<100000xf32, #tpu.memory_space<hbm>>
          tpu.enqueue_indirect_dma source(%dma_start3A_578 : memref<100000xf32, #tpu.memory_space<hbm>>) target(%dma_start3A_572 : memref<128xf32, #tpu.memory_space<vmem>>) offsets(%dma_start3A_573 : memref<128xi32, #tpu.memory_space<vmem>>) semaphore(%arg16 : memref<!tpu.dma_semaphore, #tpu.memory_space<semaphore_mem>>)
          %mul3A_579 = arith.constant 32 : i32
          %mul3A_580 = arith.muli %add3A_353, %mul3A_579 : i32
          %add3A_581 = arith.constant 14 : i32
          %add3A_582 = arith.addi %mul3A_580, %add3A_581 : i32
          %mul3A_583 = arith.constant 128 : i32
          %mul3A_584 = arith.muli %add3A_353, %mul3A_583 : i32
          %dma_start3A_585 = arith.constant 1792 : i32
          %dma_start3A_586 = tpu.memref_slice %arg11[%dma_start3A_585] : memref<4096xf32, #tpu.memory_space<vmem>> -> memref<128xf32, #tpu.memory_space<vmem>>
          %dma_start3A_587 = tpu.memref_slice %arg8[%mul3A_584] : memref<3328xi32, #tpu.memory_space<vmem>> -> memref<128xi32, #tpu.memory_space<vmem>>
          %dma_start3A_588 = arith.constant 0 : i32
          %dma_start3A_589 = tpu.memref_slice %arg3[%add3A_582, %dma_start3A_588] : memref<832x100000xf32, #tpu.memory_space<hbm>> -> memref<1x100000xf32, #tpu.memory_space<hbm>>
          %dma_start3A_590 = tpu.memref_squeeze %dma_start3A_589 : memref<1x100000xf32, #tpu.memory_space<hbm>> -> memref<100000xf32, #tpu.memory_space<hbm>>
          %dma_start3A_591 = arith.constant 0 : i32
          %dma_start3A_592 = tpu.memref_slice %dma_start3A_590[%dma_start3A_591] : memref<100000xf32, #tpu.memory_space<hbm>> -> memref<100000xf32, #tpu.memory_space<hbm>>
          tpu.enqueue_indirect_dma source(%dma_start3A_592 : memref<100000xf32, #tpu.memory_space<hbm>>) target(%dma_start3A_586 : memref<128xf32, #tpu.memory_space<vmem>>) offsets(%dma_start3A_587 : memref<128xi32, #tpu.memory_space<vmem>>) semaphore(%arg16 : memref<!tpu.dma_semaphore, #tpu.memory_space<semaphore_mem>>)
          %mul3A_593 = arith.constant 32 : i32
          %mul3A_594 = arith.muli %add3A_353, %mul3A_593 : i32
          %add3A_595 = arith.constant 15 : i32
          %add3A_596 = arith.addi %mul3A_594, %add3A_595 : i32
          %mul3A_597 = arith.constant 128 : i32
          %mul3A_598 = arith.muli %add3A_353, %mul3A_597 : i32
          %dma_start3A_599 = arith.constant 1920 : i32
          %dma_start3A_600 = tpu.memref_slice %arg11[%dma_start3A_599] : memref<4096xf32, #tpu.memory_space<vmem>> -> memref<128xf32, #tpu.memory_space<vmem>>
          %dma_start3A_601 = tpu.memref_slice %arg8[%mul3A_598] : memref<3328xi32, #tpu.memory_space<vmem>> -> memref<128xi32, #tpu.memory_space<vmem>>
          %dma_start3A_602 = arith.constant 0 : i32
          %dma_start3A_603 = tpu.memref_slice %arg3[%add3A_596, %dma_start3A_602] : memref<832x100000xf32, #tpu.memory_space<hbm>> -> memref<1x100000xf32, #tpu.memory_space<hbm>>
          %dma_start3A_604 = tpu.memref_squeeze %dma_start3A_603 : memref<1x100000xf32, #tpu.memory_space<hbm>> -> memref<100000xf32, #tpu.memory_space<hbm>>
          %dma_start3A_605 = arith.constant 0 : i32
          %dma_start3A_606 = tpu.memref_slice %dma_start3A_604[%dma_start3A_605] : memref<100000xf32, #tpu.memory_space<hbm>> -> memref<100000xf32, #tpu.memory_space<hbm>>
          tpu.enqueue_indirect_dma source(%dma_start3A_606 : memref<100000xf32, #tpu.memory_space<hbm>>) target(%dma_start3A_600 : memref<128xf32, #tpu.memory_space<vmem>>) offsets(%dma_start3A_601 : memref<128xi32, #tpu.memory_space<vmem>>) semaphore(%arg16 : memref<!tpu.dma_semaphore, #tpu.memory_space<semaphore_mem>>)
          %mul3A_607 = arith.constant 32 : i32
          %mul3A_608 = arith.muli %add3A_353, %mul3A_607 : i32
          %add3A_609 = arith.constant 16 : i32
          %add3A_610 = arith.addi %mul3A_608, %add3A_609 : i32
          %mul3A_611 = arith.constant 128 : i32
          %mul3A_612 = arith.muli %add3A_353, %mul3A_611 : i32
          %dma_start3A_613 = arith.constant 2048 : i32
          %dma_start3A_614 = tpu.memref_slice %arg11[%dma_start3A_613] : memref<4096xf32, #tpu.memory_space<vmem>> -> memref<128xf32, #tpu.memory_space<vmem>>
          %dma_start3A_615 = tpu.memref_slice %arg8[%mul3A_612] : memref<3328xi32, #tpu.memory_space<vmem>> -> memref<128xi32, #tpu.memory_space<vmem>>
          %dma_start3A_616 = arith.constant 0 : i32
          %dma_start3A_617 = tpu.memref_slice %arg3[%add3A_610, %dma_start3A_616] : memref<832x100000xf32, #tpu.memory_space<hbm>> -> memref<1x100000xf32, #tpu.memory_space<hbm>>
          %dma_start3A_618 = tpu.memref_squeeze %dma_start3A_617 : memref<1x100000xf32, #tpu.memory_space<hbm>> -> memref<100000xf32, #tpu.memory_space<hbm>>
          %dma_start3A_619 = arith.constant 0 : i32
          %dma_start3A_620 = tpu.memref_slice %dma_start3A_618[%dma_start3A_619] : memref<100000xf32, #tpu.memory_space<hbm>> -> memref<100000xf32, #tpu.memory_space<hbm>>
          tpu.enqueue_indirect_dma source(%dma_start3A_620 : memref<100000xf32, #tpu.memory_space<hbm>>) target(%dma_start3A_614 : memref<128xf32, #tpu.memory_space<vmem>>) offsets(%dma_start3A_615 : memref<128xi32, #tpu.memory_space<vmem>>) semaphore(%arg16 : memref<!tpu.dma_semaphore, #tpu.memory_space<semaphore_mem>>)
          %mul3A_621 = arith.constant 32 : i32
          %mul3A_622 = arith.muli %add3A_353, %mul3A_621 : i32
          %add3A_623 = arith.constant 17 : i32
          %add3A_624 = arith.addi %mul3A_622, %add3A_623 : i32
          %mul3A_625 = arith.constant 128 : i32
          %mul3A_626 = arith.muli %add3A_353, %mul3A_625 : i32
          %dma_start3A_627 = arith.constant 2176 : i32
          %dma_start3A_628 = tpu.memref_slice %arg11[%dma_start3A_627] : memref<4096xf32, #tpu.memory_space<vmem>> -> memref<128xf32, #tpu.memory_space<vmem>>
          %dma_start3A_629 = tpu.memref_slice %arg8[%mul3A_626] : memref<3328xi32, #tpu.memory_space<vmem>> -> memref<128xi32, #tpu.memory_space<vmem>>
          %dma_start3A_630 = arith.constant 0 : i32
          %dma_start3A_631 = tpu.memref_slice %arg3[%add3A_624, %dma_start3A_630] : memref<832x100000xf32, #tpu.memory_space<hbm>> -> memref<1x100000xf32, #tpu.memory_space<hbm>>
          %dma_start3A_632 = tpu.memref_squeeze %dma_start3A_631 : memref<1x100000xf32, #tpu.memory_space<hbm>> -> memref<100000xf32, #tpu.memory_space<hbm>>
          %dma_start3A_633 = arith.constant 0 : i32
          %dma_start3A_634 = tpu.memref_slice %dma_start3A_632[%dma_start3A_633] : memref<100000xf32, #tpu.memory_space<hbm>> -> memref<100000xf32, #tpu.memory_space<hbm>>
          tpu.enqueue_indirect_dma source(%dma_start3A_634 : memref<100000xf32, #tpu.memory_space<hbm>>) target(%dma_start3A_628 : memref<128xf32, #tpu.memory_space<vmem>>) offsets(%dma_start3A_629 : memref<128xi32, #tpu.memory_space<vmem>>) semaphore(%arg16 : memref<!tpu.dma_semaphore, #tpu.memory_space<semaphore_mem>>)
          %mul3A_635 = arith.constant 32 : i32
          %mul3A_636 = arith.muli %add3A_353, %mul3A_635 : i32
          %add3A_637 = arith.constant 18 : i32
          %add3A_638 = arith.addi %mul3A_636, %add3A_637 : i32
          %mul3A_639 = arith.constant 128 : i32
          %mul3A_640 = arith.muli %add3A_353, %mul3A_639 : i32
          %dma_start3A_641 = arith.constant 2304 : i32
          %dma_start3A_642 = tpu.memref_slice %arg11[%dma_start3A_641] : memref<4096xf32, #tpu.memory_space<vmem>> -> memref<128xf32, #tpu.memory_space<vmem>>
          %dma_start3A_643 = tpu.memref_slice %arg8[%mul3A_640] : memref<3328xi32, #tpu.memory_space<vmem>> -> memref<128xi32, #tpu.memory_space<vmem>>
          %dma_start3A_644 = arith.constant 0 : i32
          %dma_start3A_645 = tpu.memref_slice %arg3[%add3A_638, %dma_start3A_644] : memref<832x100000xf32, #tpu.memory_space<hbm>> -> memref<1x100000xf32, #tpu.memory_space<hbm>>
          %dma_start3A_646 = tpu.memref_squeeze %dma_start3A_645 : memref<1x100000xf32, #tpu.memory_space<hbm>> -> memref<100000xf32, #tpu.memory_space<hbm>>
          %dma_start3A_647 = arith.constant 0 : i32
          %dma_start3A_648 = tpu.memref_slice %dma_start3A_646[%dma_start3A_647] : memref<100000xf32, #tpu.memory_space<hbm>> -> memref<100000xf32, #tpu.memory_space<hbm>>
          tpu.enqueue_indirect_dma source(%dma_start3A_648 : memref<100000xf32, #tpu.memory_space<hbm>>) target(%dma_start3A_642 : memref<128xf32, #tpu.memory_space<vmem>>) offsets(%dma_start3A_643 : memref<128xi32, #tpu.memory_space<vmem>>) semaphore(%arg16 : memref<!tpu.dma_semaphore, #tpu.memory_space<semaphore_mem>>)
          %mul3A_649 = arith.constant 32 : i32
          %mul3A_650 = arith.muli %add3A_353, %mul3A_649 : i32
          %add3A_651 = arith.constant 19 : i32
          %add3A_652 = arith.addi %mul3A_650, %add3A_651 : i32
          %mul3A_653 = arith.constant 128 : i32
          %mul3A_654 = arith.muli %add3A_353, %mul3A_653 : i32
          %dma_start3A_655 = arith.constant 2432 : i32
          %dma_start3A_656 = tpu.memref_slice %arg11[%dma_start3A_655] : memref<4096xf32, #tpu.memory_space<vmem>> -> memref<128xf32, #tpu.memory_space<vmem>>
          %dma_start3A_657 = tpu.memref_slice %arg8[%mul3A_654] : memref<3328xi32, #tpu.memory_space<vmem>> -> memref<128xi32, #tpu.memory_space<vmem>>
          %dma_start3A_658 = arith.constant 0 : i32
          %dma_start3A_659 = tpu.memref_slice %arg3[%add3A_652, %dma_start3A_658] : memref<832x100000xf32, #tpu.memory_space<hbm>> -> memref<1x100000xf32, #tpu.memory_space<hbm>>
          %dma_start3A_660 = tpu.memref_squeeze %dma_start3A_659 : memref<1x100000xf32, #tpu.memory_space<hbm>> -> memref<100000xf32, #tpu.memory_space<hbm>>
          %dma_start3A_661 = arith.constant 0 : i32
          %dma_start3A_662 = tpu.memref_slice %dma_start3A_660[%dma_start3A_661] : memref<100000xf32, #tpu.memory_space<hbm>> -> memref<100000xf32, #tpu.memory_space<hbm>>
          tpu.enqueue_indirect_dma source(%dma_start3A_662 : memref<100000xf32, #tpu.memory_space<hbm>>) target(%dma_start3A_656 : memref<128xf32, #tpu.memory_space<vmem>>) offsets(%dma_start3A_657 : memref<128xi32, #tpu.memory_space<vmem>>) semaphore(%arg16 : memref<!tpu.dma_semaphore, #tpu.memory_space<semaphore_mem>>)
          %mul3A_663 = arith.constant 32 : i32
          %mul3A_664 = arith.muli %add3A_353, %mul3A_663 : i32
          %add3A_665 = arith.constant 20 : i32
          %add3A_666 = arith.addi %mul3A_664, %add3A_665 : i32
          %mul3A_667 = arith.constant 128 : i32
          %mul3A_668 = arith.muli %add3A_353, %mul3A_667 : i32
          %dma_start3A_669 = arith.constant 2560 : i32
          %dma_start3A_670 = tpu.memref_slice %arg11[%dma_start3A_669] : memref<4096xf32, #tpu.memory_space<vmem>> -> memref<128xf32, #tpu.memory_space<vmem>>
          %dma_start3A_671 = tpu.memref_slice %arg8[%mul3A_668] : memref<3328xi32, #tpu.memory_space<vmem>> -> memref<128xi32, #tpu.memory_space<vmem>>
          %dma_start3A_672 = arith.constant 0 : i32
          %dma_start3A_673 = tpu.memref_slice %arg3[%add3A_666, %dma_start3A_672] : memref<832x100000xf32, #tpu.memory_space<hbm>> -> memref<1x100000xf32, #tpu.memory_space<hbm>>
          %dma_start3A_674 = tpu.memref_squeeze %dma_start3A_673 : memref<1x100000xf32, #tpu.memory_space<hbm>> -> memref<100000xf32, #tpu.memory_space<hbm>>
          %dma_start3A_675 = arith.constant 0 : i32
          %dma_start3A_676 = tpu.memref_slice %dma_start3A_674[%dma_start3A_675] : memref<100000xf32, #tpu.memory_space<hbm>> -> memref<100000xf32, #tpu.memory_space<hbm>>
          tpu.enqueue_indirect_dma source(%dma_start3A_676 : memref<100000xf32, #tpu.memory_space<hbm>>) target(%dma_start3A_670 : memref<128xf32, #tpu.memory_space<vmem>>) offsets(%dma_start3A_671 : memref<128xi32, #tpu.memory_space<vmem>>) semaphore(%arg16 : memref<!tpu.dma_semaphore, #tpu.memory_space<semaphore_mem>>)
          %mul3A_677 = arith.constant 32 : i32
          %mul3A_678 = arith.muli %add3A_353, %mul3A_677 : i32
          %add3A_679 = arith.constant 21 : i32
          %add3A_680 = arith.addi %mul3A_678, %add3A_679 : i32
          %mul3A_681 = arith.constant 128 : i32
          %mul3A_682 = arith.muli %add3A_353, %mul3A_681 : i32
          %dma_start3A_683 = arith.constant 2688 : i32
          %dma_start3A_684 = tpu.memref_slice %arg11[%dma_start3A_683] : memref<4096xf32, #tpu.memory_space<vmem>> -> memref<128xf32, #tpu.memory_space<vmem>>
          %dma_start3A_685 = tpu.memref_slice %arg8[%mul3A_682] : memref<3328xi32, #tpu.memory_space<vmem>> -> memref<128xi32, #tpu.memory_space<vmem>>
          %dma_start3A_686 = arith.constant 0 : i32
          %dma_start3A_687 = tpu.memref_slice %arg3[%add3A_680, %dma_start3A_686] : memref<832x100000xf32, #tpu.memory_space<hbm>> -> memref<1x100000xf32, #tpu.memory_space<hbm>>
          %dma_start3A_688 = tpu.memref_squeeze %dma_start3A_687 : memref<1x100000xf32, #tpu.memory_space<hbm>> -> memref<100000xf32, #tpu.memory_space<hbm>>
          %dma_start3A_689 = arith.constant 0 : i32
          %dma_start3A_690 = tpu.memref_slice %dma_start3A_688[%dma_start3A_689] : memref<100000xf32, #tpu.memory_space<hbm>> -> memref<100000xf32, #tpu.memory_space<hbm>>
          tpu.enqueue_indirect_dma source(%dma_start3A_690 : memref<100000xf32, #tpu.memory_space<hbm>>) target(%dma_start3A_684 : memref<128xf32, #tpu.memory_space<vmem>>) offsets(%dma_start3A_685 : memref<128xi32, #tpu.memory_space<vmem>>) semaphore(%arg16 : memref<!tpu.dma_semaphore, #tpu.memory_space<semaphore_mem>>)
          %mul3A_691 = arith.constant 32 : i32
          %mul3A_692 = arith.muli %add3A_353, %mul3A_691 : i32
          %add3A_693 = arith.constant 22 : i32
          %add3A_694 = arith.addi %mul3A_692, %add3A_693 : i32
          %mul3A_695 = arith.constant 128 : i32
          %mul3A_696 = arith.muli %add3A_353, %mul3A_695 : i32
          %dma_start3A_697 = arith.constant 2816 : i32
          %dma_start3A_698 = tpu.memref_slice %arg11[%dma_start3A_697] : memref<4096xf32, #tpu.memory_space<vmem>> -> memref<128xf32, #tpu.memory_space<vmem>>
          %dma_start3A_699 = tpu.memref_slice %arg8[%mul3A_696] : memref<3328xi32, #tpu.memory_space<vmem>> -> memref<128xi32, #tpu.memory_space<vmem>>
          %dma_start3A_700 = arith.constant 0 : i32
          %dma_start3A_701 = tpu.memref_slice %arg3[%add3A_694, %dma_start3A_700] : memref<832x100000xf32, #tpu.memory_space<hbm>> -> memref<1x100000xf32, #tpu.memory_space<hbm>>
          %dma_start3A_702 = tpu.memref_squeeze %dma_start3A_701 : memref<1x100000xf32, #tpu.memory_space<hbm>> -> memref<100000xf32, #tpu.memory_space<hbm>>
          %dma_start3A_703 = arith.constant 0 : i32
          %dma_start3A_704 = tpu.memref_slice %dma_start3A_702[%dma_start3A_703] : memref<100000xf32, #tpu.memory_space<hbm>> -> memref<100000xf32, #tpu.memory_space<hbm>>
          tpu.enqueue_indirect_dma source(%dma_start3A_704 : memref<100000xf32, #tpu.memory_space<hbm>>) target(%dma_start3A_698 : memref<128xf32, #tpu.memory_space<vmem>>) offsets(%dma_start3A_699 : memref<128xi32, #tpu.memory_space<vmem>>) semaphore(%arg16 : memref<!tpu.dma_semaphore, #tpu.memory_space<semaphore_mem>>)
          %mul3A_705 = arith.constant 32 : i32
          %mul3A_706 = arith.muli %add3A_353, %mul3A_705 : i32
          %add3A_707 = arith.constant 23 : i32
          %add3A_708 = arith.addi %mul3A_706, %add3A_707 : i32
          %mul3A_709 = arith.constant 128 : i32
          %mul3A_710 = arith.muli %add3A_353, %mul3A_709 : i32
          %dma_start3A_711 = arith.constant 2944 : i32
          %dma_start3A_712 = tpu.memref_slice %arg11[%dma_start3A_711] : memref<4096xf32, #tpu.memory_space<vmem>> -> memref<128xf32, #tpu.memory_space<vmem>>
          %dma_start3A_713 = tpu.memref_slice %arg8[%mul3A_710] : memref<3328xi32, #tpu.memory_space<vmem>> -> memref<128xi32, #tpu.memory_space<vmem>>
          %dma_start3A_714 = arith.constant 0 : i32
          %dma_start3A_715 = tpu.memref_slice %arg3[%add3A_708, %dma_start3A_714] : memref<832x100000xf32, #tpu.memory_space<hbm>> -> memref<1x100000xf32, #tpu.memory_space<hbm>>
          %dma_start3A_716 = tpu.memref_squeeze %dma_start3A_715 : memref<1x100000xf32, #tpu.memory_space<hbm>> -> memref<100000xf32, #tpu.memory_space<hbm>>
          %dma_start3A_717 = arith.constant 0 : i32
          %dma_start3A_718 = tpu.memref_slice %dma_start3A_716[%dma_start3A_717] : memref<100000xf32, #tpu.memory_space<hbm>> -> memref<100000xf32, #tpu.memory_space<hbm>>
          tpu.enqueue_indirect_dma source(%dma_start3A_718 : memref<100000xf32, #tpu.memory_space<hbm>>) target(%dma_start3A_712 : memref<128xf32, #tpu.memory_space<vmem>>) offsets(%dma_start3A_713 : memref<128xi32, #tpu.memory_space<vmem>>) semaphore(%arg16 : memref<!tpu.dma_semaphore, #tpu.memory_space<semaphore_mem>>)
          %mul3A_719 = arith.constant 32 : i32
          %mul3A_720 = arith.muli %add3A_353, %mul3A_719 : i32
          %add3A_721 = arith.constant 24 : i32
          %add3A_722 = arith.addi %mul3A_720, %add3A_721 : i32
          %mul3A_723 = arith.constant 128 : i32
          %mul3A_724 = arith.muli %add3A_353, %mul3A_723 : i32
          %dma_start3A_725 = arith.constant 3072 : i32
          %dma_start3A_726 = tpu.memref_slice %arg11[%dma_start3A_725] : memref<4096xf32, #tpu.memory_space<vmem>> -> memref<128xf32, #tpu.memory_space<vmem>>
          %dma_start3A_727 = tpu.memref_slice %arg8[%mul3A_724] : memref<3328xi32, #tpu.memory_space<vmem>> -> memref<128xi32, #tpu.memory_space<vmem>>
          %dma_start3A_728 = arith.constant 0 : i32
          %dma_start3A_729 = tpu.memref_slice %arg3[%add3A_722, %dma_start3A_728] : memref<832x100000xf32, #tpu.memory_space<hbm>> -> memref<1x100000xf32, #tpu.memory_space<hbm>>
          %dma_start3A_730 = tpu.memref_squeeze %dma_start3A_729 : memref<1x100000xf32, #tpu.memory_space<hbm>> -> memref<100000xf32, #tpu.memory_space<hbm>>
          %dma_start3A_731 = arith.constant 0 : i32
          %dma_start3A_732 = tpu.memref_slice %dma_start3A_730[%dma_start3A_731] : memref<100000xf32, #tpu.memory_space<hbm>> -> memref<100000xf32, #tpu.memory_space<hbm>>
          tpu.enqueue_indirect_dma source(%dma_start3A_732 : memref<100000xf32, #tpu.memory_space<hbm>>) target(%dma_start3A_726 : memref<128xf32, #tpu.memory_space<vmem>>) offsets(%dma_start3A_727 : memref<128xi32, #tpu.memory_space<vmem>>) semaphore(%arg16 : memref<!tpu.dma_semaphore, #tpu.memory_space<semaphore_mem>>)
          %mul3A_733 = arith.constant 32 : i32
          %mul3A_734 = arith.muli %add3A_353, %mul3A_733 : i32
          %add3A_735 = arith.constant 25 : i32
          %add3A_736 = arith.addi %mul3A_734, %add3A_735 : i32
          %mul3A_737 = arith.constant 128 : i32
          %mul3A_738 = arith.muli %add3A_353, %mul3A_737 : i32
          %dma_start3A_739 = arith.constant 3200 : i32
          %dma_start3A_740 = tpu.memref_slice %arg11[%dma_start3A_739] : memref<4096xf32, #tpu.memory_space<vmem>> -> memref<128xf32, #tpu.memory_space<vmem>>
          %dma_start3A_741 = tpu.memref_slice %arg8[%mul3A_738] : memref<3328xi32, #tpu.memory_space<vmem>> -> memref<128xi32, #tpu.memory_space<vmem>>
          %dma_start3A_742 = arith.constant 0 : i32
          %dma_start3A_743 = tpu.memref_slice %arg3[%add3A_736, %dma_start3A_742] : memref<832x100000xf32, #tpu.memory_space<hbm>> -> memref<1x100000xf32, #tpu.memory_space<hbm>>
          %dma_start3A_744 = tpu.memref_squeeze %dma_start3A_743 : memref<1x100000xf32, #tpu.memory_space<hbm>> -> memref<100000xf32, #tpu.memory_space<hbm>>
          %dma_start3A_745 = arith.constant 0 : i32
          %dma_start3A_746 = tpu.memref_slice %dma_start3A_744[%dma_start3A_745] : memref<100000xf32, #tpu.memory_space<hbm>> -> memref<100000xf32, #tpu.memory_space<hbm>>
          tpu.enqueue_indirect_dma source(%dma_start3A_746 : memref<100000xf32, #tpu.memory_space<hbm>>) target(%dma_start3A_740 : memref<128xf32, #tpu.memory_space<vmem>>) offsets(%dma_start3A_741 : memref<128xi32, #tpu.memory_space<vmem>>) semaphore(%arg16 : memref<!tpu.dma_semaphore, #tpu.memory_space<semaphore_mem>>)
          %mul3A_747 = arith.constant 32 : i32
          %mul3A_748 = arith.muli %add3A_353, %mul3A_747 : i32
          %add3A_749 = arith.constant 26 : i32
          %add3A_750 = arith.addi %mul3A_748, %add3A_749 : i32
          %mul3A_751 = arith.constant 128 : i32
          %mul3A_752 = arith.muli %add3A_353, %mul3A_751 : i32
          %dma_start3A_753 = arith.constant 3328 : i32
          %dma_start3A_754 = tpu.memref_slice %arg11[%dma_start3A_753] : memref<4096xf32, #tpu.memory_space<vmem>> -> memref<128xf32, #tpu.memory_space<vmem>>
          %dma_start3A_755 = tpu.memref_slice %arg8[%mul3A_752] : memref<3328xi32, #tpu.memory_space<vmem>> -> memref<128xi32, #tpu.memory_space<vmem>>
          %dma_start3A_756 = arith.constant 0 : i32
          %dma_start3A_757 = tpu.memref_slice %arg3[%add3A_750, %dma_start3A_756] : memref<832x100000xf32, #tpu.memory_space<hbm>> -> memref<1x100000xf32, #tpu.memory_space<hbm>>
          %dma_start3A_758 = tpu.memref_squeeze %dma_start3A_757 : memref<1x100000xf32, #tpu.memory_space<hbm>> -> memref<100000xf32, #tpu.memory_space<hbm>>
          %dma_start3A_759 = arith.constant 0 : i32
          %dma_start3A_760 = tpu.memref_slice %dma_start3A_758[%dma_start3A_759] : memref<100000xf32, #tpu.memory_space<hbm>> -> memref<100000xf32, #tpu.memory_space<hbm>>
          tpu.enqueue_indirect_dma source(%dma_start3A_760 : memref<100000xf32, #tpu.memory_space<hbm>>) target(%dma_start3A_754 : memref<128xf32, #tpu.memory_space<vmem>>) offsets(%dma_start3A_755 : memref<128xi32, #tpu.memory_space<vmem>>) semaphore(%arg16 : memref<!tpu.dma_semaphore, #tpu.memory_space<semaphore_mem>>)
          %mul3A_761 = arith.constant 32 : i32
          %mul3A_762 = arith.muli %add3A_353, %mul3A_761 : i32
          %add3A_763 = arith.constant 27 : i32
          %add3A_764 = arith.addi %mul3A_762, %add3A_763 : i32
          %mul3A_765 = arith.constant 128 : i32
          %mul3A_766 = arith.muli %add3A_353, %mul3A_765 : i32
          %dma_start3A_767 = arith.constant 3456 : i32
          %dma_start3A_768 = tpu.memref_slice %arg11[%dma_start3A_767] : memref<4096xf32, #tpu.memory_space<vmem>> -> memref<128xf32, #tpu.memory_space<vmem>>
          %dma_start3A_769 = tpu.memref_slice %arg8[%mul3A_766] : memref<3328xi32, #tpu.memory_space<vmem>> -> memref<128xi32, #tpu.memory_space<vmem>>
          %dma_start3A_770 = arith.constant 0 : i32
          %dma_start3A_771 = tpu.memref_slice %arg3[%add3A_764, %dma_start3A_770] : memref<832x100000xf32, #tpu.memory_space<hbm>> -> memref<1x100000xf32, #tpu.memory_space<hbm>>
          %dma_start3A_772 = tpu.memref_squeeze %dma_start3A_771 : memref<1x100000xf32, #tpu.memory_space<hbm>> -> memref<100000xf32, #tpu.memory_space<hbm>>
          %dma_start3A_773 = arith.constant 0 : i32
          %dma_start3A_774 = tpu.memref_slice %dma_start3A_772[%dma_start3A_773] : memref<100000xf32, #tpu.memory_space<hbm>> -> memref<100000xf32, #tpu.memory_space<hbm>>
          tpu.enqueue_indirect_dma source(%dma_start3A_774 : memref<100000xf32, #tpu.memory_space<hbm>>) target(%dma_start3A_768 : memref<128xf32, #tpu.memory_space<vmem>>) offsets(%dma_start3A_769 : memref<128xi32, #tpu.memory_space<vmem>>) semaphore(%arg16 : memref<!tpu.dma_semaphore, #tpu.memory_space<semaphore_mem>>)
          %mul3A_775 = arith.constant 32 : i32
          %mul3A_776 = arith.muli %add3A_353, %mul3A_775 : i32
          %add3A_777 = arith.constant 28 : i32
          %add3A_778 = arith.addi %mul3A_776, %add3A_777 : i32
          %mul3A_779 = arith.constant 128 : i32
          %mul3A_780 = arith.muli %add3A_353, %mul3A_779 : i32
          %dma_start3A_781 = arith.constant 3584 : i32
          %dma_start3A_782 = tpu.memref_slice %arg11[%dma_start3A_781] : memref<4096xf32, #tpu.memory_space<vmem>> -> memref<128xf32, #tpu.memory_space<vmem>>
          %dma_start3A_783 = tpu.memref_slice %arg8[%mul3A_780] : memref<3328xi32, #tpu.memory_space<vmem>> -> memref<128xi32, #tpu.memory_space<vmem>>
          %dma_start3A_784 = arith.constant 0 : i32
          %dma_start3A_785 = tpu.memref_slice %arg3[%add3A_778, %dma_start3A_784] : memref<832x100000xf32, #tpu.memory_space<hbm>> -> memref<1x100000xf32, #tpu.memory_space<hbm>>
          %dma_start3A_786 = tpu.memref_squeeze %dma_start3A_785 : memref<1x100000xf32, #tpu.memory_space<hbm>> -> memref<100000xf32, #tpu.memory_space<hbm>>
          %dma_start3A_787 = arith.constant 0 : i32
          %dma_start3A_788 = tpu.memref_slice %dma_start3A_786[%dma_start3A_787] : memref<100000xf32, #tpu.memory_space<hbm>> -> memref<100000xf32, #tpu.memory_space<hbm>>
          tpu.enqueue_indirect_dma source(%dma_start3A_788 : memref<100000xf32, #tpu.memory_space<hbm>>) target(%dma_start3A_782 : memref<128xf32, #tpu.memory_space<vmem>>) offsets(%dma_start3A_783 : memref<128xi32, #tpu.memory_space<vmem>>) semaphore(%arg16 : memref<!tpu.dma_semaphore, #tpu.memory_space<semaphore_mem>>)
          %mul3A_789 = arith.constant 32 : i32
          %mul3A_790 = arith.muli %add3A_353, %mul3A_789 : i32
          %add3A_791 = arith.constant 29 : i32
          %add3A_792 = arith.addi %mul3A_790, %add3A_791 : i32
          %mul3A_793 = arith.constant 128 : i32
          %mul3A_794 = arith.muli %add3A_353, %mul3A_793 : i32
          %dma_start3A_795 = arith.constant 3712 : i32
          %dma_start3A_796 = tpu.memref_slice %arg11[%dma_start3A_795] : memref<4096xf32, #tpu.memory_space<vmem>> -> memref<128xf32, #tpu.memory_space<vmem>>
          %dma_start3A_797 = tpu.memref_slice %arg8[%mul3A_794] : memref<3328xi32, #tpu.memory_space<vmem>> -> memref<128xi32, #tpu.memory_space<vmem>>
          %dma_start3A_798 = arith.constant 0 : i32
          %dma_start3A_799 = tpu.memref_slice %arg3[%add3A_792, %dma_start3A_798] : memref<832x100000xf32, #tpu.memory_space<hbm>> -> memref<1x100000xf32, #tpu.memory_space<hbm>>
          %dma_start3A_800 = tpu.memref_squeeze %dma_start3A_799 : memref<1x100000xf32, #tpu.memory_space<hbm>> -> memref<100000xf32, #tpu.memory_space<hbm>>
          %dma_start3A_801 = arith.constant 0 : i32
          %dma_start3A_802 = tpu.memref_slice %dma_start3A_800[%dma_start3A_801] : memref<100000xf32, #tpu.memory_space<hbm>> -> memref<100000xf32, #tpu.memory_space<hbm>>
          tpu.enqueue_indirect_dma source(%dma_start3A_802 : memref<100000xf32, #tpu.memory_space<hbm>>) target(%dma_start3A_796 : memref<128xf32, #tpu.memory_space<vmem>>) offsets(%dma_start3A_797 : memref<128xi32, #tpu.memory_space<vmem>>) semaphore(%arg16 : memref<!tpu.dma_semaphore, #tpu.memory_space<semaphore_mem>>)
          %mul3A_803 = arith.constant 32 : i32
          %mul3A_804 = arith.muli %add3A_353, %mul3A_803 : i32
          %add3A_805 = arith.constant 30 : i32
          %add3A_806 = arith.addi %mul3A_804, %add3A_805 : i32
          %mul3A_807 = arith.constant 128 : i32
          %mul3A_808 = arith.muli %add3A_353, %mul3A_807 : i32
          %dma_start3A_809 = arith.constant 3840 : i32
          %dma_start3A_810 = tpu.memref_slice %arg11[%dma_start3A_809] : memref<4096xf32, #tpu.memory_space<vmem>> -> memref<128xf32, #tpu.memory_space<vmem>>
          %dma_start3A_811 = tpu.memref_slice %arg8[%mul3A_808] : memref<3328xi32, #tpu.memory_space<vmem>> -> memref<128xi32, #tpu.memory_space<vmem>>
          %dma_start3A_812 = arith.constant 0 : i32
          %dma_start3A_813 = tpu.memref_slice %arg3[%add3A_806, %dma_start3A_812] : memref<832x100000xf32, #tpu.memory_space<hbm>> -> memref<1x100000xf32, #tpu.memory_space<hbm>>
          %dma_start3A_814 = tpu.memref_squeeze %dma_start3A_813 : memref<1x100000xf32, #tpu.memory_space<hbm>> -> memref<100000xf32, #tpu.memory_space<hbm>>
          %dma_start3A_815 = arith.constant 0 : i32
          %dma_start3A_816 = tpu.memref_slice %dma_start3A_814[%dma_start3A_815] : memref<100000xf32, #tpu.memory_space<hbm>> -> memref<100000xf32, #tpu.memory_space<hbm>>
          tpu.enqueue_indirect_dma source(%dma_start3A_816 : memref<100000xf32, #tpu.memory_space<hbm>>) target(%dma_start3A_810 : memref<128xf32, #tpu.memory_space<vmem>>) offsets(%dma_start3A_811 : memref<128xi32, #tpu.memory_space<vmem>>) semaphore(%arg16 : memref<!tpu.dma_semaphore, #tpu.memory_space<semaphore_mem>>)
          %mul3A_817 = arith.constant 32 : i32
          %mul3A_818 = arith.muli %add3A_353, %mul3A_817 : i32
          %add3A_819 = arith.constant 31 : i32
          %add3A_820 = arith.addi %mul3A_818, %add3A_819 : i32
          %mul3A_821 = arith.constant 128 : i32
          %mul3A_822 = arith.muli %add3A_353, %mul3A_821 : i32
          %dma_start3A_823 = arith.constant 3968 : i32
          %dma_start3A_824 = tpu.memref_slice %arg11[%dma_start3A_823] : memref<4096xf32, #tpu.memory_space<vmem>> -> memref<128xf32, #tpu.memory_space<vmem>>
          %dma_start3A_825 = tpu.memref_slice %arg8[%mul3A_822] : memref<3328xi32, #tpu.memory_space<vmem>> -> memref<128xi32, #tpu.memory_space<vmem>>
          %dma_start3A_826 = arith.constant 0 : i32
          %dma_start3A_827 = tpu.memref_slice %arg3[%add3A_820, %dma_start3A_826] : memref<832x100000xf32, #tpu.memory_space<hbm>> -> memref<1x100000xf32, #tpu.memory_space<hbm>>
          %dma_start3A_828 = tpu.memref_squeeze %dma_start3A_827 : memref<1x100000xf32, #tpu.memory_space<hbm>> -> memref<100000xf32, #tpu.memory_space<hbm>>
          %dma_start3A_829 = arith.constant 0 : i32
          %dma_start3A_830 = tpu.memref_slice %dma_start3A_828[%dma_start3A_829] : memref<100000xf32, #tpu.memory_space<hbm>> -> memref<100000xf32, #tpu.memory_space<hbm>>
          tpu.enqueue_indirect_dma source(%dma_start3A_830 : memref<100000xf32, #tpu.memory_space<hbm>>) target(%dma_start3A_824 : memref<128xf32, #tpu.memory_space<vmem>>) offsets(%dma_start3A_825 : memref<128xi32, #tpu.memory_space<vmem>>) semaphore(%arg16 : memref<!tpu.dma_semaphore, #tpu.memory_space<semaphore_mem>>)
        } else {
        }
      } else {
      }
      %rem3A = arith.constant 2 : i32
      %rem3A_356 = arith.remsi %scan3A_350, %rem3A : i32
      %eq3A = arith.constant 0 : i32
      %eq3A_357 = arith.cmpi eq, %rem3A_356, %eq3A : i32
      %convert_element_type3A_358 = arith.extui %eq3A_357 : i1 to i32
      %cond3A_359 = arith.constant 0 : i32
      %cond3A_360 = arith.cmpi ne, %convert_element_type3A_358, %cond3A_359 : i32
      scf.if %cond3A_360 {
        %mul3A_369 = arith.constant 32 : i32
        %mul3A_370 = arith.muli %scan3A_350, %mul3A_369 : i32
        %add3A_371 = arith.constant 0 : i32
        %add3A_372 = arith.addi %mul3A_370, %add3A_371 : i32
        %mul3A_373 = arith.constant 128 : i32
        %mul3A_374 = arith.muli %scan3A_350, %mul3A_373 : i32
        %dma_wait3A_375 = arith.constant 0 : i32
        %dma_wait3A_376 = tpu.memref_slice %arg11[%dma_wait3A_375] : memref<4096xf32, #tpu.memory_space<vmem>> -> memref<128xf32, #tpu.memory_space<vmem>>
        %dma_wait3A_377 = tpu.memref_slice %arg8[%mul3A_374] : memref<3328xi32, #tpu.memory_space<vmem>> -> memref<128xi32, #tpu.memory_space<vmem>>
        %dma_wait3A_378 = arith.constant 0 : i32
        %dma_wait3A_379 = tpu.memref_slice %arg3[%add3A_372, %dma_wait3A_378] : memref<832x100000xf32, #tpu.memory_space<hbm>> -> memref<1x100000xf32, #tpu.memory_space<hbm>>
        %dma_wait3A_380 = tpu.memref_squeeze %dma_wait3A_379 : memref<1x100000xf32, #tpu.memory_space<hbm>> -> memref<100000xf32, #tpu.memory_space<hbm>>
        %dma_wait3A_381 = arith.constant 0 : i32
        %dma_wait3A_382 = tpu.memref_slice %dma_wait3A_380[%dma_wait3A_381] : memref<100000xf32, #tpu.memory_space<hbm>> -> memref<100000xf32, #tpu.memory_space<hbm>>
        tpu.wait_indirect_dma semaphore(%arg16 : memref<!tpu.dma_semaphore, #tpu.memory_space<semaphore_mem>>) src(%dma_wait3A_382 : memref<100000xf32, #tpu.memory_space<hbm>>) dst(%dma_wait3A_376 : memref<128xf32, #tpu.memory_space<vmem>>)
        %mul3A_383 = arith.constant 32 : i32
        %mul3A_384 = arith.muli %scan3A_350, %mul3A_383 : i32
        %add3A_385 = arith.constant 1 : i32
        %add3A_386 = arith.addi %mul3A_384, %add3A_385 : i32
        %mul3A_387 = arith.constant 128 : i32
        %mul3A_388 = arith.muli %scan3A_350, %mul3A_387 : i32
        %dma_wait3A_389 = arith.constant 128 : i32
        %dma_wait3A_390 = tpu.memref_slice %arg11[%dma_wait3A_389] : memref<4096xf32, #tpu.memory_space<vmem>> -> memref<128xf32, #tpu.memory_space<vmem>>
        %dma_wait3A_391 = tpu.memref_slice %arg8[%mul3A_388] : memref<3328xi32, #tpu.memory_space<vmem>> -> memref<128xi32, #tpu.memory_space<vmem>>
        %dma_wait3A_392 = arith.constant 0 : i32
        %dma_wait3A_393 = tpu.memref_slice %arg3[%add3A_386, %dma_wait3A_392] : memref<832x100000xf32, #tpu.memory_space<hbm>> -> memref<1x100000xf32, #tpu.memory_space<hbm>>
        %dma_wait3A_394 = tpu.memref_squeeze %dma_wait3A_393 : memref<1x100000xf32, #tpu.memory_space<hbm>> -> memref<100000xf32, #tpu.memory_space<hbm>>
        %dma_wait3A_395 = arith.constant 0 : i32
        %dma_wait3A_396 = tpu.memref_slice %dma_wait3A_394[%dma_wait3A_395] : memref<100000xf32, #tpu.memory_space<hbm>> -> memref<100000xf32, #tpu.memory_space<hbm>>
        tpu.wait_indirect_dma semaphore(%arg16 : memref<!tpu.dma_semaphore, #tpu.memory_space<semaphore_mem>>) src(%dma_wait3A_396 : memref<100000xf32, #tpu.memory_space<hbm>>) dst(%dma_wait3A_390 : memref<128xf32, #tpu.memory_space<vmem>>)
        %mul3A_397 = arith.constant 32 : i32
        %mul3A_398 = arith.muli %scan3A_350, %mul3A_397 : i32
        %add3A_399 = arith.constant 2 : i32
        %add3A_400 = arith.addi %mul3A_398, %add3A_399 : i32
        %mul3A_401 = arith.constant 128 : i32
        %mul3A_402 = arith.muli %scan3A_350, %mul3A_401 : i32
        %dma_wait3A_403 = arith.constant 256 : i32
        %dma_wait3A_404 = tpu.memref_slice %arg11[%dma_wait3A_403] : memref<4096xf32, #tpu.memory_space<vmem>> -> memref<128xf32, #tpu.memory_space<vmem>>
        %dma_wait3A_405 = tpu.memref_slice %arg8[%mul3A_402] : memref<3328xi32, #tpu.memory_space<vmem>> -> memref<128xi32, #tpu.memory_space<vmem>>
        %dma_wait3A_406 = arith.constant 0 : i32
        %dma_wait3A_407 = tpu.memref_slice %arg3[%add3A_400, %dma_wait3A_406] : memref<832x100000xf32, #tpu.memory_space<hbm>> -> memref<1x100000xf32, #tpu.memory_space<hbm>>
        %dma_wait3A_408 = tpu.memref_squeeze %dma_wait3A_407 : memref<1x100000xf32, #tpu.memory_space<hbm>> -> memref<100000xf32, #tpu.memory_space<hbm>>
        %dma_wait3A_409 = arith.constant 0 : i32
        %dma_wait3A_410 = tpu.memref_slice %dma_wait3A_408[%dma_wait3A_409] : memref<100000xf32, #tpu.memory_space<hbm>> -> memref<100000xf32, #tpu.memory_space<hbm>>
        tpu.wait_indirect_dma semaphore(%arg16 : memref<!tpu.dma_semaphore, #tpu.memory_space<semaphore_mem>>) src(%dma_wait3A_410 : memref<100000xf32, #tpu.memory_space<hbm>>) dst(%dma_wait3A_404 : memref<128xf32, #tpu.memory_space<vmem>>)
        %mul3A_411 = arith.constant 32 : i32
        %mul3A_412 = arith.muli %scan3A_350, %mul3A_411 : i32
        %add3A_413 = arith.constant 3 : i32
        %add3A_414 = arith.addi %mul3A_412, %add3A_413 : i32
        %mul3A_415 = arith.constant 128 : i32
        %mul3A_416 = arith.muli %scan3A_350, %mul3A_415 : i32
        %dma_wait3A_417 = arith.constant 384 : i32
        %dma_wait3A_418 = tpu.memref_slice %arg11[%dma_wait3A_417] : memref<4096xf32, #tpu.memory_space<vmem>> -> memref<128xf32, #tpu.memory_space<vmem>>
        %dma_wait3A_419 = tpu.memref_slice %arg8[%mul3A_416] : memref<3328xi32, #tpu.memory_space<vmem>> -> memref<128xi32, #tpu.memory_space<vmem>>
        %dma_wait3A_420 = arith.constant 0 : i32
        %dma_wait3A_421 = tpu.memref_slice %arg3[%add3A_414, %dma_wait3A_420] : memref<832x100000xf32, #tpu.memory_space<hbm>> -> memref<1x100000xf32, #tpu.memory_space<hbm>>
        %dma_wait3A_422 = tpu.memref_squeeze %dma_wait3A_421 : memref<1x100000xf32, #tpu.memory_space<hbm>> -> memref<100000xf32, #tpu.memory_space<hbm>>
        %dma_wait3A_423 = arith.constant 0 : i32
        %dma_wait3A_424 = tpu.memref_slice %dma_wait3A_422[%dma_wait3A_423] : memref<100000xf32, #tpu.memory_space<hbm>> -> memref<100000xf32, #tpu.memory_space<hbm>>
        tpu.wait_indirect_dma semaphore(%arg16 : memref<!tpu.dma_semaphore, #tpu.memory_space<semaphore_mem>>) src(%dma_wait3A_424 : memref<100000xf32, #tpu.memory_space<hbm>>) dst(%dma_wait3A_418 : memref<128xf32, #tpu.memory_space<vmem>>)
        %mul3A_425 = arith.constant 32 : i32
        %mul3A_426 = arith.muli %scan3A_350, %mul3A_425 : i32
        %add3A_427 = arith.constant 4 : i32
        %add3A_428 = arith.addi %mul3A_426, %add3A_427 : i32
        %mul3A_429 = arith.constant 128 : i32
        %mul3A_430 = arith.muli %scan3A_350, %mul3A_429 : i32
        %dma_wait3A_431 = arith.constant 512 : i32
        %dma_wait3A_432 = tpu.memref_slice %arg11[%dma_wait3A_431] : memref<4096xf32, #tpu.memory_space<vmem>> -> memref<128xf32, #tpu.memory_space<vmem>>
        %dma_wait3A_433 = tpu.memref_slice %arg8[%mul3A_430] : memref<3328xi32, #tpu.memory_space<vmem>> -> memref<128xi32, #tpu.memory_space<vmem>>
        %dma_wait3A_434 = arith.constant 0 : i32
        %dma_wait3A_435 = tpu.memref_slice %arg3[%add3A_428, %dma_wait3A_434] : memref<832x100000xf32, #tpu.memory_space<hbm>> -> memref<1x100000xf32, #tpu.memory_space<hbm>>
        %dma_wait3A_436 = tpu.memref_squeeze %dma_wait3A_435 : memref<1x100000xf32, #tpu.memory_space<hbm>> -> memref<100000xf32, #tpu.memory_space<hbm>>
        %dma_wait3A_437 = arith.constant 0 : i32
        %dma_wait3A_438 = tpu.memref_slice %dma_wait3A_436[%dma_wait3A_437] : memref<100000xf32, #tpu.memory_space<hbm>> -> memref<100000xf32, #tpu.memory_space<hbm>>
        tpu.wait_indirect_dma semaphore(%arg16 : memref<!tpu.dma_semaphore, #tpu.memory_space<semaphore_mem>>) src(%dma_wait3A_438 : memref<100000xf32, #tpu.memory_space<hbm>>) dst(%dma_wait3A_432 : memref<128xf32, #tpu.memory_space<vmem>>)
        %mul3A_439 = arith.constant 32 : i32
        %mul3A_440 = arith.muli %scan3A_350, %mul3A_439 : i32
        %add3A_441 = arith.constant 5 : i32
        %add3A_442 = arith.addi %mul3A_440, %add3A_441 : i32
        %mul3A_443 = arith.constant 128 : i32
        %mul3A_444 = arith.muli %scan3A_350, %mul3A_443 : i32
        %dma_wait3A_445 = arith.constant 640 : i32
        %dma_wait3A_446 = tpu.memref_slice %arg11[%dma_wait3A_445] : memref<4096xf32, #tpu.memory_space<vmem>> -> memref<128xf32, #tpu.memory_space<vmem>>
        %dma_wait3A_447 = tpu.memref_slice %arg8[%mul3A_444] : memref<3328xi32, #tpu.memory_space<vmem>> -> memref<128xi32, #tpu.memory_space<vmem>>
        %dma_wait3A_448 = arith.constant 0 : i32
        %dma_wait3A_449 = tpu.memref_slice %arg3[%add3A_442, %dma_wait3A_448] : memref<832x100000xf32, #tpu.memory_space<hbm>> -> memref<1x100000xf32, #tpu.memory_space<hbm>>
        %dma_wait3A_450 = tpu.memref_squeeze %dma_wait3A_449 : memref<1x100000xf32, #tpu.memory_space<hbm>> -> memref<100000xf32, #tpu.memory_space<hbm>>
        %dma_wait3A_451 = arith.constant 0 : i32
        %dma_wait3A_452 = tpu.memref_slice %dma_wait3A_450[%dma_wait3A_451] : memref<100000xf32, #tpu.memory_space<hbm>> -> memref<100000xf32, #tpu.memory_space<hbm>>
        tpu.wait_indirect_dma semaphore(%arg16 : memref<!tpu.dma_semaphore, #tpu.memory_space<semaphore_mem>>) src(%dma_wait3A_452 : memref<100000xf32, #tpu.memory_space<hbm>>) dst(%dma_wait3A_446 : memref<128xf32, #tpu.memory_space<vmem>>)
        %mul3A_453 = arith.constant 32 : i32
        %mul3A_454 = arith.muli %scan3A_350, %mul3A_453 : i32
        %add3A_455 = arith.constant 6 : i32
        %add3A_456 = arith.addi %mul3A_454, %add3A_455 : i32
        %mul3A_457 = arith.constant 128 : i32
        %mul3A_458 = arith.muli %scan3A_350, %mul3A_457 : i32
        %dma_wait3A_459 = arith.constant 768 : i32
        %dma_wait3A_460 = tpu.memref_slice %arg11[%dma_wait3A_459] : memref<4096xf32, #tpu.memory_space<vmem>> -> memref<128xf32, #tpu.memory_space<vmem>>
        %dma_wait3A_461 = tpu.memref_slice %arg8[%mul3A_458] : memref<3328xi32, #tpu.memory_space<vmem>> -> memref<128xi32, #tpu.memory_space<vmem>>
        %dma_wait3A_462 = arith.constant 0 : i32
        %dma_wait3A_463 = tpu.memref_slice %arg3[%add3A_456, %dma_wait3A_462] : memref<832x100000xf32, #tpu.memory_space<hbm>> -> memref<1x100000xf32, #tpu.memory_space<hbm>>
        %dma_wait3A_464 = tpu.memref_squeeze %dma_wait3A_463 : memref<1x100000xf32, #tpu.memory_space<hbm>> -> memref<100000xf32, #tpu.memory_space<hbm>>
        %dma_wait3A_465 = arith.constant 0 : i32
        %dma_wait3A_466 = tpu.memref_slice %dma_wait3A_464[%dma_wait3A_465] : memref<100000xf32, #tpu.memory_space<hbm>> -> memref<100000xf32, #tpu.memory_space<hbm>>
        tpu.wait_indirect_dma semaphore(%arg16 : memref<!tpu.dma_semaphore, #tpu.memory_space<semaphore_mem>>) src(%dma_wait3A_466 : memref<100000xf32, #tpu.memory_space<hbm>>) dst(%dma_wait3A_460 : memref<128xf32, #tpu.memory_space<vmem>>)
        %mul3A_467 = arith.constant 32 : i32
        %mul3A_468 = arith.muli %scan3A_350, %mul3A_467 : i32
        %add3A_469 = arith.constant 7 : i32
        %add3A_470 = arith.addi %mul3A_468, %add3A_469 : i32
        %mul3A_471 = arith.constant 128 : i32
        %mul3A_472 = arith.muli %scan3A_350, %mul3A_471 : i32
        %dma_wait3A_473 = arith.constant 896 : i32
        %dma_wait3A_474 = tpu.memref_slice %arg11[%dma_wait3A_473] : memref<4096xf32, #tpu.memory_space<vmem>> -> memref<128xf32, #tpu.memory_space<vmem>>
        %dma_wait3A_475 = tpu.memref_slice %arg8[%mul3A_472] : memref<3328xi32, #tpu.memory_space<vmem>> -> memref<128xi32, #tpu.memory_space<vmem>>
        %dma_wait3A_476 = arith.constant 0 : i32
        %dma_wait3A_477 = tpu.memref_slice %arg3[%add3A_470, %dma_wait3A_476] : memref<832x100000xf32, #tpu.memory_space<hbm>> -> memref<1x100000xf32, #tpu.memory_space<hbm>>
        %dma_wait3A_478 = tpu.memref_squeeze %dma_wait3A_477 : memref<1x100000xf32, #tpu.memory_space<hbm>> -> memref<100000xf32, #tpu.memory_space<hbm>>
        %dma_wait3A_479 = arith.constant 0 : i32
        %dma_wait3A_480 = tpu.memref_slice %dma_wait3A_478[%dma_wait3A_479] : memref<100000xf32, #tpu.memory_space<hbm>> -> memref<100000xf32, #tpu.memory_space<hbm>>
        tpu.wait_indirect_dma semaphore(%arg16 : memref<!tpu.dma_semaphore, #tpu.memory_space<semaphore_mem>>) src(%dma_wait3A_480 : memref<100000xf32, #tpu.memory_space<hbm>>) dst(%dma_wait3A_474 : memref<128xf32, #tpu.memory_space<vmem>>)
        %mul3A_481 = arith.constant 32 : i32
        %mul3A_482 = arith.muli %scan3A_350, %mul3A_481 : i32
        %add3A_483 = arith.constant 8 : i32
        %add3A_484 = arith.addi %mul3A_482, %add3A_483 : i32
        %mul3A_485 = arith.constant 128 : i32
        %mul3A_486 = arith.muli %scan3A_350, %mul3A_485 : i32
        %dma_wait3A_487 = arith.constant 1024 : i32
        %dma_wait3A_488 = tpu.memref_slice %arg11[%dma_wait3A_487] : memref<4096xf32, #tpu.memory_space<vmem>> -> memref<128xf32, #tpu.memory_space<vmem>>
        %dma_wait3A_489 = tpu.memref_slice %arg8[%mul3A_486] : memref<3328xi32, #tpu.memory_space<vmem>> -> memref<128xi32, #tpu.memory_space<vmem>>
        %dma_wait3A_490 = arith.constant 0 : i32
        %dma_wait3A_491 = tpu.memref_slice %arg3[%add3A_484, %dma_wait3A_490] : memref<832x100000xf32, #tpu.memory_space<hbm>> -> memref<1x100000xf32, #tpu.memory_space<hbm>>
        %dma_wait3A_492 = tpu.memref_squeeze %dma_wait3A_491 : memref<1x100000xf32, #tpu.memory_space<hbm>> -> memref<100000xf32, #tpu.memory_space<hbm>>
        %dma_wait3A_493 = arith.constant 0 : i32
        %dma_wait3A_494 = tpu.memref_slice %dma_wait3A_492[%dma_wait3A_493] : memref<100000xf32, #tpu.memory_space<hbm>> -> memref<100000xf32, #tpu.memory_space<hbm>>
        tpu.wait_indirect_dma semaphore(%arg16 : memref<!tpu.dma_semaphore, #tpu.memory_space<semaphore_mem>>) src(%dma_wait3A_494 : memref<100000xf32, #tpu.memory_space<hbm>>) dst(%dma_wait3A_488 : memref<128xf32, #tpu.memory_space<vmem>>)
        %mul3A_495 = arith.constant 32 : i32
        %mul3A_496 = arith.muli %scan3A_350, %mul3A_495 : i32
        %add3A_497 = arith.constant 9 : i32
        %add3A_498 = arith.addi %mul3A_496, %add3A_497 : i32
        %mul3A_499 = arith.constant 128 : i32
        %mul3A_500 = arith.muli %scan3A_350, %mul3A_499 : i32
        %dma_wait3A_501 = arith.constant 1152 : i32
        %dma_wait3A_502 = tpu.memref_slice %arg11[%dma_wait3A_501] : memref<4096xf32, #tpu.memory_space<vmem>> -> memref<128xf32, #tpu.memory_space<vmem>>
        %dma_wait3A_503 = tpu.memref_slice %arg8[%mul3A_500] : memref<3328xi32, #tpu.memory_space<vmem>> -> memref<128xi32, #tpu.memory_space<vmem>>
        %dma_wait3A_504 = arith.constant 0 : i32
        %dma_wait3A_505 = tpu.memref_slice %arg3[%add3A_498, %dma_wait3A_504] : memref<832x100000xf32, #tpu.memory_space<hbm>> -> memref<1x100000xf32, #tpu.memory_space<hbm>>
        %dma_wait3A_506 = tpu.memref_squeeze %dma_wait3A_505 : memref<1x100000xf32, #tpu.memory_space<hbm>> -> memref<100000xf32, #tpu.memory_space<hbm>>
        %dma_wait3A_507 = arith.constant 0 : i32
        %dma_wait3A_508 = tpu.memref_slice %dma_wait3A_506[%dma_wait3A_507] : memref<100000xf32, #tpu.memory_space<hbm>> -> memref<100000xf32, #tpu.memory_space<hbm>>
        tpu.wait_indirect_dma semaphore(%arg16 : memref<!tpu.dma_semaphore, #tpu.memory_space<semaphore_mem>>) src(%dma_wait3A_508 : memref<100000xf32, #tpu.memory_space<hbm>>) dst(%dma_wait3A_502 : memref<128xf32, #tpu.memory_space<vmem>>)
        %mul3A_509 = arith.constant 32 : i32
        %mul3A_510 = arith.muli %scan3A_350, %mul3A_509 : i32
        %add3A_511 = arith.constant 10 : i32
        %add3A_512 = arith.addi %mul3A_510, %add3A_511 : i32
        %mul3A_513 = arith.constant 128 : i32
        %mul3A_514 = arith.muli %scan3A_350, %mul3A_513 : i32
        %dma_wait3A_515 = arith.constant 1280 : i32
        %dma_wait3A_516 = tpu.memref_slice %arg11[%dma_wait3A_515] : memref<4096xf32, #tpu.memory_space<vmem>> -> memref<128xf32, #tpu.memory_space<vmem>>
        %dma_wait3A_517 = tpu.memref_slice %arg8[%mul3A_514] : memref<3328xi32, #tpu.memory_space<vmem>> -> memref<128xi32, #tpu.memory_space<vmem>>
        %dma_wait3A_518 = arith.constant 0 : i32
        %dma_wait3A_519 = tpu.memref_slice %arg3[%add3A_512, %dma_wait3A_518] : memref<832x100000xf32, #tpu.memory_space<hbm>> -> memref<1x100000xf32, #tpu.memory_space<hbm>>
        %dma_wait3A_520 = tpu.memref_squeeze %dma_wait3A_519 : memref<1x100000xf32, #tpu.memory_space<hbm>> -> memref<100000xf32, #tpu.memory_space<hbm>>
        %dma_wait3A_521 = arith.constant 0 : i32
        %dma_wait3A_522 = tpu.memref_slice %dma_wait3A_520[%dma_wait3A_521] : memref<100000xf32, #tpu.memory_space<hbm>> -> memref<100000xf32, #tpu.memory_space<hbm>>
        tpu.wait_indirect_dma semaphore(%arg16 : memref<!tpu.dma_semaphore, #tpu.memory_space<semaphore_mem>>) src(%dma_wait3A_522 : memref<100000xf32, #tpu.memory_space<hbm>>) dst(%dma_wait3A_516 : memref<128xf32, #tpu.memory_space<vmem>>)
        %mul3A_523 = arith.constant 32 : i32
        %mul3A_524 = arith.muli %scan3A_350, %mul3A_523 : i32
        %add3A_525 = arith.constant 11 : i32
        %add3A_526 = arith.addi %mul3A_524, %add3A_525 : i32
        %mul3A_527 = arith.constant 128 : i32
        %mul3A_528 = arith.muli %scan3A_350, %mul3A_527 : i32
        %dma_wait3A_529 = arith.constant 1408 : i32
        %dma_wait3A_530 = tpu.memref_slice %arg11[%dma_wait3A_529] : memref<4096xf32, #tpu.memory_space<vmem>> -> memref<128xf32, #tpu.memory_space<vmem>>
        %dma_wait3A_531 = tpu.memref_slice %arg8[%mul3A_528] : memref<3328xi32, #tpu.memory_space<vmem>> -> memref<128xi32, #tpu.memory_space<vmem>>
        %dma_wait3A_532 = arith.constant 0 : i32
        %dma_wait3A_533 = tpu.memref_slice %arg3[%add3A_526, %dma_wait3A_532] : memref<832x100000xf32, #tpu.memory_space<hbm>> -> memref<1x100000xf32, #tpu.memory_space<hbm>>
        %dma_wait3A_534 = tpu.memref_squeeze %dma_wait3A_533 : memref<1x100000xf32, #tpu.memory_space<hbm>> -> memref<100000xf32, #tpu.memory_space<hbm>>
        %dma_wait3A_535 = arith.constant 0 : i32
        %dma_wait3A_536 = tpu.memref_slice %dma_wait3A_534[%dma_wait3A_535] : memref<100000xf32, #tpu.memory_space<hbm>> -> memref<100000xf32, #tpu.memory_space<hbm>>
        tpu.wait_indirect_dma semaphore(%arg16 : memref<!tpu.dma_semaphore, #tpu.memory_space<semaphore_mem>>) src(%dma_wait3A_536 : memref<100000xf32, #tpu.memory_space<hbm>>) dst(%dma_wait3A_530 : memref<128xf32, #tpu.memory_space<vmem>>)
        %mul3A_537 = arith.constant 32 : i32
        %mul3A_538 = arith.muli %scan3A_350, %mul3A_537 : i32
        %add3A_539 = arith.constant 12 : i32
        %add3A_540 = arith.addi %mul3A_538, %add3A_539 : i32
        %mul3A_541 = arith.constant 128 : i32
        %mul3A_542 = arith.muli %scan3A_350, %mul3A_541 : i32
        %dma_wait3A_543 = arith.constant 1536 : i32
        %dma_wait3A_544 = tpu.memref_slice %arg11[%dma_wait3A_543] : memref<4096xf32, #tpu.memory_space<vmem>> -> memref<128xf32, #tpu.memory_space<vmem>>
        %dma_wait3A_545 = tpu.memref_slice %arg8[%mul3A_542] : memref<3328xi32, #tpu.memory_space<vmem>> -> memref<128xi32, #tpu.memory_space<vmem>>
        %dma_wait3A_546 = arith.constant 0 : i32
        %dma_wait3A_547 = tpu.memref_slice %arg3[%add3A_540, %dma_wait3A_546] : memref<832x100000xf32, #tpu.memory_space<hbm>> -> memref<1x100000xf32, #tpu.memory_space<hbm>>
        %dma_wait3A_548 = tpu.memref_squeeze %dma_wait3A_547 : memref<1x100000xf32, #tpu.memory_space<hbm>> -> memref<100000xf32, #tpu.memory_space<hbm>>
        %dma_wait3A_549 = arith.constant 0 : i32
        %dma_wait3A_550 = tpu.memref_slice %dma_wait3A_548[%dma_wait3A_549] : memref<100000xf32, #tpu.memory_space<hbm>> -> memref<100000xf32, #tpu.memory_space<hbm>>
        tpu.wait_indirect_dma semaphore(%arg16 : memref<!tpu.dma_semaphore, #tpu.memory_space<semaphore_mem>>) src(%dma_wait3A_550 : memref<100000xf32, #tpu.memory_space<hbm>>) dst(%dma_wait3A_544 : memref<128xf32, #tpu.memory_space<vmem>>)
        %mul3A_551 = arith.constant 32 : i32
        %mul3A_552 = arith.muli %scan3A_350, %mul3A_551 : i32
        %add3A_553 = arith.constant 13 : i32
        %add3A_554 = arith.addi %mul3A_552, %add3A_553 : i32
        %mul3A_555 = arith.constant 128 : i32
        %mul3A_556 = arith.muli %scan3A_350, %mul3A_555 : i32
        %dma_wait3A_557 = arith.constant 1664 : i32
        %dma_wait3A_558 = tpu.memref_slice %arg11[%dma_wait3A_557] : memref<4096xf32, #tpu.memory_space<vmem>> -> memref<128xf32, #tpu.memory_space<vmem>>
        %dma_wait3A_559 = tpu.memref_slice %arg8[%mul3A_556] : memref<3328xi32, #tpu.memory_space<vmem>> -> memref<128xi32, #tpu.memory_space<vmem>>
        %dma_wait3A_560 = arith.constant 0 : i32
        %dma_wait3A_561 = tpu.memref_slice %arg3[%add3A_554, %dma_wait3A_560] : memref<832x100000xf32, #tpu.memory_space<hbm>> -> memref<1x100000xf32, #tpu.memory_space<hbm>>
        %dma_wait3A_562 = tpu.memref_squeeze %dma_wait3A_561 : memref<1x100000xf32, #tpu.memory_space<hbm>> -> memref<100000xf32, #tpu.memory_space<hbm>>
        %dma_wait3A_563 = arith.constant 0 : i32
        %dma_wait3A_564 = tpu.memref_slice %dma_wait3A_562[%dma_wait3A_563] : memref<100000xf32, #tpu.memory_space<hbm>> -> memref<100000xf32, #tpu.memory_space<hbm>>
        tpu.wait_indirect_dma semaphore(%arg16 : memref<!tpu.dma_semaphore, #tpu.memory_space<semaphore_mem>>) src(%dma_wait3A_564 : memref<100000xf32, #tpu.memory_space<hbm>>) dst(%dma_wait3A_558 : memref<128xf32, #tpu.memory_space<vmem>>)
        %mul3A_565 = arith.constant 32 : i32
        %mul3A_566 = arith.muli %scan3A_350, %mul3A_565 : i32
        %add3A_567 = arith.constant 14 : i32
        %add3A_568 = arith.addi %mul3A_566, %add3A_567 : i32
        %mul3A_569 = arith.constant 128 : i32
        %mul3A_570 = arith.muli %scan3A_350, %mul3A_569 : i32
        %dma_wait3A_571 = arith.constant 1792 : i32
        %dma_wait3A_572 = tpu.memref_slice %arg11[%dma_wait3A_571] : memref<4096xf32, #tpu.memory_space<vmem>> -> memref<128xf32, #tpu.memory_space<vmem>>
        %dma_wait3A_573 = tpu.memref_slice %arg8[%mul3A_570] : memref<3328xi32, #tpu.memory_space<vmem>> -> memref<128xi32, #tpu.memory_space<vmem>>
        %dma_wait3A_574 = arith.constant 0 : i32
        %dma_wait3A_575 = tpu.memref_slice %arg3[%add3A_568, %dma_wait3A_574] : memref<832x100000xf32, #tpu.memory_space<hbm>> -> memref<1x100000xf32, #tpu.memory_space<hbm>>
        %dma_wait3A_576 = tpu.memref_squeeze %dma_wait3A_575 : memref<1x100000xf32, #tpu.memory_space<hbm>> -> memref<100000xf32, #tpu.memory_space<hbm>>
        %dma_wait3A_577 = arith.constant 0 : i32
        %dma_wait3A_578 = tpu.memref_slice %dma_wait3A_576[%dma_wait3A_577] : memref<100000xf32, #tpu.memory_space<hbm>> -> memref<100000xf32, #tpu.memory_space<hbm>>
        tpu.wait_indirect_dma semaphore(%arg16 : memref<!tpu.dma_semaphore, #tpu.memory_space<semaphore_mem>>) src(%dma_wait3A_578 : memref<100000xf32, #tpu.memory_space<hbm>>) dst(%dma_wait3A_572 : memref<128xf32, #tpu.memory_space<vmem>>)
        %mul3A_579 = arith.constant 32 : i32
        %mul3A_580 = arith.muli %scan3A_350, %mul3A_579 : i32
        %add3A_581 = arith.constant 15 : i32
        %add3A_582 = arith.addi %mul3A_580, %add3A_581 : i32
        %mul3A_583 = arith.constant 128 : i32
        %mul3A_584 = arith.muli %scan3A_350, %mul3A_583 : i32
        %dma_wait3A_585 = arith.constant 1920 : i32
        %dma_wait3A_586 = tpu.memref_slice %arg11[%dma_wait3A_585] : memref<4096xf32, #tpu.memory_space<vmem>> -> memref<128xf32, #tpu.memory_space<vmem>>
        %dma_wait3A_587 = tpu.memref_slice %arg8[%mul3A_584] : memref<3328xi32, #tpu.memory_space<vmem>> -> memref<128xi32, #tpu.memory_space<vmem>>
        %dma_wait3A_588 = arith.constant 0 : i32
        %dma_wait3A_589 = tpu.memref_slice %arg3[%add3A_582, %dma_wait3A_588] : memref<832x100000xf32, #tpu.memory_space<hbm>> -> memref<1x100000xf32, #tpu.memory_space<hbm>>
        %dma_wait3A_590 = tpu.memref_squeeze %dma_wait3A_589 : memref<1x100000xf32, #tpu.memory_space<hbm>> -> memref<100000xf32, #tpu.memory_space<hbm>>
        %dma_wait3A_591 = arith.constant 0 : i32
        %dma_wait3A_592 = tpu.memref_slice %dma_wait3A_590[%dma_wait3A_591] : memref<100000xf32, #tpu.memory_space<hbm>> -> memref<100000xf32, #tpu.memory_space<hbm>>
        tpu.wait_indirect_dma semaphore(%arg16 : memref<!tpu.dma_semaphore, #tpu.memory_space<semaphore_mem>>) src(%dma_wait3A_592 : memref<100000xf32, #tpu.memory_space<hbm>>) dst(%dma_wait3A_586 : memref<128xf32, #tpu.memory_space<vmem>>)
        %mul3A_593 = arith.constant 32 : i32
        %mul3A_594 = arith.muli %scan3A_350, %mul3A_593 : i32
        %add3A_595 = arith.constant 16 : i32
        %add3A_596 = arith.addi %mul3A_594, %add3A_595 : i32
        %mul3A_597 = arith.constant 128 : i32
        %mul3A_598 = arith.muli %scan3A_350, %mul3A_597 : i32
        %dma_wait3A_599 = arith.constant 2048 : i32
        %dma_wait3A_600 = tpu.memref_slice %arg11[%dma_wait3A_599] : memref<4096xf32, #tpu.memory_space<vmem>> -> memref<128xf32, #tpu.memory_space<vmem>>
        %dma_wait3A_601 = tpu.memref_slice %arg8[%mul3A_598] : memref<3328xi32, #tpu.memory_space<vmem>> -> memref<128xi32, #tpu.memory_space<vmem>>
        %dma_wait3A_602 = arith.constant 0 : i32
        %dma_wait3A_603 = tpu.memref_slice %arg3[%add3A_596, %dma_wait3A_602] : memref<832x100000xf32, #tpu.memory_space<hbm>> -> memref<1x100000xf32, #tpu.memory_space<hbm>>
        %dma_wait3A_604 = tpu.memref_squeeze %dma_wait3A_603 : memref<1x100000xf32, #tpu.memory_space<hbm>> -> memref<100000xf32, #tpu.memory_space<hbm>>
        %dma_wait3A_605 = arith.constant 0 : i32
        %dma_wait3A_606 = tpu.memref_slice %dma_wait3A_604[%dma_wait3A_605] : memref<100000xf32, #tpu.memory_space<hbm>> -> memref<100000xf32, #tpu.memory_space<hbm>>
        tpu.wait_indirect_dma semaphore(%arg16 : memref<!tpu.dma_semaphore, #tpu.memory_space<semaphore_mem>>) src(%dma_wait3A_606 : memref<100000xf32, #tpu.memory_space<hbm>>) dst(%dma_wait3A_600 : memref<128xf32, #tpu.memory_space<vmem>>)
        %mul3A_607 = arith.constant 32 : i32
        %mul3A_608 = arith.muli %scan3A_350, %mul3A_607 : i32
        %add3A_609 = arith.constant 17 : i32
        %add3A_610 = arith.addi %mul3A_608, %add3A_609 : i32
        %mul3A_611 = arith.constant 128 : i32
        %mul3A_612 = arith.muli %scan3A_350, %mul3A_611 : i32
        %dma_wait3A_613 = arith.constant 2176 : i32
        %dma_wait3A_614 = tpu.memref_slice %arg11[%dma_wait3A_613] : memref<4096xf32, #tpu.memory_space<vmem>> -> memref<128xf32, #tpu.memory_space<vmem>>
        %dma_wait3A_615 = tpu.memref_slice %arg8[%mul3A_612] : memref<3328xi32, #tpu.memory_space<vmem>> -> memref<128xi32, #tpu.memory_space<vmem>>
        %dma_wait3A_616 = arith.constant 0 : i32
        %dma_wait3A_617 = tpu.memref_slice %arg3[%add3A_610, %dma_wait3A_616] : memref<832x100000xf32, #tpu.memory_space<hbm>> -> memref<1x100000xf32, #tpu.memory_space<hbm>>
        %dma_wait3A_618 = tpu.memref_squeeze %dma_wait3A_617 : memref<1x100000xf32, #tpu.memory_space<hbm>> -> memref<100000xf32, #tpu.memory_space<hbm>>
        %dma_wait3A_619 = arith.constant 0 : i32
        %dma_wait3A_620 = tpu.memref_slice %dma_wait3A_618[%dma_wait3A_619] : memref<100000xf32, #tpu.memory_space<hbm>> -> memref<100000xf32, #tpu.memory_space<hbm>>
        tpu.wait_indirect_dma semaphore(%arg16 : memref<!tpu.dma_semaphore, #tpu.memory_space<semaphore_mem>>) src(%dma_wait3A_620 : memref<100000xf32, #tpu.memory_space<hbm>>) dst(%dma_wait3A_614 : memref<128xf32, #tpu.memory_space<vmem>>)
        %mul3A_621 = arith.constant 32 : i32
        %mul3A_622 = arith.muli %scan3A_350, %mul3A_621 : i32
        %add3A_623 = arith.constant 18 : i32
        %add3A_624 = arith.addi %mul3A_622, %add3A_623 : i32
        %mul3A_625 = arith.constant 128 : i32
        %mul3A_626 = arith.muli %scan3A_350, %mul3A_625 : i32
        %dma_wait3A_627 = arith.constant 2304 : i32
        %dma_wait3A_628 = tpu.memref_slice %arg11[%dma_wait3A_627] : memref<4096xf32, #tpu.memory_space<vmem>> -> memref<128xf32, #tpu.memory_space<vmem>>
        %dma_wait3A_629 = tpu.memref_slice %arg8[%mul3A_626] : memref<3328xi32, #tpu.memory_space<vmem>> -> memref<128xi32, #tpu.memory_space<vmem>>
        %dma_wait3A_630 = arith.constant 0 : i32
        %dma_wait3A_631 = tpu.memref_slice %arg3[%add3A_624, %dma_wait3A_630] : memref<832x100000xf32, #tpu.memory_space<hbm>> -> memref<1x100000xf32, #tpu.memory_space<hbm>>
        %dma_wait3A_632 = tpu.memref_squeeze %dma_wait3A_631 : memref<1x100000xf32, #tpu.memory_space<hbm>> -> memref<100000xf32, #tpu.memory_space<hbm>>
        %dma_wait3A_633 = arith.constant 0 : i32
        %dma_wait3A_634 = tpu.memref_slice %dma_wait3A_632[%dma_wait3A_633] : memref<100000xf32, #tpu.memory_space<hbm>> -> memref<100000xf32, #tpu.memory_space<hbm>>
        tpu.wait_indirect_dma semaphore(%arg16 : memref<!tpu.dma_semaphore, #tpu.memory_space<semaphore_mem>>) src(%dma_wait3A_634 : memref<100000xf32, #tpu.memory_space<hbm>>) dst(%dma_wait3A_628 : memref<128xf32, #tpu.memory_space<vmem>>)
        %mul3A_635 = arith.constant 32 : i32
        %mul3A_636 = arith.muli %scan3A_350, %mul3A_635 : i32
        %add3A_637 = arith.constant 19 : i32
        %add3A_638 = arith.addi %mul3A_636, %add3A_637 : i32
        %mul3A_639 = arith.constant 128 : i32
        %mul3A_640 = arith.muli %scan3A_350, %mul3A_639 : i32
        %dma_wait3A_641 = arith.constant 2432 : i32
        %dma_wait3A_642 = tpu.memref_slice %arg11[%dma_wait3A_641] : memref<4096xf32, #tpu.memory_space<vmem>> -> memref<128xf32, #tpu.memory_space<vmem>>
        %dma_wait3A_643 = tpu.memref_slice %arg8[%mul3A_640] : memref<3328xi32, #tpu.memory_space<vmem>> -> memref<128xi32, #tpu.memory_space<vmem>>
        %dma_wait3A_644 = arith.constant 0 : i32
        %dma_wait3A_645 = tpu.memref_slice %arg3[%add3A_638, %dma_wait3A_644] : memref<832x100000xf32, #tpu.memory_space<hbm>> -> memref<1x100000xf32, #tpu.memory_space<hbm>>
        %dma_wait3A_646 = tpu.memref_squeeze %dma_wait3A_645 : memref<1x100000xf32, #tpu.memory_space<hbm>> -> memref<100000xf32, #tpu.memory_space<hbm>>
        %dma_wait3A_647 = arith.constant 0 : i32
        %dma_wait3A_648 = tpu.memref_slice %dma_wait3A_646[%dma_wait3A_647] : memref<100000xf32, #tpu.memory_space<hbm>> -> memref<100000xf32, #tpu.memory_space<hbm>>
        tpu.wait_indirect_dma semaphore(%arg16 : memref<!tpu.dma_semaphore, #tpu.memory_space<semaphore_mem>>) src(%dma_wait3A_648 : memref<100000xf32, #tpu.memory_space<hbm>>) dst(%dma_wait3A_642 : memref<128xf32, #tpu.memory_space<vmem>>)
        %mul3A_649 = arith.constant 32 : i32
        %mul3A_650 = arith.muli %scan3A_350, %mul3A_649 : i32
        %add3A_651 = arith.constant 20 : i32
        %add3A_652 = arith.addi %mul3A_650, %add3A_651 : i32
        %mul3A_653 = arith.constant 128 : i32
        %mul3A_654 = arith.muli %scan3A_350, %mul3A_653 : i32
        %dma_wait3A_655 = arith.constant 2560 : i32
        %dma_wait3A_656 = tpu.memref_slice %arg11[%dma_wait3A_655] : memref<4096xf32, #tpu.memory_space<vmem>> -> memref<128xf32, #tpu.memory_space<vmem>>
        %dma_wait3A_657 = tpu.memref_slice %arg8[%mul3A_654] : memref<3328xi32, #tpu.memory_space<vmem>> -> memref<128xi32, #tpu.memory_space<vmem>>
        %dma_wait3A_658 = arith.constant 0 : i32
        %dma_wait3A_659 = tpu.memref_slice %arg3[%add3A_652, %dma_wait3A_658] : memref<832x100000xf32, #tpu.memory_space<hbm>> -> memref<1x100000xf32, #tpu.memory_space<hbm>>
        %dma_wait3A_660 = tpu.memref_squeeze %dma_wait3A_659 : memref<1x100000xf32, #tpu.memory_space<hbm>> -> memref<100000xf32, #tpu.memory_space<hbm>>
        %dma_wait3A_661 = arith.constant 0 : i32
        %dma_wait3A_662 = tpu.memref_slice %dma_wait3A_660[%dma_wait3A_661] : memref<100000xf32, #tpu.memory_space<hbm>> -> memref<100000xf32, #tpu.memory_space<hbm>>
        tpu.wait_indirect_dma semaphore(%arg16 : memref<!tpu.dma_semaphore, #tpu.memory_space<semaphore_mem>>) src(%dma_wait3A_662 : memref<100000xf32, #tpu.memory_space<hbm>>) dst(%dma_wait3A_656 : memref<128xf32, #tpu.memory_space<vmem>>)
        %mul3A_663 = arith.constant 32 : i32
        %mul3A_664 = arith.muli %scan3A_350, %mul3A_663 : i32
        %add3A_665 = arith.constant 21 : i32
        %add3A_666 = arith.addi %mul3A_664, %add3A_665 : i32
        %mul3A_667 = arith.constant 128 : i32
        %mul3A_668 = arith.muli %scan3A_350, %mul3A_667 : i32
        %dma_wait3A_669 = arith.constant 2688 : i32
        %dma_wait3A_670 = tpu.memref_slice %arg11[%dma_wait3A_669] : memref<4096xf32, #tpu.memory_space<vmem>> -> memref<128xf32, #tpu.memory_space<vmem>>
        %dma_wait3A_671 = tpu.memref_slice %arg8[%mul3A_668] : memref<3328xi32, #tpu.memory_space<vmem>> -> memref<128xi32, #tpu.memory_space<vmem>>
        %dma_wait3A_672 = arith.constant 0 : i32
        %dma_wait3A_673 = tpu.memref_slice %arg3[%add3A_666, %dma_wait3A_672] : memref<832x100000xf32, #tpu.memory_space<hbm>> -> memref<1x100000xf32, #tpu.memory_space<hbm>>
        %dma_wait3A_674 = tpu.memref_squeeze %dma_wait3A_673 : memref<1x100000xf32, #tpu.memory_space<hbm>> -> memref<100000xf32, #tpu.memory_space<hbm>>
        %dma_wait3A_675 = arith.constant 0 : i32
        %dma_wait3A_676 = tpu.memref_slice %dma_wait3A_674[%dma_wait3A_675] : memref<100000xf32, #tpu.memory_space<hbm>> -> memref<100000xf32, #tpu.memory_space<hbm>>
        tpu.wait_indirect_dma semaphore(%arg16 : memref<!tpu.dma_semaphore, #tpu.memory_space<semaphore_mem>>) src(%dma_wait3A_676 : memref<100000xf32, #tpu.memory_space<hbm>>) dst(%dma_wait3A_670 : memref<128xf32, #tpu.memory_space<vmem>>)
        %mul3A_677 = arith.constant 32 : i32
        %mul3A_678 = arith.muli %scan3A_350, %mul3A_677 : i32
        %add3A_679 = arith.constant 22 : i32
        %add3A_680 = arith.addi %mul3A_678, %add3A_679 : i32
        %mul3A_681 = arith.constant 128 : i32
        %mul3A_682 = arith.muli %scan3A_350, %mul3A_681 : i32
        %dma_wait3A_683 = arith.constant 2816 : i32
        %dma_wait3A_684 = tpu.memref_slice %arg11[%dma_wait3A_683] : memref<4096xf32, #tpu.memory_space<vmem>> -> memref<128xf32, #tpu.memory_space<vmem>>
        %dma_wait3A_685 = tpu.memref_slice %arg8[%mul3A_682] : memref<3328xi32, #tpu.memory_space<vmem>> -> memref<128xi32, #tpu.memory_space<vmem>>
        %dma_wait3A_686 = arith.constant 0 : i32
        %dma_wait3A_687 = tpu.memref_slice %arg3[%add3A_680, %dma_wait3A_686] : memref<832x100000xf32, #tpu.memory_space<hbm>> -> memref<1x100000xf32, #tpu.memory_space<hbm>>
        %dma_wait3A_688 = tpu.memref_squeeze %dma_wait3A_687 : memref<1x100000xf32, #tpu.memory_space<hbm>> -> memref<100000xf32, #tpu.memory_space<hbm>>
        %dma_wait3A_689 = arith.constant 0 : i32
        %dma_wait3A_690 = tpu.memref_slice %dma_wait3A_688[%dma_wait3A_689] : memref<100000xf32, #tpu.memory_space<hbm>> -> memref<100000xf32, #tpu.memory_space<hbm>>
        tpu.wait_indirect_dma semaphore(%arg16 : memref<!tpu.dma_semaphore, #tpu.memory_space<semaphore_mem>>) src(%dma_wait3A_690 : memref<100000xf32, #tpu.memory_space<hbm>>) dst(%dma_wait3A_684 : memref<128xf32, #tpu.memory_space<vmem>>)
        %mul3A_691 = arith.constant 32 : i32
        %mul3A_692 = arith.muli %scan3A_350, %mul3A_691 : i32
        %add3A_693 = arith.constant 23 : i32
        %add3A_694 = arith.addi %mul3A_692, %add3A_693 : i32
        %mul3A_695 = arith.constant 128 : i32
        %mul3A_696 = arith.muli %scan3A_350, %mul3A_695 : i32
        %dma_wait3A_697 = arith.constant 2944 : i32
        %dma_wait3A_698 = tpu.memref_slice %arg11[%dma_wait3A_697] : memref<4096xf32, #tpu.memory_space<vmem>> -> memref<128xf32, #tpu.memory_space<vmem>>
        %dma_wait3A_699 = tpu.memref_slice %arg8[%mul3A_696] : memref<3328xi32, #tpu.memory_space<vmem>> -> memref<128xi32, #tpu.memory_space<vmem>>
        %dma_wait3A_700 = arith.constant 0 : i32
        %dma_wait3A_701 = tpu.memref_slice %arg3[%add3A_694, %dma_wait3A_700] : memref<832x100000xf32, #tpu.memory_space<hbm>> -> memref<1x100000xf32, #tpu.memory_space<hbm>>
        %dma_wait3A_702 = tpu.memref_squeeze %dma_wait3A_701 : memref<1x100000xf32, #tpu.memory_space<hbm>> -> memref<100000xf32, #tpu.memory_space<hbm>>
        %dma_wait3A_703 = arith.constant 0 : i32
        %dma_wait3A_704 = tpu.memref_slice %dma_wait3A_702[%dma_wait3A_703] : memref<100000xf32, #tpu.memory_space<hbm>> -> memref<100000xf32, #tpu.memory_space<hbm>>
        tpu.wait_indirect_dma semaphore(%arg16 : memref<!tpu.dma_semaphore, #tpu.memory_space<semaphore_mem>>) src(%dma_wait3A_704 : memref<100000xf32, #tpu.memory_space<hbm>>) dst(%dma_wait3A_698 : memref<128xf32, #tpu.memory_space<vmem>>)
        %mul3A_705 = arith.constant 32 : i32
        %mul3A_706 = arith.muli %scan3A_350, %mul3A_705 : i32
        %add3A_707 = arith.constant 24 : i32
        %add3A_708 = arith.addi %mul3A_706, %add3A_707 : i32
        %mul3A_709 = arith.constant 128 : i32
        %mul3A_710 = arith.muli %scan3A_350, %mul3A_709 : i32
        %dma_wait3A_711 = arith.constant 3072 : i32
        %dma_wait3A_712 = tpu.memref_slice %arg11[%dma_wait3A_711] : memref<4096xf32, #tpu.memory_space<vmem>> -> memref<128xf32, #tpu.memory_space<vmem>>
        %dma_wait3A_713 = tpu.memref_slice %arg8[%mul3A_710] : memref<3328xi32, #tpu.memory_space<vmem>> -> memref<128xi32, #tpu.memory_space<vmem>>
        %dma_wait3A_714 = arith.constant 0 : i32
        %dma_wait3A_715 = tpu.memref_slice %arg3[%add3A_708, %dma_wait3A_714] : memref<832x100000xf32, #tpu.memory_space<hbm>> -> memref<1x100000xf32, #tpu.memory_space<hbm>>
        %dma_wait3A_716 = tpu.memref_squeeze %dma_wait3A_715 : memref<1x100000xf32, #tpu.memory_space<hbm>> -> memref<100000xf32, #tpu.memory_space<hbm>>
        %dma_wait3A_717 = arith.constant 0 : i32
        %dma_wait3A_718 = tpu.memref_slice %dma_wait3A_716[%dma_wait3A_717] : memref<100000xf32, #tpu.memory_space<hbm>> -> memref<100000xf32, #tpu.memory_space<hbm>>
        tpu.wait_indirect_dma semaphore(%arg16 : memref<!tpu.dma_semaphore, #tpu.memory_space<semaphore_mem>>) src(%dma_wait3A_718 : memref<100000xf32, #tpu.memory_space<hbm>>) dst(%dma_wait3A_712 : memref<128xf32, #tpu.memory_space<vmem>>)
        %mul3A_719 = arith.constant 32 : i32
        %mul3A_720 = arith.muli %scan3A_350, %mul3A_719 : i32
        %add3A_721 = arith.constant 25 : i32
        %add3A_722 = arith.addi %mul3A_720, %add3A_721 : i32
        %mul3A_723 = arith.constant 128 : i32
        %mul3A_724 = arith.muli %scan3A_350, %mul3A_723 : i32
        %dma_wait3A_725 = arith.constant 3200 : i32
        %dma_wait3A_726 = tpu.memref_slice %arg11[%dma_wait3A_725] : memref<4096xf32, #tpu.memory_space<vmem>> -> memref<128xf32, #tpu.memory_space<vmem>>
        %dma_wait3A_727 = tpu.memref_slice %arg8[%mul3A_724] : memref<3328xi32, #tpu.memory_space<vmem>> -> memref<128xi32, #tpu.memory_space<vmem>>
        %dma_wait3A_728 = arith.constant 0 : i32
        %dma_wait3A_729 = tpu.memref_slice %arg3[%add3A_722, %dma_wait3A_728] : memref<832x100000xf32, #tpu.memory_space<hbm>> -> memref<1x100000xf32, #tpu.memory_space<hbm>>
        %dma_wait3A_730 = tpu.memref_squeeze %dma_wait3A_729 : memref<1x100000xf32, #tpu.memory_space<hbm>> -> memref<100000xf32, #tpu.memory_space<hbm>>
        %dma_wait3A_731 = arith.constant 0 : i32
        %dma_wait3A_732 = tpu.memref_slice %dma_wait3A_730[%dma_wait3A_731] : memref<100000xf32, #tpu.memory_space<hbm>> -> memref<100000xf32, #tpu.memory_space<hbm>>
        tpu.wait_indirect_dma semaphore(%arg16 : memref<!tpu.dma_semaphore, #tpu.memory_space<semaphore_mem>>) src(%dma_wait3A_732 : memref<100000xf32, #tpu.memory_space<hbm>>) dst(%dma_wait3A_726 : memref<128xf32, #tpu.memory_space<vmem>>)
        %mul3A_733 = arith.constant 32 : i32
        %mul3A_734 = arith.muli %scan3A_350, %mul3A_733 : i32
        %add3A_735 = arith.constant 26 : i32
        %add3A_736 = arith.addi %mul3A_734, %add3A_735 : i32
        %mul3A_737 = arith.constant 128 : i32
        %mul3A_738 = arith.muli %scan3A_350, %mul3A_737 : i32
        %dma_wait3A_739 = arith.constant 3328 : i32
        %dma_wait3A_740 = tpu.memref_slice %arg11[%dma_wait3A_739] : memref<4096xf32, #tpu.memory_space<vmem>> -> memref<128xf32, #tpu.memory_space<vmem>>
        %dma_wait3A_741 = tpu.memref_slice %arg8[%mul3A_738] : memref<3328xi32, #tpu.memory_space<vmem>> -> memref<128xi32, #tpu.memory_space<vmem>>
        %dma_wait3A_742 = arith.constant 0 : i32
        %dma_wait3A_743 = tpu.memref_slice %arg3[%add3A_736, %dma_wait3A_742] : memref<832x100000xf32, #tpu.memory_space<hbm>> -> memref<1x100000xf32, #tpu.memory_space<hbm>>
        %dma_wait3A_744 = tpu.memref_squeeze %dma_wait3A_743 : memref<1x100000xf32, #tpu.memory_space<hbm>> -> memref<100000xf32, #tpu.memory_space<hbm>>
        %dma_wait3A_745 = arith.constant 0 : i32
        %dma_wait3A_746 = tpu.memref_slice %dma_wait3A_744[%dma_wait3A_745] : memref<100000xf32, #tpu.memory_space<hbm>> -> memref<100000xf32, #tpu.memory_space<hbm>>
        tpu.wait_indirect_dma semaphore(%arg16 : memref<!tpu.dma_semaphore, #tpu.memory_space<semaphore_mem>>) src(%dma_wait3A_746 : memref<100000xf32, #tpu.memory_space<hbm>>) dst(%dma_wait3A_740 : memref<128xf32, #tpu.memory_space<vmem>>)
        %mul3A_747 = arith.constant 32 : i32
        %mul3A_748 = arith.muli %scan3A_350, %mul3A_747 : i32
        %add3A_749 = arith.constant 27 : i32
        %add3A_750 = arith.addi %mul3A_748, %add3A_749 : i32
        %mul3A_751 = arith.constant 128 : i32
        %mul3A_752 = arith.muli %scan3A_350, %mul3A_751 : i32
        %dma_wait3A_753 = arith.constant 3456 : i32
        %dma_wait3A_754 = tpu.memref_slice %arg11[%dma_wait3A_753] : memref<4096xf32, #tpu.memory_space<vmem>> -> memref<128xf32, #tpu.memory_space<vmem>>
        %dma_wait3A_755 = tpu.memref_slice %arg8[%mul3A_752] : memref<3328xi32, #tpu.memory_space<vmem>> -> memref<128xi32, #tpu.memory_space<vmem>>
        %dma_wait3A_756 = arith.constant 0 : i32
        %dma_wait3A_757 = tpu.memref_slice %arg3[%add3A_750, %dma_wait3A_756] : memref<832x100000xf32, #tpu.memory_space<hbm>> -> memref<1x100000xf32, #tpu.memory_space<hbm>>
        %dma_wait3A_758 = tpu.memref_squeeze %dma_wait3A_757 : memref<1x100000xf32, #tpu.memory_space<hbm>> -> memref<100000xf32, #tpu.memory_space<hbm>>
        %dma_wait3A_759 = arith.constant 0 : i32
        %dma_wait3A_760 = tpu.memref_slice %dma_wait3A_758[%dma_wait3A_759] : memref<100000xf32, #tpu.memory_space<hbm>> -> memref<100000xf32, #tpu.memory_space<hbm>>
        tpu.wait_indirect_dma semaphore(%arg16 : memref<!tpu.dma_semaphore, #tpu.memory_space<semaphore_mem>>) src(%dma_wait3A_760 : memref<100000xf32, #tpu.memory_space<hbm>>) dst(%dma_wait3A_754 : memref<128xf32, #tpu.memory_space<vmem>>)
        %mul3A_761 = arith.constant 32 : i32
        %mul3A_762 = arith.muli %scan3A_350, %mul3A_761 : i32
        %add3A_763 = arith.constant 28 : i32
        %add3A_764 = arith.addi %mul3A_762, %add3A_763 : i32
        %mul3A_765 = arith.constant 128 : i32
        %mul3A_766 = arith.muli %scan3A_350, %mul3A_765 : i32
        %dma_wait3A_767 = arith.constant 3584 : i32
        %dma_wait3A_768 = tpu.memref_slice %arg11[%dma_wait3A_767] : memref<4096xf32, #tpu.memory_space<vmem>> -> memref<128xf32, #tpu.memory_space<vmem>>
        %dma_wait3A_769 = tpu.memref_slice %arg8[%mul3A_766] : memref<3328xi32, #tpu.memory_space<vmem>> -> memref<128xi32, #tpu.memory_space<vmem>>
        %dma_wait3A_770 = arith.constant 0 : i32
        %dma_wait3A_771 = tpu.memref_slice %arg3[%add3A_764, %dma_wait3A_770] : memref<832x100000xf32, #tpu.memory_space<hbm>> -> memref<1x100000xf32, #tpu.memory_space<hbm>>
        %dma_wait3A_772 = tpu.memref_squeeze %dma_wait3A_771 : memref<1x100000xf32, #tpu.memory_space<hbm>> -> memref<100000xf32, #tpu.memory_space<hbm>>
        %dma_wait3A_773 = arith.constant 0 : i32
        %dma_wait3A_774 = tpu.memref_slice %dma_wait3A_772[%dma_wait3A_773] : memref<100000xf32, #tpu.memory_space<hbm>> -> memref<100000xf32, #tpu.memory_space<hbm>>
        tpu.wait_indirect_dma semaphore(%arg16 : memref<!tpu.dma_semaphore, #tpu.memory_space<semaphore_mem>>) src(%dma_wait3A_774 : memref<100000xf32, #tpu.memory_space<hbm>>) dst(%dma_wait3A_768 : memref<128xf32, #tpu.memory_space<vmem>>)
        %mul3A_775 = arith.constant 32 : i32
        %mul3A_776 = arith.muli %scan3A_350, %mul3A_775 : i32
        %add3A_777 = arith.constant 29 : i32
        %add3A_778 = arith.addi %mul3A_776, %add3A_777 : i32
        %mul3A_779 = arith.constant 128 : i32
        %mul3A_780 = arith.muli %scan3A_350, %mul3A_779 : i32
        %dma_wait3A_781 = arith.constant 3712 : i32
        %dma_wait3A_782 = tpu.memref_slice %arg11[%dma_wait3A_781] : memref<4096xf32, #tpu.memory_space<vmem>> -> memref<128xf32, #tpu.memory_space<vmem>>
        %dma_wait3A_783 = tpu.memref_slice %arg8[%mul3A_780] : memref<3328xi32, #tpu.memory_space<vmem>> -> memref<128xi32, #tpu.memory_space<vmem>>
        %dma_wait3A_784 = arith.constant 0 : i32
        %dma_wait3A_785 = tpu.memref_slice %arg3[%add3A_778, %dma_wait3A_784] : memref<832x100000xf32, #tpu.memory_space<hbm>> -> memref<1x100000xf32, #tpu.memory_space<hbm>>
        %dma_wait3A_786 = tpu.memref_squeeze %dma_wait3A_785 : memref<1x100000xf32, #tpu.memory_space<hbm>> -> memref<100000xf32, #tpu.memory_space<hbm>>
        %dma_wait3A_787 = arith.constant 0 : i32
        %dma_wait3A_788 = tpu.memref_slice %dma_wait3A_786[%dma_wait3A_787] : memref<100000xf32, #tpu.memory_space<hbm>> -> memref<100000xf32, #tpu.memory_space<hbm>>
        tpu.wait_indirect_dma semaphore(%arg16 : memref<!tpu.dma_semaphore, #tpu.memory_space<semaphore_mem>>) src(%dma_wait3A_788 : memref<100000xf32, #tpu.memory_space<hbm>>) dst(%dma_wait3A_782 : memref<128xf32, #tpu.memory_space<vmem>>)
        %mul3A_789 = arith.constant 32 : i32
        %mul3A_790 = arith.muli %scan3A_350, %mul3A_789 : i32
        %add3A_791 = arith.constant 30 : i32
        %add3A_792 = arith.addi %mul3A_790, %add3A_791 : i32
        %mul3A_793 = arith.constant 128 : i32
        %mul3A_794 = arith.muli %scan3A_350, %mul3A_793 : i32
        %dma_wait3A_795 = arith.constant 3840 : i32
        %dma_wait3A_796 = tpu.memref_slice %arg11[%dma_wait3A_795] : memref<4096xf32, #tpu.memory_space<vmem>> -> memref<128xf32, #tpu.memory_space<vmem>>
        %dma_wait3A_797 = tpu.memref_slice %arg8[%mul3A_794] : memref<3328xi32, #tpu.memory_space<vmem>> -> memref<128xi32, #tpu.memory_space<vmem>>
        %dma_wait3A_798 = arith.constant 0 : i32
        %dma_wait3A_799 = tpu.memref_slice %arg3[%add3A_792, %dma_wait3A_798] : memref<832x100000xf32, #tpu.memory_space<hbm>> -> memref<1x100000xf32, #tpu.memory_space<hbm>>
        %dma_wait3A_800 = tpu.memref_squeeze %dma_wait3A_799 : memref<1x100000xf32, #tpu.memory_space<hbm>> -> memref<100000xf32, #tpu.memory_space<hbm>>
        %dma_wait3A_801 = arith.constant 0 : i32
        %dma_wait3A_802 = tpu.memref_slice %dma_wait3A_800[%dma_wait3A_801] : memref<100000xf32, #tpu.memory_space<hbm>> -> memref<100000xf32, #tpu.memory_space<hbm>>
        tpu.wait_indirect_dma semaphore(%arg16 : memref<!tpu.dma_semaphore, #tpu.memory_space<semaphore_mem>>) src(%dma_wait3A_802 : memref<100000xf32, #tpu.memory_space<hbm>>) dst(%dma_wait3A_796 : memref<128xf32, #tpu.memory_space<vmem>>)
        %mul3A_803 = arith.constant 32 : i32
        %mul3A_804 = arith.muli %scan3A_350, %mul3A_803 : i32
        %add3A_805 = arith.constant 31 : i32
        %add3A_806 = arith.addi %mul3A_804, %add3A_805 : i32
        %mul3A_807 = arith.constant 128 : i32
        %mul3A_808 = arith.muli %scan3A_350, %mul3A_807 : i32
        %dma_wait3A_809 = arith.constant 3968 : i32
        %dma_wait3A_810 = tpu.memref_slice %arg11[%dma_wait3A_809] : memref<4096xf32, #tpu.memory_space<vmem>> -> memref<128xf32, #tpu.memory_space<vmem>>
        %dma_wait3A_811 = tpu.memref_slice %arg8[%mul3A_808] : memref<3328xi32, #tpu.memory_space<vmem>> -> memref<128xi32, #tpu.memory_space<vmem>>
        %dma_wait3A_812 = arith.constant 0 : i32
        %dma_wait3A_813 = tpu.memref_slice %arg3[%add3A_806, %dma_wait3A_812] : memref<832x100000xf32, #tpu.memory_space<hbm>> -> memref<1x100000xf32, #tpu.memory_space<hbm>>
        %dma_wait3A_814 = tpu.memref_squeeze %dma_wait3A_813 : memref<1x100000xf32, #tpu.memory_space<hbm>> -> memref<100000xf32, #tpu.memory_space<hbm>>
        %dma_wait3A_815 = arith.constant 0 : i32
        %dma_wait3A_816 = tpu.memref_slice %dma_wait3A_814[%dma_wait3A_815] : memref<100000xf32, #tpu.memory_space<hbm>> -> memref<100000xf32, #tpu.memory_space<hbm>>
        tpu.wait_indirect_dma semaphore(%arg16 : memref<!tpu.dma_semaphore, #tpu.memory_space<semaphore_mem>>) src(%dma_wait3A_816 : memref<100000xf32, #tpu.memory_space<hbm>>) dst(%dma_wait3A_810 : memref<128xf32, #tpu.memory_space<vmem>>)
        %scan3A_817 = arith.constant 0 : i32
        %scan3A_818 = arith.constant 0 : i32
        %scan3A_819 = arith.constant 256 : i32
        %scan3A_820 = arith.addi %scan3A_818, %scan3A_819 : i32
        %scan3A_821 = arith.constant 1 : i32
        %scan3A_822 = scf.for %scan3A_824 = %scan3A_818 to %scan3A_820 step %scan3A_821 iter_args(%scan3A_825 = %scan3A_817) -> (i32)  : i32 {
          %jit3A = arith.constant 8 : i32
          %div3A = arith.divsi %scan3A_824, %jit3A : i32
          %sign3A = arith.constant 0 : i32
          %sign3A_826 = arith.cmpi sgt, %scan3A_824, %sign3A : i32
          %sign3A_827 = arith.extui %sign3A_826 : i1 to i32
          %sign3A_828 = arith.constant 0 : i32
          %sign3A_829 = arith.cmpi slt, %scan3A_824, %sign3A_828 : i32
          %sign3A_830 = arith.extui %sign3A_829 : i1 to i32
          %sign3A_831 = arith.subi %sign3A_827, %sign3A_830 : i32
          %sign3A_832 = arith.constant 0 : i32
          %sign3A_833 = arith.cmpi sgt, %jit3A, %sign3A_832 : i32
          %sign3A_834 = arith.extui %sign3A_833 : i1 to i32
          %sign3A_835 = arith.constant 0 : i32
          %sign3A_836 = arith.cmpi slt, %jit3A, %sign3A_835 : i32
          %sign3A_837 = arith.extui %sign3A_836 : i1 to i32
          %sign3A_838 = arith.subi %sign3A_834, %sign3A_837 : i32
          %ne3A = arith.cmpi ne, %sign3A_831, %sign3A_838 : i32
          %rem3A_839 = arith.remsi %scan3A_824, %jit3A : i32
          %ne3A_840 = arith.constant 0 : i32
          %ne3A_841 = arith.cmpi ne, %rem3A_839, %ne3A_840 : i32
          %and3A = arith.andi %ne3A, %ne3A_841 : i1
          %sub3A = arith.constant 1 : i32
          %sub3A_842 = arith.subi %div3A, %sub3A : i32
          %select_n3A = arith.select %and3A, %sub3A_842, %div3A : i32
          %jit3A_843 = arith.constant 8 : i32
          %eq3A_844 = arith.constant 0 : i32
          %eq3A_845 = arith.cmpi eq, %jit3A_843, %eq3A_844 : i32
          %jit3A_846 = arith.constant 1 : i32
          %select_n3A_847 = arith.select %eq3A_845, %jit3A_846, %jit3A_843 : i32
          %rem3A_848 = arith.remsi %scan3A_824, %select_n3A_847 : i32
          %ne3A_849 = arith.constant 0 : i32
          %ne3A_850 = arith.cmpi ne, %rem3A_848, %ne3A_849 : i32
          %lt3A_851 = arith.constant 0 : i32
          %lt3A_852 = arith.cmpi slt, %rem3A_848, %lt3A_851 : i32
          %lt3A_853 = arith.constant 0 : i32
          %lt3A_854 = arith.cmpi slt, %select_n3A_847, %lt3A_853 : i32
          %ne3A_855 = arith.xori %lt3A_852, %lt3A_854 : i1
          %and3A_856 = arith.andi %ne3A_855, %ne3A_850 : i1
          %add3A_857 = arith.addi %rem3A_848, %select_n3A_847 : i32
          %select_n3A_858 = arith.select %and3A_856, %add3A_857, %rem3A_848 : i32
          %mul3A_859 = arith.constant 128 : i32
          %mul3A_860 = arith.muli %select_n3A, %mul3A_859 : i32
          %mul3A_861 = arith.constant 16 : i32
          %mul3A_862 = arith.muli %select_n3A_858, %mul3A_861 : i32
          %add3A_863 = arith.addi %mul3A_860, %mul3A_862 : i32
          %get3A = arith.index_cast %add3A_863 : i32 to index
          %get3A_864 = tpu.vector_load %arg11[%get3A] {strides = array<i32>} : memref<4096xf32, #tpu.memory_space<vmem>>, vector<16xf32>,
          %get3A_865 = vector.shape_cast %get3A_864 : vector<16xf32> to vector<16xf32>
          %mul3A_866 = arith.constant 16 : i32
          %mul3A_867 = arith.muli %select_n3A_858, %mul3A_866 : i32
          %get3A_868 = arith.index_cast %select_n3A : i32 to index
          %get3A_869 = arith.index_cast %mul3A_867 : i32 to index
          %get3A_870 = tpu.vector_load %arg13[%get3A_868, %get3A_869] {strides = array<i32>} : memref<32x128xf32, #tpu.memory_space<vmem>>, vector<1x16xf32>,
          %get3A_871 = vector.shape_cast %get3A_870 : vector<1x16xf32> to vector<16xf32>
          %add3A_872 = arith.addf %get3A_871, %get3A_865 : vector<16xf32>
          %swap3A = arith.index_cast %select_n3A : i32 to index
          %swap3A_873 = arith.index_cast %mul3A_867 : i32 to index
          %swap3A_874 = tpu.vector_load %arg13[%swap3A, %swap3A_873] {strides = array<i32>} : memref<32x128xf32, #tpu.memory_space<vmem>>, vector<1x16xf32>,
          %swap3A_875 = vector.shape_cast %swap3A_874 : vector<1x16xf32> to vector<16xf32>
          %swap3A_876 = vector.shape_cast %add3A_872 : vector<16xf32> to vector<1x16xf32>
          tpu.vector_store %arg13[%swap3A, %swap3A_873], %swap3A_876 {strides = array<i32>} : memref<32x128xf32, #tpu.memory_space<vmem>>, vector<1x16xf32>,
          %mul3A_877 = arith.constant 16 : i32
          %mul3A_878 = arith.muli %select_n3A_858, %mul3A_877 : i32
          %get3A_879 = arith.index_cast %select_n3A : i32 to index
          %get3A_880 = arith.index_cast %mul3A_878 : i32 to index
          %get3A_881 = tpu.vector_load %arg14[%get3A_879, %get3A_880] {strides = array<i32>} : memref<32x128xf32, #tpu.memory_space<vmem>>, vector<1x16xf32>,
          %get3A_882 = vector.shape_cast %get3A_881 : vector<1x16xf32> to vector<16xf32>
          %mul3A_883 = arith.mulf %get3A_865, %get3A_865 : vector<16xf32>
          %add3A_884 = arith.addf %get3A_882, %mul3A_883 : vector<16xf32>
          %swap3A_885 = arith.index_cast %select_n3A : i32 to index
          %swap3A_886 = arith.index_cast %mul3A_878 : i32 to index
          %swap3A_887 = tpu.vector_load %arg14[%swap3A_885, %swap3A_886] {strides = array<i32>} : memref<32x128xf32, #tpu.memory_space<vmem>>, vector<1x16xf32>,
          %swap3A_888 = vector.shape_cast %swap3A_887 : vector<1x16xf32> to vector<16xf32>
          %swap3A_889 = vector.shape_cast %add3A_884 : vector<16xf32> to vector<1x16xf32>
          tpu.vector_store %arg14[%swap3A_885, %swap3A_886], %swap3A_889 {strides = array<i32>} : memref<32x128xf32, #tpu.memory_space<vmem>>, vector<1x16xf32>,
          %scan3A_890 = arith.constant 0 : i32
          scf.yield %scan3A_890 : i32
        }
        %scan3A_823 = arith.constant 256 : i32
      } else {
      }
      %rem3A_361 = arith.constant 2 : i32
      %rem3A_362 = arith.remsi %scan3A_350, %rem3A_361 : i32
      %eq3A_363 = arith.constant 1 : i32
      %eq3A_364 = arith.cmpi eq, %rem3A_362, %eq3A_363 : i32
      %convert_element_type3A_365 = arith.extui %eq3A_364 : i1 to i32
      %cond3A_366 = arith.constant 0 : i32
      %cond3A_367 = arith.cmpi ne, %convert_element_type3A_365, %cond3A_366 : i32
      scf.if %cond3A_367 {
        %mul3A_369 = arith.constant 32 : i32
        %mul3A_370 = arith.muli %scan3A_350, %mul3A_369 : i32
        %add3A_371 = arith.constant 0 : i32
        %add3A_372 = arith.addi %mul3A_370, %add3A_371 : i32
        %mul3A_373 = arith.constant 128 : i32
        %mul3A_374 = arith.muli %scan3A_350, %mul3A_373 : i32
        %dma_wait3A_375 = arith.constant 0 : i32
        %dma_wait3A_376 = tpu.memref_slice %arg12[%dma_wait3A_375] : memref<4096xf32, #tpu.memory_space<vmem>> -> memref<128xf32, #tpu.memory_space<vmem>>
        %dma_wait3A_377 = tpu.memref_slice %arg8[%mul3A_374] : memref<3328xi32, #tpu.memory_space<vmem>> -> memref<128xi32, #tpu.memory_space<vmem>>
        %dma_wait3A_378 = arith.constant 0 : i32
        %dma_wait3A_379 = tpu.memref_slice %arg3[%add3A_372, %dma_wait3A_378] : memref<832x100000xf32, #tpu.memory_space<hbm>> -> memref<1x100000xf32, #tpu.memory_space<hbm>>
        %dma_wait3A_380 = tpu.memref_squeeze %dma_wait3A_379 : memref<1x100000xf32, #tpu.memory_space<hbm>> -> memref<100000xf32, #tpu.memory_space<hbm>>
        %dma_wait3A_381 = arith.constant 0 : i32
        %dma_wait3A_382 = tpu.memref_slice %dma_wait3A_380[%dma_wait3A_381] : memref<100000xf32, #tpu.memory_space<hbm>> -> memref<100000xf32, #tpu.memory_space<hbm>>
        tpu.wait_indirect_dma semaphore(%arg17 : memref<!tpu.dma_semaphore, #tpu.memory_space<semaphore_mem>>) src(%dma_wait3A_382 : memref<100000xf32, #tpu.memory_space<hbm>>) dst(%dma_wait3A_376 : memref<128xf32, #tpu.memory_space<vmem>>)
        %mul3A_383 = arith.constant 32 : i32
        %mul3A_384 = arith.muli %scan3A_350, %mul3A_383 : i32
        %add3A_385 = arith.constant 1 : i32
        %add3A_386 = arith.addi %mul3A_384, %add3A_385 : i32
        %mul3A_387 = arith.constant 128 : i32
        %mul3A_388 = arith.muli %scan3A_350, %mul3A_387 : i32
        %dma_wait3A_389 = arith.constant 128 : i32
        %dma_wait3A_390 = tpu.memref_slice %arg12[%dma_wait3A_389] : memref<4096xf32, #tpu.memory_space<vmem>> -> memref<128xf32, #tpu.memory_space<vmem>>
        %dma_wait3A_391 = tpu.memref_slice %arg8[%mul3A_388] : memref<3328xi32, #tpu.memory_space<vmem>> -> memref<128xi32, #tpu.memory_space<vmem>>
        %dma_wait3A_392 = arith.constant 0 : i32
        %dma_wait3A_393 = tpu.memref_slice %arg3[%add3A_386, %dma_wait3A_392] : memref<832x100000xf32, #tpu.memory_space<hbm>> -> memref<1x100000xf32, #tpu.memory_space<hbm>>
        %dma_wait3A_394 = tpu.memref_squeeze %dma_wait3A_393 : memref<1x100000xf32, #tpu.memory_space<hbm>> -> memref<100000xf32, #tpu.memory_space<hbm>>
        %dma_wait3A_395 = arith.constant 0 : i32
        %dma_wait3A_396 = tpu.memref_slice %dma_wait3A_394[%dma_wait3A_395] : memref<100000xf32, #tpu.memory_space<hbm>> -> memref<100000xf32, #tpu.memory_space<hbm>>
        tpu.wait_indirect_dma semaphore(%arg17 : memref<!tpu.dma_semaphore, #tpu.memory_space<semaphore_mem>>) src(%dma_wait3A_396 : memref<100000xf32, #tpu.memory_space<hbm>>) dst(%dma_wait3A_390 : memref<128xf32, #tpu.memory_space<vmem>>)
        %mul3A_397 = arith.constant 32 : i32
        %mul3A_398 = arith.muli %scan3A_350, %mul3A_397 : i32
        %add3A_399 = arith.constant 2 : i32
        %add3A_400 = arith.addi %mul3A_398, %add3A_399 : i32
        %mul3A_401 = arith.constant 128 : i32
        %mul3A_402 = arith.muli %scan3A_350, %mul3A_401 : i32
        %dma_wait3A_403 = arith.constant 256 : i32
        %dma_wait3A_404 = tpu.memref_slice %arg12[%dma_wait3A_403] : memref<4096xf32, #tpu.memory_space<vmem>> -> memref<128xf32, #tpu.memory_space<vmem>>
        %dma_wait3A_405 = tpu.memref_slice %arg8[%mul3A_402] : memref<3328xi32, #tpu.memory_space<vmem>> -> memref<128xi32, #tpu.memory_space<vmem>>
        %dma_wait3A_406 = arith.constant 0 : i32
        %dma_wait3A_407 = tpu.memref_slice %arg3[%add3A_400, %dma_wait3A_406] : memref<832x100000xf32, #tpu.memory_space<hbm>> -> memref<1x100000xf32, #tpu.memory_space<hbm>>
        %dma_wait3A_408 = tpu.memref_squeeze %dma_wait3A_407 : memref<1x100000xf32, #tpu.memory_space<hbm>> -> memref<100000xf32, #tpu.memory_space<hbm>>
        %dma_wait3A_409 = arith.constant 0 : i32
        %dma_wait3A_410 = tpu.memref_slice %dma_wait3A_408[%dma_wait3A_409] : memref<100000xf32, #tpu.memory_space<hbm>> -> memref<100000xf32, #tpu.memory_space<hbm>>
        tpu.wait_indirect_dma semaphore(%arg17 : memref<!tpu.dma_semaphore, #tpu.memory_space<semaphore_mem>>) src(%dma_wait3A_410 : memref<100000xf32, #tpu.memory_space<hbm>>) dst(%dma_wait3A_404 : memref<128xf32, #tpu.memory_space<vmem>>)
        %mul3A_411 = arith.constant 32 : i32
        %mul3A_412 = arith.muli %scan3A_350, %mul3A_411 : i32
        %add3A_413 = arith.constant 3 : i32
        %add3A_414 = arith.addi %mul3A_412, %add3A_413 : i32
        %mul3A_415 = arith.constant 128 : i32
        %mul3A_416 = arith.muli %scan3A_350, %mul3A_415 : i32
        %dma_wait3A_417 = arith.constant 384 : i32
        %dma_wait3A_418 = tpu.memref_slice %arg12[%dma_wait3A_417] : memref<4096xf32, #tpu.memory_space<vmem>> -> memref<128xf32, #tpu.memory_space<vmem>>
        %dma_wait3A_419 = tpu.memref_slice %arg8[%mul3A_416] : memref<3328xi32, #tpu.memory_space<vmem>> -> memref<128xi32, #tpu.memory_space<vmem>>
        %dma_wait3A_420 = arith.constant 0 : i32
        %dma_wait3A_421 = tpu.memref_slice %arg3[%add3A_414, %dma_wait3A_420] : memref<832x100000xf32, #tpu.memory_space<hbm>> -> memref<1x100000xf32, #tpu.memory_space<hbm>>
        %dma_wait3A_422 = tpu.memref_squeeze %dma_wait3A_421 : memref<1x100000xf32, #tpu.memory_space<hbm>> -> memref<100000xf32, #tpu.memory_space<hbm>>
        %dma_wait3A_423 = arith.constant 0 : i32
        %dma_wait3A_424 = tpu.memref_slice %dma_wait3A_422[%dma_wait3A_423] : memref<100000xf32, #tpu.memory_space<hbm>> -> memref<100000xf32, #tpu.memory_space<hbm>>
        tpu.wait_indirect_dma semaphore(%arg17 : memref<!tpu.dma_semaphore, #tpu.memory_space<semaphore_mem>>) src(%dma_wait3A_424 : memref<100000xf32, #tpu.memory_space<hbm>>) dst(%dma_wait3A_418 : memref<128xf32, #tpu.memory_space<vmem>>)
        %mul3A_425 = arith.constant 32 : i32
        %mul3A_426 = arith.muli %scan3A_350, %mul3A_425 : i32
        %add3A_427 = arith.constant 4 : i32
        %add3A_428 = arith.addi %mul3A_426, %add3A_427 : i32
        %mul3A_429 = arith.constant 128 : i32
        %mul3A_430 = arith.muli %scan3A_350, %mul3A_429 : i32
        %dma_wait3A_431 = arith.constant 512 : i32
        %dma_wait3A_432 = tpu.memref_slice %arg12[%dma_wait3A_431] : memref<4096xf32, #tpu.memory_space<vmem>> -> memref<128xf32, #tpu.memory_space<vmem>>
        %dma_wait3A_433 = tpu.memref_slice %arg8[%mul3A_430] : memref<3328xi32, #tpu.memory_space<vmem>> -> memref<128xi32, #tpu.memory_space<vmem>>
        %dma_wait3A_434 = arith.constant 0 : i32
        %dma_wait3A_435 = tpu.memref_slice %arg3[%add3A_428, %dma_wait3A_434] : memref<832x100000xf32, #tpu.memory_space<hbm>> -> memref<1x100000xf32, #tpu.memory_space<hbm>>
        %dma_wait3A_436 = tpu.memref_squeeze %dma_wait3A_435 : memref<1x100000xf32, #tpu.memory_space<hbm>> -> memref<100000xf32, #tpu.memory_space<hbm>>
        %dma_wait3A_437 = arith.constant 0 : i32
        %dma_wait3A_438 = tpu.memref_slice %dma_wait3A_436[%dma_wait3A_437] : memref<100000xf32, #tpu.memory_space<hbm>> -> memref<100000xf32, #tpu.memory_space<hbm>>
        tpu.wait_indirect_dma semaphore(%arg17 : memref<!tpu.dma_semaphore, #tpu.memory_space<semaphore_mem>>) src(%dma_wait3A_438 : memref<100000xf32, #tpu.memory_space<hbm>>) dst(%dma_wait3A_432 : memref<128xf32, #tpu.memory_space<vmem>>)
        %mul3A_439 = arith.constant 32 : i32
        %mul3A_440 = arith.muli %scan3A_350, %mul3A_439 : i32
        %add3A_441 = arith.constant 5 : i32
        %add3A_442 = arith.addi %mul3A_440, %add3A_441 : i32
        %mul3A_443 = arith.constant 128 : i32
        %mul3A_444 = arith.muli %scan3A_350, %mul3A_443 : i32
        %dma_wait3A_445 = arith.constant 640 : i32
        %dma_wait3A_446 = tpu.memref_slice %arg12[%dma_wait3A_445] : memref<4096xf32, #tpu.memory_space<vmem>> -> memref<128xf32, #tpu.memory_space<vmem>>
        %dma_wait3A_447 = tpu.memref_slice %arg8[%mul3A_444] : memref<3328xi32, #tpu.memory_space<vmem>> -> memref<128xi32, #tpu.memory_space<vmem>>
        %dma_wait3A_448 = arith.constant 0 : i32
        %dma_wait3A_449 = tpu.memref_slice %arg3[%add3A_442, %dma_wait3A_448] : memref<832x100000xf32, #tpu.memory_space<hbm>> -> memref<1x100000xf32, #tpu.memory_space<hbm>>
        %dma_wait3A_450 = tpu.memref_squeeze %dma_wait3A_449 : memref<1x100000xf32, #tpu.memory_space<hbm>> -> memref<100000xf32, #tpu.memory_space<hbm>>
        %dma_wait3A_451 = arith.constant 0 : i32
        %dma_wait3A_452 = tpu.memref_slice %dma_wait3A_450[%dma_wait3A_451] : memref<100000xf32, #tpu.memory_space<hbm>> -> memref<100000xf32, #tpu.memory_space<hbm>>
        tpu.wait_indirect_dma semaphore(%arg17 : memref<!tpu.dma_semaphore, #tpu.memory_space<semaphore_mem>>) src(%dma_wait3A_452 : memref<100000xf32, #tpu.memory_space<hbm>>) dst(%dma_wait3A_446 : memref<128xf32, #tpu.memory_space<vmem>>)
        %mul3A_453 = arith.constant 32 : i32
        %mul3A_454 = arith.muli %scan3A_350, %mul3A_453 : i32
        %add3A_455 = arith.constant 6 : i32
        %add3A_456 = arith.addi %mul3A_454, %add3A_455 : i32
        %mul3A_457 = arith.constant 128 : i32
        %mul3A_458 = arith.muli %scan3A_350, %mul3A_457 : i32
        %dma_wait3A_459 = arith.constant 768 : i32
        %dma_wait3A_460 = tpu.memref_slice %arg12[%dma_wait3A_459] : memref<4096xf32, #tpu.memory_space<vmem>> -> memref<128xf32, #tpu.memory_space<vmem>>
        %dma_wait3A_461 = tpu.memref_slice %arg8[%mul3A_458] : memref<3328xi32, #tpu.memory_space<vmem>> -> memref<128xi32, #tpu.memory_space<vmem>>
        %dma_wait3A_462 = arith.constant 0 : i32
        %dma_wait3A_463 = tpu.memref_slice %arg3[%add3A_456, %dma_wait3A_462] : memref<832x100000xf32, #tpu.memory_space<hbm>> -> memref<1x100000xf32, #tpu.memory_space<hbm>>
        %dma_wait3A_464 = tpu.memref_squeeze %dma_wait3A_463 : memref<1x100000xf32, #tpu.memory_space<hbm>> -> memref<100000xf32, #tpu.memory_space<hbm>>
        %dma_wait3A_465 = arith.constant 0 : i32
        %dma_wait3A_466 = tpu.memref_slice %dma_wait3A_464[%dma_wait3A_465] : memref<100000xf32, #tpu.memory_space<hbm>> -> memref<100000xf32, #tpu.memory_space<hbm>>
        tpu.wait_indirect_dma semaphore(%arg17 : memref<!tpu.dma_semaphore, #tpu.memory_space<semaphore_mem>>) src(%dma_wait3A_466 : memref<100000xf32, #tpu.memory_space<hbm>>) dst(%dma_wait3A_460 : memref<128xf32, #tpu.memory_space<vmem>>)
        %mul3A_467 = arith.constant 32 : i32
        %mul3A_468 = arith.muli %scan3A_350, %mul3A_467 : i32
        %add3A_469 = arith.constant 7 : i32
        %add3A_470 = arith.addi %mul3A_468, %add3A_469 : i32
        %mul3A_471 = arith.constant 128 : i32
        %mul3A_472 = arith.muli %scan3A_350, %mul3A_471 : i32
        %dma_wait3A_473 = arith.constant 896 : i32
        %dma_wait3A_474 = tpu.memref_slice %arg12[%dma_wait3A_473] : memref<4096xf32, #tpu.memory_space<vmem>> -> memref<128xf32, #tpu.memory_space<vmem>>
        %dma_wait3A_475 = tpu.memref_slice %arg8[%mul3A_472] : memref<3328xi32, #tpu.memory_space<vmem>> -> memref<128xi32, #tpu.memory_space<vmem>>
        %dma_wait3A_476 = arith.constant 0 : i32
        %dma_wait3A_477 = tpu.memref_slice %arg3[%add3A_470, %dma_wait3A_476] : memref<832x100000xf32, #tpu.memory_space<hbm>> -> memref<1x100000xf32, #tpu.memory_space<hbm>>
        %dma_wait3A_478 = tpu.memref_squeeze %dma_wait3A_477 : memref<1x100000xf32, #tpu.memory_space<hbm>> -> memref<100000xf32, #tpu.memory_space<hbm>>
        %dma_wait3A_479 = arith.constant 0 : i32
        %dma_wait3A_480 = tpu.memref_slice %dma_wait3A_478[%dma_wait3A_479] : memref<100000xf32, #tpu.memory_space<hbm>> -> memref<100000xf32, #tpu.memory_space<hbm>>
        tpu.wait_indirect_dma semaphore(%arg17 : memref<!tpu.dma_semaphore, #tpu.memory_space<semaphore_mem>>) src(%dma_wait3A_480 : memref<100000xf32, #tpu.memory_space<hbm>>) dst(%dma_wait3A_474 : memref<128xf32, #tpu.memory_space<vmem>>)
        %mul3A_481 = arith.constant 32 : i32
        %mul3A_482 = arith.muli %scan3A_350, %mul3A_481 : i32
        %add3A_483 = arith.constant 8 : i32
        %add3A_484 = arith.addi %mul3A_482, %add3A_483 : i32
        %mul3A_485 = arith.constant 128 : i32
        %mul3A_486 = arith.muli %scan3A_350, %mul3A_485 : i32
        %dma_wait3A_487 = arith.constant 1024 : i32
        %dma_wait3A_488 = tpu.memref_slice %arg12[%dma_wait3A_487] : memref<4096xf32, #tpu.memory_space<vmem>> -> memref<128xf32, #tpu.memory_space<vmem>>
        %dma_wait3A_489 = tpu.memref_slice %arg8[%mul3A_486] : memref<3328xi32, #tpu.memory_space<vmem>> -> memref<128xi32, #tpu.memory_space<vmem>>
        %dma_wait3A_490 = arith.constant 0 : i32
        %dma_wait3A_491 = tpu.memref_slice %arg3[%add3A_484, %dma_wait3A_490] : memref<832x100000xf32, #tpu.memory_space<hbm>> -> memref<1x100000xf32, #tpu.memory_space<hbm>>
        %dma_wait3A_492 = tpu.memref_squeeze %dma_wait3A_491 : memref<1x100000xf32, #tpu.memory_space<hbm>> -> memref<100000xf32, #tpu.memory_space<hbm>>
        %dma_wait3A_493 = arith.constant 0 : i32
        %dma_wait3A_494 = tpu.memref_slice %dma_wait3A_492[%dma_wait3A_493] : memref<100000xf32, #tpu.memory_space<hbm>> -> memref<100000xf32, #tpu.memory_space<hbm>>
        tpu.wait_indirect_dma semaphore(%arg17 : memref<!tpu.dma_semaphore, #tpu.memory_space<semaphore_mem>>) src(%dma_wait3A_494 : memref<100000xf32, #tpu.memory_space<hbm>>) dst(%dma_wait3A_488 : memref<128xf32, #tpu.memory_space<vmem>>)
        %mul3A_495 = arith.constant 32 : i32
        %mul3A_496 = arith.muli %scan3A_350, %mul3A_495 : i32
        %add3A_497 = arith.constant 9 : i32
        %add3A_498 = arith.addi %mul3A_496, %add3A_497 : i32
        %mul3A_499 = arith.constant 128 : i32
        %mul3A_500 = arith.muli %scan3A_350, %mul3A_499 : i32
        %dma_wait3A_501 = arith.constant 1152 : i32
        %dma_wait3A_502 = tpu.memref_slice %arg12[%dma_wait3A_501] : memref<4096xf32, #tpu.memory_space<vmem>> -> memref<128xf32, #tpu.memory_space<vmem>>
        %dma_wait3A_503 = tpu.memref_slice %arg8[%mul3A_500] : memref<3328xi32, #tpu.memory_space<vmem>> -> memref<128xi32, #tpu.memory_space<vmem>>
        %dma_wait3A_504 = arith.constant 0 : i32
        %dma_wait3A_505 = tpu.memref_slice %arg3[%add3A_498, %dma_wait3A_504] : memref<832x100000xf32, #tpu.memory_space<hbm>> -> memref<1x100000xf32, #tpu.memory_space<hbm>>
        %dma_wait3A_506 = tpu.memref_squeeze %dma_wait3A_505 : memref<1x100000xf32, #tpu.memory_space<hbm>> -> memref<100000xf32, #tpu.memory_space<hbm>>
        %dma_wait3A_507 = arith.constant 0 : i32
        %dma_wait3A_508 = tpu.memref_slice %dma_wait3A_506[%dma_wait3A_507] : memref<100000xf32, #tpu.memory_space<hbm>> -> memref<100000xf32, #tpu.memory_space<hbm>>
        tpu.wait_indirect_dma semaphore(%arg17 : memref<!tpu.dma_semaphore, #tpu.memory_space<semaphore_mem>>) src(%dma_wait3A_508 : memref<100000xf32, #tpu.memory_space<hbm>>) dst(%dma_wait3A_502 : memref<128xf32, #tpu.memory_space<vmem>>)
        %mul3A_509 = arith.constant 32 : i32
        %mul3A_510 = arith.muli %scan3A_350, %mul3A_509 : i32
        %add3A_511 = arith.constant 10 : i32
        %add3A_512 = arith.addi %mul3A_510, %add3A_511 : i32
        %mul3A_513 = arith.constant 128 : i32
        %mul3A_514 = arith.muli %scan3A_350, %mul3A_513 : i32
        %dma_wait3A_515 = arith.constant 1280 : i32
        %dma_wait3A_516 = tpu.memref_slice %arg12[%dma_wait3A_515] : memref<4096xf32, #tpu.memory_space<vmem>> -> memref<128xf32, #tpu.memory_space<vmem>>
        %dma_wait3A_517 = tpu.memref_slice %arg8[%mul3A_514] : memref<3328xi32, #tpu.memory_space<vmem>> -> memref<128xi32, #tpu.memory_space<vmem>>
        %dma_wait3A_518 = arith.constant 0 : i32
        %dma_wait3A_519 = tpu.memref_slice %arg3[%add3A_512, %dma_wait3A_518] : memref<832x100000xf32, #tpu.memory_space<hbm>> -> memref<1x100000xf32, #tpu.memory_space<hbm>>
        %dma_wait3A_520 = tpu.memref_squeeze %dma_wait3A_519 : memref<1x100000xf32, #tpu.memory_space<hbm>> -> memref<100000xf32, #tpu.memory_space<hbm>>
        %dma_wait3A_521 = arith.constant 0 : i32
        %dma_wait3A_522 = tpu.memref_slice %dma_wait3A_520[%dma_wait3A_521] : memref<100000xf32, #tpu.memory_space<hbm>> -> memref<100000xf32, #tpu.memory_space<hbm>>
        tpu.wait_indirect_dma semaphore(%arg17 : memref<!tpu.dma_semaphore, #tpu.memory_space<semaphore_mem>>) src(%dma_wait3A_522 : memref<100000xf32, #tpu.memory_space<hbm>>) dst(%dma_wait3A_516 : memref<128xf32, #tpu.memory_space<vmem>>)
        %mul3A_523 = arith.constant 32 : i32
        %mul3A_524 = arith.muli %scan3A_350, %mul3A_523 : i32
        %add3A_525 = arith.constant 11 : i32
        %add3A_526 = arith.addi %mul3A_524, %add3A_525 : i32
        %mul3A_527 = arith.constant 128 : i32
        %mul3A_528 = arith.muli %scan3A_350, %mul3A_527 : i32
        %dma_wait3A_529 = arith.constant 1408 : i32
        %dma_wait3A_530 = tpu.memref_slice %arg12[%dma_wait3A_529] : memref<4096xf32, #tpu.memory_space<vmem>> -> memref<128xf32, #tpu.memory_space<vmem>>
        %dma_wait3A_531 = tpu.memref_slice %arg8[%mul3A_528] : memref<3328xi32, #tpu.memory_space<vmem>> -> memref<128xi32, #tpu.memory_space<vmem>>
        %dma_wait3A_532 = arith.constant 0 : i32
        %dma_wait3A_533 = tpu.memref_slice %arg3[%add3A_526, %dma_wait3A_532] : memref<832x100000xf32, #tpu.memory_space<hbm>> -> memref<1x100000xf32, #tpu.memory_space<hbm>>
        %dma_wait3A_534 = tpu.memref_squeeze %dma_wait3A_533 : memref<1x100000xf32, #tpu.memory_space<hbm>> -> memref<100000xf32, #tpu.memory_space<hbm>>
        %dma_wait3A_535 = arith.constant 0 : i32
        %dma_wait3A_536 = tpu.memref_slice %dma_wait3A_534[%dma_wait3A_535] : memref<100000xf32, #tpu.memory_space<hbm>> -> memref<100000xf32, #tpu.memory_space<hbm>>
        tpu.wait_indirect_dma semaphore(%arg17 : memref<!tpu.dma_semaphore, #tpu.memory_space<semaphore_mem>>) src(%dma_wait3A_536 : memref<100000xf32, #tpu.memory_space<hbm>>) dst(%dma_wait3A_530 : memref<128xf32, #tpu.memory_space<vmem>>)
        %mul3A_537 = arith.constant 32 : i32
        %mul3A_538 = arith.muli %scan3A_350, %mul3A_537 : i32
        %add3A_539 = arith.constant 12 : i32
        %add3A_540 = arith.addi %mul3A_538, %add3A_539 : i32
        %mul3A_541 = arith.constant 128 : i32
        %mul3A_542 = arith.muli %scan3A_350, %mul3A_541 : i32
        %dma_wait3A_543 = arith.constant 1536 : i32
        %dma_wait3A_544 = tpu.memref_slice %arg12[%dma_wait3A_543] : memref<4096xf32, #tpu.memory_space<vmem>> -> memref<128xf32, #tpu.memory_space<vmem>>
        %dma_wait3A_545 = tpu.memref_slice %arg8[%mul3A_542] : memref<3328xi32, #tpu.memory_space<vmem>> -> memref<128xi32, #tpu.memory_space<vmem>>
        %dma_wait3A_546 = arith.constant 0 : i32
        %dma_wait3A_547 = tpu.memref_slice %arg3[%add3A_540, %dma_wait3A_546] : memref<832x100000xf32, #tpu.memory_space<hbm>> -> memref<1x100000xf32, #tpu.memory_space<hbm>>
        %dma_wait3A_548 = tpu.memref_squeeze %dma_wait3A_547 : memref<1x100000xf32, #tpu.memory_space<hbm>> -> memref<100000xf32, #tpu.memory_space<hbm>>
        %dma_wait3A_549 = arith.constant 0 : i32
        %dma_wait3A_550 = tpu.memref_slice %dma_wait3A_548[%dma_wait3A_549] : memref<100000xf32, #tpu.memory_space<hbm>> -> memref<100000xf32, #tpu.memory_space<hbm>>
        tpu.wait_indirect_dma semaphore(%arg17 : memref<!tpu.dma_semaphore, #tpu.memory_space<semaphore_mem>>) src(%dma_wait3A_550 : memref<100000xf32, #tpu.memory_space<hbm>>) dst(%dma_wait3A_544 : memref<128xf32, #tpu.memory_space<vmem>>)
        %mul3A_551 = arith.constant 32 : i32
        %mul3A_552 = arith.muli %scan3A_350, %mul3A_551 : i32
        %add3A_553 = arith.constant 13 : i32
        %add3A_554 = arith.addi %mul3A_552, %add3A_553 : i32
        %mul3A_555 = arith.constant 128 : i32
        %mul3A_556 = arith.muli %scan3A_350, %mul3A_555 : i32
        %dma_wait3A_557 = arith.constant 1664 : i32
        %dma_wait3A_558 = tpu.memref_slice %arg12[%dma_wait3A_557] : memref<4096xf32, #tpu.memory_space<vmem>> -> memref<128xf32, #tpu.memory_space<vmem>>
        %dma_wait3A_559 = tpu.memref_slice %arg8[%mul3A_556] : memref<3328xi32, #tpu.memory_space<vmem>> -> memref<128xi32, #tpu.memory_space<vmem>>
        %dma_wait3A_560 = arith.constant 0 : i32
        %dma_wait3A_561 = tpu.memref_slice %arg3[%add3A_554, %dma_wait3A_560] : memref<832x100000xf32, #tpu.memory_space<hbm>> -> memref<1x100000xf32, #tpu.memory_space<hbm>>
        %dma_wait3A_562 = tpu.memref_squeeze %dma_wait3A_561 : memref<1x100000xf32, #tpu.memory_space<hbm>> -> memref<100000xf32, #tpu.memory_space<hbm>>
        %dma_wait3A_563 = arith.constant 0 : i32
        %dma_wait3A_564 = tpu.memref_slice %dma_wait3A_562[%dma_wait3A_563] : memref<100000xf32, #tpu.memory_space<hbm>> -> memref<100000xf32, #tpu.memory_space<hbm>>
        tpu.wait_indirect_dma semaphore(%arg17 : memref<!tpu.dma_semaphore, #tpu.memory_space<semaphore_mem>>) src(%dma_wait3A_564 : memref<100000xf32, #tpu.memory_space<hbm>>) dst(%dma_wait3A_558 : memref<128xf32, #tpu.memory_space<vmem>>)
        %mul3A_565 = arith.constant 32 : i32
        %mul3A_566 = arith.muli %scan3A_350, %mul3A_565 : i32
        %add3A_567 = arith.constant 14 : i32
        %add3A_568 = arith.addi %mul3A_566, %add3A_567 : i32
        %mul3A_569 = arith.constant 128 : i32
        %mul3A_570 = arith.muli %scan3A_350, %mul3A_569 : i32
        %dma_wait3A_571 = arith.constant 1792 : i32
        %dma_wait3A_572 = tpu.memref_slice %arg12[%dma_wait3A_571] : memref<4096xf32, #tpu.memory_space<vmem>> -> memref<128xf32, #tpu.memory_space<vmem>>
        %dma_wait3A_573 = tpu.memref_slice %arg8[%mul3A_570] : memref<3328xi32, #tpu.memory_space<vmem>> -> memref<128xi32, #tpu.memory_space<vmem>>
        %dma_wait3A_574 = arith.constant 0 : i32
        %dma_wait3A_575 = tpu.memref_slice %arg3[%add3A_568, %dma_wait3A_574] : memref<832x100000xf32, #tpu.memory_space<hbm>> -> memref<1x100000xf32, #tpu.memory_space<hbm>>
        %dma_wait3A_576 = tpu.memref_squeeze %dma_wait3A_575 : memref<1x100000xf32, #tpu.memory_space<hbm>> -> memref<100000xf32, #tpu.memory_space<hbm>>
        %dma_wait3A_577 = arith.constant 0 : i32
        %dma_wait3A_578 = tpu.memref_slice %dma_wait3A_576[%dma_wait3A_577] : memref<100000xf32, #tpu.memory_space<hbm>> -> memref<100000xf32, #tpu.memory_space<hbm>>
        tpu.wait_indirect_dma semaphore(%arg17 : memref<!tpu.dma_semaphore, #tpu.memory_space<semaphore_mem>>) src(%dma_wait3A_578 : memref<100000xf32, #tpu.memory_space<hbm>>) dst(%dma_wait3A_572 : memref<128xf32, #tpu.memory_space<vmem>>)
        %mul3A_579 = arith.constant 32 : i32
        %mul3A_580 = arith.muli %scan3A_350, %mul3A_579 : i32
        %add3A_581 = arith.constant 15 : i32
        %add3A_582 = arith.addi %mul3A_580, %add3A_581 : i32
        %mul3A_583 = arith.constant 128 : i32
        %mul3A_584 = arith.muli %scan3A_350, %mul3A_583 : i32
        %dma_wait3A_585 = arith.constant 1920 : i32
        %dma_wait3A_586 = tpu.memref_slice %arg12[%dma_wait3A_585] : memref<4096xf32, #tpu.memory_space<vmem>> -> memref<128xf32, #tpu.memory_space<vmem>>
        %dma_wait3A_587 = tpu.memref_slice %arg8[%mul3A_584] : memref<3328xi32, #tpu.memory_space<vmem>> -> memref<128xi32, #tpu.memory_space<vmem>>
        %dma_wait3A_588 = arith.constant 0 : i32
        %dma_wait3A_589 = tpu.memref_slice %arg3[%add3A_582, %dma_wait3A_588] : memref<832x100000xf32, #tpu.memory_space<hbm>> -> memref<1x100000xf32, #tpu.memory_space<hbm>>
        %dma_wait3A_590 = tpu.memref_squeeze %dma_wait3A_589 : memref<1x100000xf32, #tpu.memory_space<hbm>> -> memref<100000xf32, #tpu.memory_space<hbm>>
        %dma_wait3A_591 = arith.constant 0 : i32
        %dma_wait3A_592 = tpu.memref_slice %dma_wait3A_590[%dma_wait3A_591] : memref<100000xf32, #tpu.memory_space<hbm>> -> memref<100000xf32, #tpu.memory_space<hbm>>
        tpu.wait_indirect_dma semaphore(%arg17 : memref<!tpu.dma_semaphore, #tpu.memory_space<semaphore_mem>>) src(%dma_wait3A_592 : memref<100000xf32, #tpu.memory_space<hbm>>) dst(%dma_wait3A_586 : memref<128xf32, #tpu.memory_space<vmem>>)
        %mul3A_593 = arith.constant 32 : i32
        %mul3A_594 = arith.muli %scan3A_350, %mul3A_593 : i32
        %add3A_595 = arith.constant 16 : i32
        %add3A_596 = arith.addi %mul3A_594, %add3A_595 : i32
        %mul3A_597 = arith.constant 128 : i32
        %mul3A_598 = arith.muli %scan3A_350, %mul3A_597 : i32
        %dma_wait3A_599 = arith.constant 2048 : i32
        %dma_wait3A_600 = tpu.memref_slice %arg12[%dma_wait3A_599] : memref<4096xf32, #tpu.memory_space<vmem>> -> memref<128xf32, #tpu.memory_space<vmem>>
        %dma_wait3A_601 = tpu.memref_slice %arg8[%mul3A_598] : memref<3328xi32, #tpu.memory_space<vmem>> -> memref<128xi32, #tpu.memory_space<vmem>>
        %dma_wait3A_602 = arith.constant 0 : i32
        %dma_wait3A_603 = tpu.memref_slice %arg3[%add3A_596, %dma_wait3A_602] : memref<832x100000xf32, #tpu.memory_space<hbm>> -> memref<1x100000xf32, #tpu.memory_space<hbm>>
        %dma_wait3A_604 = tpu.memref_squeeze %dma_wait3A_603 : memref<1x100000xf32, #tpu.memory_space<hbm>> -> memref<100000xf32, #tpu.memory_space<hbm>>
        %dma_wait3A_605 = arith.constant 0 : i32
        %dma_wait3A_606 = tpu.memref_slice %dma_wait3A_604[%dma_wait3A_605] : memref<100000xf32, #tpu.memory_space<hbm>> -> memref<100000xf32, #tpu.memory_space<hbm>>
        tpu.wait_indirect_dma semaphore(%arg17 : memref<!tpu.dma_semaphore, #tpu.memory_space<semaphore_mem>>) src(%dma_wait3A_606 : memref<100000xf32, #tpu.memory_space<hbm>>) dst(%dma_wait3A_600 : memref<128xf32, #tpu.memory_space<vmem>>)
        %mul3A_607 = arith.constant 32 : i32
        %mul3A_608 = arith.muli %scan3A_350, %mul3A_607 : i32
        %add3A_609 = arith.constant 17 : i32
        %add3A_610 = arith.addi %mul3A_608, %add3A_609 : i32
        %mul3A_611 = arith.constant 128 : i32
        %mul3A_612 = arith.muli %scan3A_350, %mul3A_611 : i32
        %dma_wait3A_613 = arith.constant 2176 : i32
        %dma_wait3A_614 = tpu.memref_slice %arg12[%dma_wait3A_613] : memref<4096xf32, #tpu.memory_space<vmem>> -> memref<128xf32, #tpu.memory_space<vmem>>
        %dma_wait3A_615 = tpu.memref_slice %arg8[%mul3A_612] : memref<3328xi32, #tpu.memory_space<vmem>> -> memref<128xi32, #tpu.memory_space<vmem>>
        %dma_wait3A_616 = arith.constant 0 : i32
        %dma_wait3A_617 = tpu.memref_slice %arg3[%add3A_610, %dma_wait3A_616] : memref<832x100000xf32, #tpu.memory_space<hbm>> -> memref<1x100000xf32, #tpu.memory_space<hbm>>
        %dma_wait3A_618 = tpu.memref_squeeze %dma_wait3A_617 : memref<1x100000xf32, #tpu.memory_space<hbm>> -> memref<100000xf32, #tpu.memory_space<hbm>>
        %dma_wait3A_619 = arith.constant 0 : i32
        %dma_wait3A_620 = tpu.memref_slice %dma_wait3A_618[%dma_wait3A_619] : memref<100000xf32, #tpu.memory_space<hbm>> -> memref<100000xf32, #tpu.memory_space<hbm>>
        tpu.wait_indirect_dma semaphore(%arg17 : memref<!tpu.dma_semaphore, #tpu.memory_space<semaphore_mem>>) src(%dma_wait3A_620 : memref<100000xf32, #tpu.memory_space<hbm>>) dst(%dma_wait3A_614 : memref<128xf32, #tpu.memory_space<vmem>>)
        %mul3A_621 = arith.constant 32 : i32
        %mul3A_622 = arith.muli %scan3A_350, %mul3A_621 : i32
        %add3A_623 = arith.constant 18 : i32
        %add3A_624 = arith.addi %mul3A_622, %add3A_623 : i32
        %mul3A_625 = arith.constant 128 : i32
        %mul3A_626 = arith.muli %scan3A_350, %mul3A_625 : i32
        %dma_wait3A_627 = arith.constant 2304 : i32
        %dma_wait3A_628 = tpu.memref_slice %arg12[%dma_wait3A_627] : memref<4096xf32, #tpu.memory_space<vmem>> -> memref<128xf32, #tpu.memory_space<vmem>>
        %dma_wait3A_629 = tpu.memref_slice %arg8[%mul3A_626] : memref<3328xi32, #tpu.memory_space<vmem>> -> memref<128xi32, #tpu.memory_space<vmem>>
        %dma_wait3A_630 = arith.constant 0 : i32
        %dma_wait3A_631 = tpu.memref_slice %arg3[%add3A_624, %dma_wait3A_630] : memref<832x100000xf32, #tpu.memory_space<hbm>> -> memref<1x100000xf32, #tpu.memory_space<hbm>>
        %dma_wait3A_632 = tpu.memref_squeeze %dma_wait3A_631 : memref<1x100000xf32, #tpu.memory_space<hbm>> -> memref<100000xf32, #tpu.memory_space<hbm>>
        %dma_wait3A_633 = arith.constant 0 : i32
        %dma_wait3A_634 = tpu.memref_slice %dma_wait3A_632[%dma_wait3A_633] : memref<100000xf32, #tpu.memory_space<hbm>> -> memref<100000xf32, #tpu.memory_space<hbm>>
        tpu.wait_indirect_dma semaphore(%arg17 : memref<!tpu.dma_semaphore, #tpu.memory_space<semaphore_mem>>) src(%dma_wait3A_634 : memref<100000xf32, #tpu.memory_space<hbm>>) dst(%dma_wait3A_628 : memref<128xf32, #tpu.memory_space<vmem>>)
        %mul3A_635 = arith.constant 32 : i32
        %mul3A_636 = arith.muli %scan3A_350, %mul3A_635 : i32
        %add3A_637 = arith.constant 19 : i32
        %add3A_638 = arith.addi %mul3A_636, %add3A_637 : i32
        %mul3A_639 = arith.constant 128 : i32
        %mul3A_640 = arith.muli %scan3A_350, %mul3A_639 : i32
        %dma_wait3A_641 = arith.constant 2432 : i32
        %dma_wait3A_642 = tpu.memref_slice %arg12[%dma_wait3A_641] : memref<4096xf32, #tpu.memory_space<vmem>> -> memref<128xf32, #tpu.memory_space<vmem>>
        %dma_wait3A_643 = tpu.memref_slice %arg8[%mul3A_640] : memref<3328xi32, #tpu.memory_space<vmem>> -> memref<128xi32, #tpu.memory_space<vmem>>
        %dma_wait3A_644 = arith.constant 0 : i32
        %dma_wait3A_645 = tpu.memref_slice %arg3[%add3A_638, %dma_wait3A_644] : memref<832x100000xf32, #tpu.memory_space<hbm>> -> memref<1x100000xf32, #tpu.memory_space<hbm>>
        %dma_wait3A_646 = tpu.memref_squeeze %dma_wait3A_645 : memref<1x100000xf32, #tpu.memory_space<hbm>> -> memref<100000xf32, #tpu.memory_space<hbm>>
        %dma_wait3A_647 = arith.constant 0 : i32
        %dma_wait3A_648 = tpu.memref_slice %dma_wait3A_646[%dma_wait3A_647] : memref<100000xf32, #tpu.memory_space<hbm>> -> memref<100000xf32, #tpu.memory_space<hbm>>
        tpu.wait_indirect_dma semaphore(%arg17 : memref<!tpu.dma_semaphore, #tpu.memory_space<semaphore_mem>>) src(%dma_wait3A_648 : memref<100000xf32, #tpu.memory_space<hbm>>) dst(%dma_wait3A_642 : memref<128xf32, #tpu.memory_space<vmem>>)
        %mul3A_649 = arith.constant 32 : i32
        %mul3A_650 = arith.muli %scan3A_350, %mul3A_649 : i32
        %add3A_651 = arith.constant 20 : i32
        %add3A_652 = arith.addi %mul3A_650, %add3A_651 : i32
        %mul3A_653 = arith.constant 128 : i32
        %mul3A_654 = arith.muli %scan3A_350, %mul3A_653 : i32
        %dma_wait3A_655 = arith.constant 2560 : i32
        %dma_wait3A_656 = tpu.memref_slice %arg12[%dma_wait3A_655] : memref<4096xf32, #tpu.memory_space<vmem>> -> memref<128xf32, #tpu.memory_space<vmem>>
        %dma_wait3A_657 = tpu.memref_slice %arg8[%mul3A_654] : memref<3328xi32, #tpu.memory_space<vmem>> -> memref<128xi32, #tpu.memory_space<vmem>>
        %dma_wait3A_658 = arith.constant 0 : i32
        %dma_wait3A_659 = tpu.memref_slice %arg3[%add3A_652, %dma_wait3A_658] : memref<832x100000xf32, #tpu.memory_space<hbm>> -> memref<1x100000xf32, #tpu.memory_space<hbm>>
        %dma_wait3A_660 = tpu.memref_squeeze %dma_wait3A_659 : memref<1x100000xf32, #tpu.memory_space<hbm>> -> memref<100000xf32, #tpu.memory_space<hbm>>
        %dma_wait3A_661 = arith.constant 0 : i32
        %dma_wait3A_662 = tpu.memref_slice %dma_wait3A_660[%dma_wait3A_661] : memref<100000xf32, #tpu.memory_space<hbm>> -> memref<100000xf32, #tpu.memory_space<hbm>>
        tpu.wait_indirect_dma semaphore(%arg17 : memref<!tpu.dma_semaphore, #tpu.memory_space<semaphore_mem>>) src(%dma_wait3A_662 : memref<100000xf32, #tpu.memory_space<hbm>>) dst(%dma_wait3A_656 : memref<128xf32, #tpu.memory_space<vmem>>)
        %mul3A_663 = arith.constant 32 : i32
        %mul3A_664 = arith.muli %scan3A_350, %mul3A_663 : i32
        %add3A_665 = arith.constant 21 : i32
        %add3A_666 = arith.addi %mul3A_664, %add3A_665 : i32
        %mul3A_667 = arith.constant 128 : i32
        %mul3A_668 = arith.muli %scan3A_350, %mul3A_667 : i32
        %dma_wait3A_669 = arith.constant 2688 : i32
        %dma_wait3A_670 = tpu.memref_slice %arg12[%dma_wait3A_669] : memref<4096xf32, #tpu.memory_space<vmem>> -> memref<128xf32, #tpu.memory_space<vmem>>
        %dma_wait3A_671 = tpu.memref_slice %arg8[%mul3A_668] : memref<3328xi32, #tpu.memory_space<vmem>> -> memref<128xi32, #tpu.memory_space<vmem>>
        %dma_wait3A_672 = arith.constant 0 : i32
        %dma_wait3A_673 = tpu.memref_slice %arg3[%add3A_666, %dma_wait3A_672] : memref<832x100000xf32, #tpu.memory_space<hbm>> -> memref<1x100000xf32, #tpu.memory_space<hbm>>
        %dma_wait3A_674 = tpu.memref_squeeze %dma_wait3A_673 : memref<1x100000xf32, #tpu.memory_space<hbm>> -> memref<100000xf32, #tpu.memory_space<hbm>>
        %dma_wait3A_675 = arith.constant 0 : i32
        %dma_wait3A_676 = tpu.memref_slice %dma_wait3A_674[%dma_wait3A_675] : memref<100000xf32, #tpu.memory_space<hbm>> -> memref<100000xf32, #tpu.memory_space<hbm>>
        tpu.wait_indirect_dma semaphore(%arg17 : memref<!tpu.dma_semaphore, #tpu.memory_space<semaphore_mem>>) src(%dma_wait3A_676 : memref<100000xf32, #tpu.memory_space<hbm>>) dst(%dma_wait3A_670 : memref<128xf32, #tpu.memory_space<vmem>>)
        %mul3A_677 = arith.constant 32 : i32
        %mul3A_678 = arith.muli %scan3A_350, %mul3A_677 : i32
        %add3A_679 = arith.constant 22 : i32
        %add3A_680 = arith.addi %mul3A_678, %add3A_679 : i32
        %mul3A_681 = arith.constant 128 : i32
        %mul3A_682 = arith.muli %scan3A_350, %mul3A_681 : i32
        %dma_wait3A_683 = arith.constant 2816 : i32
        %dma_wait3A_684 = tpu.memref_slice %arg12[%dma_wait3A_683] : memref<4096xf32, #tpu.memory_space<vmem>> -> memref<128xf32, #tpu.memory_space<vmem>>
        %dma_wait3A_685 = tpu.memref_slice %arg8[%mul3A_682] : memref<3328xi32, #tpu.memory_space<vmem>> -> memref<128xi32, #tpu.memory_space<vmem>>
        %dma_wait3A_686 = arith.constant 0 : i32
        %dma_wait3A_687 = tpu.memref_slice %arg3[%add3A_680, %dma_wait3A_686] : memref<832x100000xf32, #tpu.memory_space<hbm>> -> memref<1x100000xf32, #tpu.memory_space<hbm>>
        %dma_wait3A_688 = tpu.memref_squeeze %dma_wait3A_687 : memref<1x100000xf32, #tpu.memory_space<hbm>> -> memref<100000xf32, #tpu.memory_space<hbm>>
        %dma_wait3A_689 = arith.constant 0 : i32
        %dma_wait3A_690 = tpu.memref_slice %dma_wait3A_688[%dma_wait3A_689] : memref<100000xf32, #tpu.memory_space<hbm>> -> memref<100000xf32, #tpu.memory_space<hbm>>
        tpu.wait_indirect_dma semaphore(%arg17 : memref<!tpu.dma_semaphore, #tpu.memory_space<semaphore_mem>>) src(%dma_wait3A_690 : memref<100000xf32, #tpu.memory_space<hbm>>) dst(%dma_wait3A_684 : memref<128xf32, #tpu.memory_space<vmem>>)
        %mul3A_691 = arith.constant 32 : i32
        %mul3A_692 = arith.muli %scan3A_350, %mul3A_691 : i32
        %add3A_693 = arith.constant 23 : i32
        %add3A_694 = arith.addi %mul3A_692, %add3A_693 : i32
        %mul3A_695 = arith.constant 128 : i32
        %mul3A_696 = arith.muli %scan3A_350, %mul3A_695 : i32
        %dma_wait3A_697 = arith.constant 2944 : i32
        %dma_wait3A_698 = tpu.memref_slice %arg12[%dma_wait3A_697] : memref<4096xf32, #tpu.memory_space<vmem>> -> memref<128xf32, #tpu.memory_space<vmem>>
        %dma_wait3A_699 = tpu.memref_slice %arg8[%mul3A_696] : memref<3328xi32, #tpu.memory_space<vmem>> -> memref<128xi32, #tpu.memory_space<vmem>>
        %dma_wait3A_700 = arith.constant 0 : i32
        %dma_wait3A_701 = tpu.memref_slice %arg3[%add3A_694, %dma_wait3A_700] : memref<832x100000xf32, #tpu.memory_space<hbm>> -> memref<1x100000xf32, #tpu.memory_space<hbm>>
        %dma_wait3A_702 = tpu.memref_squeeze %dma_wait3A_701 : memref<1x100000xf32, #tpu.memory_space<hbm>> -> memref<100000xf32, #tpu.memory_space<hbm>>
        %dma_wait3A_703 = arith.constant 0 : i32
        %dma_wait3A_704 = tpu.memref_slice %dma_wait3A_702[%dma_wait3A_703] : memref<100000xf32, #tpu.memory_space<hbm>> -> memref<100000xf32, #tpu.memory_space<hbm>>
        tpu.wait_indirect_dma semaphore(%arg17 : memref<!tpu.dma_semaphore, #tpu.memory_space<semaphore_mem>>) src(%dma_wait3A_704 : memref<100000xf32, #tpu.memory_space<hbm>>) dst(%dma_wait3A_698 : memref<128xf32, #tpu.memory_space<vmem>>)
        %mul3A_705 = arith.constant 32 : i32
        %mul3A_706 = arith.muli %scan3A_350, %mul3A_705 : i32
        %add3A_707 = arith.constant 24 : i32
        %add3A_708 = arith.addi %mul3A_706, %add3A_707 : i32
        %mul3A_709 = arith.constant 128 : i32
        %mul3A_710 = arith.muli %scan3A_350, %mul3A_709 : i32
        %dma_wait3A_711 = arith.constant 3072 : i32
        %dma_wait3A_712 = tpu.memref_slice %arg12[%dma_wait3A_711] : memref<4096xf32, #tpu.memory_space<vmem>> -> memref<128xf32, #tpu.memory_space<vmem>>
        %dma_wait3A_713 = tpu.memref_slice %arg8[%mul3A_710] : memref<3328xi32, #tpu.memory_space<vmem>> -> memref<128xi32, #tpu.memory_space<vmem>>
        %dma_wait3A_714 = arith.constant 0 : i32
        %dma_wait3A_715 = tpu.memref_slice %arg3[%add3A_708, %dma_wait3A_714] : memref<832x100000xf32, #tpu.memory_space<hbm>> -> memref<1x100000xf32, #tpu.memory_space<hbm>>
        %dma_wait3A_716 = tpu.memref_squeeze %dma_wait3A_715 : memref<1x100000xf32, #tpu.memory_space<hbm>> -> memref<100000xf32, #tpu.memory_space<hbm>>
        %dma_wait3A_717 = arith.constant 0 : i32
        %dma_wait3A_718 = tpu.memref_slice %dma_wait3A_716[%dma_wait3A_717] : memref<100000xf32, #tpu.memory_space<hbm>> -> memref<100000xf32, #tpu.memory_space<hbm>>
        tpu.wait_indirect_dma semaphore(%arg17 : memref<!tpu.dma_semaphore, #tpu.memory_space<semaphore_mem>>) src(%dma_wait3A_718 : memref<100000xf32, #tpu.memory_space<hbm>>) dst(%dma_wait3A_712 : memref<128xf32, #tpu.memory_space<vmem>>)
        %mul3A_719 = arith.constant 32 : i32
        %mul3A_720 = arith.muli %scan3A_350, %mul3A_719 : i32
        %add3A_721 = arith.constant 25 : i32
        %add3A_722 = arith.addi %mul3A_720, %add3A_721 : i32
        %mul3A_723 = arith.constant 128 : i32
        %mul3A_724 = arith.muli %scan3A_350, %mul3A_723 : i32
        %dma_wait3A_725 = arith.constant 3200 : i32
        %dma_wait3A_726 = tpu.memref_slice %arg12[%dma_wait3A_725] : memref<4096xf32, #tpu.memory_space<vmem>> -> memref<128xf32, #tpu.memory_space<vmem>>
        %dma_wait3A_727 = tpu.memref_slice %arg8[%mul3A_724] : memref<3328xi32, #tpu.memory_space<vmem>> -> memref<128xi32, #tpu.memory_space<vmem>>
        %dma_wait3A_728 = arith.constant 0 : i32
        %dma_wait3A_729 = tpu.memref_slice %arg3[%add3A_722, %dma_wait3A_728] : memref<832x100000xf32, #tpu.memory_space<hbm>> -> memref<1x100000xf32, #tpu.memory_space<hbm>>
        %dma_wait3A_730 = tpu.memref_squeeze %dma_wait3A_729 : memref<1x100000xf32, #tpu.memory_space<hbm>> -> memref<100000xf32, #tpu.memory_space<hbm>>
        %dma_wait3A_731 = arith.constant 0 : i32
        %dma_wait3A_732 = tpu.memref_slice %dma_wait3A_730[%dma_wait3A_731] : memref<100000xf32, #tpu.memory_space<hbm>> -> memref<100000xf32, #tpu.memory_space<hbm>>
        tpu.wait_indirect_dma semaphore(%arg17 : memref<!tpu.dma_semaphore, #tpu.memory_space<semaphore_mem>>) src(%dma_wait3A_732 : memref<100000xf32, #tpu.memory_space<hbm>>) dst(%dma_wait3A_726 : memref<128xf32, #tpu.memory_space<vmem>>)
        %mul3A_733 = arith.constant 32 : i32
        %mul3A_734 = arith.muli %scan3A_350, %mul3A_733 : i32
        %add3A_735 = arith.constant 26 : i32
        %add3A_736 = arith.addi %mul3A_734, %add3A_735 : i32
        %mul3A_737 = arith.constant 128 : i32
        %mul3A_738 = arith.muli %scan3A_350, %mul3A_737 : i32
        %dma_wait3A_739 = arith.constant 3328 : i32
        %dma_wait3A_740 = tpu.memref_slice %arg12[%dma_wait3A_739] : memref<4096xf32, #tpu.memory_space<vmem>> -> memref<128xf32, #tpu.memory_space<vmem>>
        %dma_wait3A_741 = tpu.memref_slice %arg8[%mul3A_738] : memref<3328xi32, #tpu.memory_space<vmem>> -> memref<128xi32, #tpu.memory_space<vmem>>
        %dma_wait3A_742 = arith.constant 0 : i32
        %dma_wait3A_743 = tpu.memref_slice %arg3[%add3A_736, %dma_wait3A_742] : memref<832x100000xf32, #tpu.memory_space<hbm>> -> memref<1x100000xf32, #tpu.memory_space<hbm>>
        %dma_wait3A_744 = tpu.memref_squeeze %dma_wait3A_743 : memref<1x100000xf32, #tpu.memory_space<hbm>> -> memref<100000xf32, #tpu.memory_space<hbm>>
        %dma_wait3A_745 = arith.constant 0 : i32
        %dma_wait3A_746 = tpu.memref_slice %dma_wait3A_744[%dma_wait3A_745] : memref<100000xf32, #tpu.memory_space<hbm>> -> memref<100000xf32, #tpu.memory_space<hbm>>
        tpu.wait_indirect_dma semaphore(%arg17 : memref<!tpu.dma_semaphore, #tpu.memory_space<semaphore_mem>>) src(%dma_wait3A_746 : memref<100000xf32, #tpu.memory_space<hbm>>) dst(%dma_wait3A_740 : memref<128xf32, #tpu.memory_space<vmem>>)
        %mul3A_747 = arith.constant 32 : i32
        %mul3A_748 = arith.muli %scan3A_350, %mul3A_747 : i32
        %add3A_749 = arith.constant 27 : i32
        %add3A_750 = arith.addi %mul3A_748, %add3A_749 : i32
        %mul3A_751 = arith.constant 128 : i32
        %mul3A_752 = arith.muli %scan3A_350, %mul3A_751 : i32
        %dma_wait3A_753 = arith.constant 3456 : i32
        %dma_wait3A_754 = tpu.memref_slice %arg12[%dma_wait3A_753] : memref<4096xf32, #tpu.memory_space<vmem>> -> memref<128xf32, #tpu.memory_space<vmem>>
        %dma_wait3A_755 = tpu.memref_slice %arg8[%mul3A_752] : memref<3328xi32, #tpu.memory_space<vmem>> -> memref<128xi32, #tpu.memory_space<vmem>>
        %dma_wait3A_756 = arith.constant 0 : i32
        %dma_wait3A_757 = tpu.memref_slice %arg3[%add3A_750, %dma_wait3A_756] : memref<832x100000xf32, #tpu.memory_space<hbm>> -> memref<1x100000xf32, #tpu.memory_space<hbm>>
        %dma_wait3A_758 = tpu.memref_squeeze %dma_wait3A_757 : memref<1x100000xf32, #tpu.memory_space<hbm>> -> memref<100000xf32, #tpu.memory_space<hbm>>
        %dma_wait3A_759 = arith.constant 0 : i32
        %dma_wait3A_760 = tpu.memref_slice %dma_wait3A_758[%dma_wait3A_759] : memref<100000xf32, #tpu.memory_space<hbm>> -> memref<100000xf32, #tpu.memory_space<hbm>>
        tpu.wait_indirect_dma semaphore(%arg17 : memref<!tpu.dma_semaphore, #tpu.memory_space<semaphore_mem>>) src(%dma_wait3A_760 : memref<100000xf32, #tpu.memory_space<hbm>>) dst(%dma_wait3A_754 : memref<128xf32, #tpu.memory_space<vmem>>)
        %mul3A_761 = arith.constant 32 : i32
        %mul3A_762 = arith.muli %scan3A_350, %mul3A_761 : i32
        %add3A_763 = arith.constant 28 : i32
        %add3A_764 = arith.addi %mul3A_762, %add3A_763 : i32
        %mul3A_765 = arith.constant 128 : i32
        %mul3A_766 = arith.muli %scan3A_350, %mul3A_765 : i32
        %dma_wait3A_767 = arith.constant 3584 : i32
        %dma_wait3A_768 = tpu.memref_slice %arg12[%dma_wait3A_767] : memref<4096xf32, #tpu.memory_space<vmem>> -> memref<128xf32, #tpu.memory_space<vmem>>
        %dma_wait3A_769 = tpu.memref_slice %arg8[%mul3A_766] : memref<3328xi32, #tpu.memory_space<vmem>> -> memref<128xi32, #tpu.memory_space<vmem>>
        %dma_wait3A_770 = arith.constant 0 : i32
        %dma_wait3A_771 = tpu.memref_slice %arg3[%add3A_764, %dma_wait3A_770] : memref<832x100000xf32, #tpu.memory_space<hbm>> -> memref<1x100000xf32, #tpu.memory_space<hbm>>
        %dma_wait3A_772 = tpu.memref_squeeze %dma_wait3A_771 : memref<1x100000xf32, #tpu.memory_space<hbm>> -> memref<100000xf32, #tpu.memory_space<hbm>>
        %dma_wait3A_773 = arith.constant 0 : i32
        %dma_wait3A_774 = tpu.memref_slice %dma_wait3A_772[%dma_wait3A_773] : memref<100000xf32, #tpu.memory_space<hbm>> -> memref<100000xf32, #tpu.memory_space<hbm>>
        tpu.wait_indirect_dma semaphore(%arg17 : memref<!tpu.dma_semaphore, #tpu.memory_space<semaphore_mem>>) src(%dma_wait3A_774 : memref<100000xf32, #tpu.memory_space<hbm>>) dst(%dma_wait3A_768 : memref<128xf32, #tpu.memory_space<vmem>>)
        %mul3A_775 = arith.constant 32 : i32
        %mul3A_776 = arith.muli %scan3A_350, %mul3A_775 : i32
        %add3A_777 = arith.constant 29 : i32
        %add3A_778 = arith.addi %mul3A_776, %add3A_777 : i32
        %mul3A_779 = arith.constant 128 : i32
        %mul3A_780 = arith.muli %scan3A_350, %mul3A_779 : i32
        %dma_wait3A_781 = arith.constant 3712 : i32
        %dma_wait3A_782 = tpu.memref_slice %arg12[%dma_wait3A_781] : memref<4096xf32, #tpu.memory_space<vmem>> -> memref<128xf32, #tpu.memory_space<vmem>>
        %dma_wait3A_783 = tpu.memref_slice %arg8[%mul3A_780] : memref<3328xi32, #tpu.memory_space<vmem>> -> memref<128xi32, #tpu.memory_space<vmem>>
        %dma_wait3A_784 = arith.constant 0 : i32
        %dma_wait3A_785 = tpu.memref_slice %arg3[%add3A_778, %dma_wait3A_784] : memref<832x100000xf32, #tpu.memory_space<hbm>> -> memref<1x100000xf32, #tpu.memory_space<hbm>>
        %dma_wait3A_786 = tpu.memref_squeeze %dma_wait3A_785 : memref<1x100000xf32, #tpu.memory_space<hbm>> -> memref<100000xf32, #tpu.memory_space<hbm>>
        %dma_wait3A_787 = arith.constant 0 : i32
        %dma_wait3A_788 = tpu.memref_slice %dma_wait3A_786[%dma_wait3A_787] : memref<100000xf32, #tpu.memory_space<hbm>> -> memref<100000xf32, #tpu.memory_space<hbm>>
        tpu.wait_indirect_dma semaphore(%arg17 : memref<!tpu.dma_semaphore, #tpu.memory_space<semaphore_mem>>) src(%dma_wait3A_788 : memref<100000xf32, #tpu.memory_space<hbm>>) dst(%dma_wait3A_782 : memref<128xf32, #tpu.memory_space<vmem>>)
        %mul3A_789 = arith.constant 32 : i32
        %mul3A_790 = arith.muli %scan3A_350, %mul3A_789 : i32
        %add3A_791 = arith.constant 30 : i32
        %add3A_792 = arith.addi %mul3A_790, %add3A_791 : i32
        %mul3A_793 = arith.constant 128 : i32
        %mul3A_794 = arith.muli %scan3A_350, %mul3A_793 : i32
        %dma_wait3A_795 = arith.constant 3840 : i32
        %dma_wait3A_796 = tpu.memref_slice %arg12[%dma_wait3A_795] : memref<4096xf32, #tpu.memory_space<vmem>> -> memref<128xf32, #tpu.memory_space<vmem>>
        %dma_wait3A_797 = tpu.memref_slice %arg8[%mul3A_794] : memref<3328xi32, #tpu.memory_space<vmem>> -> memref<128xi32, #tpu.memory_space<vmem>>
        %dma_wait3A_798 = arith.constant 0 : i32
        %dma_wait3A_799 = tpu.memref_slice %arg3[%add3A_792, %dma_wait3A_798] : memref<832x100000xf32, #tpu.memory_space<hbm>> -> memref<1x100000xf32, #tpu.memory_space<hbm>>
        %dma_wait3A_800 = tpu.memref_squeeze %dma_wait3A_799 : memref<1x100000xf32, #tpu.memory_space<hbm>> -> memref<100000xf32, #tpu.memory_space<hbm>>
        %dma_wait3A_801 = arith.constant 0 : i32
        %dma_wait3A_802 = tpu.memref_slice %dma_wait3A_800[%dma_wait3A_801] : memref<100000xf32, #tpu.memory_space<hbm>> -> memref<100000xf32, #tpu.memory_space<hbm>>
        tpu.wait_indirect_dma semaphore(%arg17 : memref<!tpu.dma_semaphore, #tpu.memory_space<semaphore_mem>>) src(%dma_wait3A_802 : memref<100000xf32, #tpu.memory_space<hbm>>) dst(%dma_wait3A_796 : memref<128xf32, #tpu.memory_space<vmem>>)
        %mul3A_803 = arith.constant 32 : i32
        %mul3A_804 = arith.muli %scan3A_350, %mul3A_803 : i32
        %add3A_805 = arith.constant 31 : i32
        %add3A_806 = arith.addi %mul3A_804, %add3A_805 : i32
        %mul3A_807 = arith.constant 128 : i32
        %mul3A_808 = arith.muli %scan3A_350, %mul3A_807 : i32
        %dma_wait3A_809 = arith.constant 3968 : i32
        %dma_wait3A_810 = tpu.memref_slice %arg12[%dma_wait3A_809] : memref<4096xf32, #tpu.memory_space<vmem>> -> memref<128xf32, #tpu.memory_space<vmem>>
        %dma_wait3A_811 = tpu.memref_slice %arg8[%mul3A_808] : memref<3328xi32, #tpu.memory_space<vmem>> -> memref<128xi32, #tpu.memory_space<vmem>>
        %dma_wait3A_812 = arith.constant 0 : i32
        %dma_wait3A_813 = tpu.memref_slice %arg3[%add3A_806, %dma_wait3A_812] : memref<832x100000xf32, #tpu.memory_space<hbm>> -> memref<1x100000xf32, #tpu.memory_space<hbm>>
        %dma_wait3A_814 = tpu.memref_squeeze %dma_wait3A_813 : memref<1x100000xf32, #tpu.memory_space<hbm>> -> memref<100000xf32, #tpu.memory_space<hbm>>
        %dma_wait3A_815 = arith.constant 0 : i32
        %dma_wait3A_816 = tpu.memref_slice %dma_wait3A_814[%dma_wait3A_815] : memref<100000xf32, #tpu.memory_space<hbm>> -> memref<100000xf32, #tpu.memory_space<hbm>>
        tpu.wait_indirect_dma semaphore(%arg17 : memref<!tpu.dma_semaphore, #tpu.memory_space<semaphore_mem>>) src(%dma_wait3A_816 : memref<100000xf32, #tpu.memory_space<hbm>>) dst(%dma_wait3A_810 : memref<128xf32, #tpu.memory_space<vmem>>)
        %scan3A_817 = arith.constant 0 : i32
        %scan3A_818 = arith.constant 0 : i32
        %scan3A_819 = arith.constant 256 : i32
        %scan3A_820 = arith.addi %scan3A_818, %scan3A_819 : i32
        %scan3A_821 = arith.constant 1 : i32
        %scan3A_822 = scf.for %scan3A_824 = %scan3A_818 to %scan3A_820 step %scan3A_821 iter_args(%scan3A_825 = %scan3A_817) -> (i32)  : i32 {
          %jit3A = arith.constant 8 : i32
          %div3A = arith.divsi %scan3A_824, %jit3A : i32
          %sign3A = arith.constant 0 : i32
          %sign3A_826 = arith.cmpi sgt, %scan3A_824, %sign3A : i32
          %sign3A_827 = arith.extui %sign3A_826 : i1 to i32
          %sign3A_828 = arith.constant 0 : i32
          %sign3A_829 = arith.cmpi slt, %scan3A_824, %sign3A_828 : i32
          %sign3A_830 = arith.extui %sign3A_829 : i1 to i32
          %sign3A_831 = arith.subi %sign3A_827, %sign3A_830 : i32
          %sign3A_832 = arith.constant 0 : i32
          %sign3A_833 = arith.cmpi sgt, %jit3A, %sign3A_832 : i32
          %sign3A_834 = arith.extui %sign3A_833 : i1 to i32
          %sign3A_835 = arith.constant 0 : i32
          %sign3A_836 = arith.cmpi slt, %jit3A, %sign3A_835 : i32
          %sign3A_837 = arith.extui %sign3A_836 : i1 to i32
          %sign3A_838 = arith.subi %sign3A_834, %sign3A_837 : i32
          %ne3A = arith.cmpi ne, %sign3A_831, %sign3A_838 : i32
          %rem3A_839 = arith.remsi %scan3A_824, %jit3A : i32
          %ne3A_840 = arith.constant 0 : i32
          %ne3A_841 = arith.cmpi ne, %rem3A_839, %ne3A_840 : i32
          %and3A = arith.andi %ne3A, %ne3A_841 : i1
          %sub3A = arith.constant 1 : i32
          %sub3A_842 = arith.subi %div3A, %sub3A : i32
          %select_n3A = arith.select %and3A, %sub3A_842, %div3A : i32
          %jit3A_843 = arith.constant 8 : i32
          %eq3A_844 = arith.constant 0 : i32
          %eq3A_845 = arith.cmpi eq, %jit3A_843, %eq3A_844 : i32
          %jit3A_846 = arith.constant 1 : i32
          %select_n3A_847 = arith.select %eq3A_845, %jit3A_846, %jit3A_843 : i32
          %rem3A_848 = arith.remsi %scan3A_824, %select_n3A_847 : i32
          %ne3A_849 = arith.constant 0 : i32
          %ne3A_850 = arith.cmpi ne, %rem3A_848, %ne3A_849 : i32
          %lt3A_851 = arith.constant 0 : i32
          %lt3A_852 = arith.cmpi slt, %rem3A_848, %lt3A_851 : i32
          %lt3A_853 = arith.constant 0 : i32
          %lt3A_854 = arith.cmpi slt, %select_n3A_847, %lt3A_853 : i32
          %ne3A_855 = arith.xori %lt3A_852, %lt3A_854 : i1
          %and3A_856 = arith.andi %ne3A_855, %ne3A_850 : i1
          %add3A_857 = arith.addi %rem3A_848, %select_n3A_847 : i32
          %select_n3A_858 = arith.select %and3A_856, %add3A_857, %rem3A_848 : i32
          %mul3A_859 = arith.constant 128 : i32
          %mul3A_860 = arith.muli %select_n3A, %mul3A_859 : i32
          %mul3A_861 = arith.constant 16 : i32
          %mul3A_862 = arith.muli %select_n3A_858, %mul3A_861 : i32
          %add3A_863 = arith.addi %mul3A_860, %mul3A_862 : i32
          %get3A = arith.index_cast %add3A_863 : i32 to index
          %get3A_864 = tpu.vector_load %arg12[%get3A] {strides = array<i32>} : memref<4096xf32, #tpu.memory_space<vmem>>, vector<16xf32>,
          %get3A_865 = vector.shape_cast %get3A_864 : vector<16xf32> to vector<16xf32>
          %mul3A_866 = arith.constant 16 : i32
          %mul3A_867 = arith.muli %select_n3A_858, %mul3A_866 : i32
          %get3A_868 = arith.index_cast %select_n3A : i32 to index
          %get3A_869 = arith.index_cast %mul3A_867 : i32 to index
          %get3A_870 = tpu.vector_load %arg13[%get3A_868, %get3A_869] {strides = array<i32>} : memref<32x128xf32, #tpu.memory_space<vmem>>, vector<1x16xf32>,
          %get3A_871 = vector.shape_cast %get3A_870 : vector<1x16xf32> to vector<16xf32>
          %add3A_872 = arith.addf %get3A_871, %get3A_865 : vector<16xf32>
          %swap3A = arith.index_cast %select_n3A : i32 to index
          %swap3A_873 = arith.index_cast %mul3A_867 : i32 to index
          %swap3A_874 = tpu.vector_load %arg13[%swap3A, %swap3A_873] {strides = array<i32>} : memref<32x128xf32, #tpu.memory_space<vmem>>, vector<1x16xf32>,
          %swap3A_875 = vector.shape_cast %swap3A_874 : vector<1x16xf32> to vector<16xf32>
          %swap3A_876 = vector.shape_cast %add3A_872 : vector<16xf32> to vector<1x16xf32>
          tpu.vector_store %arg13[%swap3A, %swap3A_873], %swap3A_876 {strides = array<i32>} : memref<32x128xf32, #tpu.memory_space<vmem>>, vector<1x16xf32>,
          %mul3A_877 = arith.constant 16 : i32
          %mul3A_878 = arith.muli %select_n3A_858, %mul3A_877 : i32
          %get3A_879 = arith.index_cast %select_n3A : i32 to index
          %get3A_880 = arith.index_cast %mul3A_878 : i32 to index
          %get3A_881 = tpu.vector_load %arg14[%get3A_879, %get3A_880] {strides = array<i32>} : memref<32x128xf32, #tpu.memory_space<vmem>>, vector<1x16xf32>,
          %get3A_882 = vector.shape_cast %get3A_881 : vector<1x16xf32> to vector<16xf32>
          %mul3A_883 = arith.mulf %get3A_865, %get3A_865 : vector<16xf32>
          %add3A_884 = arith.addf %get3A_882, %mul3A_883 : vector<16xf32>
          %swap3A_885 = arith.index_cast %select_n3A : i32 to index
          %swap3A_886 = arith.index_cast %mul3A_878 : i32 to index
          %swap3A_887 = tpu.vector_load %arg14[%swap3A_885, %swap3A_886] {strides = array<i32>} : memref<32x128xf32, #tpu.memory_space<vmem>>, vector<1x16xf32>,
          %swap3A_888 = vector.shape_cast %swap3A_887 : vector<1x16xf32> to vector<16xf32>
          %swap3A_889 = vector.shape_cast %add3A_884 : vector<16xf32> to vector<1x16xf32>
          tpu.vector_store %arg14[%swap3A_885, %swap3A_886], %swap3A_889 {strides = array<i32>} : memref<32x128xf32, #tpu.memory_space<vmem>>, vector<1x16xf32>,
          %scan3A_890 = arith.constant 0 : i32
          scf.yield %scan3A_890 : i32
        }
        %scan3A_823 = arith.constant 256 : i32
      } else {
      }
      %scan3A_368 = arith.constant 0 : i32
      scf.yield %scan3A_368 : i32
    }
    %scan3A_341 = arith.constant 26 : i32
    %dma_wait3A = arith.constant 0 : i32
    %dma_wait3A_342 = tpu.memref_slice %arg4[%dma_wait3A] : memref<2600000xf32, #tpu.memory_space<hbm>> -> memref<2600000xf32, #tpu.memory_space<hbm>>
    tpu.wait_indirect_dma semaphore(%arg18 : memref<!tpu.dma_semaphore, #tpu.memory_space<semaphore_mem>>) src(%dma_wait3A_342 : memref<2600000xf32, #tpu.memory_space<hbm>>) dst(%arg10 : memref<3328xf32, #tpu.memory_space<vmem>>)
    %scan3A_343 = arith.constant 0 : i32
    %scan3A_344 = arith.constant 0 : i32
    %scan3A_345 = arith.constant 8 : i32
    %scan3A_346 = arith.addi %scan3A_344, %scan3A_345 : i32
    %scan3A_347 = arith.constant 1 : i32
    %scan3A_348 = scf.for %scan3A_350 = %scan3A_344 to %scan3A_346 step %scan3A_347 iter_args(%scan3A_351 = %scan3A_343) -> (i32)  : i32 {
      %broadcast_in_dim3A = arith.constant 0.000000e+00 : f32
      %broadcast_in_dim3A_352 = vector.broadcast %broadcast_in_dim3A : f32 to vector<16xf32>
      %scan3A_353 = arith.constant 0 : i32
      %scan3A_354 = arith.constant 26 : i32
      %scan3A_355 = arith.addi %scan3A_353, %scan3A_354 : i32
      %scan3A_356 = arith.constant 1 : i32
      %scan3A_357 = scf.for %scan3A_365 = %scan3A_353 to %scan3A_355 step %scan3A_356 iter_args(%scan3A_366 = %broadcast_in_dim3A_352) -> (vector<16xf32>)  : i32 {
        %mul3A_367 = arith.constant 128 : i32
        %mul3A_368 = arith.muli %scan3A_365, %mul3A_367 : i32
        %mul3A_369 = arith.constant 16 : i32
        %mul3A_370 = arith.muli %scan3A_350, %mul3A_369 : i32
        %add3A_371 = arith.addi %mul3A_368, %mul3A_370 : i32
        %get3A = arith.index_cast %add3A_371 : i32 to index
        %get3A_372 = tpu.vector_load %arg10[%get3A] {strides = array<i32>} : memref<3328xf32, #tpu.memory_space<vmem>>, vector<16xf32>,
        %get3A_373 = vector.shape_cast %get3A_372 : vector<16xf32> to vector<16xf32>
        %add3A_374 = arith.addf %scan3A_366, %get3A_373 : vector<16xf32>
        scf.yield %add3A_374 : vector<16xf32>
      }
      %scan3A_358 = arith.constant 26 : i32
      %mul3A_359 = arith.constant 16 : i32
      %mul3A_360 = arith.muli %scan3A_350, %mul3A_359 : i32
      %swap3A = arith.index_cast %mul3A_360 : i32 to index
      %swap3A_361 = tpu.vector_load %arg15[%swap3A] {strides = array<i32>} : memref<128xf32, #tpu.memory_space<vmem>>, vector<16xf32>,
      %swap3A_362 = vector.shape_cast %swap3A_361 : vector<16xf32> to vector<16xf32>
      %swap3A_363 = vector.shape_cast %scan3A_357 : vector<16xf32> to vector<16xf32>
      tpu.vector_store %arg15[%swap3A], %swap3A_363 {strides = array<i32>} : memref<128xf32, #tpu.memory_space<vmem>>, vector<16xf32>,
      %scan3A_364 = arith.constant 0 : i32
      scf.yield %scan3A_364 : i32
    }
    %scan3A_349 = arith.constant 8 : i32
    "tpu.region"() ({
      %run_scoped3A = tpu.sem_alloc : memref<!tpu.dma_semaphore, #tpu.memory_space<semaphore_mem>>
      %dma_start3A_350 = arith.constant 0 : i32
      %dma_start3A_351 = arith.constant 0 : i32
      %dma_start3A_352 = tpu.memref_slice %arg5[%add3A, %dma_start3A_350, %dma_start3A_351] : memref<32x32x128xf32, #tpu.memory_space<hbm>> -> memref<1x32x128xf32, #tpu.memory_space<hbm>>
      %dma_start3A_353 = tpu.memref_squeeze %dma_start3A_352 : memref<1x32x128xf32, #tpu.memory_space<hbm>> -> memref<32x128xf32, #tpu.memory_space<hbm>>
      %dma_start3A_354 = arith.constant 0 : i32
      %dma_start3A_355 = arith.constant 0 : i32
      %dma_start3A_356 = tpu.memref_slice %arg5[%add3A, %dma_start3A_354, %dma_start3A_355] : memref<32x32x128xf32, #tpu.memory_space<hbm>> -> memref<1x32x128xf32, #tpu.memory_space<hbm>>
      %dma_start3A_357 = tpu.memref_squeeze %dma_start3A_356 : memref<1x32x128xf32, #tpu.memory_space<hbm>> -> memref<32x128xf32, #tpu.memory_space<hbm>>
      tpu.enqueue_dma source(%arg13 : memref<32x128xf32, #tpu.memory_space<vmem>>) target(%dma_start3A_357 : memref<32x128xf32, #tpu.memory_space<hbm>>) target_semaphore(%run_scoped3A : memref<!tpu.dma_semaphore, #tpu.memory_space<semaphore_mem>>)
      %dma_wait3A_358 = arith.constant 0 : i32
      %dma_wait3A_359 = arith.constant 0 : i32
      %dma_wait3A_360 = tpu.memref_slice %arg5[%add3A, %dma_wait3A_358, %dma_wait3A_359] : memref<32x32x128xf32, #tpu.memory_space<hbm>> -> memref<1x32x128xf32, #tpu.memory_space<hbm>>
      %dma_wait3A_361 = tpu.memref_squeeze %dma_wait3A_360 : memref<1x32x128xf32, #tpu.memory_space<hbm>> -> memref<32x128xf32, #tpu.memory_space<hbm>>
      %dma_wait3A_362 = arith.constant 0 : i32
      %dma_wait3A_363 = arith.constant 0 : i32
      %dma_wait3A_364 = tpu.memref_slice %arg5[%add3A, %dma_wait3A_362, %dma_wait3A_363] : memref<32x32x128xf32, #tpu.memory_space<hbm>> -> memref<1x32x128xf32, #tpu.memory_space<hbm>>
      %dma_wait3A_365 = tpu.memref_squeeze %dma_wait3A_364 : memref<1x32x128xf32, #tpu.memory_space<hbm>> -> memref<32x128xf32, #tpu.memory_space<hbm>>
      tpu.wait_dma2 semaphore(%run_scoped3A : memref<!tpu.dma_semaphore, #tpu.memory_space<semaphore_mem>>) src(%arg13 : memref<32x128xf32, #tpu.memory_space<vmem>>) dst(%dma_wait3A_365 : memref<32x128xf32, #tpu.memory_space<hbm>>)
      tpu.yield
    }) : () -> ()
    "tpu.region"() ({
      %run_scoped3A = tpu.sem_alloc : memref<!tpu.dma_semaphore, #tpu.memory_space<semaphore_mem>>
      %dma_start3A_350 = arith.constant 0 : i32
      %dma_start3A_351 = arith.constant 0 : i32
      %dma_start3A_352 = tpu.memref_slice %arg6[%add3A, %dma_start3A_350, %dma_start3A_351] : memref<32x32x128xf32, #tpu.memory_space<hbm>> -> memref<1x32x128xf32, #tpu.memory_space<hbm>>
      %dma_start3A_353 = tpu.memref_squeeze %dma_start3A_352 : memref<1x32x128xf32, #tpu.memory_space<hbm>> -> memref<32x128xf32, #tpu.memory_space<hbm>>
      %dma_start3A_354 = arith.constant 0 : i32
      %dma_start3A_355 = arith.constant 0 : i32
      %dma_start3A_356 = tpu.memref_slice %arg6[%add3A, %dma_start3A_354, %dma_start3A_355] : memref<32x32x128xf32, #tpu.memory_space<hbm>> -> memref<1x32x128xf32, #tpu.memory_space<hbm>>
      %dma_start3A_357 = tpu.memref_squeeze %dma_start3A_356 : memref<1x32x128xf32, #tpu.memory_space<hbm>> -> memref<32x128xf32, #tpu.memory_space<hbm>>
      tpu.enqueue_dma source(%arg14 : memref<32x128xf32, #tpu.memory_space<vmem>>) target(%dma_start3A_357 : memref<32x128xf32, #tpu.memory_space<hbm>>) target_semaphore(%run_scoped3A : memref<!tpu.dma_semaphore, #tpu.memory_space<semaphore_mem>>)
      %dma_wait3A_358 = arith.constant 0 : i32
      %dma_wait3A_359 = arith.constant 0 : i32
      %dma_wait3A_360 = tpu.memref_slice %arg6[%add3A, %dma_wait3A_358, %dma_wait3A_359] : memref<32x32x128xf32, #tpu.memory_space<hbm>> -> memref<1x32x128xf32, #tpu.memory_space<hbm>>
      %dma_wait3A_361 = tpu.memref_squeeze %dma_wait3A_360 : memref<1x32x128xf32, #tpu.memory_space<hbm>> -> memref<32x128xf32, #tpu.memory_space<hbm>>
      %dma_wait3A_362 = arith.constant 0 : i32
      %dma_wait3A_363 = arith.constant 0 : i32
      %dma_wait3A_364 = tpu.memref_slice %arg6[%add3A, %dma_wait3A_362, %dma_wait3A_363] : memref<32x32x128xf32, #tpu.memory_space<hbm>> -> memref<1x32x128xf32, #tpu.memory_space<hbm>>
      %dma_wait3A_365 = tpu.memref_squeeze %dma_wait3A_364 : memref<1x32x128xf32, #tpu.memory_space<hbm>> -> memref<32x128xf32, #tpu.memory_space<hbm>>
      tpu.wait_dma2 semaphore(%run_scoped3A : memref<!tpu.dma_semaphore, #tpu.memory_space<semaphore_mem>>) src(%arg14 : memref<32x128xf32, #tpu.memory_space<vmem>>) dst(%dma_wait3A_365 : memref<32x128xf32, #tpu.memory_space<hbm>>)
      tpu.yield
    }) : () -> ()
    "tpu.region"() ({
      %run_scoped3A = tpu.sem_alloc : memref<!tpu.dma_semaphore, #tpu.memory_space<semaphore_mem>>
      %dma_start3A_350 = arith.constant 0 : i32
      %dma_start3A_351 = tpu.memref_slice %arg7[%add3A, %dma_start3A_350] : memref<32x128xf32, #tpu.memory_space<hbm>> -> memref<1x128xf32, #tpu.memory_space<hbm>>
      %dma_start3A_352 = tpu.memref_squeeze %dma_start3A_351 : memref<1x128xf32, #tpu.memory_space<hbm>> -> memref<128xf32, #tpu.memory_space<hbm>>
      %dma_start3A_353 = arith.constant 0 : i32
      %dma_start3A_354 = tpu.memref_slice %arg7[%add3A, %dma_start3A_353] : memref<32x128xf32, #tpu.memory_space<hbm>> -> memref<1x128xf32, #tpu.memory_space<hbm>>
      %dma_start3A_355 = tpu.memref_squeeze %dma_start3A_354 : memref<1x128xf32, #tpu.memory_space<hbm>> -> memref<128xf32, #tpu.memory_space<hbm>>
      tpu.enqueue_dma source(%arg15 : memref<128xf32, #tpu.memory_space<vmem>>) target(%dma_start3A_355 : memref<128xf32, #tpu.memory_space<hbm>>) target_semaphore(%run_scoped3A : memref<!tpu.dma_semaphore, #tpu.memory_space<semaphore_mem>>)
      %dma_wait3A_356 = arith.constant 0 : i32
      %dma_wait3A_357 = tpu.memref_slice %arg7[%add3A, %dma_wait3A_356] : memref<32x128xf32, #tpu.memory_space<hbm>> -> memref<1x128xf32, #tpu.memory_space<hbm>>
      %dma_wait3A_358 = tpu.memref_squeeze %dma_wait3A_357 : memref<1x128xf32, #tpu.memory_space<hbm>> -> memref<128xf32, #tpu.memory_space<hbm>>
      %dma_wait3A_359 = arith.constant 0 : i32
      %dma_wait3A_360 = tpu.memref_slice %arg7[%add3A, %dma_wait3A_359] : memref<32x128xf32, #tpu.memory_space<hbm>> -> memref<1x128xf32, #tpu.memory_space<hbm>>
      %dma_wait3A_361 = tpu.memref_squeeze %dma_wait3A_360 : memref<1x128xf32, #tpu.memory_space<hbm>> -> memref<128xf32, #tpu.memory_space<hbm>>
      tpu.wait_dma2 semaphore(%run_scoped3A : memref<!tpu.dma_semaphore, #tpu.memory_space<semaphore_mem>>) src(%arg15 : memref<128xf32, #tpu.memory_space<vmem>>) dst(%dma_wait3A_361 : memref<128xf32, #tpu.memory_space<hbm>>)
      tpu.yield
    }) : () -> ()
    return
  }
}

module attributes {stable_mosaic.version = 14 : i64} {
  func.func @_mlp_body(%arg0: memref<32x4096xf32, #tpu.memory_space<vmem>>, %arg1: memref<32x4096xf32, #tpu.memory_space<vmem>>, %arg2: memref<13x4096xf32, #tpu.memory_space<vmem>>, %arg3: memref<1x4096xf32, #tpu.memory_space<vmem>>, %arg4: memref<1x13xf32, #tpu.memory_space<vmem>>, %arg5: memref<256x32xf32, #tpu.memory_space<vmem>>, %arg6: memref<256x13xf32, #tpu.memory_space<vmem>>, %arg7: memref<256x1xf32, #tpu.memory_space<vmem>>, %arg8: memref<256x1xf32, #tpu.memory_space<vmem>>, %arg9: memref<256x1xf32, #tpu.memory_space<vmem>>, %arg10: memref<128x256xf32, #tpu.memory_space<vmem>>, %arg11: memref<128x1xf32, #tpu.memory_space<vmem>>, %arg12: memref<128x1xf32, #tpu.memory_space<vmem>>, %arg13: memref<128x1xf32, #tpu.memory_space<vmem>>, %arg14: memref<1x128xf32, #tpu.memory_space<vmem>>, %arg15: memref<32x1xf32, #tpu.memory_space<vmem>>, %arg16: memref<32x1xf32, #tpu.memory_space<vmem>>, %arg17: memref<13x1xf32, #tpu.memory_space<vmem>>, %arg18: memref<13x1xf32, #tpu.memory_space<vmem>>, %arg19: memref<1x1xf32, #tpu.memory_space<vmem>>, %arg20: memref<1x4096xf32, #tpu.memory_space<vmem>>) attributes {dimension_semantics = [], scalar_prefetch = 0 : i64, scratch_operands = 0 : i64, tpu.core_type = #tpu.core_type<tc>} {
    %get3A = arith.constant 0 : index
    %get3A_0 = arith.constant 0 : index
    %get3A_1 = vector.load %arg0[%get3A, %get3A_0] : memref<32x4096xf32, #tpu.memory_space<vmem>>, vector<32x4096xf32>
    %mul3A = arith.mulf %get3A_1, %get3A_1 : vector<32x4096xf32>
    %get3A_2 = arith.constant 0 : index
    %get3A_3 = arith.constant 0 : index
    %get3A_4 = vector.load %arg1[%get3A_2, %get3A_3] : memref<32x4096xf32, #tpu.memory_space<vmem>>, vector<32x4096xf32>
    %sub3A = arith.subf %mul3A, %get3A_4 : vector<32x4096xf32>
    %mul3A_5 = arith.constant 5.000000e-01 : f32
    %mul3A_6 = vector.broadcast %mul3A_5 : f32 to vector<32x4096xf32>
    %mul3A_7 = arith.mulf %mul3A_6, %sub3A : vector<32x4096xf32>
    %get3A_8 = arith.constant 0 : index
    %get3A_9 = arith.constant 0 : index
    %get3A_10 = vector.load %arg2[%get3A_8, %get3A_9] : memref<13x4096xf32, #tpu.memory_space<vmem>>, vector<13x4096xf32>
    %get3A_11 = arith.constant 0 : index
    %get3A_12 = arith.constant 0 : index
    %get3A_13 = vector.load %arg15[%get3A_11, %get3A_12] : memref<32x1xf32, #tpu.memory_space<vmem>>, vector<32x1xf32>
    %get3A_14 = arith.constant 0 : index
    %get3A_15 = arith.constant 0 : index
    %get3A_16 = vector.load %arg16[%get3A_14, %get3A_15] : memref<32x1xf32, #tpu.memory_space<vmem>>, vector<32x1xf32>
    %reduce_sum3A = arith.constant dense<0.000000e+00> : vector<32xf32>
    %reduce_sum3A_17 = vector.multi_reduction <add>, %mul3A_7, %reduce_sum3A [1] : vector<32x4096xf32> to vector<32xf32>
    %broadcast_in_dim3A = vector.shape_cast %reduce_sum3A_17 : vector<32xf32> to vector<32x1xf32>
    %div3A = arith.constant 4.096000e+03 : f32
    %div3A_18 = vector.broadcast %div3A : f32 to vector<32x1xf32>
    %div3A_19 = arith.divf %broadcast_in_dim3A, %div3A_18 : vector<32x1xf32>
    %sub3A_20 = vector.broadcast %div3A_19 : vector<32x1xf32> to vector<32x4096xf32>
    %sub3A_21 = arith.subf %mul3A_7, %sub3A_20 : vector<32x4096xf32>
    %integer_pow3A = arith.mulf %sub3A_21, %sub3A_21 : vector<32x4096xf32>
    %reduce_sum3A_22 = arith.constant dense<0.000000e+00> : vector<32xf32>
    %reduce_sum3A_23 = vector.multi_reduction <add>, %integer_pow3A, %reduce_sum3A_22 [1] : vector<32x4096xf32> to vector<32xf32>
    %broadcast_in_dim3A_24 = vector.shape_cast %reduce_sum3A_23 : vector<32xf32> to vector<32x1xf32>
    %div3A_25 = arith.constant 4.096000e+03 : f32
    %div3A_26 = vector.broadcast %div3A_25 : f32 to vector<32x1xf32>
    %div3A_27 = arith.divf %broadcast_in_dim3A_24, %div3A_26 : vector<32x1xf32>
    %sub3A_28 = vector.broadcast %div3A_19 : vector<32x1xf32> to vector<32x4096xf32>
    %sub3A_29 = arith.subf %mul3A_7, %sub3A_28 : vector<32x4096xf32>
    %add3A = arith.constant 9.99999974E-6 : f32
    %add3A_30 = vector.broadcast %add3A : f32 to vector<32x1xf32>
    %add3A_31 = arith.addf %div3A_27, %add3A_30 : vector<32x1xf32>
    %sqrt3A = math.sqrt %add3A_31 : vector<32x1xf32>
    %div3A_32 = vector.broadcast %sqrt3A : vector<32x1xf32> to vector<32x4096xf32>
    %div3A_33 = arith.divf %sub3A_29, %div3A_32 : vector<32x4096xf32>
    %mul3A_34 = vector.broadcast %get3A_13 : vector<32x1xf32> to vector<32x4096xf32>
    %mul3A_35 = arith.mulf %div3A_33, %mul3A_34 : vector<32x4096xf32>
    %add3A_36 = vector.broadcast %get3A_16 : vector<32x1xf32> to vector<32x4096xf32>
    %add3A_37 = arith.addf %mul3A_35, %add3A_36 : vector<32x4096xf32>
    %get3A_38 = arith.constant 0 : index
    %get3A_39 = arith.constant 0 : index
    %get3A_40 = vector.load %arg17[%get3A_38, %get3A_39] : memref<13x1xf32, #tpu.memory_space<vmem>>, vector<13x1xf32>
    %get3A_41 = arith.constant 0 : index
    %get3A_42 = arith.constant 0 : index
    %get3A_43 = vector.load %arg18[%get3A_41, %get3A_42] : memref<13x1xf32, #tpu.memory_space<vmem>>, vector<13x1xf32>
    %reduce_sum3A_44 = arith.constant dense<0.000000e+00> : vector<13xf32>
    %reduce_sum3A_45 = vector.multi_reduction <add>, %get3A_10, %reduce_sum3A_44 [1] : vector<13x4096xf32> to vector<13xf32>
    %broadcast_in_dim3A_46 = vector.shape_cast %reduce_sum3A_45 : vector<13xf32> to vector<13x1xf32>
    %div3A_47 = arith.constant 4.096000e+03 : f32
    %div3A_48 = vector.broadcast %div3A_47 : f32 to vector<13x1xf32>
    %div3A_49 = arith.divf %broadcast_in_dim3A_46, %div3A_48 : vector<13x1xf32>
    %sub3A_50 = vector.broadcast %div3A_49 : vector<13x1xf32> to vector<13x4096xf32>
    %sub3A_51 = arith.subf %get3A_10, %sub3A_50 : vector<13x4096xf32>
    %integer_pow3A_52 = arith.mulf %sub3A_51, %sub3A_51 : vector<13x4096xf32>
    %reduce_sum3A_53 = arith.constant dense<0.000000e+00> : vector<13xf32>
    %reduce_sum3A_54 = vector.multi_reduction <add>, %integer_pow3A_52, %reduce_sum3A_53 [1] : vector<13x4096xf32> to vector<13xf32>
    %broadcast_in_dim3A_55 = vector.shape_cast %reduce_sum3A_54 : vector<13xf32> to vector<13x1xf32>
    %div3A_56 = arith.constant 4.096000e+03 : f32
    %div3A_57 = vector.broadcast %div3A_56 : f32 to vector<13x1xf32>
    %div3A_58 = arith.divf %broadcast_in_dim3A_55, %div3A_57 : vector<13x1xf32>
    %sub3A_59 = vector.broadcast %div3A_49 : vector<13x1xf32> to vector<13x4096xf32>
    %sub3A_60 = arith.subf %get3A_10, %sub3A_59 : vector<13x4096xf32>
    %add3A_61 = arith.constant 9.99999974E-6 : f32
    %add3A_62 = vector.broadcast %add3A_61 : f32 to vector<13x1xf32>
    %add3A_63 = arith.addf %div3A_58, %add3A_62 : vector<13x1xf32>
    %sqrt3A_64 = math.sqrt %add3A_63 : vector<13x1xf32>
    %div3A_65 = vector.broadcast %sqrt3A_64 : vector<13x1xf32> to vector<13x4096xf32>
    %div3A_66 = arith.divf %sub3A_60, %div3A_65 : vector<13x4096xf32>
    %mul3A_67 = vector.broadcast %get3A_40 : vector<13x1xf32> to vector<13x4096xf32>
    %mul3A_68 = arith.mulf %div3A_66, %mul3A_67 : vector<13x4096xf32>
    %add3A_69 = vector.broadcast %get3A_43 : vector<13x1xf32> to vector<13x4096xf32>
    %add3A_70 = arith.addf %mul3A_68, %add3A_69 : vector<13x4096xf32>
    %get3A_71 = arith.constant 0 : index
    %get3A_72 = arith.constant 0 : index
    %get3A_73 = vector.load %arg5[%get3A_71, %get3A_72] : memref<256x32xf32, #tpu.memory_space<vmem>>, vector<256x32xf32>
    %dot_general3A = arith.constant dense<0.000000e+00> : vector<256x4096xf32>
    %dot_general3A_74 = tpu.matmul %get3A_73, %add3A_37, %dot_general3A {dimension_numbers = #tpu.dot_dimension_numbers<[1], [0], [0], [1], [0, 0, 1, 1], [], []>, transpose_lhs_hint = false} : vector<256x32xf32>, vector<32x4096xf32>, vector<256x4096xf32> -> vector<256x4096xf32>
    %get3A_75 = arith.constant 0 : index
    %get3A_76 = arith.constant 0 : index
    %get3A_77 = vector.load %arg6[%get3A_75, %get3A_76] : memref<256x13xf32, #tpu.memory_space<vmem>>, vector<256x13xf32>
    %dot_general3A_78 = arith.constant dense<0.000000e+00> : vector<256x4096xf32>
    %dot_general3A_79 = tpu.matmul %get3A_77, %add3A_70, %dot_general3A_78 {dimension_numbers = #tpu.dot_dimension_numbers<[1], [0], [0], [1], [0, 0, 1, 1], [], []>, transpose_lhs_hint = false} : vector<256x13xf32>, vector<13x4096xf32>, vector<256x4096xf32> -> vector<256x4096xf32>
    %add3A_80 = arith.addf %dot_general3A_74, %dot_general3A_79 : vector<256x4096xf32>
    %get3A_81 = arith.constant 0 : index
    %get3A_82 = arith.constant 0 : index
    %get3A_83 = vector.load %arg7[%get3A_81, %get3A_82] : memref<256x1xf32, #tpu.memory_space<vmem>>, vector<256x1xf32>
    %add3A_84 = vector.broadcast %get3A_83 : vector<256x1xf32> to vector<256x4096xf32>
    %add3A_85 = arith.addf %add3A_80, %add3A_84 : vector<256x4096xf32>
    %get3A_86 = arith.constant 0 : index
    %get3A_87 = arith.constant 0 : index
    %get3A_88 = vector.load %arg8[%get3A_86, %get3A_87] : memref<256x1xf32, #tpu.memory_space<vmem>>, vector<256x1xf32>
    %get3A_89 = arith.constant 0 : index
    %get3A_90 = arith.constant 0 : index
    %get3A_91 = vector.load %arg9[%get3A_89, %get3A_90] : memref<256x1xf32, #tpu.memory_space<vmem>>, vector<256x1xf32>
    %reduce_sum3A_92 = arith.constant dense<0.000000e+00> : vector<256xf32>
    %reduce_sum3A_93 = vector.multi_reduction <add>, %add3A_85, %reduce_sum3A_92 [1] : vector<256x4096xf32> to vector<256xf32>
    %broadcast_in_dim3A_94 = vector.shape_cast %reduce_sum3A_93 : vector<256xf32> to vector<256x1xf32>
    %div3A_95 = arith.constant 4.096000e+03 : f32
    %div3A_96 = vector.broadcast %div3A_95 : f32 to vector<256x1xf32>
    %div3A_97 = arith.divf %broadcast_in_dim3A_94, %div3A_96 : vector<256x1xf32>
    %sub3A_98 = vector.broadcast %div3A_97 : vector<256x1xf32> to vector<256x4096xf32>
    %sub3A_99 = arith.subf %add3A_85, %sub3A_98 : vector<256x4096xf32>
    %integer_pow3A_100 = arith.mulf %sub3A_99, %sub3A_99 : vector<256x4096xf32>
    %reduce_sum3A_101 = arith.constant dense<0.000000e+00> : vector<256xf32>
    %reduce_sum3A_102 = vector.multi_reduction <add>, %integer_pow3A_100, %reduce_sum3A_101 [1] : vector<256x4096xf32> to vector<256xf32>
    %broadcast_in_dim3A_103 = vector.shape_cast %reduce_sum3A_102 : vector<256xf32> to vector<256x1xf32>
    %div3A_104 = arith.constant 4.096000e+03 : f32
    %div3A_105 = vector.broadcast %div3A_104 : f32 to vector<256x1xf32>
    %div3A_106 = arith.divf %broadcast_in_dim3A_103, %div3A_105 : vector<256x1xf32>
    %sub3A_107 = vector.broadcast %div3A_97 : vector<256x1xf32> to vector<256x4096xf32>
    %sub3A_108 = arith.subf %add3A_85, %sub3A_107 : vector<256x4096xf32>
    %add3A_109 = arith.constant 9.99999974E-6 : f32
    %add3A_110 = vector.broadcast %add3A_109 : f32 to vector<256x1xf32>
    %add3A_111 = arith.addf %div3A_106, %add3A_110 : vector<256x1xf32>
    %sqrt3A_112 = math.sqrt %add3A_111 : vector<256x1xf32>
    %div3A_113 = vector.broadcast %sqrt3A_112 : vector<256x1xf32> to vector<256x4096xf32>
    %div3A_114 = arith.divf %sub3A_108, %div3A_113 : vector<256x4096xf32>
    %mul3A_115 = vector.broadcast %get3A_88 : vector<256x1xf32> to vector<256x4096xf32>
    %mul3A_116 = arith.mulf %div3A_114, %mul3A_115 : vector<256x4096xf32>
    %add3A_117 = vector.broadcast %get3A_91 : vector<256x1xf32> to vector<256x4096xf32>
    %add3A_118 = arith.addf %mul3A_116, %add3A_117 : vector<256x4096xf32>
    %max3A = arith.constant 0.000000e+00 : f32
    %max3A_119 = vector.broadcast %max3A : f32 to vector<256x4096xf32>
    %max3A_120 = arith.maximumf %add3A_118, %max3A_119 : vector<256x4096xf32>
    %get3A_121 = arith.constant 0 : index
    %get3A_122 = arith.constant 0 : index
    %get3A_123 = vector.load %arg10[%get3A_121, %get3A_122] : memref<128x256xf32, #tpu.memory_space<vmem>>, vector<128x256xf32>
    %dot_general3A_124 = arith.constant dense<0.000000e+00> : vector<128x4096xf32>
    %dot_general3A_125 = tpu.matmul %get3A_123, %max3A_120, %dot_general3A_124 {dimension_numbers = #tpu.dot_dimension_numbers<[1], [0], [0], [1], [0, 0, 1, 1], [], []>, transpose_lhs_hint = false} : vector<128x256xf32>, vector<256x4096xf32>, vector<128x4096xf32> -> vector<128x4096xf32>
    %get3A_126 = arith.constant 0 : index
    %get3A_127 = arith.constant 0 : index
    %get3A_128 = vector.load %arg11[%get3A_126, %get3A_127] : memref<128x1xf32, #tpu.memory_space<vmem>>, vector<128x1xf32>
    %add3A_129 = vector.broadcast %get3A_128 : vector<128x1xf32> to vector<128x4096xf32>
    %add3A_130 = arith.addf %dot_general3A_125, %add3A_129 : vector<128x4096xf32>
    %get3A_131 = arith.constant 0 : index
    %get3A_132 = arith.constant 0 : index
    %get3A_133 = vector.load %arg12[%get3A_131, %get3A_132] : memref<128x1xf32, #tpu.memory_space<vmem>>, vector<128x1xf32>
    %get3A_134 = arith.constant 0 : index
    %get3A_135 = arith.constant 0 : index
    %get3A_136 = vector.load %arg13[%get3A_134, %get3A_135] : memref<128x1xf32, #tpu.memory_space<vmem>>, vector<128x1xf32>
    %reduce_sum3A_137 = arith.constant dense<0.000000e+00> : vector<128xf32>
    %reduce_sum3A_138 = vector.multi_reduction <add>, %add3A_130, %reduce_sum3A_137 [1] : vector<128x4096xf32> to vector<128xf32>
    %broadcast_in_dim3A_139 = vector.shape_cast %reduce_sum3A_138 : vector<128xf32> to vector<128x1xf32>
    %div3A_140 = arith.constant 4.096000e+03 : f32
    %div3A_141 = vector.broadcast %div3A_140 : f32 to vector<128x1xf32>
    %div3A_142 = arith.divf %broadcast_in_dim3A_139, %div3A_141 : vector<128x1xf32>
    %sub3A_143 = vector.broadcast %div3A_142 : vector<128x1xf32> to vector<128x4096xf32>
    %sub3A_144 = arith.subf %add3A_130, %sub3A_143 : vector<128x4096xf32>
    %integer_pow3A_145 = arith.mulf %sub3A_144, %sub3A_144 : vector<128x4096xf32>
    %reduce_sum3A_146 = arith.constant dense<0.000000e+00> : vector<128xf32>
    %reduce_sum3A_147 = vector.multi_reduction <add>, %integer_pow3A_145, %reduce_sum3A_146 [1] : vector<128x4096xf32> to vector<128xf32>
    %broadcast_in_dim3A_148 = vector.shape_cast %reduce_sum3A_147 : vector<128xf32> to vector<128x1xf32>
    %div3A_149 = arith.constant 4.096000e+03 : f32
    %div3A_150 = vector.broadcast %div3A_149 : f32 to vector<128x1xf32>
    %div3A_151 = arith.divf %broadcast_in_dim3A_148, %div3A_150 : vector<128x1xf32>
    %sub3A_152 = vector.broadcast %div3A_142 : vector<128x1xf32> to vector<128x4096xf32>
    %sub3A_153 = arith.subf %add3A_130, %sub3A_152 : vector<128x4096xf32>
    %add3A_154 = arith.constant 9.99999974E-6 : f32
    %add3A_155 = vector.broadcast %add3A_154 : f32 to vector<128x1xf32>
    %add3A_156 = arith.addf %div3A_151, %add3A_155 : vector<128x1xf32>
    %sqrt3A_157 = math.sqrt %add3A_156 : vector<128x1xf32>
    %div3A_158 = vector.broadcast %sqrt3A_157 : vector<128x1xf32> to vector<128x4096xf32>
    %div3A_159 = arith.divf %sub3A_153, %div3A_158 : vector<128x4096xf32>
    %mul3A_160 = vector.broadcast %get3A_133 : vector<128x1xf32> to vector<128x4096xf32>
    %mul3A_161 = arith.mulf %div3A_159, %mul3A_160 : vector<128x4096xf32>
    %add3A_162 = vector.broadcast %get3A_136 : vector<128x1xf32> to vector<128x4096xf32>
    %add3A_163 = arith.addf %mul3A_161, %add3A_162 : vector<128x4096xf32>
    %max3A_164 = arith.constant 0.000000e+00 : f32
    %max3A_165 = vector.broadcast %max3A_164 : f32 to vector<128x4096xf32>
    %max3A_166 = arith.maximumf %add3A_163, %max3A_165 : vector<128x4096xf32>
    %get3A_167 = arith.constant 0 : index
    %get3A_168 = arith.constant 0 : index
    %get3A_169 = vector.load %arg14[%get3A_167, %get3A_168] : memref<1x128xf32, #tpu.memory_space<vmem>>, vector<1x128xf32>
    %dot_general3A_170 = arith.constant dense<0.000000e+00> : vector<1x4096xf32>
    %dot_general3A_171 = tpu.matmul %get3A_169, %max3A_166, %dot_general3A_170 {dimension_numbers = #tpu.dot_dimension_numbers<[1], [0], [0], [1], [0, 0, 1, 1], [], []>, transpose_lhs_hint = false} : vector<1x128xf32>, vector<128x4096xf32>, vector<1x4096xf32> -> vector<1x4096xf32>
    %get3A_172 = arith.constant 0 : index
    %get3A_173 = arith.constant 0 : index
    %get3A_174 = vector.load %arg4[%get3A_172, %get3A_173] : memref<1x13xf32, #tpu.memory_space<vmem>>, vector<1x13xf32>
    %dot_general3A_175 = arith.constant dense<0.000000e+00> : vector<1x4096xf32>
    %dot_general3A_176 = tpu.matmul %get3A_174, %get3A_10, %dot_general3A_175 {dimension_numbers = #tpu.dot_dimension_numbers<[1], [0], [0], [1], [0, 0, 1, 1], [], []>, transpose_lhs_hint = false} : vector<1x13xf32>, vector<13x4096xf32>, vector<1x4096xf32> -> vector<1x4096xf32>
    %add3A_177 = arith.addf %dot_general3A_171, %dot_general3A_176 : vector<1x4096xf32>
    %get3A_178 = arith.constant 0 : index
    %get3A_179 = arith.constant 0 : index
    %get3A_180 = vector.load %arg3[%get3A_178, %get3A_179] : memref<1x4096xf32, #tpu.memory_space<vmem>>, vector<1x4096xf32>
    %add3A_181 = arith.addf %add3A_177, %get3A_180 : vector<1x4096xf32>
    %get3A_182 = arith.constant 0 : index
    %get3A_183 = arith.constant 0 : index
    %get3A_184 = vector.load %arg19[%get3A_182, %get3A_183] : memref<1x1xf32, #tpu.memory_space<vmem>>, vector<1x1xf32>
    %get3A_185 = vector.extract %get3A_184[0, 0] : f32 from vector<1x1xf32>
    %add3A_186 = vector.broadcast %get3A_185 : f32 to vector<1x4096xf32>
    %add3A_187 = arith.addf %add3A_181, %add3A_186 : vector<1x4096xf32>
    %swap3A = arith.constant 0 : index
    %swap3A_188 = arith.constant 0 : index
    %swap3A_189 = vector.load %arg20[%swap3A, %swap3A_188] : memref<1x4096xf32, #tpu.memory_space<vmem>>, vector<1x4096xf32>
    tpu.vector_store %arg20[%swap3A, %swap3A_188], %add3A_187 {strides = array<i32>} : memref<1x4096xf32, #tpu.memory_space<vmem>>, vector<1x4096xf32>,
    return
  }
}

</mosaic_0001>

<sc_bundles>
// kernel: kernel.4.cloned.1.call-start
scs
__scs_entry_jumppad:
0x0: {  	(pc) =	sbr.rel $0x88, $3  }
0x1: {  	(tag) =	ssettag $0x0;
	lr =	simm.s32 $0x1  }
0x2: {  	[smem:$0x3F8F] =	sst lr;
	_ =	strace $0xD0000000  }
0x3: {  	_ = 	snop  }
0x4: {  	_ = 	snop  }
0x5: {  	_ = 	snop  }
0x6: {  	_ = 	snop  }
0x7: {  	_ = 	snop  }
__scs_overlays_trampoline_lowered:
0x8: {  	[smem:$0x3F9E] =	sst s0  }
0x9: {  	[smem:$0x3F9F] =	sst s1  }
0xa: {  	[smem:$0x3FA0] =	sst s2  }
0xb: {  	[smem:$0x3FA1] =	sst s3  }
0xc: {  	[smem:$0x3FA2] =	sst s4  }
0xd: {  	[smem:$0x3FA3] =	sst s5  }
0xe: {  	[smem:$0x3FA4] =	sst s6  }
0xf: {  	[smem:$0x3FA5] =	sst s7  }
0x10: {  	[smem:$0x3FA6] =	sst s8  }
0x11: {  	[smem:$0x3FA7] =	sst s9;
	s0 =	simm.s32 @!p0 $0x0  }
0x12: {  	s1 =	sld [smem:$0x3F8D];
	s0 =	simm.s32 @p0 $0x1  }
0x13: {  	[smem:$0x3FA8] =	sst s0;
	s0 =	simm.s32 @!p1 $0x0  }
0x14: {  	s2 =	sld [smem:$0x3F8C];
	s0 =	simm.s32 @p1 $0x1  }
0x15: {  	[smem:$0x3FA9] =	sst s0;
	s0 =	simm.s32 @!p2 $0x0  }
0x16: {  	s3 =	sld [smem:$0x3FDB];
	s0 =	simm.s32 @p2 $0x1  }
0x17: {  	s4 =	simm.s32 $0x1BF5;
	[smem:$0x3FAB] =	sst s0  }
0x18: {  	s0 =	sld [smem:$0x3F8E];
	_ =	swait.ge [sflag:s4], $0x0  }
0x19: {  	s7 =	sld [smem:$0x3F8F]  }
0x1a: {  	s8 =	sadd.s32 $0xFFFFE003, lr  }
0x1b: {  	s9 =	sadd.s32 $0xFFFFFEF7, lr;
	s5 =	simm.s32 $0xFFFFFFFF;
	p2 =	slt.u32 s8, $0xFFFFF086  }
0x1c: {  	p1 =	slt.u32 s9, $0xF7A;
	s5 =	simm.s32 @!p2 $0x0  }
0x1d: {  	s5 =	simm.s32 @p1 $0x1;
	p0 =	seq.s32 s7, s2  }
0x1e: {  	s7 =	smul.u32 @!p0 $0xF7A, s2;
	p2 =	seq.s32 @!p0 s5, $0x0  }
0x1f: {  	s9 =	smul.u32 $0xF7A, s1;
	s8 =	simm.s32 @!p0 $0x1BF5;
	p2 =	por !p2, p0  }
0x20: {  	[sflag:s8] =	ssyncset.s32 @!p0 $0xFFFFF086;
	s6 =	sadd.s32 @!p0 s3, s7;
	s7 =	simm.s32 @!p0 $0x108  }
0x21: {  	s3 =	sadd.s32 s3, s9;
	s6 =	sadd.s32 @!p0 $0x88, s6;
	s7 =	simm.s32 @p2 $0x1082  }
0x22: {  	[simem:s7], [sflag:s8] =	dma.local @!p0 [hbm:s6], $0xF7A  }
0x23: {  	s9 =	sor.u32 $0xD0000000, s2;
	s6 =	simm.s32 $0x108;
	_ =	swait.ge @!p0 [sflag:s8], $0x0  }
0x24: {  	s3 =	sadd.s32 $0x88, s3;
	s6 =	simm.s32 @!p1 $0x1082;
	[sflag:s4] =	ssyncset.s32 $0xFFFFF086  }
0x25: {  	[simem:s6], [sflag:s4] =	dma.local [hbm:s3], $0xF7A  }
0x26: {  	[smem:$0x3F8F] =	sst s1;
	(tag) =	ssettag s2;
	_ =	strace s9  }
0x27: {  	s1 =	sld [smem:$0x3F9F]  }
0x28: {  	s2 =	sld [smem:$0x3FA0]  }
0x29: {  	s4 =	sld [smem:$0x3FA2]  }
0x2a: {  	p0 =	seq.s32 s5, $0x0;
	s5 =	sld [smem:$0x3FA3]  }
0x2b: {  	s6 =	sld [smem:$0x3FA4]  }
0x2c: {  	s7 =	sld [smem:$0x3FA5]  }
0x2d: {  	s3 =	simm.s32 $0x108;
	s8 =	sld [smem:$0x3FA6]  }
0x2e: {  	s3 =	simm.s32 @!p0 $0x1082;
	s9 =	sld [smem:$0x3FA7]  }
0x2f: {  	lr =	sadd.s32 s0, s3;
	s0 =	sld [smem:$0x3F9E]  }
0x30: {  	s3 =	sld [smem:$0x3FA1]  }
0x31: {  	[smem:$0x3FAA] =	sst s10  }
0x32: {  	s10 =	sld [smem:$0x3FA8];
	_ =	sdelay $0x3  }
0x33: {  	p0 =	seq.s32 s10, $0x1;
	s10 =	sld [smem:$0x3FAA];
	_ =	sdelay $0x3  }
0x34: {  	[smem:$0x3FAA] =	sst s10  }
0x35: {  	s10 =	sld [smem:$0x3FA9];
	_ =	sdelay $0x3  }
0x36: {  	p1 =	seq.s32 s10, $0x1;
	s10 =	sld [smem:$0x3FAA];
	_ =	sdelay $0x3  }
0x37: {  	[smem:$0x3FAA] =	sst s10  }
0x38: {  	s10 =	sld [smem:$0x3FAB]  }
0x39: {  	_ = 	snop;
	(pc) =	sbr.ind lr, $3  }
0x3a: {  	_ = 	snop  }
0x3b: {  	_ = 	snop  }
0x3c: {  	p2 =	seq.s32 s10, $0x1;
	s10 =	sld [smem:$0x3FAA]  }
0x3d: {  	_ =	shalt  }
0x3e: {  	_ =	shalt  }
0x3f: {  	_ =	shalt  }
0x40: {  	_ =	shalt  }
0x41: {  	_ =	shalt  }
0x42: {  	_ =	shalt  }
0x43: {  	_ =	shalt  }
0x44: {  	_ =	shalt  }
0x45: {  	_ =	shalt  }
0x46: {  	_ =	shalt  }
0x47: {  	_ =	shalt  }
0x48: {  	_ =	shalt  }
0x49: {  	_ =	shalt  }
0x4a: {  	_ =	shalt  }
0x4b: {  	_ =	shalt  }
0x4c: {  	_ =	shalt  }
0x4d: {  	_ =	shalt  }
0x4e: {  	_ =	shalt  }
0x4f: {  	_ =	shalt  }
0x50: {  	_ =	shalt  }
0x51: {  	_ =	shalt  }
0x52: {  	_ =	shalt  }
0x53: {  	_ =	shalt  }
0x54: {  	_ =	shalt  }
0x55: {  	_ =	shalt  }
0x56: {  	_ =	shalt  }
0x57: {  	_ =	shalt  }
0x58: {  	_ =	shalt  }
0x59: {  	_ =	shalt  }
0x5a: {  	_ =	shalt  }
0x5b: {  	_ =	shalt  }
0x5c: {  	_ =	shalt  }
0x5d: {  	_ =	shalt  }
0x5e: {  	_ =	shalt  }
0x5f: {  	_ =	shalt  }
0x60: {  	_ =	shalt  }
0x61: {  	_ =	shalt  }
0x62: {  	_ =	shalt  }
0x63: {  	_ =	shalt  }
0x64: {  	_ =	shalt  }
0x65: {  	_ =	shalt  }
0x66: {  	_ =	shalt  }
0x67: {  	_ =	shalt  }
0x68: {  	_ =	shalt  }
0x69: {  	_ =	shalt  }
0x6a: {  	_ =	shalt  }
0x6b: {  	_ =	shalt  }
0x6c: {  	_ =	shalt  }
0x6d: {  	_ =	shalt  }
0x6e: {  	_ =	shalt  }
0x6f: {  	_ =	shalt  }
0x70: {  	_ =	shalt  }
0x71: {  	_ =	shalt  }
0x72: {  	_ =	shalt  }
0x73: {  	_ =	shalt  }
0x74: {  	_ =	shalt  }
0x75: {  	_ =	shalt  }
0x76: {  	_ =	shalt  }
0x77: {  	_ =	shalt  }
0x78: {  	_ =	shalt  }
0x79: {  	_ =	shalt  }
0x7a: {  	_ =	shalt  }
0x7b: {  	_ =	shalt  }
0x7c: {  	_ =	shalt  }
0x7d: {  	_ =	shalt  }
0x7e: {  	_ =	shalt  }
0x7f: {  	_ =	shalt  }
0x80: {  	_ =	shalt  }
0x81: {  	_ =	shalt  }
0x82: {  	_ =	shalt  }
0x83: {  	_ =	shalt  }
0x84: {  	_ =	shalt  }
0x85: {  	_ =	shalt  }
0x86: {  	_ =	shalt  }
0x87: {  	_ =	shalt  }
.Lfunc_end0:
.L_simem_size_0:
called_computation_lowered:
.L_overlay_start_0:
0x88: {  	s2 =	sld [smem:$0x3FD9]  }
0x89: {  	s3 =	sld [smem:$0x3FFE];
	_ =	sdelay $0x1  }
0x8a: {  	s1 =	srdreg.scid  }
0x8b: {  	s0 =	sand.u32 $0x1, s1  }
0x8c: {  	s17 =	sshll.u32 s0, $0xA;
	s2 =	sadd.s32 s3, s2  }
0x8d: {  	s2 =	sadd.s32 s2, s17  }
0x8e: {  	[smem:$0x3FB6] =	sst s2  }
0x8f: {  	_ = 	snop  }
0x90: {  	s2 =	sld [smem:$0x3FD0];
	(tm) =	ssettm $0x1  }
0x91: {  	s18 =	sld [smem:$0x3FFB];
	_ =	sdelay $0x3  }
0x92: {  	_ =	strace s18  }
0x93: {  	s3 =	sld [smem:$0x3FFC];
	_ =	sdelay $0x3  }
0x94: {  	_ =	strace s3  }
0x95: {  	s3 =	sld [smem:$0x3FFD];
	_ =	sdelay $0x3  }
0x96: {  	_ =	strace s3  }
0x97: {  	_ =	strace $0x8FFFFFFF  }
0x98: {  	s19 =	sld [smem:$0x3FDB];
	_ =	sdelay $0x1  }
0x99: {  	s4 =	simm.s32 $_scs_section_size  }
0x9a: {  	s5 =	simm.s32 $_size__tile_overlayer_lowered;
	s6 =	simm.s32 $_tile_overlayer_lowered  }
0x9b: {  	s22 =	simm.s32 $0x1BFF;
	s21 =	sshll.u32 s6, $0x1;
	s3 =	sadd.s32 s4, s19  }
0x9c: {  	s7 =	simm.s32 $0x0;
	s20 =	sshll.u32 s5, $0x1;
	s5 =	sadd.s32 s21, s3  }
0x9d: {  	[timem:s7], [sflag:s22] =	dma.local [hbm:s5], s20  }
0x9e: {  	_ =	swait.ge [sflag:s22], s20  }
0x9f: {  	s4 =	ssub.s32 $0x0, s20;
	[sflag:s22] =	ssyncset.done $0x0  }
0xa0: {  	[sflag:s22] =	ssyncadd.s32 s4;
	_ =	sdelay $0x1  }
0xa1: {  	s23 =	simm.s32 $0x1B8B  }
0xa2: {  	_ =	swait.ge [sflag:s23], $0x1  }
0xa3: {  	[sflag:s23] =	ssyncset.done $0x0  }
0xa4: {  	s25 =	simm.s32 $0x1B8E;
	s24 =	sld [smem:$0x3FFE];
	[sflag:s23] =	ssyncadd.s32 $0xFFFFFFFF  }
0xa5: {  	s26 =	simm.s32 $execute0_lowered;
	[smem:$0x3FD2] =	sst s25  }
0xa6: {  	s5 =	sshll.u32 s26, $0x1;
	_ =	strace $0x80000046;
	[dreg:$0x1] =	wrdreg $0xFFFFFFFF  }
0xa7: {  	s28 =	simm.s32 $_size_execute0_lowered;
	s3 =	sadd.s32 s3, s5;
	[dreg:$0x0] =	wrdreg $0x0  }
0xa8: {  	s5 =	sshll.u32 s28, $0x1;
	[dreg:$0x2] =	wrdreg s3  }
0xa9: {  	[dreg:$0x3] =	wrdreg s5  }
0xaa: {  	[dreg:$0x4] =	wrdreg $0xC0  }
0xab: {  	_ =	task [dreg:s7], $0x5FFFF  }
0xac: {  	[dreg:$0x1] =	wrdreg $0xFFFFFFFF  }
0xad: {  	[dreg:$0x0] =	wrdreg $0x60  }
0xae: {  	[dreg:$0x2] =	wrdreg s24  }
0xaf: {  	[dreg:$0x3] =	wrdreg s2  }
0xb0: {  	[dreg:$0x4] =	wrdreg $0x9  }
0xb1: {  	_ =	task.clear_ibuf [dreg:s7], $0x5FFFF;
	_ =	strace $0x90000046  }
0xb2: {  	s29 =	simm.s32 $0x9;
	_ =	strace $0x80000048  }
0xb3: {  	_ =	swait.ge [sflag:s29], $0x1  }
0xb4: {  	[sflag:s29] =	ssyncadd.s32 $0xFFFFFFFF  }
0xb5: {  	_ =	strace $0x90000048  }
0xb6: {  	_ =	sfence  }
0xb7: {  	s30 =	sld [smem:$0x0];
	_ =	sdelay $0x2  }
0xb8: {  	s31 =	sshll.u32 s1, $0xD;
	s1 =	sshrl.u32 s1, $0x2  }
0xb9: {  	s3 =	sand.u32 $0x4000, s31;
	s1 =	sadd.s32 s1, s30  }
0xba: {  	s0 =	sor.u32 s3, s0;
	s1 =	sshll.u32 s1, $0x11  }
0xbb: {  	s0 =	sor.u32 s1, s0  }
0xbc: {  	s0 =	sadd.s32 $0x8F2B, s0  }
0xbd: {  	[sflag:s0] =	ssyncadd.remote.s32 $0x1  }
0xbe: {  	_ =	sfence.sel $0xFFFF  }
0xbf: {  	[dreg:$0x0] =	wrdreg $0xFFFFFFFF;
	(pc) =	sbr.abs _section_cstart, $3  }
0xc0: {  	[dreg:$0x1] =	wrdreg $0xFFFFFFFF  }
0xc1: {  	_ =	task.clear_ibuf [dreg:s7], $0x2FFFF;
	_ =	strace $0x9FFFFFFF  }
0xc2: {  	(tm) =	ssettm $0x7FFFFFFF  }
0xc3: {  	_ =	shalt  }
tec
execute0_lowered:
.L_overlay_start_1:
0x0: {  	(tag) =	ssettag $0x1  }
0x1: {  	s0 =	rddreg [dreg:$0x0]  }
0x2: {  	s2 =	rddreg [dreg:$0x1];
	s21 =	simm.s32 $0x0  }
0x3: {  	[smem:$0x7FF] =	sst s21;
	s6 =	sadd.s32 $0x5C00, s0  }
0x4: {  	s20 =	sadd.s32 $0x582D4, s0;
	_ =	strace $0x80000047;
	[dreg:$0x3] =	wrdreg s6  }
0x5: {  	s22 =	sadd.s32 $0x5B3A8, s0;
	[dreg:$0x5] =	wrdreg s20  }
0x6: {  	s23 =	sadd.s32 $0x5E47C, s0;
	[dreg:$0x6] =	wrdreg s22  }
0x7: {  	s24 =	sadd.s32 $0x61550, s0;
	[dreg:$0x7] =	wrdreg s23  }
0x8: {  	s25 =	sadd.s32 $0x64624, s0;
	[dreg:$0x8] =	wrdreg s24  }
0x9: {  	s26 =	sadd.s32 $0x676F8, s0;
	[dreg:$0x9] =	wrdreg s25  }
0xa: {  	s28 =	sadd.s32 $0x6A7CC, s0;
	[dreg:$0xa] =	wrdreg s26  }
0xb: {  	s29 =	sadd.s32 $0x6D8A0, s0;
	[dreg:$0xb] =	wrdreg s28  }
0xc: {  	s30 =	sadd.s32 $0x70974, s0;
	[dreg:$0xc] =	wrdreg s29  }
0xd: {  	s31 =	sadd.s32 $0x73A48, s0;
	[dreg:$0xd] =	wrdreg s30  }
0xe: {  	s8 =	sadd.s32 $0x79BF0, s0;
	[dreg:$0xe] =	wrdreg s31  }
0xf: {  	s9 =	sadd.s32 $0x7CCC4, s0;
	[dreg:$0x10] =	wrdreg s8  }
0x10: {  	s10 =	sadd.s32 $0x7FD98, s0;
	[dreg:$0x11] =	wrdreg s9  }
0x11: {  	s11 =	sadd.s32 $0x82E6C, s0;
	[dreg:$0x12] =	wrdreg s10  }
0x12: {  	s12 =	sadd.s32 $0x85F40, s0;
	[dreg:$0x13] =	wrdreg s11  }
0x13: {  	s13 =	sadd.s32 $0x89014, s0;
	[dreg:$0x15] =	wrdreg s12  }
0x14: {  	s14 =	sadd.s32 $0x8C0E8, s0;
	[dreg:$0x16] =	wrdreg s13  }
0x15: {  	s1 =	srdreg.scid;
	s15 =	sadd.s32 $0x8F1BC, s0;
	[dreg:$0x17] =	wrdreg s14  }
0x16: {  	s3 =	stileid.u32;
	s16 =	sadd.s32 $0x92290, s0;
	[dreg:$0x18] =	wrdreg s15  }
0x17: {  	s1 =	sand.u32 $0x1, s1;
	s17 =	sadd.s32 $0x95364, s0;
	[dreg:$0x19] =	wrdreg s16  }
0x18: {  	s3 =	sshll.u32 s3, $0x1;
	s18 =	sadd.s32 $0x98438, s0;
	[dreg:$0x1a] =	wrdreg s17  }
0x19: {  	s4 =	sor.u32 s1, s3;
	s1 =	ssub.s32 $0x2, s1;
	[dreg:$0x1b] =	wrdreg s18  }
0x1a: {  	s20 =	sadd.s32 $0x9E5E0, s0;
	s22 =	sadd.s32 $0xA16B4, s0;
	s23 =	sadd.s32 $0xA4788, s0  }
0x1b: {  	s24 =	sadd.s32 $0xA785C, s0;
	s25 =	sadd.s32 $0xAA930, s0;
	s26 =	sadd.s32 $0xADA04, s0  }
0x1c: {  	s28 =	sadd.s32 $0xB0AD8, s0;
	s12 =	simm.s32 $0x4;
	s13 =	simm.s32 $0x80  }
0x1d: {  	s8 =	simm.s32 $0x3280;
	s9 =	simm.s32 $0x3300;
	[dreg:$0x1d] =	wrdreg s20  }
0x1e: {  	s10 =	simm.s32 $0x3380;
	s11 =	simm.s32 $0x3400;
	[dreg:$0x1e] =	wrdreg s22  }
0x1f: {  	s14 =	simm.s32 $0x3500;
	s15 =	simm.s32 $0x3580;
	[dreg:$0x1f] =	wrdreg s23  }
0x20: {  	s16 =	simm.s32 $0x3600;
	s17 =	simm.s32 $0x3680;
	[smem:$0x7F6] =	sst s24  }
0x21: {  	s18 =	simm.s32 $0x2;
	s3 =	smul.u32 $0x1A0, s4;
	[smem:$0x7F7] =	sst s25  }
0x22: {  	s19 =	sshll.u32 s4, $0x9;
	s7 =	sshrl.u32 s1, $0x1;
	[smem:$0x7F8] =	sst s26  }
0x23: {  	s4 =	sshll.u32 s4, $0x4;
	[smem:$0x7F9] =	sst s28;
	s20 =	simm.s32 $0x0  }
0x24: {  	s6 =	sadd.s32 s19, s0;
	s1 =	ssub.s32 s1, s7;
	s7 =	sadd.s32 $0x76B1C, s0  }
0x25: {  	s2 =	sadd.s32 s2, s4;
	s19 =	sadd.s32 $0x9B50C, s0;
	[dreg:$0xf] =	wrdreg s7  }
0x26: {  	s5 =	sadd.s32 s3, s0;
	s3 =	sadd.s32 $0x55200, s0;
	[dreg:$0x14] =	wrdreg s2  }
0x27: {  	[dreg:$0x1c] =	wrdreg s19;
	s0 =	sadd.s32 $0xB3BAC, s0;
	s29 =	sadd.s32 $0xA40400, s6  }
0x28: {  	s4 =	simm.s32 $0x3080;
	s30 =	sadd.s32 $0xA44400, s6;
	[smem:$0x7FA] =	sst s0  }
0x29: {  	s31 =	smax.u32 s1, $0x1;
	s6 =	simm.s32 $0x3180;
	[smem:$0x7FB] =	sst s29  }
0x2a: {  	s7 =	simm.s32 $0x3200;
	s2 =	simm.s32 $0x3480;
	[smem:$0x7FC] =	sst s30  }
0x2b: {  	s19 =	simm.s32 $0x1;
	s5 =	sadd.s32 $0x2800, s5;
	[smem:$0x7FD] =	sst s31  }
0x2c: {  	v0 =	vimm.f32 $0.0e+00;
	s0 =	simm.s32 $0x3000;
	[dreg:$0x4] =	wrdreg s5;
	s5 =	simm.s32 $0x3100  }
.LBB2_1:
0x2d: {  	s22 =	rddreg [dreg:$0x4]  }
0x2e: {  	[tilespmem:s21], [sflag:$0x4] =	stream.linear.gather [hbm4b:s22+s21], $0xD00, $0x38;
	[tilespmem:$0x6780] =	vst v63  }
0x2f: {  	s31 =	simm.s32 $0x0;
	_ =	swait.ge [sflag:s12], $0xD00  }
0x30: {  	s30 =	simm.s32 $0x0;
	s22 =	sand.u32 $0x70, s31;
	[sflag:s12] =	ssyncset.done $0x0  }
0x31: {  	s21 =	sor.u32 s22, s30;
	[sflag:s12] =	ssyncadd.s32 $0xFFFFF300  }
0x32: {  	s23 =	simm.s32 $0x0;
	s24 =	simm.s32 $0x0;
	s22 =	simm.s32 $0x1;
	v1 =	vld [tilespmem:s21+$0x0]  }
.LBB2_2:
0x33: {  	p0 =	sne.s32 s22, $0xCF  }
.Ltmp0:
0x34: {  	s25 =	sshrl.u32 s22, $0x3;
	s24 =	sadd.s32 $0x10, s24;
	(pc) =	sbr.rel @p0 .LBB2_2-.Ltmp0, $4  }
0x35: {  	s22 =	sadd.s32 $0x1, s22;
	s26 =	smul.u32 $0x186A0, s23  }
0x36: {  	s28 =	sshll.u32 s25, $0x7;
	s29 =	sand.u32 $0x70, s24;
	s23 =	smov.u32 s25  }
0x37: {  	s25 =	sor.u32 s29, s28;
	v2 =	vadd.s32 s26, v1  }
0x38: {  	v1 =	vld [tilespmem:s25+$0x0];
	[tilespmem:s21+$0xD00] =	vst v2;
	s21 =	smov.u32 s25  }
0x39: {  	_ =	sdelay $0x1  }
0x3a: {  	s22 =	smul.u32 $0x186A0, s23;
	_ =	sdelay $0x1  }
0x3b: {  	s29 =	rddreg [dreg:$0x3];
	s30 =	simm.s32 $0xD00;
	v1 =	vadd.s32 s22, v1  }
0x3c: {  	s31 =	simm.s32 $0x1A00;
	s22 =	simm.s32 $0x0;
	[tilespmem:s21+$0xD00] =	vst v1;
	s21 =	simm.s32 $0x40  }
0x3d: {  	[tilespmem:s31], [sflag:$0x3] =	stream.indirect.gather [hbm4b:s29+s30], $0x1, s30, s30, $0xb8;
	[tilespmem:$0x6780] =	vst v63  }
.LBB2_4:
0x3e: {  	p0 =	sne.s32 s21, $0x3FC0;
	[tilespmem:s22+$0x4700] =	vst v0;
	s23 =	smov.u32 s21;
	s21 =	sadd.s32 $0x40, s21  }
.Ltmp1:
0x3f: {  	[tilespmem:s22+$0x5700] =	vst v0;
	(pc) =	sbr.rel @p0 .LBB2_4-.Ltmp1, $2  }
0x40: {  	_ =	sdelay $0x2  }
0x41: {  	s22 =	sshra.s32 s23, $0x2  }
0x42: {  	[tilespmem:s22+$0x4700] =	vst v0  }
0x43: {  	[tilespmem:s22+$0x5700] =	vst v0;
	s21 =	simm.s32 $0x0;
	s25 =	simm.s32 $0x2700;
	s26 =	rddreg [dreg:$0x5]  }
0x44: {  	[tilespmem:s25], [sflag:$0x1] =	stream.indirect.gather [hbm4b:s3+s13], $0x1, s21, s13, $0xb8;
	[tilespmem:$0x6780] =	vst v63  }
0x45: {  	s1 =	simm.s32 $0x2780;
	s28 =	rddreg [dreg:$0x6]  }
0x46: {  	[tilespmem:s1], [sflag:$0x1] =	stream.indirect.gather [hbm4b:s26+s13], $0x1, s21, s13, $0xb8;
	[tilespmem:$0x6780] =	vst v63  }
0x47: {  	s29 =	simm.s32 $0x2800;
	s30 =	rddreg [dreg:$0x7]  }
0x48: {  	[tilespmem:s29], [sflag:$0x1] =	stream.indirect.gather [hbm4b:s28+s13], $0x1, s21, s13, $0xb8;
	[tilespmem:$0x6780] =	vst v63  }
0x49: {  	s31 =	simm.s32 $0x2880;
	s23 =	rddreg [dreg:$0x8]  }
0x4a: {  	[tilespmem:s31], [sflag:$0x1] =	stream.indirect.gather [hbm4b:s30+s13], $0x1, s21, s13, $0xb8;
	[tilespmem:$0x6780] =	vst v63  }
0x4b: {  	s24 =	simm.s32 $0x2900;
	s25 =	rddreg [dreg:$0x9]  }
0x4c: {  	[tilespmem:s24], [sflag:$0x1] =	stream.indirect.gather [hbm4b:s23+s13], $0x1, s21, s13, $0xb8;
	[tilespmem:$0x6780] =	vst v63  }
0x4d: {  	s26 =	simm.s32 $0x2980;
	s1 =	rddreg [dreg:$0x15]  }
0x4e: {  	[tilespmem:s26], [sflag:$0x1] =	stream.indirect.gather [hbm4b:s25+s13], $0x1, s21, s13, $0xb8;
	[tilespmem:$0x6780] =	vst v63  }
0x4f: {  	s28 =	rddreg [dreg:$0xa];
	s29 =	simm.s32 $0x2A00  }
0x50: {  	[tilespmem:s29], [sflag:$0x1] =	stream.indirect.gather [hbm4b:s28+s13], $0x1, s21, s13, $0xb8;
	[tilespmem:$0x6780] =	vst v63  }
0x51: {  	s30 =	rddreg [dreg:$0xb];
	s31 =	simm.s32 $0x2A80  }
0x52: {  	[tilespmem:s31], [sflag:$0x1] =	stream.indirect.gather [hbm4b:s30+s13], $0x1, s21, s13, $0xb8;
	[tilespmem:$0x6780] =	vst v63  }
0x53: {  	s23 =	rddreg [dreg:$0xc];
	s24 =	simm.s32 $0x2B00  }
0x54: {  	[tilespmem:s24], [sflag:$0x1] =	stream.indirect.gather [hbm4b:s23+s13], $0x1, s21, s13, $0xb8;
	[tilespmem:$0x6780] =	vst v63  }
0x55: {  	s25 =	rddreg [dreg:$0xd];
	s26 =	simm.s32 $0x2B80  }
0x56: {  	[tilespmem:s26], [sflag:$0x1] =	stream.indirect.gather [hbm4b:s25+s13], $0x1, s21, s13, $0xb8;
	[tilespmem:$0x6780] =	vst v63  }
0x57: {  	s28 =	rddreg [dreg:$0xe];
	s29 =	simm.s32 $0x2C00  }
0x58: {  	[tilespmem:s29], [sflag:$0x1] =	stream.indirect.gather [hbm4b:s28+s13], $0x1, s21, s13, $0xb8;
	[tilespmem:$0x6780] =	vst v63  }
0x59: {  	s30 =	rddreg [dreg:$0xf];
	s31 =	simm.s32 $0x2C80  }
0x5a: {  	[tilespmem:s31], [sflag:$0x1] =	stream.indirect.gather [hbm4b:s30+s13], $0x1, s21, s13, $0xb8;
	[tilespmem:$0x6780] =	vst v63  }
0x5b: {  	s23 =	rddreg [dreg:$0x10];
	s24 =	simm.s32 $0x2D00  }
0x5c: {  	[tilespmem:s24], [sflag:$0x1] =	stream.indirect.gather [hbm4b:s23+s13], $0x1, s21, s13, $0xb8;
	[tilespmem:$0x6780] =	vst v63  }
0x5d: {  	s25 =	rddreg [dreg:$0x11];
	s26 =	simm.s32 $0x2D80  }
0x5e: {  	[tilespmem:s26], [sflag:$0x1] =	stream.indirect.gather [hbm4b:s25+s13], $0x1, s21, s13, $0xb8;
	[tilespmem:$0x6780] =	vst v63  }
0x5f: {  	s28 =	rddreg [dreg:$0x12];
	s29 =	simm.s32 $0x2E00  }
0x60: {  	[tilespmem:s29], [sflag:$0x1] =	stream.indirect.gather [hbm4b:s28+s13], $0x1, s21, s13, $0xb8;
	[tilespmem:$0x6780] =	vst v63  }
0x61: {  	s30 =	rddreg [dreg:$0x13];
	s31 =	simm.s32 $0x2E80  }
0x62: {  	[tilespmem:s31], [sflag:$0x1] =	stream.indirect.gather [hbm4b:s30+s13], $0x1, s21, s13, $0xb8;
	[tilespmem:$0x6780] =	vst v63  }
0x63: {  	s23 =	simm.s32 $0x2F00;
	s24 =	rddreg [dreg:$0x16]  }
0x64: {  	[tilespmem:s23], [sflag:$0x1] =	stream.indirect.gather [hbm4b:s1+s13], $0x1, s21, s13, $0xb8;
	[tilespmem:$0x6780] =	vst v63  }
0x65: {  	s25 =	simm.s32 $0x2F80;
	s26 =	rddreg [dreg:$0x17]  }
0x66: {  	[tilespmem:s25], [sflag:$0x1] =	stream.indirect.gather [hbm4b:s24+s13], $0x1, s21, s13, $0xb8;
	[tilespmem:$0x6780] =	vst v63  }
0x67: {  	s28 =	rddreg [dreg:$0x18]  }
0x68: {  	[tilespmem:s0], [sflag:$0x1] =	stream.indirect.gather [hbm4b:s26+s13], $0x1, s21, s13, $0xb8;
	[tilespmem:$0x6780] =	vst v63  }
0x69: {  	s29 =	rddreg [dreg:$0x19]  }
0x6a: {  	[tilespmem:s4], [sflag:$0x1] =	stream.indirect.gather [hbm4b:s28+s13], $0x1, s21, s13, $0xb8;
	[tilespmem:$0x6780] =	vst v63  }
0x6b: {  	s30 =	rddreg [dreg:$0x1a]  }
0x6c: {  	[tilespmem:s5], [sflag:$0x1] =	stream.indirect.gather [hbm4b:s29+s13], $0x1, s21, s13, $0xb8;
	[tilespmem:$0x6780] =	vst v63  }
0x6d: {  	s31 =	rddreg [dreg:$0x1b]  }
0x6e: {  	[tilespmem:s6], [sflag:$0x1] =	stream.indirect.gather [hbm4b:s30+s13], $0x1, s21, s13, $0xb8;
	[tilespmem:$0x6780] =	vst v63  }
0x6f: {  	s1 =	rddreg [dreg:$0x1c]  }
0x70: {  	[tilespmem:s7], [sflag:$0x1] =	stream.indirect.gather [hbm4b:s31+s13], $0x1, s21, s13, $0xb8;
	[tilespmem:$0x6780] =	vst v63  }
0x71: {  	s23 =	rddreg [dreg:$0x1d]  }
0x72: {  	[tilespmem:s8], [sflag:$0x1] =	stream.indirect.gather [hbm4b:s1+s13], $0x1, s21, s13, $0xb8;
	[tilespmem:$0x6780] =	vst v63  }
0x73: {  	s24 =	rddreg [dreg:$0x1e]  }
0x74: {  	[tilespmem:s9], [sflag:$0x1] =	stream.indirect.gather [hbm4b:s23+s13], $0x1, s21, s13, $0xb8;
	[tilespmem:$0x6780] =	vst v63  }
0x75: {  	s25 =	rddreg [dreg:$0x1f]  }
0x76: {  	[tilespmem:s10], [sflag:$0x1] =	stream.indirect.gather [hbm4b:s24+s13], $0x1, s21, s13, $0xb8;
	[tilespmem:$0x6780] =	vst v63  }
0x77: {  	s26 =	sld [smem:$0x7F6]  }
0x78: {  	[tilespmem:s11], [sflag:$0x1] =	stream.indirect.gather [hbm4b:s25+s13], $0x1, s21, s13, $0xb8;
	[tilespmem:$0x6780] =	vst v63  }
0x79: {  	s28 =	sld [smem:$0x7F7]  }
0x7a: {  	[tilespmem:s2], [sflag:$0x1] =	stream.indirect.gather [hbm4b:s26+s13], $0x1, s21, s13, $0xb8;
	[tilespmem:$0x6780] =	vst v63  }
0x7b: {  	s29 =	sld [smem:$0x7F8]  }
0x7c: {  	[tilespmem:s14], [sflag:$0x1] =	stream.indirect.gather [hbm4b:s28+s13], $0x1, s21, s13, $0xb8;
	[tilespmem:$0x6780] =	vst v63  }
0x7d: {  	s30 =	sld [smem:$0x7F9]  }
0x7e: {  	[tilespmem:s15], [sflag:$0x1] =	stream.indirect.gather [hbm4b:s29+s13], $0x1, s21, s13, $0xb8;
	[tilespmem:$0x6780] =	vst v63  }
.Ltmp2:
0x7f: {  	_ = 	snop;
	(pc) =	sbr.rel .LBB2_6-.Ltmp2, $4  }
0x80: {  	s31 =	sld [smem:$0x7FA]  }
0x81: {  	[tilespmem:s16], [sflag:$0x1] =	stream.indirect.gather [hbm4b:s30+s13], $0x1, s21, s13, $0xb8;
	[tilespmem:$0x6780] =	vst v63  }
0x82: {  	_ = 	snop  }
0x83: {  	[tilespmem:s17], [sflag:$0x1] =	stream.indirect.gather [hbm4b:s31+s13], $0x1, s21, s13, $0xb8;
	[tilespmem:$0x6780] =	vst v63  }
.LBB2_13:
0x84: {  	[tilespmem:s23+$0x0] =	vst v1  }
.LBB2_17:
0x85: {  	p0 =	sne.s32 s22, $0x1A  }
.Ltmp3:
0x86: {  	_ = 	snop;
	(pc) =	sbr.rel @!p0 .LBB2_18-.Ltmp3, $2  }
0x87: {  	_ =	sdelay $0x2  }
0x88: {  	s21 =	smov.u32 s22  }
.LBB2_6:
0x89: {  	p0 =	seq.s32 s21, $0x19  }
.Ltmp4:
0x8a: {  	_ = 	snop;
	(pc) =	sbr.rel @p0 .LBB2_14-.Ltmp4, $2  }
0x8b: {  	_ =	sdelay $0x2  }
0x8c: {  	s22 =	sadd.s32 $0x1, s21  }
0x8d: {  	s26 =	sand.u32 $0x1, s22  }
0x8e: {  	s24 =	smul.u32 $0x30D400, s22;
	p0 =	seq.s32 s26, $0x0  }
.Ltmp5:
0x8f: {  	_ = 	snop;
	(pc) =	sbr.rel @p0 .LBB2_9-.Ltmp5, $4  }
0x90: {  	s23 =	sshll.u32 s22, $0x7;
	s25 =	smul.u32 $0x61A80, s22;
	s24 =	sshrl.u32 s24, $0x3  }
0x91: {  	s23 =	sand.u32 $0x3FFFFF80, s23;
	s24 =	sadd.s32 s3, s24  }
0x92: {  	s28 =	sadd.s32 s3, s25;
	s31 =	sadd.s32 $0x30D4, s24;
	s29 =	sadd.s32 $0x61A8, s24  }
0x93: {  	s30 =	sadd.s32 $0x927C, s24;
	s26 =	sadd.s32 $0xC350, s24;
	s25 =	sadd.s32 $0xF424, s24  }
0x94: {  	s1 =	simm.s32 $0x3700  }
0x95: {  	[tilespmem:s1], [sflag:$0x2] =	stream.indirect.gather [hbm4b:s28+s13], $0x1, s23, s13, $0xb8;
	[tilespmem:$0x6780] =	vst v63  }
0x96: {  	s28 =	simm.s32 $0x3780  }
0x97: {  	[tilespmem:s28], [sflag:$0x2] =	stream.indirect.gather [hbm4b:s31+s13], $0x1, s23, s13, $0xb8;
	[tilespmem:$0x6780] =	vst v63  }
0x98: {  	s28 =	simm.s32 $0x3800  }
0x99: {  	[tilespmem:s28], [sflag:$0x2] =	stream.indirect.gather [hbm4b:s29+s13], $0x1, s23, s13, $0xb8;
	[tilespmem:$0x6780] =	vst v63  }
0x9a: {  	s29 =	simm.s32 $0x3880  }
0x9b: {  	[tilespmem:s29], [sflag:$0x2] =	stream.indirect.gather [hbm4b:s30+s13], $0x1, s23, s13, $0xb8;
	[tilespmem:$0x6780] =	vst v63  }
0x9c: {  	s31 =	simm.s32 $0x3900  }
0x9d: {  	[tilespmem:s31], [sflag:$0x2] =	stream.indirect.gather [hbm4b:s26+s13], $0x1, s23, s13, $0xb8;
	[tilespmem:$0x6780] =	vst v63  }
0x9e: {  	s26 =	simm.s32 $0x3980  }
0x9f: {  	[tilespmem:s26], [sflag:$0x2] =	stream.indirect.gather [hbm4b:s25+s13], $0x1, s23, s13, $0xb8;
	[tilespmem:$0x6780] =	vst v63  }
0xa0: {  	s28 =	sadd.s32 $0x124F8, s24;
	s29 =	simm.s32 $0x3A00  }
0xa1: {  	[tilespmem:s29], [sflag:$0x2] =	stream.indirect.gather [hbm4b:s28+s13], $0x1, s23, s13, $0xb8;
	[tilespmem:$0x6780] =	vst v63  }
0xa2: {  	s30 =	sadd.s32 $0x155CC, s24;
	s31 =	simm.s32 $0x3A80  }
0xa3: {  	[tilespmem:s31], [sflag:$0x2] =	stream.indirect.gather [hbm4b:s30+s13], $0x1, s23, s13, $0xb8;
	[tilespmem:$0x6780] =	vst v63  }
0xa4: {  	s1 =	sadd.s32 $0x186A0, s24;
	s26 =	simm.s32 $0x3B00  }
0xa5: {  	[tilespmem:s26], [sflag:$0x2] =	stream.indirect.gather [hbm4b:s1+s13], $0x1, s23, s13, $0xb8;
	[tilespmem:$0x6780] =	vst v63  }
0xa6: {  	s28 =	sadd.s32 $0x1B774, s24;
	s29 =	simm.s32 $0x3B80  }
0xa7: {  	[tilespmem:s29], [sflag:$0x2] =	stream.indirect.gather [hbm4b:s28+s13], $0x1, s23, s13, $0xb8;
	[tilespmem:$0x6780] =	vst v63  }
0xa8: {  	s30 =	sadd.s32 $0x1E848, s24;
	s31 =	simm.s32 $0x3C00  }
0xa9: {  	[tilespmem:s31], [sflag:$0x2] =	stream.indirect.gather [hbm4b:s30+s13], $0x1, s23, s13, $0xb8;
	[tilespmem:$0x6780] =	vst v63  }
0xaa: {  	s1 =	sadd.s32 $0x2191C, s24;
	s26 =	simm.s32 $0x3C80  }
0xab: {  	[tilespmem:s26], [sflag:$0x2] =	stream.indirect.gather [hbm4b:s1+s13], $0x1, s23, s13, $0xb8;
	[tilespmem:$0x6780] =	vst v63  }
0xac: {  	s28 =	sadd.s32 $0x249F0, s24;
	s29 =	simm.s32 $0x3D00  }
0xad: {  	[tilespmem:s29], [sflag:$0x2] =	stream.indirect.gather [hbm4b:s28+s13], $0x1, s23, s13, $0xb8;
	[tilespmem:$0x6780] =	vst v63  }
0xae: {  	s30 =	sadd.s32 $0x27AC4, s24;
	s31 =	simm.s32 $0x3D80  }
0xaf: {  	[tilespmem:s31], [sflag:$0x2] =	stream.indirect.gather [hbm4b:s30+s13], $0x1, s23, s13, $0xb8;
	[tilespmem:$0x6780] =	vst v63  }
0xb0: {  	s1 =	sadd.s32 $0x2AB98, s24;
	s26 =	simm.s32 $0x3E00  }
0xb1: {  	[tilespmem:s26], [sflag:$0x2] =	stream.indirect.gather [hbm4b:s1+s13], $0x1, s23, s13, $0xb8;
	[tilespmem:$0x6780] =	vst v63  }
0xb2: {  	s28 =	sadd.s32 $0x2DC6C, s24;
	s29 =	simm.s32 $0x3E80  }
0xb3: {  	[tilespmem:s29], [sflag:$0x2] =	stream.indirect.gather [hbm4b:s28+s13], $0x1, s23, s13, $0xb8;
	[tilespmem:$0x6780] =	vst v63  }
0xb4: {  	s30 =	sadd.s32 $0x30D40, s24;
	s31 =	simm.s32 $0x3F00  }
0xb5: {  	[tilespmem:s31], [sflag:$0x2] =	stream.indirect.gather [hbm4b:s30+s13], $0x1, s23, s13, $0xb8;
	[tilespmem:$0x6780] =	vst v63  }
0xb6: {  	s1 =	sadd.s32 $0x33E14, s24;
	s26 =	simm.s32 $0x3F80  }
0xb7: {  	[tilespmem:s26], [sflag:$0x2] =	stream.indirect.gather [hbm4b:s1+s13], $0x1, s23, s13, $0xb8;
	[tilespmem:$0x6780] =	vst v63  }
0xb8: {  	s28 =	sadd.s32 $0x36EE8, s24;
	s29 =	simm.s32 $0x4000  }
0xb9: {  	[tilespmem:s29], [sflag:$0x2] =	stream.indirect.gather [hbm4b:s28+s13], $0x1, s23, s13, $0xb8;
	[tilespmem:$0x6780] =	vst v63  }
0xba: {  	s30 =	sadd.s32 $0x39FBC, s24;
	s31 =	simm.s32 $0x4080  }
0xbb: {  	[tilespmem:s31], [sflag:$0x2] =	stream.indirect.gather [hbm4b:s30+s13], $0x1, s23, s13, $0xb8;
	[tilespmem:$0x6780] =	vst v63  }
0xbc: {  	s1 =	sadd.s32 $0x3D090, s24;
	s26 =	simm.s32 $0x4100  }
0xbd: {  	[tilespmem:s26], [sflag:$0x2] =	stream.indirect.gather [hbm4b:s1+s13], $0x1, s23, s13, $0xb8;
	[tilespmem:$0x6780] =	vst v63  }
0xbe: {  	s28 =	sadd.s32 $0x40164, s24;
	s29 =	simm.s32 $0x4180  }
0xbf: {  	[tilespmem:s29], [sflag:$0x2] =	stream.indirect.gather [hbm4b:s28+s13], $0x1, s23, s13, $0xb8;
	[tilespmem:$0x6780] =	vst v63  }
0xc0: {  	s30 =	sadd.s32 $0x43238, s24;
	s31 =	simm.s32 $0x4200  }
0xc1: {  	[tilespmem:s31], [sflag:$0x2] =	stream.indirect.gather [hbm4b:s30+s13], $0x1, s23, s13, $0xb8;
	[tilespmem:$0x6780] =	vst v63  }
0xc2: {  	s1 =	sadd.s32 $0x4630C, s24;
	s26 =	simm.s32 $0x4280  }
0xc3: {  	[tilespmem:s26], [sflag:$0x2] =	stream.indirect.gather [hbm4b:s1+s13], $0x1, s23, s13, $0xb8;
	[tilespmem:$0x6780] =	vst v63  }
0xc4: {  	s28 =	sadd.s32 $0x493E0, s24;
	s29 =	simm.s32 $0x4300  }
0xc5: {  	[tilespmem:s29], [sflag:$0x2] =	stream.indirect.gather [hbm4b:s28+s13], $0x1, s23, s13, $0xb8;
	[tilespmem:$0x6780] =	vst v63  }
0xc6: {  	s30 =	sadd.s32 $0x4C4B4, s24;
	s31 =	simm.s32 $0x4380  }
0xc7: {  	[tilespmem:s31], [sflag:$0x2] =	stream.indirect.gather [hbm4b:s30+s13], $0x1, s23, s13, $0xb8;
	[tilespmem:$0x6780] =	vst v63  }
0xc8: {  	s1 =	sadd.s32 $0x4F588, s24;
	s26 =	simm.s32 $0x4400  }
0xc9: {  	[tilespmem:s26], [sflag:$0x2] =	stream.indirect.gather [hbm4b:s1+s13], $0x1, s23, s13, $0xb8;
	[tilespmem:$0x6780] =	vst v63  }
0xca: {  	s28 =	sadd.s32 $0x5265C, s24;
	s29 =	simm.s32 $0x4480  }
0xcb: {  	[tilespmem:s29], [sflag:$0x2] =	stream.indirect.gather [hbm4b:s28+s13], $0x1, s23, s13, $0xb8;
	[tilespmem:$0x6780] =	vst v63  }
0xcc: {  	s30 =	sadd.s32 $0x55730, s24;
	s31 =	simm.s32 $0x4500  }
0xcd: {  	[tilespmem:s31], [sflag:$0x2] =	stream.indirect.gather [hbm4b:s30+s13], $0x1, s23, s13, $0xb8;
	[tilespmem:$0x6780] =	vst v63  }
0xce: {  	s1 =	sadd.s32 $0x58804, s24;
	s26 =	simm.s32 $0x4580  }
0xcf: {  	[tilespmem:s26], [sflag:$0x2] =	stream.indirect.gather [hbm4b:s1+s13], $0x1, s23, s13, $0xb8;
	[tilespmem:$0x6780] =	vst v63  }
.Ltmp6:
0xd0: {  	_ = 	snop;
	(pc) =	sbr.rel .LBB2_10-.Ltmp6, $4  }
0xd1: {  	s28 =	sadd.s32 $0x5B8D8, s24;
	s29 =	simm.s32 $0x4600  }
0xd2: {  	[tilespmem:s29], [sflag:$0x2] =	stream.indirect.gather [hbm4b:s28+s13], $0x1, s23, s13, $0xb8;
	[tilespmem:$0x6780] =	vst v63  }
0xd3: {  	s30 =	sadd.s32 $0x5E9AC, s24;
	s31 =	simm.s32 $0x4680  }
0xd4: {  	[tilespmem:s31], [sflag:$0x2] =	stream.indirect.gather [hbm4b:s30+s13], $0x1, s23, s13, $0xb8;
	[tilespmem:$0x6780] =	vst v63  }
.LBB2_9:
0xd5: {  	s1 =	simm.s32 $0x2700  }
0xd6: {  	[tilespmem:s1], [sflag:$0x1] =	stream.indirect.gather [hbm4b:s28+s13], $0x1, s23, s13, $0xb8;
	[tilespmem:$0x6780] =	vst v63  }
0xd7: {  	s28 =	simm.s32 $0x2780  }
0xd8: {  	[tilespmem:s28], [sflag:$0x1] =	stream.indirect.gather [hbm4b:s31+s13], $0x1, s23, s13, $0xb8;
	[tilespmem:$0x6780] =	vst v63  }
0xd9: {  	s28 =	simm.s32 $0x2800  }
0xda: {  	[tilespmem:s28], [sflag:$0x1] =	stream.indirect.gather [hbm4b:s29+s13], $0x1, s23, s13, $0xb8;
	[tilespmem:$0x6780] =	vst v63  }
0xdb: {  	s31 =	simm.s32 $0x2880  }
0xdc: {  	[tilespmem:s31], [sflag:$0x1] =	stream.indirect.gather [hbm4b:s30+s13], $0x1, s23, s13, $0xb8;
	[tilespmem:$0x6780] =	vst v63  }
0xdd: {  	s28 =	simm.s32 $0x2900  }
0xde: {  	[tilespmem:s28], [sflag:$0x1] =	stream.indirect.gather [hbm4b:s26+s13], $0x1, s23, s13, $0xb8;
	[tilespmem:$0x6780] =	vst v63  }
0xdf: {  	s29 =	simm.s32 $0x2980  }
0xe0: {  	[tilespmem:s29], [sflag:$0x1] =	stream.indirect.gather [hbm4b:s25+s13], $0x1, s23, s13, $0xb8;
	[tilespmem:$0x6780] =	vst v63  }
0xe1: {  	s30 =	sadd.s32 $0x124F8, s24;
	s31 =	simm.s32 $0x2A00  }
0xe2: {  	[tilespmem:s31], [sflag:$0x1] =	stream.indirect.gather [hbm4b:s30+s13], $0x1, s23, s13, $0xb8;
	[tilespmem:$0x6780] =	vst v63  }
0xe3: {  	s1 =	sadd.s32 $0x155CC, s24;
	s26 =	simm.s32 $0x2A80  }
0xe4: {  	[tilespmem:s26], [sflag:$0x1] =	stream.indirect.gather [hbm4b:s1+s13], $0x1, s23, s13, $0xb8;
	[tilespmem:$0x6780] =	vst v63  }
0xe5: {  	s28 =	sadd.s32 $0x186A0, s24;
	s29 =	simm.s32 $0x2B00  }
0xe6: {  	[tilespmem:s29], [sflag:$0x1] =	stream.indirect.gather [hbm4b:s28+s13], $0x1, s23, s13, $0xb8;
	[tilespmem:$0x6780] =	vst v63  }
0xe7: {  	s30 =	sadd.s32 $0x1B774, s24;
	s31 =	simm.s32 $0x2B80  }
0xe8: {  	[tilespmem:s31], [sflag:$0x1] =	stream.indirect.gather [hbm4b:s30+s13], $0x1, s23, s13, $0xb8;
	[tilespmem:$0x6780] =	vst v63  }
0xe9: {  	s1 =	sadd.s32 $0x1E848, s24;
	s26 =	simm.s32 $0x2C00  }
0xea: {  	[tilespmem:s26], [sflag:$0x1] =	stream.indirect.gather [hbm4b:s1+s13], $0x1, s23, s13, $0xb8;
	[tilespmem:$0x6780] =	vst v63  }
0xeb: {  	s28 =	sadd.s32 $0x2191C, s24;
	s29 =	simm.s32 $0x2C80  }
0xec: {  	[tilespmem:s29], [sflag:$0x1] =	stream.indirect.gather [hbm4b:s28+s13], $0x1, s23, s13, $0xb8;
	[tilespmem:$0x6780] =	vst v63  }
0xed: {  	s30 =	sadd.s32 $0x249F0, s24;
	s31 =	simm.s32 $0x2D00  }
0xee: {  	[tilespmem:s31], [sflag:$0x1] =	stream.indirect.gather [hbm4b:s30+s13], $0x1, s23, s13, $0xb8;
	[tilespmem:$0x6780] =	vst v63  }
0xef: {  	s1 =	sadd.s32 $0x27AC4, s24;
	s26 =	simm.s32 $0x2D80  }
0xf0: {  	[tilespmem:s26], [sflag:$0x1] =	stream.indirect.gather [hbm4b:s1+s13], $0x1, s23, s13, $0xb8;
	[tilespmem:$0x6780] =	vst v63  }
0xf1: {  	s28 =	sadd.s32 $0x2AB98, s24;
	s29 =	simm.s32 $0x2E00  }
0xf2: {  	[tilespmem:s29], [sflag:$0x1] =	stream.indirect.gather [hbm4b:s28+s13], $0x1, s23, s13, $0xb8;
	[tilespmem:$0x6780] =	vst v63  }
0xf3: {  	s30 =	sadd.s32 $0x2DC6C, s24;
	s31 =	simm.s32 $0x2E80  }
0xf4: {  	[tilespmem:s31], [sflag:$0x1] =	stream.indirect.gather [hbm4b:s30+s13], $0x1, s23, s13, $0xb8;
	[tilespmem:$0x6780] =	vst v63  }
0xf5: {  	s1 =	sadd.s32 $0x30D40, s24;
	s26 =	simm.s32 $0x2F00  }
0xf6: {  	[tilespmem:s26], [sflag:$0x1] =	stream.indirect.gather [hbm4b:s1+s13], $0x1, s23, s13, $0xb8;
	[tilespmem:$0x6780] =	vst v63  }
0xf7: {  	s28 =	sadd.s32 $0x33E14, s24;
	s29 =	simm.s32 $0x2F80  }
0xf8: {  	[tilespmem:s29], [sflag:$0x1] =	stream.indirect.gather [hbm4b:s28+s13], $0x1, s23, s13, $0xb8;
	[tilespmem:$0x6780] =	vst v63  }
0xf9: {  	s30 =	sadd.s32 $0x36EE8, s24  }
0xfa: {  	[tilespmem:s0], [sflag:$0x1] =	stream.indirect.gather [hbm4b:s30+s13], $0x1, s23, s13, $0xb8;
	[tilespmem:$0x6780] =	vst v63  }
0xfb: {  	s31 =	sadd.s32 $0x39FBC, s24  }
0xfc: {  	[tilespmem:s4], [sflag:$0x1] =	stream.indirect.gather [hbm4b:s31+s13], $0x1, s23, s13, $0xb8;
	[tilespmem:$0x6780] =	vst v63  }
0xfd: {  	s1 =	sadd.s32 $0x3D090, s24  }
0xfe: {  	[tilespmem:s5], [sflag:$0x1] =	stream.indirect.gather [hbm4b:s1+s13], $0x1, s23, s13, $0xb8;
	[tilespmem:$0x6780] =	vst v63  }
0xff: {  	s26 =	sadd.s32 $0x40164, s24  }
0x100: {  	[tilespmem:s6], [sflag:$0x1] =	stream.indirect.gather [hbm4b:s26+s13], $0x1, s23, s13, $0xb8;
	[tilespmem:$0x6780] =	vst v63  }
0x101: {  	s28 =	sadd.s32 $0x43238, s24  }
0x102: {  	[tilespmem:s7], [sflag:$0x1] =	stream.indirect.gather [hbm4b:s28+s13], $0x1, s23, s13, $0xb8;
	[tilespmem:$0x6780] =	vst v63  }
0x103: {  	s29 =	sadd.s32 $0x4630C, s24  }
0x104: {  	[tilespmem:s8], [sflag:$0x1] =	stream.indirect.gather [hbm4b:s29+s13], $0x1, s23, s13, $0xb8;
	[tilespmem:$0x6780] =	vst v63  }
0x105: {  	s30 =	sadd.s32 $0x493E0, s24  }
0x106: {  	[tilespmem:s9], [sflag:$0x1] =	stream.indirect.gather [hbm4b:s30+s13], $0x1, s23, s13, $0xb8;
	[tilespmem:$0x6780] =	vst v63  }
0x107: {  	s31 =	sadd.s32 $0x4C4B4, s24  }
0x108: {  	[tilespmem:s10], [sflag:$0x1] =	stream.indirect.gather [hbm4b:s31+s13], $0x1, s23, s13, $0xb8;
	[tilespmem:$0x6780] =	vst v63  }
0x109: {  	s1 =	sadd.s32 $0x4F588, s24  }
0x10a: {  	[tilespmem:s11], [sflag:$0x1] =	stream.indirect.gather [hbm4b:s1+s13], $0x1, s23, s13, $0xb8;
	[tilespmem:$0x6780] =	vst v63  }
0x10b: {  	s26 =	sadd.s32 $0x5265C, s24  }
0x10c: {  	[tilespmem:s2], [sflag:$0x1] =	stream.indirect.gather [hbm4b:s26+s13], $0x1, s23, s13, $0xb8;
	[tilespmem:$0x6780] =	vst v63  }
0x10d: {  	s28 =	sadd.s32 $0x55730, s24  }
0x10e: {  	[tilespmem:s14], [sflag:$0x1] =	stream.indirect.gather [hbm4b:s28+s13], $0x1, s23, s13, $0xb8;
	[tilespmem:$0x6780] =	vst v63  }
0x10f: {  	s29 =	sadd.s32 $0x58804, s24  }
0x110: {  	[tilespmem:s15], [sflag:$0x1] =	stream.indirect.gather [hbm4b:s29+s13], $0x1, s23, s13, $0xb8;
	[tilespmem:$0x6780] =	vst v63  }
0x111: {  	s30 =	sadd.s32 $0x5B8D8, s24  }
0x112: {  	[tilespmem:s16], [sflag:$0x1] =	stream.indirect.gather [hbm4b:s30+s13], $0x1, s23, s13, $0xb8;
	[tilespmem:$0x6780] =	vst v63  }
0x113: {  	s31 =	sadd.s32 $0x5E9AC, s24  }
0x114: {  	[tilespmem:s17], [sflag:$0x1] =	stream.indirect.gather [hbm4b:s31+s13], $0x1, s23, s13, $0xb8;
	[tilespmem:$0x6780] =	vst v63  }
.LBB2_10:
0x115: {  	s21 =	sand.u32 $0x1, s21  }
0x116: {  	p0 =	seq.s32 s21, $0x1  }
.Ltmp7:
0x117: {  	_ = 	snop;
	(pc) =	sbr.rel @!p0 .LBB2_11-.Ltmp7, $1  }
0x118: {  	_ =	sdelay $0x3  }
.LBB2_14:
0x119: {  	_ =	swait.ge [sflag:s18], $0x80  }
0x11a: {  	[sflag:s18] =	ssyncset.done $0x0  }
0x11b: {  	[sflag:s18] =	ssyncadd.s32 $0xFFFFFF80  }
0x11c: {  	_ =	swait.ge [sflag:s18], $0x80  }
0x11d: {  	[sflag:s18] =	ssyncset.done $0x0  }
0x11e: {  	[sflag:s18] =	ssyncadd.s32 $0xFFFFFF80  }
0x11f: {  	_ =	swait.ge [sflag:s18], $0x80  }
0x120: {  	[sflag:s18] =	ssyncset.done $0x0  }
0x121: {  	[sflag:s18] =	ssyncadd.s32 $0xFFFFFF80  }
0x122: {  	_ =	swait.ge [sflag:s18], $0x80  }
0x123: {  	[sflag:s18] =	ssyncset.done $0x0  }
0x124: {  	[sflag:s18] =	ssyncadd.s32 $0xFFFFFF80  }
0x125: {  	_ =	swait.ge [sflag:s18], $0x80  }
0x126: {  	[sflag:s18] =	ssyncset.done $0x0  }
0x127: {  	[sflag:s18] =	ssyncadd.s32 $0xFFFFFF80  }
0x128: {  	_ =	swait.ge [sflag:s18], $0x80  }
0x129: {  	[sflag:s18] =	ssyncset.done $0x0  }
0x12a: {  	[sflag:s18] =	ssyncadd.s32 $0xFFFFFF80  }
0x12b: {  	_ =	swait.ge [sflag:s18], $0x80  }
0x12c: {  	[sflag:s18] =	ssyncset.done $0x0  }
0x12d: {  	[sflag:s18] =	ssyncadd.s32 $0xFFFFFF80  }
0x12e: {  	_ =	swait.ge [sflag:s18], $0x80  }
0x12f: {  	[sflag:s18] =	ssyncset.done $0x0  }
0x130: {  	[sflag:s18] =	ssyncadd.s32 $0xFFFFFF80  }
0x131: {  	_ =	swait.ge [sflag:s18], $0x80  }
0x132: {  	[sflag:s18] =	ssyncset.done $0x0  }
0x133: {  	[sflag:s18] =	ssyncadd.s32 $0xFFFFFF80  }
0x134: {  	_ =	swait.ge [sflag:s18], $0x80  }
0x135: {  	[sflag:s18] =	ssyncset.done $0x0  }
0x136: {  	[sflag:s18] =	ssyncadd.s32 $0xFFFFFF80  }
0x137: {  	_ =	swait.ge [sflag:s18], $0x80  }
0x138: {  	[sflag:s18] =	ssyncset.done $0x0  }
0x139: {  	[sflag:s18] =	ssyncadd.s32 $0xFFFFFF80  }
0x13a: {  	_ =	swait.ge [sflag:s18], $0x80  }
0x13b: {  	[sflag:s18] =	ssyncset.done $0x0  }
0x13c: {  	[sflag:s18] =	ssyncadd.s32 $0xFFFFFF80  }
0x13d: {  	_ =	swait.ge [sflag:s18], $0x80  }
0x13e: {  	[sflag:s18] =	ssyncset.done $0x0  }
0x13f: {  	[sflag:s18] =	ssyncadd.s32 $0xFFFFFF80  }
0x140: {  	_ =	swait.ge [sflag:s18], $0x80  }
0x141: {  	[sflag:s18] =	ssyncset.done $0x0  }
0x142: {  	[sflag:s18] =	ssyncadd.s32 $0xFFFFFF80  }
0x143: {  	_ =	swait.ge [sflag:s18], $0x80  }
0x144: {  	[sflag:s18] =	ssyncset.done $0x0  }
0x145: {  	[sflag:s18] =	ssyncadd.s32 $0xFFFFFF80  }
0x146: {  	_ =	swait.ge [sflag:s18], $0x80  }
0x147: {  	[sflag:s18] =	ssyncset.done $0x0  }
0x148: {  	[sflag:s18] =	ssyncadd.s32 $0xFFFFFF80  }
0x149: {  	_ =	swait.ge [sflag:s18], $0x80  }
0x14a: {  	[sflag:s18] =	ssyncset.done $0x0  }
0x14b: {  	[sflag:s18] =	ssyncadd.s32 $0xFFFFFF80  }
0x14c: {  	_ =	swait.ge [sflag:s18], $0x80  }
0x14d: {  	[sflag:s18] =	ssyncset.done $0x0  }
0x14e: {  	[sflag:s18] =	ssyncadd.s32 $0xFFFFFF80  }
0x14f: {  	_ =	swait.ge [sflag:s18], $0x80  }
0x150: {  	[sflag:s18] =	ssyncset.done $0x0  }
0x151: {  	[sflag:s18] =	ssyncadd.s32 $0xFFFFFF80  }
0x152: {  	_ =	swait.ge [sflag:s18], $0x80  }
0x153: {  	[sflag:s18] =	ssyncset.done $0x0  }
0x154: {  	[sflag:s18] =	ssyncadd.s32 $0xFFFFFF80  }
0x155: {  	_ =	swait.ge [sflag:s18], $0x80  }
0x156: {  	[sflag:s18] =	ssyncset.done $0x0  }
0x157: {  	[sflag:s18] =	ssyncadd.s32 $0xFFFFFF80  }
0x158: {  	_ =	swait.ge [sflag:s18], $0x80  }
0x159: {  	[sflag:s18] =	ssyncset.done $0x0  }
0x15a: {  	[sflag:s18] =	ssyncadd.s32 $0xFFFFFF80  }
0x15b: {  	_ =	swait.ge [sflag:s18], $0x80  }
0x15c: {  	[sflag:s18] =	ssyncset.done $0x0  }
0x15d: {  	[sflag:s18] =	ssyncadd.s32 $0xFFFFFF80  }
0x15e: {  	_ =	swait.ge [sflag:s18], $0x80  }
0x15f: {  	[sflag:s18] =	ssyncset.done $0x0  }
0x160: {  	[sflag:s18] =	ssyncadd.s32 $0xFFFFFF80  }
0x161: {  	_ =	swait.ge [sflag:s18], $0x80  }
0x162: {  	[sflag:s18] =	ssyncset.done $0x0  }
0x163: {  	[sflag:s18] =	ssyncadd.s32 $0xFFFFFF80  }
0x164: {  	_ =	swait.ge [sflag:s18], $0x80  }
0x165: {  	[sflag:s18] =	ssyncset.done $0x0  }
0x166: {  	[sflag:s18] =	ssyncadd.s32 $0xFFFFFF80  }
0x167: {  	_ =	swait.ge [sflag:s18], $0x80  }
0x168: {  	[sflag:s18] =	ssyncset.done $0x0  }
0x169: {  	[sflag:s18] =	ssyncadd.s32 $0xFFFFFF80  }
0x16a: {  	_ =	swait.ge [sflag:s18], $0x80  }
0x16b: {  	[sflag:s18] =	ssyncset.done $0x0  }
0x16c: {  	[sflag:s18] =	ssyncadd.s32 $0xFFFFFF80  }
0x16d: {  	_ =	swait.ge [sflag:s18], $0x80  }
0x16e: {  	[sflag:s18] =	ssyncset.done $0x0  }
0x16f: {  	[sflag:s18] =	ssyncadd.s32 $0xFFFFFF80  }
0x170: {  	_ =	swait.ge [sflag:s18], $0x80  }
0x171: {  	[sflag:s18] =	ssyncset.done $0x0  }
0x172: {  	[sflag:s18] =	ssyncadd.s32 $0xFFFFFF80  }
0x173: {  	_ =	swait.ge [sflag:s18], $0x80  }
0x174: {  	[sflag:s18] =	ssyncset.done $0x0  }
0x175: {  	[sflag:s18] =	ssyncadd.s32 $0xFFFFFF80  }
0x176: {  	_ =	swait.ge [sflag:s18], $0x80  }
0x177: {  	[sflag:s18] =	ssyncset.done $0x0  }
0x178: {  	s23 =	simm.s32 $0x0;
	s21 =	simm.s32 $0x4700;
	[sflag:s18] =	ssyncadd.s32 $0xFFFFFF80  }
0x179: {  	s23 =	sand.u32 $0xFF0, s23;
	v1 =	vld [tilespmem:s21+$0x0]  }
0x17a: {  	v2 =	vld [tilespmem:s23+$0x3700];
	_ =	sdelay $0x4  }
0x17b: {  	v1 =	vadd.f32 v1, v2;
	_ =	sdelay $0x1  }
0x17c: {  	s23 =	simm.s32 $0x5700;
	[tilespmem:s21+$0x0] =	vst v1  }
0x17d: {  	v1 =	vld [tilespmem:s23+$0x0];
	_ =	sdelay $0x2  }
0x17e: {  	v2 =	vmul.f32 v2, v2;
	_ =	sdelay $0x1  }
0x17f: {  	s24 =	simm.s32 $0x10;
	v1 =	vadd.f32 v1, v2  }
.LBB2_15:
0x180: {  	_ = 	snop  }
0x181: {  	p0 =	sne.s32 s24, $0xFF0;
	s21 =	sadd.s32 $0x10, s21;
	[tilespmem:s23+$0x0] =	vst v1;
	s23 =	sadd.s32 $0x10, s23  }
0x182: {  	s25 =	sand.u32 $0xFF0, s24;
	s24 =	sadd.s32 $0x10, s24;
	v1 =	vld [tilespmem:s21+$0x0]  }
0x183: {  	v2 =	vld [tilespmem:s25+$0x3700];
	_ =	sdelay $0x4  }
0x184: {  	v1 =	vadd.f32 v1, v2;
	_ =	sdelay $0x1  }
0x185: {  	[tilespmem:s21+$0x0] =	vst v1  }
0x186: {  	v1 =	vld [tilespmem:s23+$0x0]  }
.Ltmp8:
0x187: {  	(pc) =	sbr.rel @p0 .LBB2_15-.Ltmp8, $3  }
0x188: {  	_ = 	snop  }
0x189: {  	v2 =	vmul.f32 v2, v2;
	_ =	sdelay $0x1  }
0x18a: {  	v1 =	vadd.f32 v1, v2  }
.Ltmp9:
0x18b: {  	(pc) =	sbr.rel .LBB2_17-.Ltmp9, $2  }
0x18c: {  	_ =	sdelay $0x2  }
0x18d: {  	[tilespmem:s23+$0x0] =	vst v1  }
.LBB2_11:
0x18e: {  	_ =	swait.ge [sflag:s19], $0x80  }
0x18f: {  	[sflag:s19] =	ssyncset.done $0x0  }
0x190: {  	[sflag:s19] =	ssyncadd.s32 $0xFFFFFF80  }
0x191: {  	_ =	swait.ge [sflag:s19], $0x80  }
0x192: {  	[sflag:s19] =	ssyncset.done $0x0  }
0x193: {  	[sflag:s19] =	ssyncadd.s32 $0xFFFFFF80  }
0x194: {  	_ =	swait.ge [sflag:s19], $0x80  }
0x195: {  	[sflag:s19] =	ssyncset.done $0x0  }
0x196: {  	[sflag:s19] =	ssyncadd.s32 $0xFFFFFF80  }
0x197: {  	_ =	swait.ge [sflag:s19], $0x80  }
0x198: {  	[sflag:s19] =	ssyncset.done $0x0  }
0x199: {  	[sflag:s19] =	ssyncadd.s32 $0xFFFFFF80  }
0x19a: {  	_ =	swait.ge [sflag:s19], $0x80  }
0x19b: {  	[sflag:s19] =	ssyncset.done $0x0  }
0x19c: {  	[sflag:s19] =	ssyncadd.s32 $0xFFFFFF80  }
0x19d: {  	_ =	swait.ge [sflag:s19], $0x80  }
0x19e: {  	[sflag:s19] =	ssyncset.done $0x0  }
0x19f: {  	[sflag:s19] =	ssyncadd.s32 $0xFFFFFF80  }
0x1a0: {  	_ =	swait.ge [sflag:s19], $0x80  }
0x1a1: {  	[sflag:s19] =	ssyncset.done $0x0  }
0x1a2: {  	[sflag:s19] =	ssyncadd.s32 $0xFFFFFF80  }
0x1a3: {  	_ =	swait.ge [sflag:s19], $0x80  }
0x1a4: {  	[sflag:s19] =	ssyncset.done $0x0  }
0x1a5: {  	[sflag:s19] =	ssyncadd.s32 $0xFFFFFF80  }
0x1a6: {  	_ =	swait.ge [sflag:s19], $0x80  }
0x1a7: {  	[sflag:s19] =	ssyncset.done $0x0  }
0x1a8: {  	[sflag:s19] =	ssyncadd.s32 $0xFFFFFF80  }
0x1a9: {  	_ =	swait.ge [sflag:s19], $0x80  }
0x1aa: {  	[sflag:s19] =	ssyncset.done $0x0  }
0x1ab: {  	[sflag:s19] =	ssyncadd.s32 $0xFFFFFF80  }
0x1ac: {  	_ =	swait.ge [sflag:s19], $0x80  }
0x1ad: {  	[sflag:s19] =	ssyncset.done $0x0  }
0x1ae: {  	[sflag:s19] =	ssyncadd.s32 $0xFFFFFF80  }
0x1af: {  	_ =	swait.ge [sflag:s19], $0x80  }
0x1b0: {  	[sflag:s19] =	ssyncset.done $0x0  }
0x1b1: {  	[sflag:s19] =	ssyncadd.s32 $0xFFFFFF80  }
0x1b2: {  	_ =	swait.ge [sflag:s19], $0x80  }
0x1b3: {  	[sflag:s19] =	ssyncset.done $0x0  }
0x1b4: {  	[sflag:s19] =	ssyncadd.s32 $0xFFFFFF80  }
0x1b5: {  	_ =	swait.ge [sflag:s19], $0x80  }
0x1b6: {  	[sflag:s19] =	ssyncset.done $0x0  }
0x1b7: {  	[sflag:s19] =	ssyncadd.s32 $0xFFFFFF80  }
0x1b8: {  	_ =	swait.ge [sflag:s19], $0x80  }
0x1b9: {  	[sflag:s19] =	ssyncset.done $0x0  }
0x1ba: {  	[sflag:s19] =	ssyncadd.s32 $0xFFFFFF80  }
0x1bb: {  	_ =	swait.ge [sflag:s19], $0x80  }
0x1bc: {  	[sflag:s19] =	ssyncset.done $0x0  }
0x1bd: {  	[sflag:s19] =	ssyncadd.s32 $0xFFFFFF80  }
0x1be: {  	_ =	swait.ge [sflag:s19], $0x80  }
0x1bf: {  	[sflag:s19] =	ssyncset.done $0x0  }
0x1c0: {  	[sflag:s19] =	ssyncadd.s32 $0xFFFFFF80  }
0x1c1: {  	_ =	swait.ge [sflag:s19], $0x80  }
0x1c2: {  	[sflag:s19] =	ssyncset.done $0x0  }
0x1c3: {  	[sflag:s19] =	ssyncadd.s32 $0xFFFFFF80  }
0x1c4: {  	_ =	swait.ge [sflag:s19], $0x80  }
0x1c5: {  	[sflag:s19] =	ssyncset.done $0x0  }
0x1c6: {  	[sflag:s19] =	ssyncadd.s32 $0xFFFFFF80  }
0x1c7: {  	_ =	swait.ge [sflag:s19], $0x80  }
0x1c8: {  	[sflag:s19] =	ssyncset.done $0x0  }
0x1c9: {  	[sflag:s19] =	ssyncadd.s32 $0xFFFFFF80  }
0x1ca: {  	_ =	swait.ge [sflag:s19], $0x80  }
0x1cb: {  	[sflag:s19] =	ssyncset.done $0x0  }
0x1cc: {  	[sflag:s19] =	ssyncadd.s32 $0xFFFFFF80  }
0x1cd: {  	_ =	swait.ge [sflag:s19], $0x80  }
0x1ce: {  	[sflag:s19] =	ssyncset.done $0x0  }
0x1cf: {  	[sflag:s19] =	ssyncadd.s32 $0xFFFFFF80  }
0x1d0: {  	_ =	swait.ge [sflag:s19], $0x80  }
0x1d1: {  	[sflag:s19] =	ssyncset.done $0x0  }
0x1d2: {  	[sflag:s19] =	ssyncadd.s32 $0xFFFFFF80  }
0x1d3: {  	_ =	swait.ge [sflag:s19], $0x80  }
0x1d4: {  	[sflag:s19] =	ssyncset.done $0x0  }
0x1d5: {  	[sflag:s19] =	ssyncadd.s32 $0xFFFFFF80  }
0x1d6: {  	_ =	swait.ge [sflag:s19], $0x80  }
0x1d7: {  	[sflag:s19] =	ssyncset.done $0x0  }
0x1d8: {  	[sflag:s19] =	ssyncadd.s32 $0xFFFFFF80  }
0x1d9: {  	_ =	swait.ge [sflag:s19], $0x80  }
0x1da: {  	[sflag:s19] =	ssyncset.done $0x0  }
0x1db: {  	[sflag:s19] =	ssyncadd.s32 $0xFFFFFF80  }
0x1dc: {  	_ =	swait.ge [sflag:s19], $0x80  }
0x1dd: {  	[sflag:s19] =	ssyncset.done $0x0  }
0x1de: {  	[sflag:s19] =	ssyncadd.s32 $0xFFFFFF80  }
0x1df: {  	_ =	swait.ge [sflag:s19], $0x80  }
0x1e0: {  	[sflag:s19] =	ssyncset.done $0x0  }
0x1e1: {  	[sflag:s19] =	ssyncadd.s32 $0xFFFFFF80  }
0x1e2: {  	_ =	swait.ge [sflag:s19], $0x80  }
0x1e3: {  	[sflag:s19] =	ssyncset.done $0x0  }
0x1e4: {  	[sflag:s19] =	ssyncadd.s32 $0xFFFFFF80  }
0x1e5: {  	_ =	swait.ge [sflag:s19], $0x80  }
0x1e6: {  	[sflag:s19] =	ssyncset.done $0x0  }
0x1e7: {  	[sflag:s19] =	ssyncadd.s32 $0xFFFFFF80  }
0x1e8: {  	_ =	swait.ge [sflag:s19], $0x80  }
0x1e9: {  	[sflag:s19] =	ssyncset.done $0x0  }
0x1ea: {  	[sflag:s19] =	ssyncadd.s32 $0xFFFFFF80  }
0x1eb: {  	_ =	swait.ge [sflag:s19], $0x80  }
0x1ec: {  	[sflag:s19] =	ssyncset.done $0x0  }
0x1ed: {  	s23 =	simm.s32 $0x0;
	s21 =	simm.s32 $0x4700;
	[sflag:s19] =	ssyncadd.s32 $0xFFFFFF80  }
0x1ee: {  	s23 =	sand.u32 $0xFF0, s23;
	v1 =	vld [tilespmem:s21+$0x0]  }
0x1ef: {  	v2 =	vld [tilespmem:s23+$0x2700];
	_ =	sdelay $0x4  }
0x1f0: {  	v1 =	vadd.f32 v1, v2;
	_ =	sdelay $0x1  }
0x1f1: {  	s23 =	simm.s32 $0x5700;
	[tilespmem:s21+$0x0] =	vst v1  }
0x1f2: {  	v1 =	vld [tilespmem:s23+$0x0];
	_ =	sdelay $0x2  }
0x1f3: {  	v2 =	vmul.f32 v2, v2;
	_ =	sdelay $0x1  }
0x1f4: {  	v1 =	vadd.f32 v1, v2  }
0x1f5: {  	s24 =	simm.s32 $0x10  }
.LBB2_12:
0x1f6: {  	p0 =	seq.s32 s24, $0xFF0;
	[tilespmem:s23+$0x0] =	vst v1;
	s21 =	sadd.s32 $0x10, s21;
	s23 =	sadd.s32 $0x10, s23  }
0x1f7: {  	s25 =	sand.u32 $0xFF0, s24;
	s24 =	sadd.s32 $0x10, s24;
	v1 =	vld [tilespmem:s21+$0x0]  }
0x1f8: {  	v2 =	vld [tilespmem:s25+$0x2700];
	_ =	sdelay $0x4  }
0x1f9: {  	v1 =	vadd.f32 v1, v2;
	_ =	sdelay $0x1  }
0x1fa: {  	[tilespmem:s21+$0x0] =	vst v1  }
0x1fb: {  	v1 =	vld [tilespmem:s23+$0x0]  }
.Ltmp10:
0x1fc: {  	(pc) =	sbr.rel @!p0 .LBB2_12-.Ltmp10, $3  }
0x1fd: {  	_ = 	snop  }
0x1fe: {  	v2 =	vmul.f32 v2, v2;
	_ =	sdelay $0x1  }
0x1ff: {  	v1 =	vadd.f32 v1, v2  }
.Ltmp11:
0x200: {  	_ = 	snop;
	(pc) =	sbr.rel .LBB2_13-.Ltmp11, $1  }
0x201: {  	_ =	sdelay $0x3  }
.LBB2_18:
0x202: {  	s1 =	simm.s32 $0x3  }
0x203: {  	_ =	swait.ge [sflag:s1], $0xD00  }
0x204: {  	[sflag:s1] =	ssyncset.done $0x0  }
0x205: {  	s22 =	simm.s32 $0x0;
	[sflag:s1] =	ssyncadd.s32 $0xFFFFF300  }
0x206: {  	v1 =	vld [tilespmem:s22+$0x1A00];
	_ =	sdelay $0x1  }
0x207: {  	v2 =	vld [tilespmem:s22+$0x1A80];
	_ =	sdelay $0x1  }
0x208: {  	v3 =	vld [tilespmem:s22+$0x1B00]  }
0x209: {  	v1 =	vadd.f32 $0.0e+00, v1  }
0x20a: {  	v4 =	vld [tilespmem:s22+$0x1B80]  }
0x20b: {  	v1 =	vadd.f32 v2, v1  }
0x20c: {  	v2 =	vld [tilespmem:s22+$0x1C00]  }
0x20d: {  	v1 =	vadd.f32 v3, v1  }
0x20e: {  	v3 =	vld [tilespmem:s22+$0x1C80]  }
0x20f: {  	v1 =	vadd.f32 v4, v1  }
0x210: {  	v4 =	vld [tilespmem:s22+$0x1D00]  }
0x211: {  	v1 =	vadd.f32 v2, v1  }
0x212: {  	v2 =	vld [tilespmem:s22+$0x1D80]  }
0x213: {  	v1 =	vadd.f32 v3, v1  }
0x214: {  	v3 =	vld [tilespmem:s22+$0x1E00]  }
0x215: {  	v1 =	vadd.f32 v4, v1  }
0x216: {  	v4 =	vld [tilespmem:s22+$0x1E80]  }
0x217: {  	v1 =	vadd.f32 v2, v1  }
0x218: {  	v2 =	vld [tilespmem:s22+$0x1F00]  }
0x219: {  	v1 =	vadd.f32 v3, v1  }
0x21a: {  	v3 =	vld [tilespmem:s22+$0x1F80]  }
0x21b: {  	v1 =	vadd.f32 v4, v1  }
0x21c: {  	s21 =	simm.s32 $0x10;
	v4 =	vld [tilespmem:s22+$0x2000]  }
0x21d: {  	v5 =	vld [tilespmem:s21+$0x1A00];
	v1 =	vadd.f32 v2, v1  }
0x21e: {  	v2 =	vld [tilespmem:s22+$0x2080]  }
0x21f: {  	v6 =	vld [tilespmem:s21+$0x1A80];
	v1 =	vadd.f32 v3, v1  }
0x220: {  	v3 =	vld [tilespmem:s22+$0x2100]  }
0x221: {  	v7 =	vld [tilespmem:s21+$0x1B00];
	v1 =	vadd.f32 v4, v1  }
0x222: {  	v4 =	vld [tilespmem:s22+$0x2180]  }
0x223: {  	v8 =	vld [tilespmem:s21+$0x1B80];
	v5 =	vadd.f32 $0.0e+00, v5;
	v1 =	vadd.f32 v2, v1  }
0x224: {  	v2 =	vld [tilespmem:s22+$0x2200]  }
0x225: {  	v5 =	vadd.f32 v6, v5;
	v6 =	vld [tilespmem:s21+$0x1C00];
	v1 =	vadd.f32 v3, v1  }
0x226: {  	v3 =	vld [tilespmem:s22+$0x2280]  }
0x227: {  	v5 =	vadd.f32 v7, v5;
	v7 =	vld [tilespmem:s21+$0x1C80];
	v1 =	vadd.f32 v4, v1  }
0x228: {  	v4 =	vld [tilespmem:s22+$0x2300]  }
0x229: {  	v5 =	vadd.f32 v8, v5;
	v8 =	vld [tilespmem:s21+$0x1D00];
	v1 =	vadd.f32 v2, v1  }
0x22a: {  	v2 =	vld [tilespmem:s22+$0x2380]  }
0x22b: {  	v5 =	vadd.f32 v6, v5;
	v6 =	vld [tilespmem:s21+$0x1D80];
	v1 =	vadd.f32 v3, v1  }
0x22c: {  	v3 =	vld [tilespmem:s22+$0x2400]  }
0x22d: {  	v5 =	vadd.f32 v7, v5;
	v7 =	vld [tilespmem:s21+$0x1E00];
	v1 =	vadd.f32 v4, v1  }
0x22e: {  	v4 =	vld [tilespmem:s22+$0x2480]  }
0x22f: {  	v5 =	vadd.f32 v8, v5;
	v8 =	vld [tilespmem:s21+$0x1E80];
	v1 =	vadd.f32 v2, v1  }
0x230: {  	v2 =	vld [tilespmem:s22+$0x2500]  }
0x231: {  	v9 =	vld [tilespmem:s22+$0x2580];
	v5 =	vadd.f32 v6, v5;
	v1 =	vadd.f32 v3, v1  }
0x232: {  	v3 =	vld [tilespmem:s21+$0x1F00]  }
0x233: {  	v5 =	vadd.f32 v7, v5;
	v6 =	vadd.f32 v4, v1;
	v1 =	vld [tilespmem:s22+$0x2600]  }
0x234: {  	v4 =	vld [tilespmem:s21+$0x1F80]  }
0x235: {  	v7 =	vadd.f32 v8, v5;
	v5 =	vld [tilespmem:s21+$0x2000];
	v8 =	vadd.f32 v2, v6  }
0x236: {  	v2 =	vld [tilespmem:s22+$0x2680]  }
0x237: {  	s23 =	simm.s32 $0x20;
	s24 =	simm.s32 $0xC0;
	v6 =	vadd.f32 v3, v7;
	v3 =	vld [tilespmem:s21+$0x2080];
	v7 =	vadd.f32 v9, v8  }
.LBB2_19:
0x238: {  	p0 =	sne.s32 s24, $0x1C0;
	v8 =	vld [tilespmem:s23+$0x1A00]  }
0x239: {  	v4 =	vadd.f32 v4, v6;
	v6 =	vld [tilespmem:s21+$0x2100];
	v1 =	vadd.f32 v1, v7  }
0x23a: {  	v7 =	vld [tilespmem:s23+$0x1A80]  }
0x23b: {  	v4 =	vadd.f32 v5, v4;
	v5 =	vld [tilespmem:s21+$0x2180];
	v1 =	vadd.f32 v2, v1  }
0x23c: {  	v2 =	vld [tilespmem:s23+$0x1B00]  }
0x23d: {  	v8 =	vadd.f32 $0.0e+00, v8;
	v3 =	vadd.f32 v3, v4;
	v4 =	vld [tilespmem:s21+$0x2200];
	[tilespmem:s22+$0x6700] =	vst v1;
	s22 =	smov.u32 s21;
	s21 =	smov.u32 s23  }
0x23e: {  	v1 =	vld [tilespmem:s21+$0x1B80]  }
0x23f: {  	v7 =	vadd.f32 v7, v8;
	v3 =	vadd.f32 v6, v3;
	v6 =	vld [tilespmem:s22+$0x2280]  }
0x240: {  	v8 =	vld [tilespmem:s21+$0x1C00]  }
0x241: {  	v2 =	vadd.f32 v2, v7;
	v3 =	vadd.f32 v5, v3;
	v5 =	vld [tilespmem:s22+$0x2300]  }
0x242: {  	v7 =	vld [tilespmem:s21+$0x1C80]  }
0x243: {  	v1 =	vadd.f32 v1, v2;
	v2 =	vadd.f32 v4, v3;
	v3 =	vld [tilespmem:s22+$0x2380]  }
0x244: {  	v4 =	vld [tilespmem:s21+$0x1D00]  }
0x245: {  	v1 =	vadd.f32 v8, v1;
	v2 =	vadd.f32 v6, v2;
	v6 =	vld [tilespmem:s22+$0x2400]  }
0x246: {  	v8 =	vld [tilespmem:s21+$0x1D80]  }
0x247: {  	v1 =	vadd.f32 v7, v1;
	v2 =	vadd.f32 v5, v2;
	v5 =	vld [tilespmem:s22+$0x2480]  }
0x248: {  	v7 =	vld [tilespmem:s21+$0x1E00]  }
0x249: {  	v1 =	vadd.f32 v4, v1;
	v2 =	vadd.f32 v3, v2;
	v3 =	vld [tilespmem:s22+$0x2500]  }
0x24a: {  	v9 =	vld [tilespmem:s21+$0x1E80]  }
0x24b: {  	v1 =	vadd.f32 v8, v1;
	v2 =	vadd.f32 v6, v2;
	v8 =	vld [tilespmem:s22+$0x2580]  }
0x24c: {  	v6 =	vld [tilespmem:s21+$0x1F00]  }
.Ltmp12:
0x24d: {  	v7 =	vadd.f32 v7, v1;
	v2 =	vadd.f32 v5, v2;
	v1 =	vld [tilespmem:s22+$0x2600];
	(pc) =	sbr.rel @p0 .LBB2_19-.Ltmp12, $4  }
0x24e: {  	v4 =	vld [tilespmem:s21+$0x1F80]  }
0x24f: {  	v7 =	vadd.f32 v9, v7;
	v9 =	vadd.f32 v3, v2;
	v2 =	vld [tilespmem:s22+$0x2680]  }
0x250: {  	v5 =	vld [tilespmem:s21+$0x2000]  }
0x251: {  	s23 =	sshra.s32 s24, $0x2;
	s24 =	sadd.s32 $0x40, s24;
	v6 =	vadd.f32 v6, v7;
	v3 =	vld [tilespmem:s21+$0x2080];
	v7 =	vadd.f32 v8, v9  }
0x252: {  	v8 =	vld [tilespmem:s23+$0x1A00]  }
0x253: {  	v9 =	vld [tilespmem:s21+$0x2100];
	v1 =	vadd.f32 v1, v7  }
0x254: {  	v39 =	vld [tilespmem:s23+$0x1A80]  }
0x255: {  	v10 =	vld [tilespmem:s21+$0x2180];
	v4 =	vadd.f32 v4, v6;
	v1 =	vadd.f32 v2, v1  }
0x256: {  	v2 =	vld [tilespmem:s23+$0x1B00]  }
0x257: {  	v40 =	vld [tilespmem:s21+$0x2200];
	v4 =	vadd.f32 v5, v4;
	v41 =	vadd.f32 $0.0e+00, v8;
	[tilespmem:s22+$0x6700] =	vst v1  }
0x258: {  	v1 =	vld [tilespmem:s23+$0x1B80]  }
0x259: {  	v3 =	vadd.f32 v3, v4;
	v42 =	vadd.f32 v39, v41  }
0x25a: {  	v43 =	vld [tilespmem:s23+$0x1C00]  }
0x25b: {  	v44 =	vld [tilespmem:s21+$0x2280];
	v3 =	vadd.f32 v9, v3;
	v2 =	vadd.f32 v2, v42  }
0x25c: {  	v45 =	vld [tilespmem:s23+$0x1C80]  }
0x25d: {  	v46 =	vld [tilespmem:s21+$0x2300];
	v3 =	vadd.f32 v10, v3;
	v1 =	vadd.f32 v1, v2  }
0x25e: {  	v2 =	vld [tilespmem:s23+$0x1D00]  }
0x25f: {  	v47 =	vld [tilespmem:s21+$0x2380];
	v3 =	vadd.f32 v40, v3;
	v1 =	vadd.f32 v43, v1  }
0x260: {  	v48 =	vld [tilespmem:s23+$0x1D80]  }
0x261: {  	v49 =	vld [tilespmem:s21+$0x2400];
	v3 =	vadd.f32 v44, v3;
	v1 =	vadd.f32 v45, v1  }
0x262: {  	v50 =	vld [tilespmem:s23+$0x1E00]  }
0x263: {  	v51 =	vld [tilespmem:s21+$0x2480];
	v3 =	vadd.f32 v46, v3;
	v1 =	vadd.f32 v2, v1  }
0x264: {  	v2 =	vld [tilespmem:s23+$0x1E80]  }
0x265: {  	v52 =	vld [tilespmem:s21+$0x2500];
	v3 =	vadd.f32 v47, v3;
	v1 =	vadd.f32 v48, v1  }
0x266: {  	v53 =	vld [tilespmem:s23+$0x1F00]  }
0x267: {  	v54 =	vld [tilespmem:s21+$0x2580];
	v3 =	vadd.f32 v49, v3;
	v1 =	vadd.f32 v50, v1  }
0x268: {  	v55 =	vld [tilespmem:s23+$0x1F80]  }
0x269: {  	v56 =	vld [tilespmem:s21+$0x2600];
	v3 =	vadd.f32 v51, v3;
	v1 =	vadd.f32 v2, v1  }
0x26a: {  	v2 =	vld [tilespmem:s23+$0x2000]  }
0x26b: {  	v57 =	vld [tilespmem:s21+$0x2680];
	v3 =	vadd.f32 v52, v3;
	v1 =	vadd.f32 v53, v1  }
0x26c: {  	v58 =	vld [tilespmem:s23+$0x2080]  }
0x26d: {  	v3 =	vadd.f32 v54, v3;
	v1 =	vadd.f32 v55, v1  }
0x26e: {  	v59 =	vld [tilespmem:s23+$0x2100]  }
0x26f: {  	v3 =	vadd.f32 v56, v3;
	v1 =	vadd.f32 v2, v1  }
0x270: {  	v2 =	vld [tilespmem:s23+$0x2180]  }
0x271: {  	v3 =	vadd.f32 v57, v3;
	v1 =	vadd.f32 v58, v1  }
0x272: {  	v60 =	vld [tilespmem:s23+$0x2200]  }
0x273: {  	[tilespmem:s21+$0x6700] =	vst v3;
	v1 =	vadd.f32 v59, v1  }
0x274: {  	v3 =	vld [tilespmem:s23+$0x2280]  }
0x275: {  	v1 =	vadd.f32 v2, v1  }
0x276: {  	v2 =	vld [tilespmem:s23+$0x2300]  }
0x277: {  	v1 =	vadd.f32 v60, v1  }
0x278: {  	v61 =	vld [tilespmem:s23+$0x2380]  }
0x279: {  	v1 =	vadd.f32 v3, v1  }
0x27a: {  	v3 =	vld [tilespmem:s23+$0x2400]  }
0x27b: {  	v1 =	vadd.f32 v2, v1  }
0x27c: {  	v2 =	vld [tilespmem:s23+$0x2480]  }
0x27d: {  	v1 =	vadd.f32 v61, v1  }
0x27e: {  	v62 =	vld [tilespmem:s23+$0x2500]  }
0x27f: {  	v1 =	vadd.f32 v3, v1  }
0x280: {  	v3 =	vld [tilespmem:s23+$0x2580]  }
0x281: {  	v1 =	vadd.f32 v2, v1  }
0x282: {  	v2 =	vld [tilespmem:s23+$0x2600]  }
0x283: {  	v1 =	vadd.f32 v62, v1  }
0x284: {  	v63 =	vld [tilespmem:s23+$0x2680]  }
0x285: {  	v1 =	vadd.f32 v3, v1;
	_ =	sdelay $0x1  }
0x286: {  	v1 =	vadd.f32 v2, v1;
	_ =	sdelay $0x1  }
0x287: {  	s25 =	sld [smem:$0x7FB];
	v1 =	vadd.f32 v63, v1;
	_ =	sdelay $0x1  }
0x288: {  	s1 =	simm.s32 $0x4700;
	s21 =	simm.s32 $0x0;
	[tilespmem:s23+$0x6700] =	vst v1  }
0x289: {  	[hbm4b:s25+s21] =	stream.linear.scatter [tilespmem:s1], [sflag:$0x4], $0x1000, $0x38;
	[tilespmem:$0x6780] =	vst v63  }
0x28a: {  	_ =	swait.ge [sflag:s12], $0x1000  }
0x28b: {  	s26 =	sld [smem:$0x7FC]  }
0x28c: {  	[sflag:s12] =	ssyncset.done $0x0  }
0x28d: {  	s28 =	simm.s32 $0x5700;
	[sflag:s12] =	ssyncadd.s32 $0xFFFFF000  }
0x28e: {  	[hbm4b:s26+s21] =	stream.linear.scatter [tilespmem:s28], [sflag:$0x4], $0x1000, $0x38;
	[tilespmem:$0x6780] =	vst v63  }
0x28f: {  	_ =	swait.ge [sflag:s12], $0x1000  }
0x290: {  	[sflag:s12] =	ssyncset.done $0x0  }
0x291: {  	s30 =	simm.s32 $0x6700;
	s29 =	rddreg [dreg:$0x14];
	[sflag:s12] =	ssyncadd.s32 $0xFFFFF000  }
0x292: {  	[hbm4b:s29+s21] =	stream.linear.scatter [tilespmem:s30], [sflag:$0x4], $0x80, $0x38;
	[tilespmem:$0x6780] =	vst v63  }
0x293: {  	_ =	swait.ge [sflag:s12], $0x80  }
0x294: {  	s31 =	sld [smem:$0x7FD];
	_ =	sdelay $0x1  }
0x295: {  	s20 =	sadd.s32 $0x1, s20  }
0x296: {  	p0 =	sne.s32 s20, s31  }
.Ltmp13:
0x297: {  	_ = 	snop;
	(pc) =	sbr.rel @p0 .LBB2_1-.Ltmp13, $3  }
0x298: {  	_ =	sdelay $0x1  }
0x299: {  	[sflag:s12] =	ssyncset.done $0x0  }
0x29a: {  	[sflag:s12] =	ssyncadd.s32 $0xFFFFFF80  }
0x29b: {  	_ =	sfence.sel $0x180000  }
0x29c: {  	[bflag:$0x0] =	sbarrier.arrive $0xFFFF  }
0x29d: {  	_ =	strace $0x90000047  }
0x29e: {  	s0 =	stileid.u32;
	[bflag:$0x2] =	sbarrier.arrive $0xFFFF  }
0x29f: {  	p0 =	sne.s32 s0, $0x0;
	s0 =	rddreg [dreg:$0x2]  }
0x2a0: {  	s0 =	sadd.s32 @!p0 $0x100000, s0  }
0x2a1: {  	[sflag:s0] =	ssyncadd.tile.s32 @!p0 $0x1;
	_ =	shalt  }
.Lfunc_end2:
_tile_overlayer_lowered:
.L_overlay_start_2:
0x2a2: {  	(tag) =	ssettag $0x2  }
0x2a3: {  	s0 =	rddreg [dreg:$0x0];
	s2 =	stileid.u32  }
0x2a4: {  	s1 =	rddreg [dreg:$0x1];
	p0 =	sne.s32 s2, $0x0  }
0x2a5: {  	s3 =	rddreg [dreg:$0x2];
	[bflag:$0x3] =	sbarrier.arrive $0xFFFF;
	s2 =	simm.s32 @!p0 $0x1C04  }
0x2a6: {  	[timem:s3], [sflag:s2] =	dma.local @!p0 [hbm:s0], s1  }
0x2a7: {  	s0 =	simm.s32 @!p0 $0x4  }
0x2a8: {  	_ =	swait.ge @!p0 [sflag:s0], s1  }
0x2a9: {  	s1 =	ssub.s32 @!p0 $0x0, s1;
	[sflag:s0] =	ssyncset.done @!p0 $0x0  }
0x2aa: {  	[sflag:s0] =	ssyncadd.s32 @!p0 s1  }
0x2ab: {  	[bflag:$0x3] =	sbarrier.arrive $0xFFFF  }
0x2ac: {  	_ =	shalt  }

</sc_bundles>
